<compile_context>
chip_gen: v7x
topology: tpu7x:2x2x1
jax: 0.10.2.dev20260603
libtpu: 0.0.44.dev20260713+nightly
codegen_flags: <defaults>
</compile_context>

<pallas_src>
import functools

import jax
import jax.numpy as jnp
from jax import lax
from jax.experimental import pallas as pl
from jax.experimental.pallas import tpu as pltpu
from jax.experimental.pallas import tpu_sc as plsc

_N = 10000
_E = 320000
_HID = 128
_HEADS = 4
_TAU = 0.3
_NC = 2
_NS = 16
_L = 16

_MESH = plsc.VectorSubcoreMesh(core_axis_name="c", subcore_axis_name="s")


_PBLK = 2000


def _proj_body(h_ref, wq_ref, bq_ref, wk_ref, bk_ref, wm_ref, bm_ref,
               zq_ref, zk_ref, zm_ref):
    hb = h_ref[...]
    zq_ref[...] = jnp.dot(hb, wq_ref[0], preferred_element_type=jnp.float32) + bq_ref[0]
    zk_ref[...] = jnp.dot(hb, wk_ref[0], preferred_element_type=jnp.float32) + bk_ref[0]
    zm_ref[...] = jnp.dot(hb, wm_ref[0], preferred_element_type=jnp.float32) + bm_ref[0]


def _projections(h, Wq, bq, Wk, bk, Wm, bm):
    nblk = _N // _PBLK
    return pl.pallas_call(
        _proj_body,
        grid=(_HEADS, nblk),
        in_specs=[
            pl.BlockSpec((_PBLK, _HID), lambda hh, ii: (ii, 0)),
            pl.BlockSpec((1, _HID, _HID), lambda hh, ii: (hh, 0, 0)),
            pl.BlockSpec((1, 1, _HID), lambda hh, ii: (hh, 0, 0)),
            pl.BlockSpec((1, _HID, _HID), lambda hh, ii: (hh, 0, 0)),
            pl.BlockSpec((1, 1, _HID), lambda hh, ii: (hh, 0, 0)),
            pl.BlockSpec((1, _HID, _HID), lambda hh, ii: (hh, 0, 0)),
            pl.BlockSpec((1, 1, _HID), lambda hh, ii: (hh, 0, 0)),
        ],
        out_specs=[
            pl.BlockSpec((_PBLK, _HID), lambda hh, ii: (ii, hh)),
            pl.BlockSpec((_PBLK, _HID), lambda hh, ii: (ii, hh)),
            pl.BlockSpec((_PBLK, _HID), lambda hh, ii: (hh * (_N // _PBLK) + ii, 0)),
        ],
        out_shape=[
            jax.ShapeDtypeStruct((_N, _HEADS * _HID), jnp.float32),
            jax.ShapeDtypeStruct((_N, _HEADS * _HID), jnp.float32),
            jax.ShapeDtypeStruct((_HEADS * _N, _HID), jnp.float32),
        ],
    )(h, Wq, bq.reshape(_HEADS, 1, _HID), Wk, bk.reshape(_HEADS, 1, _HID),
      Wm, bm.reshape(_HEADS, 1, _HID))



_CA = 40
_EPW_A = _E // (_NC * _NS)


def _logits_body(zk_hbm, zq_hbm, src_hbm, dst_hbm, ex_hbm,
                 src_v0, src_v1, dst_v0, dst_v1,
                 zk_v0, zk_v1, zq_v0, zq_v1, ex_v, sem, semi):
    wid = lax.axis_index("s") * _NC + lax.axis_index("c")
    base0 = wid * _EPW_A
    lanes = lax.iota(jnp.int32, _L)
    _NCH = _EPW_A // _CA
    srcs = (src_v0, src_v1)
    dsts = (dst_v0, dst_v1)
    zks = (zk_v0, zk_v1)
    zqs = (zq_v0, zq_v1)

    def load_idx(ch, b):
        base = base0 + ch * _CA
        cps = [
            pltpu.async_copy(src_hbm.at[pl.ds(base, _CA)], srcs[b], semi),
            pltpu.async_copy(dst_hbm.at[pl.ds(base, _CA)], dsts[b], semi),
        ]
        for cp in cps:
            cp.wait()

    def fire_gathers(b):
        pltpu.async_copy(zk_hbm.at[srcs[b]], zks[b], sem)
        pltpu.async_copy(zq_hbm.at[dsts[b]], zqs[b], sem)

    load_idx(0, 0)
    fire_gathers(0)

    def chunk_pair(it, carry):
        for b in range(2):
            ch = it * 2 + b
            nb = (b + 1) % 2

            @pl.when(ch < _NCH - 1)
            def _():
                load_idx(ch + 1, nb)
                fire_gathers(nb)

            pltpu.make_async_copy(zk_hbm.at[srcs[b]], zks[b], sem).wait()
            pltpu.make_async_copy(zq_hbm.at[dsts[b]], zqs[b], sem).wait()

            def edge_body(i, c2):
                es = []
                for hh in range(_HEADS):
                    acc = zks[b][i, pl.ds(hh * _HID, _L)] * zqs[b][i, pl.ds(hh * _HID, _L)]
                    for j in range(1, _HID // _L):
                        o = hh * _HID + j * _L
                        acc = acc + zks[b][i, pl.ds(o, _L)] * zqs[b][i, pl.ds(o, _L)]
                    es.append(jnp.sum(acc))
                ev = jnp.where(lanes == 0, es[0],
                     jnp.where(lanes == 1, es[1],
                     jnp.where(lanes == 2, es[2], es[3])))
                exv = jnp.exp(ev * _TAU)
                plsc.store_scatter(ex_v, [i * _HEADS + lanes], exv,
                                   mask=lanes < _HEADS)
                return c2

            lax.fori_loop(0, _CA, edge_body, 0)
            base = base0 + ch * _CA
            pltpu.sync_copy(ex_v, ex_hbm.at[pl.ds(base * _HEADS, _CA * _HEADS)])
        return carry

    lax.fori_loop(0, _NCH // 2, chunk_pair, 0)


@functools.partial(
    pl.kernel,
    out_type=jax.ShapeDtypeStruct((_E * _HEADS,), jnp.float32),
    mesh=_MESH,
    compiler_params=pltpu.CompilerParams(needs_layout_passes=False),
    scratch_types=[
        pltpu.VMEM((_CA,), jnp.int32),
        pltpu.VMEM((_CA,), jnp.int32),
        pltpu.VMEM((_CA,), jnp.int32),
        pltpu.VMEM((_CA,), jnp.int32),
        pltpu.VMEM((_CA, _HEADS * _HID), jnp.float32),
        pltpu.VMEM((_CA, _HEADS * _HID), jnp.float32),
        pltpu.VMEM((_CA, _HEADS * _HID), jnp.float32),
        pltpu.VMEM((_CA, _HEADS * _HID), jnp.float32),
        pltpu.VMEM((_CA * _HEADS,), jnp.float32),
        pltpu.SemaphoreType.DMA,
        pltpu.SemaphoreType.DMA,
    ],
)
def _logits(zk_hbm, zq_hbm, src_hbm, dst_hbm, ex_hbm,
            src_v0, src_v1, dst_v0, dst_v1,
            zk_v0, zk_v1, zq_v0, zq_v1, ex_v, sem, semi):
    _logits_body(zk_hbm, zq_hbm, src_hbm, dst_hbm, ex_hbm,
                 src_v0, src_v1, dst_v0, dst_v1,
                 zk_v0, zk_v1, zq_v0, zq_v1, ex_v, sem, semi)



_CB = 80
_EPW_B = _E // _NS
_NP = 10240
_RPT = _NP // _NS


def _agg_body(zm0, zm1, zm2, zm3, ex_hbm, src_hbm, dst_hbm, outr_hbm, den_hbm,
              src_v0, src_v1, dst_v0, dst_v1, ex_v0, ex_v1,
              zm_va, zm_vb, sc_v, den_p, out_acc, sem, semi):
    c = lax.axis_index("c")
    s = lax.axis_index("s")
    lanes = lax.iota(jnp.int32, _L)
    zv = jnp.zeros((_L,), jnp.float32)
    _NCH = _EPW_B // _CB
    srcs = (src_v0, src_v1)
    dsts = (dst_v0, dst_v1)
    exs = (ex_v0, ex_v1)
    zms = (zm_va, zm_vb)

    r0 = s * _RPT
    for slot in range(2):
        head = c * 2 + slot

        def zrow(r, carry):
            for j in range(_HID // _L):
                sc_v[r, pl.ds(j * _L, _L)] = zv
            return carry

        lax.fori_loop(0, _CB, zrow, 0)

        def zden(r, carry):
            den_p[pl.ds(r * _L, _L)] = zv
            return carry

        lax.fori_loop(0, _NP // _L, zden, 0)
        for t in range(_RPT // _CB):
            pltpu.sync_copy(sc_v, out_acc.at[pl.ds(r0 + t * _CB, _CB)])
        plsc.subcore_barrier()

        base0 = s * _EPW_B
        zm_ta = zm0 if slot == 0 else zm1
        zm_tb = zm2 if slot == 0 else zm3

        def load_idx(ch, b):
            base = base0 + ch * _CB
            cps = [
                pltpu.async_copy(src_hbm.at[pl.ds(base, _CB)], srcs[b], semi),
                pltpu.async_copy(dst_hbm.at[pl.ds(base, _CB)], dsts[b], semi),
                pltpu.async_copy(
                    ex_hbm.at[pl.ds(base * _HEADS, _CB * _HEADS)], exs[b], semi),
            ]
            for cp in cps:
                cp.wait()

        def fire_gather(b):
            @pl.when(c == 0)
            def _():
                pltpu.async_copy(zm_ta.at[srcs[b]], zms[b], sem)

            @pl.when(c == 1)
            def _():
                pltpu.async_copy(zm_tb.at[srcs[b]], zms[b], sem)

        load_idx(0, 0)
        fire_gather(0)

        def chunk_pair(it, carry):
            for b in range(2):
                ch = it * 2 + b
                nb = (b + 1) % 2

                @pl.when(ch < _NCH - 1)
                def _():
                    load_idx(ch + 1, nb)
                    fire_gather(nb)

                pltpu.make_async_copy(zm_ta.at[srcs[b]], zms[b], sem).wait()

                def edge_body(i, c2):
                    exb = plsc.load_gather(
                        exs[b], [jnp.broadcast_to(i * _HEADS + head, (_L,))])
                    for j in range(_HID // _L):
                        sl = pl.ds(j * _L, _L)
                        sc_v[i, sl] = zms[b][i, sl] * exb
                    return c2

                lax.fori_loop(0, _CB, edge_body, 0)
                pltpu.sync_copy(sc_v, out_acc.at[dsts[b]], add=True)
                for g in range(_CB // _L):
                    dstg = dsts[b][pl.ds(g * _L, _L)]
                    exg = plsc.load_gather(
                        exs[b], [(g * _L + lanes) * _HEADS + head])
                    plsc.addupdate_scatter(den_p, [dstg], exg)
            return carry

        lax.fori_loop(0, _NCH // 2, chunk_pair, 0)
        plsc.subcore_barrier()
        hoff_w = head * _NP
        for t in range(_RPT // _CB):
            pltpu.sync_copy(out_acc.at[pl.ds(r0 + t * _CB, _CB)], sc_v)
            pltpu.sync_copy(sc_v, outr_hbm.at[pl.ds(hoff_w + r0 + t * _CB, _CB)])
        pltpu.sync_copy(den_p, den_hbm.at[pl.ds((head * _NS + s) * _NP, _NP)])
        plsc.subcore_barrier()


@functools.partial(
    pl.kernel,
    out_type=[
        jax.ShapeDtypeStruct((_HEADS * _NP, _HID), jnp.float32),
        jax.ShapeDtypeStruct((_HEADS * _NS * _NP,), jnp.float32),
    ],
    mesh=_MESH,
    compiler_params=pltpu.CompilerParams(needs_layout_passes=False),
    scratch_types=[
        pltpu.VMEM((_CB,), jnp.int32),
        pltpu.VMEM((_CB,), jnp.int32),
        pltpu.VMEM((_CB,), jnp.int32),
        pltpu.VMEM((_CB,), jnp.int32),
        pltpu.VMEM((_CB * _HEADS,), jnp.float32),
        pltpu.VMEM((_CB * _HEADS,), jnp.float32),
        pltpu.VMEM((_CB, _HID), jnp.float32),
        pltpu.VMEM((_CB, _HID), jnp.float32),
        pltpu.VMEM((_CB, _HID), jnp.float32),
        pltpu.VMEM((_NP,), jnp.float32),
        pltpu.VMEM_SHARED((_NP, _HID), jnp.float32),
        pltpu.SemaphoreType.DMA,
        pltpu.SemaphoreType.DMA,
    ],
)
def _aggregate(zm0, zm1, zm2, zm3, ex_hbm, src_hbm, dst_hbm, outr_hbm, den_hbm,
               src_v0, src_v1, dst_v0, dst_v1, ex_v0, ex_v1,
               zm_va, zm_vb, sc_v, den_p, out_acc, sem, semi):
    _agg_body(zm0, zm1, zm2, zm3, ex_hbm, src_hbm, dst_hbm, outr_hbm, den_hbm,
              src_v0, src_v1, dst_v0, dst_v1, ex_v0, ex_v1,
              zm_va, zm_vb, sc_v, den_p, out_acc, sem, semi)



_OBLK = 1024


def _out_body(raw_ref, den_ref, w_ref, b_ref, o_ref):
    parts = []
    for hh in range(_HEADS):
        d = jnp.sum(den_ref[hh], axis=0)[:, None]
        num = raw_ref[hh]
        parts.append(jnp.where(d > 0, num / jnp.where(d > 0, d, 1.0), 0.0))
    catb = jnp.concatenate(parts, axis=1)
    acc = jnp.dot(catb, w_ref[...], preferred_element_type=jnp.float32)
    o_ref[...] = jnp.maximum(acc + b_ref[...], 0.0)


def _out_proj(out_raw, den_raw, Wout, bout):
    raw4 = out_raw.reshape(_HEADS, _NP, _HID)
    den4 = den_raw.reshape(_HEADS, _NS, _NP)
    outp = pl.pallas_call(
        _out_body,
        grid=(_NP // _OBLK,),
        in_specs=[
            pl.BlockSpec((_HEADS, _OBLK, _HID), lambda i: (0, i, 0)),
            pl.BlockSpec((_HEADS, _NS, _OBLK), lambda i: (0, 0, i)),
            pl.BlockSpec((_HEADS * _HID, _HID), lambda i: (0, 0)),
            pl.BlockSpec((1, _HID), lambda i: (0, 0)),
        ],
        out_specs=pl.BlockSpec((_OBLK, _HID), lambda i: (i, 0)),
        out_shape=jax.ShapeDtypeStruct((_NP, _HID), jnp.float32),
    )(raw4, den4, Wout, bout.reshape(1, _HID))
    return outp[:_N]


def kernel(h, edge_index, Wq, bq, Wk, bk, Wm, bm, Wout, bout):
    src = edge_index[0]
    dst = edge_index[1]
    zq_cat, zk_cat, zm_flat = _projections(h, Wq, bq, Wk, bk, Wm, bm)
    ex_flat = _logits(zk_cat, zq_cat, src, dst)
    zms = [zm_flat[i * _N:(i + 1) * _N] for i in range(_HEADS)]
    out_raw, den_raw = _aggregate(zms[0], zms[1], zms[2], zms[3],
                                  ex_flat, src, dst)
    return _out_proj(out_raw, den_raw, Wout, bout)

# --- scband reference (transcript-rebuilt; emitter-appended) ---
"""Pipeline reference for scband-multi-head-gatlayer-17463337025550 (READ-ONLY COPY).

The authoritative reference and input builder live on the scoring server;
editing this copy changes nothing except your own understanding.
"""

import jax, jax.numpy as jnp
import numpy as np

N = 10000
E = 320000
IN_DIM = 128
HID = 128
OUT = 128
HEADS = 4
TAU = 0.3


def setup_inputs(seed: int = 0) -> dict:
    key = jax.random.key(seed)
    ks = jax.random.split(key, 10)
    h = jax.random.normal(ks[0], (N, IN_DIM), dtype=jnp.float32)
    edge_index = jax.random.randint(ks[1], (2, E), 0, N, dtype=jnp.int32)
    s_in = 1.0 / np.sqrt(IN_DIM)
    s_cat = 1.0 / np.sqrt(HID * HEADS)
    Wq = jax.random.uniform(ks[2], (HEADS, IN_DIM, HID), minval=-s_in, maxval=s_in, dtype=jnp.float32)
    bq = jax.random.uniform(ks[3], (HEADS, HID), minval=-s_in, maxval=s_in, dtype=jnp.float32)
    Wk = jax.random.uniform(ks[4], (HEADS, IN_DIM, HID), minval=-s_in, maxval=s_in, dtype=jnp.float32)
    bk = jax.random.uniform(ks[5], (HEADS, HID), minval=-s_in, maxval=s_in, dtype=jnp.float32)
    Wm = jax.random.uniform(ks[6], (HEADS, IN_DIM, HID), minval=-s_in, maxval=s_in, dtype=jnp.float32)
    bm = jax.random.uniform(ks[7], (HEADS, HID), minval=-s_in, maxval=s_in, dtype=jnp.float32)
    Wout = jax.random.uniform(ks[8], (HID * HEADS, OUT), minval=-s_cat, maxval=s_cat, dtype=jnp.float32)
    bout = jax.random.uniform(ks[9], (OUT,), minval=-s_cat, maxval=s_cat, dtype=jnp.float32)
    return {"h": h, "edge_index": edge_index, "Wq": Wq, "bq": bq, "Wk": Wk, "bk": bk,
            "Wm": Wm, "bm": bm, "Wout": Wout, "bout": bout}


def _gat_head(h, Wq, bq, Wk, bk, Wm, bm, src, dst):
    z_q = h @ Wq + bq
    z_k = h @ Wk + bk
    z_m = h @ Wm + bm
    # edge attention logits: sum(tau * z_k[src] * z_q[dst])
    e = jnp.sum(TAU * z_k[src] * z_q[dst], axis=1)
    # per-destination softmax over incoming edges (DGL reduce_func softmax over mailbox)
    emax = jax.ops.segment_max(e, dst, num_segments=N)
    emax = jnp.where(jnp.isfinite(emax), emax, 0.0)
    emax = jax.lax.stop_gradient(emax)
    ex = jnp.exp(e - emax[dst])
    den = jax.ops.segment_sum(ex, dst, num_segments=N)
    alpha = ex / jnp.where(den > 0, den, 1.0)[dst]
    # weighted message aggregation; nodes with no in-edges get zeros (DGL default)
    return jax.ops.segment_sum(alpha[:, None] * z_m[src], dst, num_segments=N)


def reference(h, edge_index, Wq, bq, Wk, bk, Wm, bm, Wout, bout):
    src = edge_index[0]
    dst = edge_index[1]
    head_outs = []
    for i in range(HEADS):
        head_outs.append(_gat_head(h, Wq[i], bq[i], Wk[i], bk[i], Wm[i], bm[i], src, dst))
    cat = jnp.concatenate(head_outs, axis=1)
    return jax.nn.relu(cat @ Wout + bout)

if __name__ == "__main__":
    import jax
    _d = setup_inputs()
    print(jax.jit(kernel)(*tuple(_d.values())))

</pallas_src>

<mosaic_0001>
#map = affine_map<(d0, d1) -> (0, 0)>
#map1 = affine_map<(d0, d1) -> (0)>
module attributes {stable_mosaic.version = 14 : i64} {
  func.func @_logits(%arg0: i32, %arg1: i32, %arg2: memref<10000x512xf32, #tpu.memory_space<hbm>>, %arg3: memref<10000x512xf32, #tpu.memory_space<hbm>>, %arg4: memref<320000xi32, #tpu.memory_space<hbm>>, %arg5: memref<320000xi32, #tpu.memory_space<hbm>>, %arg6: memref<1280000xf32, #tpu.memory_space<hbm>>, %arg7: memref<40xi32, #tpu.memory_space<vmem>>, %arg8: memref<40xi32, #tpu.memory_space<vmem>>, %arg9: memref<40xi32, #tpu.memory_space<vmem>>, %arg10: memref<40xi32, #tpu.memory_space<vmem>>, %arg11: memref<40x512xf32, #tpu.memory_space<vmem>>, %arg12: memref<40x512xf32, #tpu.memory_space<vmem>>, %arg13: memref<40x512xf32, #tpu.memory_space<vmem>>, %arg14: memref<40x512xf32, #tpu.memory_space<vmem>>, %arg15: memref<160xf32, #tpu.memory_space<vmem>>, %arg16: memref<!tpu.dma_semaphore, #tpu.memory_space<semaphore_mem>>, %arg17: memref<!tpu.dma_semaphore, #tpu.memory_space<semaphore_mem>>) attributes {dimension_semantics = [#tpu.dimension_semantics<core_parallel>, #tpu.dimension_semantics<subcore_parallel>], iteration_bounds = array<i64: 2, 16>, scalar_prefetch = 0 : i64, scratch_operands = 11 : i64, tpu.core_type = #tpu.core_type<sc_vector_subcore>, window_params = [{transform_indices = #map}, {transform_indices = #map}, {transform_indices = #map1}, {transform_indices = #map1}, {transform_indices = #map1}]} {
    %mul3A = arith.constant 2 : i32
    %mul3A_0 = arith.muli %arg1, %mul3A : i32
    %add3A = arith.addi %mul3A_0, %arg0 : i32
    %mul3A_1 = arith.constant 10000 : i32
    %mul3A_2 = arith.muli %add3A, %mul3A_1 : i32
    %iota3A = tpu.iota {dimensions = array<i32: 0>} : vector<16xi32>
    %add3A_3 = arith.constant 0 : i32
    %add3A_4 = arith.addi %mul3A_2, %add3A_3 : i32
    %dma_start3A = tpu.memref_slice %arg4[%add3A_4] : memref<320000xi32, #tpu.memory_space<hbm>> -> memref<40xi32, #tpu.memory_space<hbm>>
    %dma_start3A_5 = tpu.memref_slice %arg4[%add3A_4] : memref<320000xi32, #tpu.memory_space<hbm>> -> memref<40xi32, #tpu.memory_space<hbm>>
    tpu.enqueue_dma source(%dma_start3A_5 : memref<40xi32, #tpu.memory_space<hbm>>) target(%arg7 : memref<40xi32, #tpu.memory_space<vmem>>) target_semaphore(%arg17 : memref<!tpu.dma_semaphore, #tpu.memory_space<semaphore_mem>>)
    %dma_start3A_6 = tpu.memref_slice %arg5[%add3A_4] : memref<320000xi32, #tpu.memory_space<hbm>> -> memref<40xi32, #tpu.memory_space<hbm>>
    %dma_start3A_7 = tpu.memref_slice %arg5[%add3A_4] : memref<320000xi32, #tpu.memory_space<hbm>> -> memref<40xi32, #tpu.memory_space<hbm>>
    tpu.enqueue_dma source(%dma_start3A_7 : memref<40xi32, #tpu.memory_space<hbm>>) target(%arg9 : memref<40xi32, #tpu.memory_space<vmem>>) target_semaphore(%arg17 : memref<!tpu.dma_semaphore, #tpu.memory_space<semaphore_mem>>)
    %dma_wait3A = tpu.memref_slice %arg4[%add3A_4] : memref<320000xi32, #tpu.memory_space<hbm>> -> memref<40xi32, #tpu.memory_space<hbm>>
    %dma_wait3A_8 = tpu.memref_slice %arg4[%add3A_4] : memref<320000xi32, #tpu.memory_space<hbm>> -> memref<40xi32, #tpu.memory_space<hbm>>
    tpu.wait_dma2 semaphore(%arg17 : memref<!tpu.dma_semaphore, #tpu.memory_space<semaphore_mem>>) src(%dma_wait3A_8 : memref<40xi32, #tpu.memory_space<hbm>>) dst(%arg7 : memref<40xi32, #tpu.memory_space<vmem>>)
    %dma_wait3A_9 = tpu.memref_slice %arg5[%add3A_4] : memref<320000xi32, #tpu.memory_space<hbm>> -> memref<40xi32, #tpu.memory_space<hbm>>
    %dma_wait3A_10 = tpu.memref_slice %arg5[%add3A_4] : memref<320000xi32, #tpu.memory_space<hbm>> -> memref<40xi32, #tpu.memory_space<hbm>>
    tpu.wait_dma2 semaphore(%arg17 : memref<!tpu.dma_semaphore, #tpu.memory_space<semaphore_mem>>) src(%dma_wait3A_10 : memref<40xi32, #tpu.memory_space<hbm>>) dst(%arg9 : memref<40xi32, #tpu.memory_space<vmem>>)
    %dma_start3A_11 = arith.constant 0 : i32
    %dma_start3A_12 = arith.constant 0 : i32
    %dma_start3A_13 = tpu.memref_slice %arg2[%dma_start3A_11, %dma_start3A_12] : memref<10000x512xf32, #tpu.memory_space<hbm>> -> memref<10000x512xf32, #tpu.memory_space<hbm>>
    tpu.enqueue_indirect_dma source(%dma_start3A_13 : memref<10000x512xf32, #tpu.memory_space<hbm>>) target(%arg11 : memref<40x512xf32, #tpu.memory_space<vmem>>) offsets(%arg7 : memref<40xi32, #tpu.memory_space<vmem>>) semaphore(%arg16 : memref<!tpu.dma_semaphore, #tpu.memory_space<semaphore_mem>>)
    %dma_start3A_14 = arith.constant 0 : i32
    %dma_start3A_15 = arith.constant 0 : i32
    %dma_start3A_16 = tpu.memref_slice %arg3[%dma_start3A_14, %dma_start3A_15] : memref<10000x512xf32, #tpu.memory_space<hbm>> -> memref<10000x512xf32, #tpu.memory_space<hbm>>
    tpu.enqueue_indirect_dma source(%dma_start3A_16 : memref<10000x512xf32, #tpu.memory_space<hbm>>) target(%arg13 : memref<40x512xf32, #tpu.memory_space<vmem>>) offsets(%arg9 : memref<40xi32, #tpu.memory_space<vmem>>) semaphore(%arg16 : memref<!tpu.dma_semaphore, #tpu.memory_space<semaphore_mem>>)
    %scan3A = arith.constant 0 : i32
    %scan3A_17 = arith.constant 0 : i32
    %scan3A_18 = arith.constant 125 : i32
    %scan3A_19 = arith.addi %scan3A_17, %scan3A_18 : i32
    %scan3A_20 = arith.constant 1 : i32
    scf.for %scan3A_22 = %scan3A_17 to %scan3A_19 step %scan3A_20  : i32 {
      %mul3A_23 = arith.constant 2 : i32
      %mul3A_24 = arith.muli %scan3A_22, %mul3A_23 : i32
      %add3A_25 = arith.constant 0 : i32
      %add3A_26 = arith.addi %mul3A_24, %add3A_25 : i32
      %lt3A = arith.constant 249 : i32
      %lt3A_27 = arith.cmpi slt, %add3A_26, %lt3A : i32
      %convert_element_type3A = arith.extui %lt3A_27 : i1 to i32
      %cond3A = arith.constant 0 : i32
      %cond3A_28 = arith.cmpi ne, %convert_element_type3A, %cond3A : i32
      scf.if %cond3A_28 {
        %add3A_72 = arith.constant 1 : i32
        %add3A_73 = arith.addi %add3A_26, %add3A_72 : i32
        %mul3A_74 = arith.constant 40 : i32
        %mul3A_75 = arith.muli %add3A_73, %mul3A_74 : i32
        %add3A_76 = arith.addi %mul3A_2, %mul3A_75 : i32
        %dma_start3A_77 = tpu.memref_slice %arg4[%add3A_76] : memref<320000xi32, #tpu.memory_space<hbm>> -> memref<40xi32, #tpu.memory_space<hbm>>
        %dma_start3A_78 = tpu.memref_slice %arg4[%add3A_76] : memref<320000xi32, #tpu.memory_space<hbm>> -> memref<40xi32, #tpu.memory_space<hbm>>
        tpu.enqueue_dma source(%dma_start3A_78 : memref<40xi32, #tpu.memory_space<hbm>>) target(%arg8 : memref<40xi32, #tpu.memory_space<vmem>>) target_semaphore(%arg17 : memref<!tpu.dma_semaphore, #tpu.memory_space<semaphore_mem>>)
        %dma_start3A_79 = tpu.memref_slice %arg5[%add3A_76] : memref<320000xi32, #tpu.memory_space<hbm>> -> memref<40xi32, #tpu.memory_space<hbm>>
        %dma_start3A_80 = tpu.memref_slice %arg5[%add3A_76] : memref<320000xi32, #tpu.memory_space<hbm>> -> memref<40xi32, #tpu.memory_space<hbm>>
        tpu.enqueue_dma source(%dma_start3A_80 : memref<40xi32, #tpu.memory_space<hbm>>) target(%arg10 : memref<40xi32, #tpu.memory_space<vmem>>) target_semaphore(%arg17 : memref<!tpu.dma_semaphore, #tpu.memory_space<semaphore_mem>>)
        %dma_wait3A_81 = tpu.memref_slice %arg4[%add3A_76] : memref<320000xi32, #tpu.memory_space<hbm>> -> memref<40xi32, #tpu.memory_space<hbm>>
        %dma_wait3A_82 = tpu.memref_slice %arg4[%add3A_76] : memref<320000xi32, #tpu.memory_space<hbm>> -> memref<40xi32, #tpu.memory_space<hbm>>
        tpu.wait_dma2 semaphore(%arg17 : memref<!tpu.dma_semaphore, #tpu.memory_space<semaphore_mem>>) src(%dma_wait3A_82 : memref<40xi32, #tpu.memory_space<hbm>>) dst(%arg8 : memref<40xi32, #tpu.memory_space<vmem>>)
        %dma_wait3A_83 = tpu.memref_slice %arg5[%add3A_76] : memref<320000xi32, #tpu.memory_space<hbm>> -> memref<40xi32, #tpu.memory_space<hbm>>
        %dma_wait3A_84 = tpu.memref_slice %arg5[%add3A_76] : memref<320000xi32, #tpu.memory_space<hbm>> -> memref<40xi32, #tpu.memory_space<hbm>>
        tpu.wait_dma2 semaphore(%arg17 : memref<!tpu.dma_semaphore, #tpu.memory_space<semaphore_mem>>) src(%dma_wait3A_84 : memref<40xi32, #tpu.memory_space<hbm>>) dst(%arg10 : memref<40xi32, #tpu.memory_space<vmem>>)
        %dma_start3A_85 = arith.constant 0 : i32
        %dma_start3A_86 = arith.constant 0 : i32
        %dma_start3A_87 = tpu.memref_slice %arg2[%dma_start3A_85, %dma_start3A_86] : memref<10000x512xf32, #tpu.memory_space<hbm>> -> memref<10000x512xf32, #tpu.memory_space<hbm>>
        tpu.enqueue_indirect_dma source(%dma_start3A_87 : memref<10000x512xf32, #tpu.memory_space<hbm>>) target(%arg12 : memref<40x512xf32, #tpu.memory_space<vmem>>) offsets(%arg8 : memref<40xi32, #tpu.memory_space<vmem>>) semaphore(%arg16 : memref<!tpu.dma_semaphore, #tpu.memory_space<semaphore_mem>>)
        %dma_start3A_88 = arith.constant 0 : i32
        %dma_start3A_89 = arith.constant 0 : i32
        %dma_start3A_90 = tpu.memref_slice %arg3[%dma_start3A_88, %dma_start3A_89] : memref<10000x512xf32, #tpu.memory_space<hbm>> -> memref<10000x512xf32, #tpu.memory_space<hbm>>
        tpu.enqueue_indirect_dma source(%dma_start3A_90 : memref<10000x512xf32, #tpu.memory_space<hbm>>) target(%arg14 : memref<40x512xf32, #tpu.memory_space<vmem>>) offsets(%arg10 : memref<40xi32, #tpu.memory_space<vmem>>) semaphore(%arg16 : memref<!tpu.dma_semaphore, #tpu.memory_space<semaphore_mem>>)
      } else {
      }
      %dma_wait3A_29 = arith.constant 0 : i32
      %dma_wait3A_30 = arith.constant 0 : i32
      %dma_wait3A_31 = tpu.memref_slice %arg2[%dma_wait3A_29, %dma_wait3A_30] : memref<10000x512xf32, #tpu.memory_space<hbm>> -> memref<10000x512xf32, #tpu.memory_space<hbm>>
      tpu.wait_indirect_dma semaphore(%arg16 : memref<!tpu.dma_semaphore, #tpu.memory_space<semaphore_mem>>) src(%dma_wait3A_31 : memref<10000x512xf32, #tpu.memory_space<hbm>>) dst(%arg11 : memref<40x512xf32, #tpu.memory_space<vmem>>)
      %dma_wait3A_32 = arith.constant 0 : i32
      %dma_wait3A_33 = arith.constant 0 : i32
      %dma_wait3A_34 = tpu.memref_slice %arg3[%dma_wait3A_32, %dma_wait3A_33] : memref<10000x512xf32, #tpu.memory_space<hbm>> -> memref<10000x512xf32, #tpu.memory_space<hbm>>
      tpu.wait_indirect_dma semaphore(%arg16 : memref<!tpu.dma_semaphore, #tpu.memory_space<semaphore_mem>>) src(%dma_wait3A_34 : memref<10000x512xf32, #tpu.memory_space<hbm>>) dst(%arg13 : memref<40x512xf32, #tpu.memory_space<vmem>>)
      %scan3A_35 = arith.constant 0 : i32
      %scan3A_36 = arith.constant 0 : i32
      %scan3A_37 = arith.constant 40 : i32
      %scan3A_38 = arith.addi %scan3A_36, %scan3A_37 : i32
      %scan3A_39 = arith.constant 1 : i32
      scf.for %scan3A_72 = %scan3A_36 to %scan3A_38 step %scan3A_39  : i32 {
        %get3A = arith.index_cast %scan3A_72 : i32 to index
        %get3A_73 = arith.constant 0 : index
        %get3A_74 = tpu.vector_load %arg11[%get3A, %get3A_73] {strides = array<i32>} : memref<40x512xf32, #tpu.memory_space<vmem>>, vector<16xf32>,
        %get3A_75 = arith.index_cast %scan3A_72 : i32 to index
        %get3A_76 = arith.constant 0 : index
        %get3A_77 = tpu.vector_load %arg13[%get3A_75, %get3A_76] {strides = array<i32>} : memref<40x512xf32, #tpu.memory_space<vmem>>, vector<16xf32>,
        %mul3A_78 = arith.mulf %get3A_74, %get3A_77 : vector<16xf32>
        %get3A_79 = arith.index_cast %scan3A_72 : i32 to index
        %get3A_80 = arith.constant 16 : index
        %get3A_81 = tpu.vector_load %arg11[%get3A_79, %get3A_80] {strides = array<i32>} : memref<40x512xf32, #tpu.memory_space<vmem>>, vector<16xf32>,
        %get3A_82 = arith.index_cast %scan3A_72 : i32 to index
        %get3A_83 = arith.constant 16 : index
        %get3A_84 = tpu.vector_load %arg13[%get3A_82, %get3A_83] {strides = array<i32>} : memref<40x512xf32, #tpu.memory_space<vmem>>, vector<16xf32>,
        %mul3A_85 = arith.mulf %get3A_81, %get3A_84 : vector<16xf32>
        %add3A_86 = arith.addf %mul3A_78, %mul3A_85 : vector<16xf32>
        %get3A_87 = arith.index_cast %scan3A_72 : i32 to index
        %get3A_88 = arith.constant 32 : index
        %get3A_89 = tpu.vector_load %arg11[%get3A_87, %get3A_88] {strides = array<i32>} : memref<40x512xf32, #tpu.memory_space<vmem>>, vector<16xf32>,
        %get3A_90 = arith.index_cast %scan3A_72 : i32 to index
        %get3A_91 = arith.constant 32 : index
        %get3A_92 = tpu.vector_load %arg13[%get3A_90, %get3A_91] {strides = array<i32>} : memref<40x512xf32, #tpu.memory_space<vmem>>, vector<16xf32>,
        %mul3A_93 = arith.mulf %get3A_89, %get3A_92 : vector<16xf32>
        %add3A_94 = arith.addf %add3A_86, %mul3A_93 : vector<16xf32>
        %get3A_95 = arith.index_cast %scan3A_72 : i32 to index
        %get3A_96 = arith.constant 48 : index
        %get3A_97 = tpu.vector_load %arg11[%get3A_95, %get3A_96] {strides = array<i32>} : memref<40x512xf32, #tpu.memory_space<vmem>>, vector<16xf32>,
        %get3A_98 = arith.index_cast %scan3A_72 : i32 to index
        %get3A_99 = arith.constant 48 : index
        %get3A_100 = tpu.vector_load %arg13[%get3A_98, %get3A_99] {strides = array<i32>} : memref<40x512xf32, #tpu.memory_space<vmem>>, vector<16xf32>,
        %mul3A_101 = arith.mulf %get3A_97, %get3A_100 : vector<16xf32>
        %add3A_102 = arith.addf %add3A_94, %mul3A_101 : vector<16xf32>
        %get3A_103 = arith.index_cast %scan3A_72 : i32 to index
        %get3A_104 = arith.constant 64 : index
        %get3A_105 = tpu.vector_load %arg11[%get3A_103, %get3A_104] {strides = array<i32>} : memref<40x512xf32, #tpu.memory_space<vmem>>, vector<16xf32>,
        %get3A_106 = arith.index_cast %scan3A_72 : i32 to index
        %get3A_107 = arith.constant 64 : index
        %get3A_108 = tpu.vector_load %arg13[%get3A_106, %get3A_107] {strides = array<i32>} : memref<40x512xf32, #tpu.memory_space<vmem>>, vector<16xf32>,
        %mul3A_109 = arith.mulf %get3A_105, %get3A_108 : vector<16xf32>
        %add3A_110 = arith.addf %add3A_102, %mul3A_109 : vector<16xf32>
        %get3A_111 = arith.index_cast %scan3A_72 : i32 to index
        %get3A_112 = arith.constant 80 : index
        %get3A_113 = tpu.vector_load %arg11[%get3A_111, %get3A_112] {strides = array<i32>} : memref<40x512xf32, #tpu.memory_space<vmem>>, vector<16xf32>,
        %get3A_114 = arith.index_cast %scan3A_72 : i32 to index
        %get3A_115 = arith.constant 80 : index
        %get3A_116 = tpu.vector_load %arg13[%get3A_114, %get3A_115] {strides = array<i32>} : memref<40x512xf32, #tpu.memory_space<vmem>>, vector<16xf32>,
        %mul3A_117 = arith.mulf %get3A_113, %get3A_116 : vector<16xf32>
        %add3A_118 = arith.addf %add3A_110, %mul3A_117 : vector<16xf32>
        %get3A_119 = arith.index_cast %scan3A_72 : i32 to index
        %get3A_120 = arith.constant 96 : index
        %get3A_121 = tpu.vector_load %arg11[%get3A_119, %get3A_120] {strides = array<i32>} : memref<40x512xf32, #tpu.memory_space<vmem>>, vector<16xf32>,
        %get3A_122 = arith.index_cast %scan3A_72 : i32 to index
        %get3A_123 = arith.constant 96 : index
        %get3A_124 = tpu.vector_load %arg13[%get3A_122, %get3A_123] {strides = array<i32>} : memref<40x512xf32, #tpu.memory_space<vmem>>, vector<16xf32>,
        %mul3A_125 = arith.mulf %get3A_121, %get3A_124 : vector<16xf32>
        %add3A_126 = arith.addf %add3A_118, %mul3A_125 : vector<16xf32>
        %get3A_127 = arith.index_cast %scan3A_72 : i32 to index
        %get3A_128 = arith.constant 112 : index
        %get3A_129 = tpu.vector_load %arg11[%get3A_127, %get3A_128] {strides = array<i32>} : memref<40x512xf32, #tpu.memory_space<vmem>>, vector<16xf32>,
        %get3A_130 = arith.index_cast %scan3A_72 : i32 to index
        %get3A_131 = arith.constant 112 : index
        %get3A_132 = tpu.vector_load %arg13[%get3A_130, %get3A_131] {strides = array<i32>} : memref<40x512xf32, #tpu.memory_space<vmem>>, vector<16xf32>,
        %mul3A_133 = arith.mulf %get3A_129, %get3A_132 : vector<16xf32>
        %add3A_134 = arith.addf %add3A_126, %mul3A_133 : vector<16xf32>
        %reduce_sum3A = arith.constant true
        %reduce_sum3A_135 = vector.broadcast %reduce_sum3A : i1 to vector<16xi1>
        %reduce_sum3A_136 = tpu.scan <sum>, %add3A_134 masked %reduce_sum3A_135 : vector<16xf32>, vector<16xi1> -> vector<16xf32>
        %reduce_sum3A_137 = vector.extract %reduce_sum3A_136[15] : f32 from vector<16xf32>
        %get3A_138 = arith.index_cast %scan3A_72 : i32 to index
        %get3A_139 = arith.constant 128 : index
        %get3A_140 = tpu.vector_load %arg11[%get3A_138, %get3A_139] {strides = array<i32>} : memref<40x512xf32, #tpu.memory_space<vmem>>, vector<16xf32>,
        %get3A_141 = arith.index_cast %scan3A_72 : i32 to index
        %get3A_142 = arith.constant 128 : index
        %get3A_143 = tpu.vector_load %arg13[%get3A_141, %get3A_142] {strides = array<i32>} : memref<40x512xf32, #tpu.memory_space<vmem>>, vector<16xf32>,
        %mul3A_144 = arith.mulf %get3A_140, %get3A_143 : vector<16xf32>
        %get3A_145 = arith.index_cast %scan3A_72 : i32 to index
        %get3A_146 = arith.constant 144 : index
        %get3A_147 = tpu.vector_load %arg11[%get3A_145, %get3A_146] {strides = array<i32>} : memref<40x512xf32, #tpu.memory_space<vmem>>, vector<16xf32>,
        %get3A_148 = arith.index_cast %scan3A_72 : i32 to index
        %get3A_149 = arith.constant 144 : index
        %get3A_150 = tpu.vector_load %arg13[%get3A_148, %get3A_149] {strides = array<i32>} : memref<40x512xf32, #tpu.memory_space<vmem>>, vector<16xf32>,
        %mul3A_151 = arith.mulf %get3A_147, %get3A_150 : vector<16xf32>
        %add3A_152 = arith.addf %mul3A_144, %mul3A_151 : vector<16xf32>
        %get3A_153 = arith.index_cast %scan3A_72 : i32 to index
        %get3A_154 = arith.constant 160 : index
        %get3A_155 = tpu.vector_load %arg11[%get3A_153, %get3A_154] {strides = array<i32>} : memref<40x512xf32, #tpu.memory_space<vmem>>, vector<16xf32>,
        %get3A_156 = arith.index_cast %scan3A_72 : i32 to index
        %get3A_157 = arith.constant 160 : index
        %get3A_158 = tpu.vector_load %arg13[%get3A_156, %get3A_157] {strides = array<i32>} : memref<40x512xf32, #tpu.memory_space<vmem>>, vector<16xf32>,
        %mul3A_159 = arith.mulf %get3A_155, %get3A_158 : vector<16xf32>
        %add3A_160 = arith.addf %add3A_152, %mul3A_159 : vector<16xf32>
        %get3A_161 = arith.index_cast %scan3A_72 : i32 to index
        %get3A_162 = arith.constant 176 : index
        %get3A_163 = tpu.vector_load %arg11[%get3A_161, %get3A_162] {strides = array<i32>} : memref<40x512xf32, #tpu.memory_space<vmem>>, vector<16xf32>,
        %get3A_164 = arith.index_cast %scan3A_72 : i32 to index
        %get3A_165 = arith.constant 176 : index
        %get3A_166 = tpu.vector_load %arg13[%get3A_164, %get3A_165] {strides = array<i32>} : memref<40x512xf32, #tpu.memory_space<vmem>>, vector<16xf32>,
        %mul3A_167 = arith.mulf %get3A_163, %get3A_166 : vector<16xf32>
        %add3A_168 = arith.addf %add3A_160, %mul3A_167 : vector<16xf32>
        %get3A_169 = arith.index_cast %scan3A_72 : i32 to index
        %get3A_170 = arith.constant 192 : index
        %get3A_171 = tpu.vector_load %arg11[%get3A_169, %get3A_170] {strides = array<i32>} : memref<40x512xf32, #tpu.memory_space<vmem>>, vector<16xf32>,
        %get3A_172 = arith.index_cast %scan3A_72 : i32 to index
        %get3A_173 = arith.constant 192 : index
        %get3A_174 = tpu.vector_load %arg13[%get3A_172, %get3A_173] {strides = array<i32>} : memref<40x512xf32, #tpu.memory_space<vmem>>, vector<16xf32>,
        %mul3A_175 = arith.mulf %get3A_171, %get3A_174 : vector<16xf32>
        %add3A_176 = arith.addf %add3A_168, %mul3A_175 : vector<16xf32>
        %get3A_177 = arith.index_cast %scan3A_72 : i32 to index
        %get3A_178 = arith.constant 208 : index
        %get3A_179 = tpu.vector_load %arg11[%get3A_177, %get3A_178] {strides = array<i32>} : memref<40x512xf32, #tpu.memory_space<vmem>>, vector<16xf32>,
        %get3A_180 = arith.index_cast %scan3A_72 : i32 to index
        %get3A_181 = arith.constant 208 : index
        %get3A_182 = tpu.vector_load %arg13[%get3A_180, %get3A_181] {strides = array<i32>} : memref<40x512xf32, #tpu.memory_space<vmem>>, vector<16xf32>,
        %mul3A_183 = arith.mulf %get3A_179, %get3A_182 : vector<16xf32>
        %add3A_184 = arith.addf %add3A_176, %mul3A_183 : vector<16xf32>
        %get3A_185 = arith.index_cast %scan3A_72 : i32 to index
        %get3A_186 = arith.constant 224 : index
        %get3A_187 = tpu.vector_load %arg11[%get3A_185, %get3A_186] {strides = array<i32>} : memref<40x512xf32, #tpu.memory_space<vmem>>, vector<16xf32>,
        %get3A_188 = arith.index_cast %scan3A_72 : i32 to index
        %get3A_189 = arith.constant 224 : index
        %get3A_190 = tpu.vector_load %arg13[%get3A_188, %get3A_189] {strides = array<i32>} : memref<40x512xf32, #tpu.memory_space<vmem>>, vector<16xf32>,
        %mul3A_191 = arith.mulf %get3A_187, %get3A_190 : vector<16xf32>
        %add3A_192 = arith.addf %add3A_184, %mul3A_191 : vector<16xf32>
        %get3A_193 = arith.index_cast %scan3A_72 : i32 to index
        %get3A_194 = arith.constant 240 : index
        %get3A_195 = tpu.vector_load %arg11[%get3A_193, %get3A_194] {strides = array<i32>} : memref<40x512xf32, #tpu.memory_space<vmem>>, vector<16xf32>,
        %get3A_196 = arith.index_cast %scan3A_72 : i32 to index
        %get3A_197 = arith.constant 240 : index
        %get3A_198 = tpu.vector_load %arg13[%get3A_196, %get3A_197] {strides = array<i32>} : memref<40x512xf32, #tpu.memory_space<vmem>>, vector<16xf32>,
        %mul3A_199 = arith.mulf %get3A_195, %get3A_198 : vector<16xf32>
        %add3A_200 = arith.addf %add3A_192, %mul3A_199 : vector<16xf32>
        %reduce_sum3A_201 = arith.constant true
        %reduce_sum3A_202 = vector.broadcast %reduce_sum3A_201 : i1 to vector<16xi1>
        %reduce_sum3A_203 = tpu.scan <sum>, %add3A_200 masked %reduce_sum3A_202 : vector<16xf32>, vector<16xi1> -> vector<16xf32>
        %reduce_sum3A_204 = vector.extract %reduce_sum3A_203[15] : f32 from vector<16xf32>
        %get3A_205 = arith.index_cast %scan3A_72 : i32 to index
        %get3A_206 = arith.constant 256 : index
        %get3A_207 = tpu.vector_load %arg11[%get3A_205, %get3A_206] {strides = array<i32>} : memref<40x512xf32, #tpu.memory_space<vmem>>, vector<16xf32>,
        %get3A_208 = arith.index_cast %scan3A_72 : i32 to index
        %get3A_209 = arith.constant 256 : index
        %get3A_210 = tpu.vector_load %arg13[%get3A_208, %get3A_209] {strides = array<i32>} : memref<40x512xf32, #tpu.memory_space<vmem>>, vector<16xf32>,
        %mul3A_211 = arith.mulf %get3A_207, %get3A_210 : vector<16xf32>
        %get3A_212 = arith.index_cast %scan3A_72 : i32 to index
        %get3A_213 = arith.constant 272 : index
        %get3A_214 = tpu.vector_load %arg11[%get3A_212, %get3A_213] {strides = array<i32>} : memref<40x512xf32, #tpu.memory_space<vmem>>, vector<16xf32>,
        %get3A_215 = arith.index_cast %scan3A_72 : i32 to index
        %get3A_216 = arith.constant 272 : index
        %get3A_217 = tpu.vector_load %arg13[%get3A_215, %get3A_216] {strides = array<i32>} : memref<40x512xf32, #tpu.memory_space<vmem>>, vector<16xf32>,
        %mul3A_218 = arith.mulf %get3A_214, %get3A_217 : vector<16xf32>
        %add3A_219 = arith.addf %mul3A_211, %mul3A_218 : vector<16xf32>
        %get3A_220 = arith.index_cast %scan3A_72 : i32 to index
        %get3A_221 = arith.constant 288 : index
        %get3A_222 = tpu.vector_load %arg11[%get3A_220, %get3A_221] {strides = array<i32>} : memref<40x512xf32, #tpu.memory_space<vmem>>, vector<16xf32>,
        %get3A_223 = arith.index_cast %scan3A_72 : i32 to index
        %get3A_224 = arith.constant 288 : index
        %get3A_225 = tpu.vector_load %arg13[%get3A_223, %get3A_224] {strides = array<i32>} : memref<40x512xf32, #tpu.memory_space<vmem>>, vector<16xf32>,
        %mul3A_226 = arith.mulf %get3A_222, %get3A_225 : vector<16xf32>
        %add3A_227 = arith.addf %add3A_219, %mul3A_226 : vector<16xf32>
        %get3A_228 = arith.index_cast %scan3A_72 : i32 to index
        %get3A_229 = arith.constant 304 : index
        %get3A_230 = tpu.vector_load %arg11[%get3A_228, %get3A_229] {strides = array<i32>} : memref<40x512xf32, #tpu.memory_space<vmem>>, vector<16xf32>,
        %get3A_231 = arith.index_cast %scan3A_72 : i32 to index
        %get3A_232 = arith.constant 304 : index
        %get3A_233 = tpu.vector_load %arg13[%get3A_231, %get3A_232] {strides = array<i32>} : memref<40x512xf32, #tpu.memory_space<vmem>>, vector<16xf32>,
        %mul3A_234 = arith.mulf %get3A_230, %get3A_233 : vector<16xf32>
        %add3A_235 = arith.addf %add3A_227, %mul3A_234 : vector<16xf32>
        %get3A_236 = arith.index_cast %scan3A_72 : i32 to index
        %get3A_237 = arith.constant 320 : index
        %get3A_238 = tpu.vector_load %arg11[%get3A_236, %get3A_237] {strides = array<i32>} : memref<40x512xf32, #tpu.memory_space<vmem>>, vector<16xf32>,
        %get3A_239 = arith.index_cast %scan3A_72 : i32 to index
        %get3A_240 = arith.constant 320 : index
        %get3A_241 = tpu.vector_load %arg13[%get3A_239, %get3A_240] {strides = array<i32>} : memref<40x512xf32, #tpu.memory_space<vmem>>, vector<16xf32>,
        %mul3A_242 = arith.mulf %get3A_238, %get3A_241 : vector<16xf32>
        %add3A_243 = arith.addf %add3A_235, %mul3A_242 : vector<16xf32>
        %get3A_244 = arith.index_cast %scan3A_72 : i32 to index
        %get3A_245 = arith.constant 336 : index
        %get3A_246 = tpu.vector_load %arg11[%get3A_244, %get3A_245] {strides = array<i32>} : memref<40x512xf32, #tpu.memory_space<vmem>>, vector<16xf32>,
        %get3A_247 = arith.index_cast %scan3A_72 : i32 to index
        %get3A_248 = arith.constant 336 : index
        %get3A_249 = tpu.vector_load %arg13[%get3A_247, %get3A_248] {strides = array<i32>} : memref<40x512xf32, #tpu.memory_space<vmem>>, vector<16xf32>,
        %mul3A_250 = arith.mulf %get3A_246, %get3A_249 : vector<16xf32>
        %add3A_251 = arith.addf %add3A_243, %mul3A_250 : vector<16xf32>
        %get3A_252 = arith.index_cast %scan3A_72 : i32 to index
        %get3A_253 = arith.constant 352 : index
        %get3A_254 = tpu.vector_load %arg11[%get3A_252, %get3A_253] {strides = array<i32>} : memref<40x512xf32, #tpu.memory_space<vmem>>, vector<16xf32>,
        %get3A_255 = arith.index_cast %scan3A_72 : i32 to index
        %get3A_256 = arith.constant 352 : index
        %get3A_257 = tpu.vector_load %arg13[%get3A_255, %get3A_256] {strides = array<i32>} : memref<40x512xf32, #tpu.memory_space<vmem>>, vector<16xf32>,
        %mul3A_258 = arith.mulf %get3A_254, %get3A_257 : vector<16xf32>
        %add3A_259 = arith.addf %add3A_251, %mul3A_258 : vector<16xf32>
        %get3A_260 = arith.index_cast %scan3A_72 : i32 to index
        %get3A_261 = arith.constant 368 : index
        %get3A_262 = tpu.vector_load %arg11[%get3A_260, %get3A_261] {strides = array<i32>} : memref<40x512xf32, #tpu.memory_space<vmem>>, vector<16xf32>,
        %get3A_263 = arith.index_cast %scan3A_72 : i32 to index
        %get3A_264 = arith.constant 368 : index
        %get3A_265 = tpu.vector_load %arg13[%get3A_263, %get3A_264] {strides = array<i32>} : memref<40x512xf32, #tpu.memory_space<vmem>>, vector<16xf32>,
        %mul3A_266 = arith.mulf %get3A_262, %get3A_265 : vector<16xf32>
        %add3A_267 = arith.addf %add3A_259, %mul3A_266 : vector<16xf32>
        %reduce_sum3A_268 = arith.constant true
        %reduce_sum3A_269 = vector.broadcast %reduce_sum3A_268 : i1 to vector<16xi1>
        %reduce_sum3A_270 = tpu.scan <sum>, %add3A_267 masked %reduce_sum3A_269 : vector<16xf32>, vector<16xi1> -> vector<16xf32>
        %reduce_sum3A_271 = vector.extract %reduce_sum3A_270[15] : f32 from vector<16xf32>
        %get3A_272 = arith.index_cast %scan3A_72 : i32 to index
        %get3A_273 = arith.constant 384 : index
        %get3A_274 = tpu.vector_load %arg11[%get3A_272, %get3A_273] {strides = array<i32>} : memref<40x512xf32, #tpu.memory_space<vmem>>, vector<16xf32>,
        %get3A_275 = arith.index_cast %scan3A_72 : i32 to index
        %get3A_276 = arith.constant 384 : index
        %get3A_277 = tpu.vector_load %arg13[%get3A_275, %get3A_276] {strides = array<i32>} : memref<40x512xf32, #tpu.memory_space<vmem>>, vector<16xf32>,
        %mul3A_278 = arith.mulf %get3A_274, %get3A_277 : vector<16xf32>
        %get3A_279 = arith.index_cast %scan3A_72 : i32 to index
        %get3A_280 = arith.constant 400 : index
        %get3A_281 = tpu.vector_load %arg11[%get3A_279, %get3A_280] {strides = array<i32>} : memref<40x512xf32, #tpu.memory_space<vmem>>, vector<16xf32>,
        %get3A_282 = arith.index_cast %scan3A_72 : i32 to index
        %get3A_283 = arith.constant 400 : index
        %get3A_284 = tpu.vector_load %arg13[%get3A_282, %get3A_283] {strides = array<i32>} : memref<40x512xf32, #tpu.memory_space<vmem>>, vector<16xf32>,
        %mul3A_285 = arith.mulf %get3A_281, %get3A_284 : vector<16xf32>
        %add3A_286 = arith.addf %mul3A_278, %mul3A_285 : vector<16xf32>
        %get3A_287 = arith.index_cast %scan3A_72 : i32 to index
        %get3A_288 = arith.constant 416 : index
        %get3A_289 = tpu.vector_load %arg11[%get3A_287, %get3A_288] {strides = array<i32>} : memref<40x512xf32, #tpu.memory_space<vmem>>, vector<16xf32>,
        %get3A_290 = arith.index_cast %scan3A_72 : i32 to index
        %get3A_291 = arith.constant 416 : index
        %get3A_292 = tpu.vector_load %arg13[%get3A_290, %get3A_291] {strides = array<i32>} : memref<40x512xf32, #tpu.memory_space<vmem>>, vector<16xf32>,
        %mul3A_293 = arith.mulf %get3A_289, %get3A_292 : vector<16xf32>
        %add3A_294 = arith.addf %add3A_286, %mul3A_293 : vector<16xf32>
        %get3A_295 = arith.index_cast %scan3A_72 : i32 to index
        %get3A_296 = arith.constant 432 : index
        %get3A_297 = tpu.vector_load %arg11[%get3A_295, %get3A_296] {strides = array<i32>} : memref<40x512xf32, #tpu.memory_space<vmem>>, vector<16xf32>,
        %get3A_298 = arith.index_cast %scan3A_72 : i32 to index
        %get3A_299 = arith.constant 432 : index
        %get3A_300 = tpu.vector_load %arg13[%get3A_298, %get3A_299] {strides = array<i32>} : memref<40x512xf32, #tpu.memory_space<vmem>>, vector<16xf32>,
        %mul3A_301 = arith.mulf %get3A_297, %get3A_300 : vector<16xf32>
        %add3A_302 = arith.addf %add3A_294, %mul3A_301 : vector<16xf32>
        %get3A_303 = arith.index_cast %scan3A_72 : i32 to index
        %get3A_304 = arith.constant 448 : index
        %get3A_305 = tpu.vector_load %arg11[%get3A_303, %get3A_304] {strides = array<i32>} : memref<40x512xf32, #tpu.memory_space<vmem>>, vector<16xf32>,
        %get3A_306 = arith.index_cast %scan3A_72 : i32 to index
        %get3A_307 = arith.constant 448 : index
        %get3A_308 = tpu.vector_load %arg13[%get3A_306, %get3A_307] {strides = array<i32>} : memref<40x512xf32, #tpu.memory_space<vmem>>, vector<16xf32>,
        %mul3A_309 = arith.mulf %get3A_305, %get3A_308 : vector<16xf32>
        %add3A_310 = arith.addf %add3A_302, %mul3A_309 : vector<16xf32>
        %get3A_311 = arith.index_cast %scan3A_72 : i32 to index
        %get3A_312 = arith.constant 464 : index
        %get3A_313 = tpu.vector_load %arg11[%get3A_311, %get3A_312] {strides = array<i32>} : memref<40x512xf32, #tpu.memory_space<vmem>>, vector<16xf32>,
        %get3A_314 = arith.index_cast %scan3A_72 : i32 to index
        %get3A_315 = arith.constant 464 : index
        %get3A_316 = tpu.vector_load %arg13[%get3A_314, %get3A_315] {strides = array<i32>} : memref<40x512xf32, #tpu.memory_space<vmem>>, vector<16xf32>,
        %mul3A_317 = arith.mulf %get3A_313, %get3A_316 : vector<16xf32>
        %add3A_318 = arith.addf %add3A_310, %mul3A_317 : vector<16xf32>
        %get3A_319 = arith.index_cast %scan3A_72 : i32 to index
        %get3A_320 = arith.constant 480 : index
        %get3A_321 = tpu.vector_load %arg11[%get3A_319, %get3A_320] {strides = array<i32>} : memref<40x512xf32, #tpu.memory_space<vmem>>, vector<16xf32>,
        %get3A_322 = arith.index_cast %scan3A_72 : i32 to index
        %get3A_323 = arith.constant 480 : index
        %get3A_324 = tpu.vector_load %arg13[%get3A_322, %get3A_323] {strides = array<i32>} : memref<40x512xf32, #tpu.memory_space<vmem>>, vector<16xf32>,
        %mul3A_325 = arith.mulf %get3A_321, %get3A_324 : vector<16xf32>
        %add3A_326 = arith.addf %add3A_318, %mul3A_325 : vector<16xf32>
        %get3A_327 = arith.index_cast %scan3A_72 : i32 to index
        %get3A_328 = arith.constant 496 : index
        %get3A_329 = tpu.vector_load %arg11[%get3A_327, %get3A_328] {strides = array<i32>} : memref<40x512xf32, #tpu.memory_space<vmem>>, vector<16xf32>,
        %get3A_330 = arith.index_cast %scan3A_72 : i32 to index
        %get3A_331 = arith.constant 496 : index
        %get3A_332 = tpu.vector_load %arg13[%get3A_330, %get3A_331] {strides = array<i32>} : memref<40x512xf32, #tpu.memory_space<vmem>>, vector<16xf32>,
        %mul3A_333 = arith.mulf %get3A_329, %get3A_332 : vector<16xf32>
        %add3A_334 = arith.addf %add3A_326, %mul3A_333 : vector<16xf32>
        %reduce_sum3A_335 = arith.constant true
        %reduce_sum3A_336 = vector.broadcast %reduce_sum3A_335 : i1 to vector<16xi1>
        %reduce_sum3A_337 = tpu.scan <sum>, %add3A_334 masked %reduce_sum3A_336 : vector<16xf32>, vector<16xi1> -> vector<16xf32>
        %reduce_sum3A_338 = vector.extract %reduce_sum3A_337[15] : f32 from vector<16xf32>
        %eq3A = arith.constant 0 : i32
        %eq3A_339 = vector.broadcast %eq3A : i32 to vector<16xi32>
        %eq3A_340 = arith.cmpi eq, %iota3A, %eq3A_339 : vector<16xi32>
        %eq3A_341 = arith.constant 1 : i32
        %eq3A_342 = vector.broadcast %eq3A_341 : i32 to vector<16xi32>
        %eq3A_343 = arith.cmpi eq, %iota3A, %eq3A_342 : vector<16xi32>
        %eq3A_344 = arith.constant 2 : i32
        %eq3A_345 = vector.broadcast %eq3A_344 : i32 to vector<16xi32>
        %eq3A_346 = arith.cmpi eq, %iota3A, %eq3A_345 : vector<16xi32>
        %broadcast_in_dim3A = vector.broadcast %reduce_sum3A_271 : f32 to vector<16xf32>
        %broadcast_in_dim3A_347 = vector.broadcast %reduce_sum3A_338 : f32 to vector<16xf32>
        %select_n3A = arith.select %eq3A_346, %broadcast_in_dim3A, %broadcast_in_dim3A_347 : vector<16xi1>, vector<16xf32>
        %broadcast_in_dim3A_348 = vector.broadcast %reduce_sum3A_204 : f32 to vector<16xf32>
        %select_n3A_349 = arith.select %eq3A_343, %broadcast_in_dim3A_348, %select_n3A : vector<16xi1>, vector<16xf32>
        %broadcast_in_dim3A_350 = vector.broadcast %reduce_sum3A_137 : f32 to vector<16xf32>
        %select_n3A_351 = arith.select %eq3A_340, %broadcast_in_dim3A_350, %select_n3A_349 : vector<16xi1>, vector<16xf32>
        %mul3A_352 = arith.constant 3.000000e-01 : f32
        %mul3A_353 = vector.broadcast %mul3A_352 : f32 to vector<16xf32>
        %mul3A_354 = arith.mulf %select_n3A_351, %mul3A_353 : vector<16xf32>
        %exp3A = math.exp %mul3A_354 : vector<16xf32>
        %mul3A_355 = arith.constant 4 : i32
        %mul3A_356 = arith.muli %scan3A_72, %mul3A_355 : i32
        %add3A_357 = vector.broadcast %mul3A_356 : i32 to vector<16xi32>
        %add3A_358 = arith.addi %add3A_357, %iota3A : vector<16xi32>
        %lt3A_359 = arith.constant 4 : i32
        %lt3A_360 = vector.broadcast %lt3A_359 : i32 to vector<16xi32>
        %lt3A_361 = arith.cmpi slt, %iota3A, %lt3A_360 : vector<16xi32>
        tpu.vector_store_idx %arg15[%add3A_358], %exp3A masked %lt3A_361 : memref<160xf32, #tpu.memory_space<vmem>>[vector<16xi32>], vector<16xf32>, vector<16xi1>
      }
      %scan3A_40 = arith.constant 40 : i32
      %mul3A_41 = arith.constant 40 : i32
      %mul3A_42 = arith.muli %add3A_26, %mul3A_41 : i32
      %add3A_43 = arith.addi %mul3A_2, %mul3A_42 : i32
      %mul3A_44 = arith.constant 4 : i32
      %mul3A_45 = arith.muli %add3A_43, %mul3A_44 : i32
      "tpu.region"() ({
        %run_scoped3A = tpu.sem_alloc : memref<!tpu.dma_semaphore, #tpu.memory_space<semaphore_mem>>
        %dma_start3A_72 = tpu.memref_slice %arg6[%mul3A_45] : memref<1280000xf32, #tpu.memory_space<hbm>> -> memref<160xf32, #tpu.memory_space<hbm>>
        %dma_start3A_73 = tpu.memref_slice %arg6[%mul3A_45] : memref<1280000xf32, #tpu.memory_space<hbm>> -> memref<160xf32, #tpu.memory_space<hbm>>
        tpu.enqueue_dma source(%arg15 : memref<160xf32, #tpu.memory_space<vmem>>) target(%dma_start3A_73 : memref<160xf32, #tpu.memory_space<hbm>>) target_semaphore(%run_scoped3A : memref<!tpu.dma_semaphore, #tpu.memory_space<semaphore_mem>>)
        %dma_wait3A_74 = tpu.memref_slice %arg6[%mul3A_45] : memref<1280000xf32, #tpu.memory_space<hbm>> -> memref<160xf32, #tpu.memory_space<hbm>>
        %dma_wait3A_75 = tpu.memref_slice %arg6[%mul3A_45] : memref<1280000xf32, #tpu.memory_space<hbm>> -> memref<160xf32, #tpu.memory_space<hbm>>
        tpu.wait_dma2 semaphore(%run_scoped3A : memref<!tpu.dma_semaphore, #tpu.memory_space<semaphore_mem>>) src(%arg15 : memref<160xf32, #tpu.memory_space<vmem>>) dst(%dma_wait3A_75 : memref<160xf32, #tpu.memory_space<hbm>>)
        tpu.yield
      }) : () -> ()
      %mul3A_46 = arith.constant 2 : i32
      %mul3A_47 = arith.muli %scan3A_22, %mul3A_46 : i32
      %add3A_48 = arith.constant 1 : i32
      %add3A_49 = arith.addi %mul3A_47, %add3A_48 : i32
      %lt3A_50 = arith.constant 249 : i32
      %lt3A_51 = arith.cmpi slt, %add3A_49, %lt3A_50 : i32
      %convert_element_type3A_52 = arith.extui %lt3A_51 : i1 to i32
      %cond3A_53 = arith.constant 0 : i32
      %cond3A_54 = arith.cmpi ne, %convert_element_type3A_52, %cond3A_53 : i32
      scf.if %cond3A_54 {
        %add3A_72 = arith.constant 1 : i32
        %add3A_73 = arith.addi %add3A_49, %add3A_72 : i32
        %mul3A_74 = arith.constant 40 : i32
        %mul3A_75 = arith.muli %add3A_73, %mul3A_74 : i32
        %add3A_76 = arith.addi %mul3A_2, %mul3A_75 : i32
        %dma_start3A_77 = tpu.memref_slice %arg4[%add3A_76] : memref<320000xi32, #tpu.memory_space<hbm>> -> memref<40xi32, #tpu.memory_space<hbm>>
        %dma_start3A_78 = tpu.memref_slice %arg4[%add3A_76] : memref<320000xi32, #tpu.memory_space<hbm>> -> memref<40xi32, #tpu.memory_space<hbm>>
        tpu.enqueue_dma source(%dma_start3A_78 : memref<40xi32, #tpu.memory_space<hbm>>) target(%arg7 : memref<40xi32, #tpu.memory_space<vmem>>) target_semaphore(%arg17 : memref<!tpu.dma_semaphore, #tpu.memory_space<semaphore_mem>>)
        %dma_start3A_79 = tpu.memref_slice %arg5[%add3A_76] : memref<320000xi32, #tpu.memory_space<hbm>> -> memref<40xi32, #tpu.memory_space<hbm>>
        %dma_start3A_80 = tpu.memref_slice %arg5[%add3A_76] : memref<320000xi32, #tpu.memory_space<hbm>> -> memref<40xi32, #tpu.memory_space<hbm>>
        tpu.enqueue_dma source(%dma_start3A_80 : memref<40xi32, #tpu.memory_space<hbm>>) target(%arg9 : memref<40xi32, #tpu.memory_space<vmem>>) target_semaphore(%arg17 : memref<!tpu.dma_semaphore, #tpu.memory_space<semaphore_mem>>)
        %dma_wait3A_81 = tpu.memref_slice %arg4[%add3A_76] : memref<320000xi32, #tpu.memory_space<hbm>> -> memref<40xi32, #tpu.memory_space<hbm>>
        %dma_wait3A_82 = tpu.memref_slice %arg4[%add3A_76] : memref<320000xi32, #tpu.memory_space<hbm>> -> memref<40xi32, #tpu.memory_space<hbm>>
        tpu.wait_dma2 semaphore(%arg17 : memref<!tpu.dma_semaphore, #tpu.memory_space<semaphore_mem>>) src(%dma_wait3A_82 : memref<40xi32, #tpu.memory_space<hbm>>) dst(%arg7 : memref<40xi32, #tpu.memory_space<vmem>>)
        %dma_wait3A_83 = tpu.memref_slice %arg5[%add3A_76] : memref<320000xi32, #tpu.memory_space<hbm>> -> memref<40xi32, #tpu.memory_space<hbm>>
        %dma_wait3A_84 = tpu.memref_slice %arg5[%add3A_76] : memref<320000xi32, #tpu.memory_space<hbm>> -> memref<40xi32, #tpu.memory_space<hbm>>
        tpu.wait_dma2 semaphore(%arg17 : memref<!tpu.dma_semaphore, #tpu.memory_space<semaphore_mem>>) src(%dma_wait3A_84 : memref<40xi32, #tpu.memory_space<hbm>>) dst(%arg9 : memref<40xi32, #tpu.memory_space<vmem>>)
        %dma_start3A_85 = arith.constant 0 : i32
        %dma_start3A_86 = arith.constant 0 : i32
        %dma_start3A_87 = tpu.memref_slice %arg2[%dma_start3A_85, %dma_start3A_86] : memref<10000x512xf32, #tpu.memory_space<hbm>> -> memref<10000x512xf32, #tpu.memory_space<hbm>>
        tpu.enqueue_indirect_dma source(%dma_start3A_87 : memref<10000x512xf32, #tpu.memory_space<hbm>>) target(%arg11 : memref<40x512xf32, #tpu.memory_space<vmem>>) offsets(%arg7 : memref<40xi32, #tpu.memory_space<vmem>>) semaphore(%arg16 : memref<!tpu.dma_semaphore, #tpu.memory_space<semaphore_mem>>)
        %dma_start3A_88 = arith.constant 0 : i32
        %dma_start3A_89 = arith.constant 0 : i32
        %dma_start3A_90 = tpu.memref_slice %arg3[%dma_start3A_88, %dma_start3A_89] : memref<10000x512xf32, #tpu.memory_space<hbm>> -> memref<10000x512xf32, #tpu.memory_space<hbm>>
        tpu.enqueue_indirect_dma source(%dma_start3A_90 : memref<10000x512xf32, #tpu.memory_space<hbm>>) target(%arg13 : memref<40x512xf32, #tpu.memory_space<vmem>>) offsets(%arg9 : memref<40xi32, #tpu.memory_space<vmem>>) semaphore(%arg16 : memref<!tpu.dma_semaphore, #tpu.memory_space<semaphore_mem>>)
      } else {
      }
      %dma_wait3A_55 = arith.constant 0 : i32
      %dma_wait3A_56 = arith.constant 0 : i32
      %dma_wait3A_57 = tpu.memref_slice %arg2[%dma_wait3A_55, %dma_wait3A_56] : memref<10000x512xf32, #tpu.memory_space<hbm>> -> memref<10000x512xf32, #tpu.memory_space<hbm>>
      tpu.wait_indirect_dma semaphore(%arg16 : memref<!tpu.dma_semaphore, #tpu.memory_space<semaphore_mem>>) src(%dma_wait3A_57 : memref<10000x512xf32, #tpu.memory_space<hbm>>) dst(%arg12 : memref<40x512xf32, #tpu.memory_space<vmem>>)
      %dma_wait3A_58 = arith.constant 0 : i32
      %dma_wait3A_59 = arith.constant 0 : i32
      %dma_wait3A_60 = tpu.memref_slice %arg3[%dma_wait3A_58, %dma_wait3A_59] : memref<10000x512xf32, #tpu.memory_space<hbm>> -> memref<10000x512xf32, #tpu.memory_space<hbm>>
      tpu.wait_indirect_dma semaphore(%arg16 : memref<!tpu.dma_semaphore, #tpu.memory_space<semaphore_mem>>) src(%dma_wait3A_60 : memref<10000x512xf32, #tpu.memory_space<hbm>>) dst(%arg14 : memref<40x512xf32, #tpu.memory_space<vmem>>)
      %scan3A_61 = arith.constant 0 : i32
      %scan3A_62 = arith.constant 0 : i32
      %scan3A_63 = arith.constant 40 : i32
      %scan3A_64 = arith.addi %scan3A_62, %scan3A_63 : i32
      %scan3A_65 = arith.constant 1 : i32
      scf.for %scan3A_72 = %scan3A_62 to %scan3A_64 step %scan3A_65  : i32 {
        %get3A = arith.index_cast %scan3A_72 : i32 to index
        %get3A_73 = arith.constant 0 : index
        %get3A_74 = tpu.vector_load %arg12[%get3A, %get3A_73] {strides = array<i32>} : memref<40x512xf32, #tpu.memory_space<vmem>>, vector<16xf32>,
        %get3A_75 = arith.index_cast %scan3A_72 : i32 to index
        %get3A_76 = arith.constant 0 : index
        %get3A_77 = tpu.vector_load %arg14[%get3A_75, %get3A_76] {strides = array<i32>} : memref<40x512xf32, #tpu.memory_space<vmem>>, vector<16xf32>,
        %mul3A_78 = arith.mulf %get3A_74, %get3A_77 : vector<16xf32>
        %get3A_79 = arith.index_cast %scan3A_72 : i32 to index
        %get3A_80 = arith.constant 16 : index
        %get3A_81 = tpu.vector_load %arg12[%get3A_79, %get3A_80] {strides = array<i32>} : memref<40x512xf32, #tpu.memory_space<vmem>>, vector<16xf32>,
        %get3A_82 = arith.index_cast %scan3A_72 : i32 to index
        %get3A_83 = arith.constant 16 : index
        %get3A_84 = tpu.vector_load %arg14[%get3A_82, %get3A_83] {strides = array<i32>} : memref<40x512xf32, #tpu.memory_space<vmem>>, vector<16xf32>,
        %mul3A_85 = arith.mulf %get3A_81, %get3A_84 : vector<16xf32>
        %add3A_86 = arith.addf %mul3A_78, %mul3A_85 : vector<16xf32>
        %get3A_87 = arith.index_cast %scan3A_72 : i32 to index
        %get3A_88 = arith.constant 32 : index
        %get3A_89 = tpu.vector_load %arg12[%get3A_87, %get3A_88] {strides = array<i32>} : memref<40x512xf32, #tpu.memory_space<vmem>>, vector<16xf32>,
        %get3A_90 = arith.index_cast %scan3A_72 : i32 to index
        %get3A_91 = arith.constant 32 : index
        %get3A_92 = tpu.vector_load %arg14[%get3A_90, %get3A_91] {strides = array<i32>} : memref<40x512xf32, #tpu.memory_space<vmem>>, vector<16xf32>,
        %mul3A_93 = arith.mulf %get3A_89, %get3A_92 : vector<16xf32>
        %add3A_94 = arith.addf %add3A_86, %mul3A_93 : vector<16xf32>
        %get3A_95 = arith.index_cast %scan3A_72 : i32 to index
        %get3A_96 = arith.constant 48 : index
        %get3A_97 = tpu.vector_load %arg12[%get3A_95, %get3A_96] {strides = array<i32>} : memref<40x512xf32, #tpu.memory_space<vmem>>, vector<16xf32>,
        %get3A_98 = arith.index_cast %scan3A_72 : i32 to index
        %get3A_99 = arith.constant 48 : index
        %get3A_100 = tpu.vector_load %arg14[%get3A_98, %get3A_99] {strides = array<i32>} : memref<40x512xf32, #tpu.memory_space<vmem>>, vector<16xf32>,
        %mul3A_101 = arith.mulf %get3A_97, %get3A_100 : vector<16xf32>
        %add3A_102 = arith.addf %add3A_94, %mul3A_101 : vector<16xf32>
        %get3A_103 = arith.index_cast %scan3A_72 : i32 to index
        %get3A_104 = arith.constant 64 : index
        %get3A_105 = tpu.vector_load %arg12[%get3A_103, %get3A_104] {strides = array<i32>} : memref<40x512xf32, #tpu.memory_space<vmem>>, vector<16xf32>,
        %get3A_106 = arith.index_cast %scan3A_72 : i32 to index
        %get3A_107 = arith.constant 64 : index
        %get3A_108 = tpu.vector_load %arg14[%get3A_106, %get3A_107] {strides = array<i32>} : memref<40x512xf32, #tpu.memory_space<vmem>>, vector<16xf32>,
        %mul3A_109 = arith.mulf %get3A_105, %get3A_108 : vector<16xf32>
        %add3A_110 = arith.addf %add3A_102, %mul3A_109 : vector<16xf32>
        %get3A_111 = arith.index_cast %scan3A_72 : i32 to index
        %get3A_112 = arith.constant 80 : index
        %get3A_113 = tpu.vector_load %arg12[%get3A_111, %get3A_112] {strides = array<i32>} : memref<40x512xf32, #tpu.memory_space<vmem>>, vector<16xf32>,
        %get3A_114 = arith.index_cast %scan3A_72 : i32 to index
        %get3A_115 = arith.constant 80 : index
        %get3A_116 = tpu.vector_load %arg14[%get3A_114, %get3A_115] {strides = array<i32>} : memref<40x512xf32, #tpu.memory_space<vmem>>, vector<16xf32>,
        %mul3A_117 = arith.mulf %get3A_113, %get3A_116 : vector<16xf32>
        %add3A_118 = arith.addf %add3A_110, %mul3A_117 : vector<16xf32>
        %get3A_119 = arith.index_cast %scan3A_72 : i32 to index
        %get3A_120 = arith.constant 96 : index
        %get3A_121 = tpu.vector_load %arg12[%get3A_119, %get3A_120] {strides = array<i32>} : memref<40x512xf32, #tpu.memory_space<vmem>>, vector<16xf32>,
        %get3A_122 = arith.index_cast %scan3A_72 : i32 to index
        %get3A_123 = arith.constant 96 : index
        %get3A_124 = tpu.vector_load %arg14[%get3A_122, %get3A_123] {strides = array<i32>} : memref<40x512xf32, #tpu.memory_space<vmem>>, vector<16xf32>,
        %mul3A_125 = arith.mulf %get3A_121, %get3A_124 : vector<16xf32>
        %add3A_126 = arith.addf %add3A_118, %mul3A_125 : vector<16xf32>
        %get3A_127 = arith.index_cast %scan3A_72 : i32 to index
        %get3A_128 = arith.constant 112 : index
        %get3A_129 = tpu.vector_load %arg12[%get3A_127, %get3A_128] {strides = array<i32>} : memref<40x512xf32, #tpu.memory_space<vmem>>, vector<16xf32>,
        %get3A_130 = arith.index_cast %scan3A_72 : i32 to index
        %get3A_131 = arith.constant 112 : index
        %get3A_132 = tpu.vector_load %arg14[%get3A_130, %get3A_131] {strides = array<i32>} : memref<40x512xf32, #tpu.memory_space<vmem>>, vector<16xf32>,
        %mul3A_133 = arith.mulf %get3A_129, %get3A_132 : vector<16xf32>
        %add3A_134 = arith.addf %add3A_126, %mul3A_133 : vector<16xf32>
        %reduce_sum3A = arith.constant true
        %reduce_sum3A_135 = vector.broadcast %reduce_sum3A : i1 to vector<16xi1>
        %reduce_sum3A_136 = tpu.scan <sum>, %add3A_134 masked %reduce_sum3A_135 : vector<16xf32>, vector<16xi1> -> vector<16xf32>
        %reduce_sum3A_137 = vector.extract %reduce_sum3A_136[15] : f32 from vector<16xf32>
        %get3A_138 = arith.index_cast %scan3A_72 : i32 to index
        %get3A_139 = arith.constant 128 : index
        %get3A_140 = tpu.vector_load %arg12[%get3A_138, %get3A_139] {strides = array<i32>} : memref<40x512xf32, #tpu.memory_space<vmem>>, vector<16xf32>,
        %get3A_141 = arith.index_cast %scan3A_72 : i32 to index
        %get3A_142 = arith.constant 128 : index
        %get3A_143 = tpu.vector_load %arg14[%get3A_141, %get3A_142] {strides = array<i32>} : memref<40x512xf32, #tpu.memory_space<vmem>>, vector<16xf32>,
        %mul3A_144 = arith.mulf %get3A_140, %get3A_143 : vector<16xf32>
        %get3A_145 = arith.index_cast %scan3A_72 : i32 to index
        %get3A_146 = arith.constant 144 : index
        %get3A_147 = tpu.vector_load %arg12[%get3A_145, %get3A_146] {strides = array<i32>} : memref<40x512xf32, #tpu.memory_space<vmem>>, vector<16xf32>,
        %get3A_148 = arith.index_cast %scan3A_72 : i32 to index
        %get3A_149 = arith.constant 144 : index
        %get3A_150 = tpu.vector_load %arg14[%get3A_148, %get3A_149] {strides = array<i32>} : memref<40x512xf32, #tpu.memory_space<vmem>>, vector<16xf32>,
        %mul3A_151 = arith.mulf %get3A_147, %get3A_150 : vector<16xf32>
        %add3A_152 = arith.addf %mul3A_144, %mul3A_151 : vector<16xf32>
        %get3A_153 = arith.index_cast %scan3A_72 : i32 to index
        %get3A_154 = arith.constant 160 : index
        %get3A_155 = tpu.vector_load %arg12[%get3A_153, %get3A_154] {strides = array<i32>} : memref<40x512xf32, #tpu.memory_space<vmem>>, vector<16xf32>,
        %get3A_156 = arith.index_cast %scan3A_72 : i32 to index
        %get3A_157 = arith.constant 160 : index
        %get3A_158 = tpu.vector_load %arg14[%get3A_156, %get3A_157] {strides = array<i32>} : memref<40x512xf32, #tpu.memory_space<vmem>>, vector<16xf32>,
        %mul3A_159 = arith.mulf %get3A_155, %get3A_158 : vector<16xf32>
        %add3A_160 = arith.addf %add3A_152, %mul3A_159 : vector<16xf32>
        %get3A_161 = arith.index_cast %scan3A_72 : i32 to index
        %get3A_162 = arith.constant 176 : index
        %get3A_163 = tpu.vector_load %arg12[%get3A_161, %get3A_162] {strides = array<i32>} : memref<40x512xf32, #tpu.memory_space<vmem>>, vector<16xf32>,
        %get3A_164 = arith.index_cast %scan3A_72 : i32 to index
        %get3A_165 = arith.constant 176 : index
        %get3A_166 = tpu.vector_load %arg14[%get3A_164, %get3A_165] {strides = array<i32>} : memref<40x512xf32, #tpu.memory_space<vmem>>, vector<16xf32>,
        %mul3A_167 = arith.mulf %get3A_163, %get3A_166 : vector<16xf32>
        %add3A_168 = arith.addf %add3A_160, %mul3A_167 : vector<16xf32>
        %get3A_169 = arith.index_cast %scan3A_72 : i32 to index
        %get3A_170 = arith.constant 192 : index
        %get3A_171 = tpu.vector_load %arg12[%get3A_169, %get3A_170] {strides = array<i32>} : memref<40x512xf32, #tpu.memory_space<vmem>>, vector<16xf32>,
        %get3A_172 = arith.index_cast %scan3A_72 : i32 to index
        %get3A_173 = arith.constant 192 : index
        %get3A_174 = tpu.vector_load %arg14[%get3A_172, %get3A_173] {strides = array<i32>} : memref<40x512xf32, #tpu.memory_space<vmem>>, vector<16xf32>,
        %mul3A_175 = arith.mulf %get3A_171, %get3A_174 : vector<16xf32>
        %add3A_176 = arith.addf %add3A_168, %mul3A_175 : vector<16xf32>
        %get3A_177 = arith.index_cast %scan3A_72 : i32 to index
        %get3A_178 = arith.constant 208 : index
        %get3A_179 = tpu.vector_load %arg12[%get3A_177, %get3A_178] {strides = array<i32>} : memref<40x512xf32, #tpu.memory_space<vmem>>, vector<16xf32>,
        %get3A_180 = arith.index_cast %scan3A_72 : i32 to index
        %get3A_181 = arith.constant 208 : index
        %get3A_182 = tpu.vector_load %arg14[%get3A_180, %get3A_181] {strides = array<i32>} : memref<40x512xf32, #tpu.memory_space<vmem>>, vector<16xf32>,
        %mul3A_183 = arith.mulf %get3A_179, %get3A_182 : vector<16xf32>
        %add3A_184 = arith.addf %add3A_176, %mul3A_183 : vector<16xf32>
        %get3A_185 = arith.index_cast %scan3A_72 : i32 to index
        %get3A_186 = arith.constant 224 : index
        %get3A_187 = tpu.vector_load %arg12[%get3A_185, %get3A_186] {strides = array<i32>} : memref<40x512xf32, #tpu.memory_space<vmem>>, vector<16xf32>,
        %get3A_188 = arith.index_cast %scan3A_72 : i32 to index
        %get3A_189 = arith.constant 224 : index
        %get3A_190 = tpu.vector_load %arg14[%get3A_188, %get3A_189] {strides = array<i32>} : memref<40x512xf32, #tpu.memory_space<vmem>>, vector<16xf32>,
        %mul3A_191 = arith.mulf %get3A_187, %get3A_190 : vector<16xf32>
        %add3A_192 = arith.addf %add3A_184, %mul3A_191 : vector<16xf32>
        %get3A_193 = arith.index_cast %scan3A_72 : i32 to index
        %get3A_194 = arith.constant 240 : index
        %get3A_195 = tpu.vector_load %arg12[%get3A_193, %get3A_194] {strides = array<i32>} : memref<40x512xf32, #tpu.memory_space<vmem>>, vector<16xf32>,
        %get3A_196 = arith.index_cast %scan3A_72 : i32 to index
        %get3A_197 = arith.constant 240 : index
        %get3A_198 = tpu.vector_load %arg14[%get3A_196, %get3A_197] {strides = array<i32>} : memref<40x512xf32, #tpu.memory_space<vmem>>, vector<16xf32>,
        %mul3A_199 = arith.mulf %get3A_195, %get3A_198 : vector<16xf32>
        %add3A_200 = arith.addf %add3A_192, %mul3A_199 : vector<16xf32>
        %reduce_sum3A_201 = arith.constant true
        %reduce_sum3A_202 = vector.broadcast %reduce_sum3A_201 : i1 to vector<16xi1>
        %reduce_sum3A_203 = tpu.scan <sum>, %add3A_200 masked %reduce_sum3A_202 : vector<16xf32>, vector<16xi1> -> vector<16xf32>
        %reduce_sum3A_204 = vector.extract %reduce_sum3A_203[15] : f32 from vector<16xf32>
        %get3A_205 = arith.index_cast %scan3A_72 : i32 to index
        %get3A_206 = arith.constant 256 : index
        %get3A_207 = tpu.vector_load %arg12[%get3A_205, %get3A_206] {strides = array<i32>} : memref<40x512xf32, #tpu.memory_space<vmem>>, vector<16xf32>,
        %get3A_208 = arith.index_cast %scan3A_72 : i32 to index
        %get3A_209 = arith.constant 256 : index
        %get3A_210 = tpu.vector_load %arg14[%get3A_208, %get3A_209] {strides = array<i32>} : memref<40x512xf32, #tpu.memory_space<vmem>>, vector<16xf32>,
        %mul3A_211 = arith.mulf %get3A_207, %get3A_210 : vector<16xf32>
        %get3A_212 = arith.index_cast %scan3A_72 : i32 to index
        %get3A_213 = arith.constant 272 : index
        %get3A_214 = tpu.vector_load %arg12[%get3A_212, %get3A_213] {strides = array<i32>} : memref<40x512xf32, #tpu.memory_space<vmem>>, vector<16xf32>,
        %get3A_215 = arith.index_cast %scan3A_72 : i32 to index
        %get3A_216 = arith.constant 272 : index
        %get3A_217 = tpu.vector_load %arg14[%get3A_215, %get3A_216] {strides = array<i32>} : memref<40x512xf32, #tpu.memory_space<vmem>>, vector<16xf32>,
        %mul3A_218 = arith.mulf %get3A_214, %get3A_217 : vector<16xf32>
        %add3A_219 = arith.addf %mul3A_211, %mul3A_218 : vector<16xf32>
        %get3A_220 = arith.index_cast %scan3A_72 : i32 to index
        %get3A_221 = arith.constant 288 : index
        %get3A_222 = tpu.vector_load %arg12[%get3A_220, %get3A_221] {strides = array<i32>} : memref<40x512xf32, #tpu.memory_space<vmem>>, vector<16xf32>,
        %get3A_223 = arith.index_cast %scan3A_72 : i32 to index
        %get3A_224 = arith.constant 288 : index
        %get3A_225 = tpu.vector_load %arg14[%get3A_223, %get3A_224] {strides = array<i32>} : memref<40x512xf32, #tpu.memory_space<vmem>>, vector<16xf32>,
        %mul3A_226 = arith.mulf %get3A_222, %get3A_225 : vector<16xf32>
        %add3A_227 = arith.addf %add3A_219, %mul3A_226 : vector<16xf32>
        %get3A_228 = arith.index_cast %scan3A_72 : i32 to index
        %get3A_229 = arith.constant 304 : index
        %get3A_230 = tpu.vector_load %arg12[%get3A_228, %get3A_229] {strides = array<i32>} : memref<40x512xf32, #tpu.memory_space<vmem>>, vector<16xf32>,
        %get3A_231 = arith.index_cast %scan3A_72 : i32 to index
        %get3A_232 = arith.constant 304 : index
        %get3A_233 = tpu.vector_load %arg14[%get3A_231, %get3A_232] {strides = array<i32>} : memref<40x512xf32, #tpu.memory_space<vmem>>, vector<16xf32>,
        %mul3A_234 = arith.mulf %get3A_230, %get3A_233 : vector<16xf32>
        %add3A_235 = arith.addf %add3A_227, %mul3A_234 : vector<16xf32>
        %get3A_236 = arith.index_cast %scan3A_72 : i32 to index
        %get3A_237 = arith.constant 320 : index
        %get3A_238 = tpu.vector_load %arg12[%get3A_236, %get3A_237] {strides = array<i32>} : memref<40x512xf32, #tpu.memory_space<vmem>>, vector<16xf32>,
        %get3A_239 = arith.index_cast %scan3A_72 : i32 to index
        %get3A_240 = arith.constant 320 : index
        %get3A_241 = tpu.vector_load %arg14[%get3A_239, %get3A_240] {strides = array<i32>} : memref<40x512xf32, #tpu.memory_space<vmem>>, vector<16xf32>,
        %mul3A_242 = arith.mulf %get3A_238, %get3A_241 : vector<16xf32>
        %add3A_243 = arith.addf %add3A_235, %mul3A_242 : vector<16xf32>
        %get3A_244 = arith.index_cast %scan3A_72 : i32 to index
        %get3A_245 = arith.constant 336 : index
        %get3A_246 = tpu.vector_load %arg12[%get3A_244, %get3A_245] {strides = array<i32>} : memref<40x512xf32, #tpu.memory_space<vmem>>, vector<16xf32>,
        %get3A_247 = arith.index_cast %scan3A_72 : i32 to index
        %get3A_248 = arith.constant 336 : index
        %get3A_249 = tpu.vector_load %arg14[%get3A_247, %get3A_248] {strides = array<i32>} : memref<40x512xf32, #tpu.memory_space<vmem>>, vector<16xf32>,
        %mul3A_250 = arith.mulf %get3A_246, %get3A_249 : vector<16xf32>
        %add3A_251 = arith.addf %add3A_243, %mul3A_250 : vector<16xf32>
        %get3A_252 = arith.index_cast %scan3A_72 : i32 to index
        %get3A_253 = arith.constant 352 : index
        %get3A_254 = tpu.vector_load %arg12[%get3A_252, %get3A_253] {strides = array<i32>} : memref<40x512xf32, #tpu.memory_space<vmem>>, vector<16xf32>,
        %get3A_255 = arith.index_cast %scan3A_72 : i32 to index
        %get3A_256 = arith.constant 352 : index
        %get3A_257 = tpu.vector_load %arg14[%get3A_255, %get3A_256] {strides = array<i32>} : memref<40x512xf32, #tpu.memory_space<vmem>>, vector<16xf32>,
        %mul3A_258 = arith.mulf %get3A_254, %get3A_257 : vector<16xf32>
        %add3A_259 = arith.addf %add3A_251, %mul3A_258 : vector<16xf32>
        %get3A_260 = arith.index_cast %scan3A_72 : i32 to index
        %get3A_261 = arith.constant 368 : index
        %get3A_262 = tpu.vector_load %arg12[%get3A_260, %get3A_261] {strides = array<i32>} : memref<40x512xf32, #tpu.memory_space<vmem>>, vector<16xf32>,
        %get3A_263 = arith.index_cast %scan3A_72 : i32 to index
        %get3A_264 = arith.constant 368 : index
        %get3A_265 = tpu.vector_load %arg14[%get3A_263, %get3A_264] {strides = array<i32>} : memref<40x512xf32, #tpu.memory_space<vmem>>, vector<16xf32>,
        %mul3A_266 = arith.mulf %get3A_262, %get3A_265 : vector<16xf32>
        %add3A_267 = arith.addf %add3A_259, %mul3A_266 : vector<16xf32>
        %reduce_sum3A_268 = arith.constant true
        %reduce_sum3A_269 = vector.broadcast %reduce_sum3A_268 : i1 to vector<16xi1>
        %reduce_sum3A_270 = tpu.scan <sum>, %add3A_267 masked %reduce_sum3A_269 : vector<16xf32>, vector<16xi1> -> vector<16xf32>
        %reduce_sum3A_271 = vector.extract %reduce_sum3A_270[15] : f32 from vector<16xf32>
        %get3A_272 = arith.index_cast %scan3A_72 : i32 to index
        %get3A_273 = arith.constant 384 : index
        %get3A_274 = tpu.vector_load %arg12[%get3A_272, %get3A_273] {strides = array<i32>} : memref<40x512xf32, #tpu.memory_space<vmem>>, vector<16xf32>,
        %get3A_275 = arith.index_cast %scan3A_72 : i32 to index
        %get3A_276 = arith.constant 384 : index
        %get3A_277 = tpu.vector_load %arg14[%get3A_275, %get3A_276] {strides = array<i32>} : memref<40x512xf32, #tpu.memory_space<vmem>>, vector<16xf32>,
        %mul3A_278 = arith.mulf %get3A_274, %get3A_277 : vector<16xf32>
        %get3A_279 = arith.index_cast %scan3A_72 : i32 to index
        %get3A_280 = arith.constant 400 : index
        %get3A_281 = tpu.vector_load %arg12[%get3A_279, %get3A_280] {strides = array<i32>} : memref<40x512xf32, #tpu.memory_space<vmem>>, vector<16xf32>,
        %get3A_282 = arith.index_cast %scan3A_72 : i32 to index
        %get3A_283 = arith.constant 400 : index
        %get3A_284 = tpu.vector_load %arg14[%get3A_282, %get3A_283] {strides = array<i32>} : memref<40x512xf32, #tpu.memory_space<vmem>>, vector<16xf32>,
        %mul3A_285 = arith.mulf %get3A_281, %get3A_284 : vector<16xf32>
        %add3A_286 = arith.addf %mul3A_278, %mul3A_285 : vector<16xf32>
        %get3A_287 = arith.index_cast %scan3A_72 : i32 to index
        %get3A_288 = arith.constant 416 : index
        %get3A_289 = tpu.vector_load %arg12[%get3A_287, %get3A_288] {strides = array<i32>} : memref<40x512xf32, #tpu.memory_space<vmem>>, vector<16xf32>,
        %get3A_290 = arith.index_cast %scan3A_72 : i32 to index
        %get3A_291 = arith.constant 416 : index
        %get3A_292 = tpu.vector_load %arg14[%get3A_290, %get3A_291] {strides = array<i32>} : memref<40x512xf32, #tpu.memory_space<vmem>>, vector<16xf32>,
        %mul3A_293 = arith.mulf %get3A_289, %get3A_292 : vector<16xf32>
        %add3A_294 = arith.addf %add3A_286, %mul3A_293 : vector<16xf32>
        %get3A_295 = arith.index_cast %scan3A_72 : i32 to index
        %get3A_296 = arith.constant 432 : index
        %get3A_297 = tpu.vector_load %arg12[%get3A_295, %get3A_296] {strides = array<i32>} : memref<40x512xf32, #tpu.memory_space<vmem>>, vector<16xf32>,
        %get3A_298 = arith.index_cast %scan3A_72 : i32 to index
        %get3A_299 = arith.constant 432 : index
        %get3A_300 = tpu.vector_load %arg14[%get3A_298, %get3A_299] {strides = array<i32>} : memref<40x512xf32, #tpu.memory_space<vmem>>, vector<16xf32>,
        %mul3A_301 = arith.mulf %get3A_297, %get3A_300 : vector<16xf32>
        %add3A_302 = arith.addf %add3A_294, %mul3A_301 : vector<16xf32>
        %get3A_303 = arith.index_cast %scan3A_72 : i32 to index
        %get3A_304 = arith.constant 448 : index
        %get3A_305 = tpu.vector_load %arg12[%get3A_303, %get3A_304] {strides = array<i32>} : memref<40x512xf32, #tpu.memory_space<vmem>>, vector<16xf32>,
        %get3A_306 = arith.index_cast %scan3A_72 : i32 to index
        %get3A_307 = arith.constant 448 : index
        %get3A_308 = tpu.vector_load %arg14[%get3A_306, %get3A_307] {strides = array<i32>} : memref<40x512xf32, #tpu.memory_space<vmem>>, vector<16xf32>,
        %mul3A_309 = arith.mulf %get3A_305, %get3A_308 : vector<16xf32>
        %add3A_310 = arith.addf %add3A_302, %mul3A_309 : vector<16xf32>
        %get3A_311 = arith.index_cast %scan3A_72 : i32 to index
        %get3A_312 = arith.constant 464 : index
        %get3A_313 = tpu.vector_load %arg12[%get3A_311, %get3A_312] {strides = array<i32>} : memref<40x512xf32, #tpu.memory_space<vmem>>, vector<16xf32>,
        %get3A_314 = arith.index_cast %scan3A_72 : i32 to index
        %get3A_315 = arith.constant 464 : index
        %get3A_316 = tpu.vector_load %arg14[%get3A_314, %get3A_315] {strides = array<i32>} : memref<40x512xf32, #tpu.memory_space<vmem>>, vector<16xf32>,
        %mul3A_317 = arith.mulf %get3A_313, %get3A_316 : vector<16xf32>
        %add3A_318 = arith.addf %add3A_310, %mul3A_317 : vector<16xf32>
        %get3A_319 = arith.index_cast %scan3A_72 : i32 to index
        %get3A_320 = arith.constant 480 : index
        %get3A_321 = tpu.vector_load %arg12[%get3A_319, %get3A_320] {strides = array<i32>} : memref<40x512xf32, #tpu.memory_space<vmem>>, vector<16xf32>,
        %get3A_322 = arith.index_cast %scan3A_72 : i32 to index
        %get3A_323 = arith.constant 480 : index
        %get3A_324 = tpu.vector_load %arg14[%get3A_322, %get3A_323] {strides = array<i32>} : memref<40x512xf32, #tpu.memory_space<vmem>>, vector<16xf32>,
        %mul3A_325 = arith.mulf %get3A_321, %get3A_324 : vector<16xf32>
        %add3A_326 = arith.addf %add3A_318, %mul3A_325 : vector<16xf32>
        %get3A_327 = arith.index_cast %scan3A_72 : i32 to index
        %get3A_328 = arith.constant 496 : index
        %get3A_329 = tpu.vector_load %arg12[%get3A_327, %get3A_328] {strides = array<i32>} : memref<40x512xf32, #tpu.memory_space<vmem>>, vector<16xf32>,
        %get3A_330 = arith.index_cast %scan3A_72 : i32 to index
        %get3A_331 = arith.constant 496 : index
        %get3A_332 = tpu.vector_load %arg14[%get3A_330, %get3A_331] {strides = array<i32>} : memref<40x512xf32, #tpu.memory_space<vmem>>, vector<16xf32>,
        %mul3A_333 = arith.mulf %get3A_329, %get3A_332 : vector<16xf32>
        %add3A_334 = arith.addf %add3A_326, %mul3A_333 : vector<16xf32>
        %reduce_sum3A_335 = arith.constant true
        %reduce_sum3A_336 = vector.broadcast %reduce_sum3A_335 : i1 to vector<16xi1>
        %reduce_sum3A_337 = tpu.scan <sum>, %add3A_334 masked %reduce_sum3A_336 : vector<16xf32>, vector<16xi1> -> vector<16xf32>
        %reduce_sum3A_338 = vector.extract %reduce_sum3A_337[15] : f32 from vector<16xf32>
        %eq3A = arith.constant 0 : i32
        %eq3A_339 = vector.broadcast %eq3A : i32 to vector<16xi32>
        %eq3A_340 = arith.cmpi eq, %iota3A, %eq3A_339 : vector<16xi32>
        %eq3A_341 = arith.constant 1 : i32
        %eq3A_342 = vector.broadcast %eq3A_341 : i32 to vector<16xi32>
        %eq3A_343 = arith.cmpi eq, %iota3A, %eq3A_342 : vector<16xi32>
        %eq3A_344 = arith.constant 2 : i32
        %eq3A_345 = vector.broadcast %eq3A_344 : i32 to vector<16xi32>
        %eq3A_346 = arith.cmpi eq, %iota3A, %eq3A_345 : vector<16xi32>
        %broadcast_in_dim3A = vector.broadcast %reduce_sum3A_271 : f32 to vector<16xf32>
        %broadcast_in_dim3A_347 = vector.broadcast %reduce_sum3A_338 : f32 to vector<16xf32>
        %select_n3A = arith.select %eq3A_346, %broadcast_in_dim3A, %broadcast_in_dim3A_347 : vector<16xi1>, vector<16xf32>
        %broadcast_in_dim3A_348 = vector.broadcast %reduce_sum3A_204 : f32 to vector<16xf32>
        %select_n3A_349 = arith.select %eq3A_343, %broadcast_in_dim3A_348, %select_n3A : vector<16xi1>, vector<16xf32>
        %broadcast_in_dim3A_350 = vector.broadcast %reduce_sum3A_137 : f32 to vector<16xf32>
        %select_n3A_351 = arith.select %eq3A_340, %broadcast_in_dim3A_350, %select_n3A_349 : vector<16xi1>, vector<16xf32>
        %mul3A_352 = arith.constant 3.000000e-01 : f32
        %mul3A_353 = vector.broadcast %mul3A_352 : f32 to vector<16xf32>
        %mul3A_354 = arith.mulf %select_n3A_351, %mul3A_353 : vector<16xf32>
        %exp3A = math.exp %mul3A_354 : vector<16xf32>
        %mul3A_355 = arith.constant 4 : i32
        %mul3A_356 = arith.muli %scan3A_72, %mul3A_355 : i32
        %add3A_357 = vector.broadcast %mul3A_356 : i32 to vector<16xi32>
        %add3A_358 = arith.addi %add3A_357, %iota3A : vector<16xi32>
        %lt3A_359 = arith.constant 4 : i32
        %lt3A_360 = vector.broadcast %lt3A_359 : i32 to vector<16xi32>
        %lt3A_361 = arith.cmpi slt, %iota3A, %lt3A_360 : vector<16xi32>
        tpu.vector_store_idx %arg15[%add3A_358], %exp3A masked %lt3A_361 : memref<160xf32, #tpu.memory_space<vmem>>[vector<16xi32>], vector<16xf32>, vector<16xi1>
      }
      %scan3A_66 = arith.constant 40 : i32
      %mul3A_67 = arith.constant 40 : i32
      %mul3A_68 = arith.muli %add3A_49, %mul3A_67 : i32
      %add3A_69 = arith.addi %mul3A_2, %mul3A_68 : i32
      %mul3A_70 = arith.constant 4 : i32
      %mul3A_71 = arith.muli %add3A_69, %mul3A_70 : i32
      "tpu.region"() ({
        %run_scoped3A = tpu.sem_alloc : memref<!tpu.dma_semaphore, #tpu.memory_space<semaphore_mem>>
        %dma_start3A_72 = tpu.memref_slice %arg6[%mul3A_71] : memref<1280000xf32, #tpu.memory_space<hbm>> -> memref<160xf32, #tpu.memory_space<hbm>>
        %dma_start3A_73 = tpu.memref_slice %arg6[%mul3A_71] : memref<1280000xf32, #tpu.memory_space<hbm>> -> memref<160xf32, #tpu.memory_space<hbm>>
        tpu.enqueue_dma source(%arg15 : memref<160xf32, #tpu.memory_space<vmem>>) target(%dma_start3A_73 : memref<160xf32, #tpu.memory_space<hbm>>) target_semaphore(%run_scoped3A : memref<!tpu.dma_semaphore, #tpu.memory_space<semaphore_mem>>)
        %dma_wait3A_74 = tpu.memref_slice %arg6[%mul3A_71] : memref<1280000xf32, #tpu.memory_space<hbm>> -> memref<160xf32, #tpu.memory_space<hbm>>
        %dma_wait3A_75 = tpu.memref_slice %arg6[%mul3A_71] : memref<1280000xf32, #tpu.memory_space<hbm>> -> memref<160xf32, #tpu.memory_space<hbm>>
        tpu.wait_dma2 semaphore(%run_scoped3A : memref<!tpu.dma_semaphore, #tpu.memory_space<semaphore_mem>>) src(%arg15 : memref<160xf32, #tpu.memory_space<vmem>>) dst(%dma_wait3A_75 : memref<160xf32, #tpu.memory_space<hbm>>)
        tpu.yield
      }) : () -> ()
    }
    %scan3A_21 = arith.constant 125 : i32
    return
  }
}

#map = affine_map<(d0, d1) -> (0, 0)>
#map1 = affine_map<(d0, d1) -> (0)>
module attributes {stable_mosaic.version = 14 : i64} {
  func.func @_aggregate(%arg0: i32, %arg1: i32, %arg2: memref<10000x128xf32, #tpu.memory_space<hbm>>, %arg3: memref<10000x128xf32, #tpu.memory_space<hbm>>, %arg4: memref<10000x128xf32, #tpu.memory_space<hbm>>, %arg5: memref<10000x128xf32, #tpu.memory_space<hbm>>, %arg6: memref<1280000xf32, #tpu.memory_space<hbm>>, %arg7: memref<320000xi32, #tpu.memory_space<hbm>>, %arg8: memref<320000xi32, #tpu.memory_space<hbm>>, %arg9: memref<40960x128xf32, #tpu.memory_space<hbm>>, %arg10: memref<655360xf32, #tpu.memory_space<hbm>>, %arg11: memref<80xi32, #tpu.memory_space<vmem>>, %arg12: memref<80xi32, #tpu.memory_space<vmem>>, %arg13: memref<80xi32, #tpu.memory_space<vmem>>, %arg14: memref<80xi32, #tpu.memory_space<vmem>>, %arg15: memref<320xf32, #tpu.memory_space<vmem>>, %arg16: memref<320xf32, #tpu.memory_space<vmem>>, %arg17: memref<80x128xf32, #tpu.memory_space<vmem>>, %arg18: memref<80x128xf32, #tpu.memory_space<vmem>>, %arg19: memref<80x128xf32, #tpu.memory_space<vmem>>, %arg20: memref<10240xf32, #tpu.memory_space<vmem>>, %arg21: memref<10240x128xf32, #tpu.memory_space<vmem_shared>>, %arg22: memref<!tpu.dma_semaphore, #tpu.memory_space<semaphore_mem>>, %arg23: memref<!tpu.dma_semaphore, #tpu.memory_space<semaphore_mem>>) attributes {dimension_semantics = [#tpu.dimension_semantics<core_parallel>, #tpu.dimension_semantics<subcore_parallel>], iteration_bounds = array<i64: 2, 16>, scalar_prefetch = 0 : i64, scratch_operands = 13 : i64, tpu.core_type = #tpu.core_type<sc_vector_subcore>, window_params = [{transform_indices = #map}, {transform_indices = #map}, {transform_indices = #map}, {transform_indices = #map}, {transform_indices = #map1}, {transform_indices = #map1}, {transform_indices = #map1}, {transform_indices = #map}, {transform_indices = #map1}]} {
    %iota3A = tpu.iota {dimensions = array<i32: 0>} : vector<16xi32>
    %broadcast_in_dim3A = arith.constant 0.000000e+00 : f32
    %broadcast_in_dim3A_0 = vector.broadcast %broadcast_in_dim3A : f32 to vector<16xf32>
    %mul3A = arith.constant 640 : i32
    %mul3A_1 = arith.muli %arg1, %mul3A : i32
    %mul3A_2 = arith.constant 2 : i32
    %mul3A_3 = arith.muli %arg0, %mul3A_2 : i32
    %add3A = arith.constant 0 : i32
    %add3A_4 = arith.addi %mul3A_3, %add3A : i32
    %scan3A = arith.constant 0 : i32
    %scan3A_5 = arith.constant 0 : i32
    %scan3A_6 = arith.constant 80 : i32
    %scan3A_7 = arith.addi %scan3A_5, %scan3A_6 : i32
    %scan3A_8 = arith.constant 1 : i32
    scf.for %scan3A_226 = %scan3A_5 to %scan3A_7 step %scan3A_8  : i32 {
      %swap3A = arith.index_cast %scan3A_226 : i32 to index
      %swap3A_227 = arith.constant 0 : index
      %swap3A_228 = tpu.vector_load %arg19[%swap3A, %swap3A_227] {strides = array<i32>} : memref<80x128xf32, #tpu.memory_space<vmem>>, vector<16xf32>,
      tpu.vector_store %arg19[%swap3A, %swap3A_227], %broadcast_in_dim3A_0 {strides = array<i32>} : memref<80x128xf32, #tpu.memory_space<vmem>>, vector<16xf32>,
      %swap3A_229 = arith.index_cast %scan3A_226 : i32 to index
      %swap3A_230 = arith.constant 16 : index
      %swap3A_231 = tpu.vector_load %arg19[%swap3A_229, %swap3A_230] {strides = array<i32>} : memref<80x128xf32, #tpu.memory_space<vmem>>, vector<16xf32>,
      tpu.vector_store %arg19[%swap3A_229, %swap3A_230], %broadcast_in_dim3A_0 {strides = array<i32>} : memref<80x128xf32, #tpu.memory_space<vmem>>, vector<16xf32>,
      %swap3A_232 = arith.index_cast %scan3A_226 : i32 to index
      %swap3A_233 = arith.constant 32 : index
      %swap3A_234 = tpu.vector_load %arg19[%swap3A_232, %swap3A_233] {strides = array<i32>} : memref<80x128xf32, #tpu.memory_space<vmem>>, vector<16xf32>,
      tpu.vector_store %arg19[%swap3A_232, %swap3A_233], %broadcast_in_dim3A_0 {strides = array<i32>} : memref<80x128xf32, #tpu.memory_space<vmem>>, vector<16xf32>,
      %swap3A_235 = arith.index_cast %scan3A_226 : i32 to index
      %swap3A_236 = arith.constant 48 : index
      %swap3A_237 = tpu.vector_load %arg19[%swap3A_235, %swap3A_236] {strides = array<i32>} : memref<80x128xf32, #tpu.memory_space<vmem>>, vector<16xf32>,
      tpu.vector_store %arg19[%swap3A_235, %swap3A_236], %broadcast_in_dim3A_0 {strides = array<i32>} : memref<80x128xf32, #tpu.memory_space<vmem>>, vector<16xf32>,
      %swap3A_238 = arith.index_cast %scan3A_226 : i32 to index
      %swap3A_239 = arith.constant 64 : index
      %swap3A_240 = tpu.vector_load %arg19[%swap3A_238, %swap3A_239] {strides = array<i32>} : memref<80x128xf32, #tpu.memory_space<vmem>>, vector<16xf32>,
      tpu.vector_store %arg19[%swap3A_238, %swap3A_239], %broadcast_in_dim3A_0 {strides = array<i32>} : memref<80x128xf32, #tpu.memory_space<vmem>>, vector<16xf32>,
      %swap3A_241 = arith.index_cast %scan3A_226 : i32 to index
      %swap3A_242 = arith.constant 80 : index
      %swap3A_243 = tpu.vector_load %arg19[%swap3A_241, %swap3A_242] {strides = array<i32>} : memref<80x128xf32, #tpu.memory_space<vmem>>, vector<16xf32>,
      tpu.vector_store %arg19[%swap3A_241, %swap3A_242], %broadcast_in_dim3A_0 {strides = array<i32>} : memref<80x128xf32, #tpu.memory_space<vmem>>, vector<16xf32>,
      %swap3A_244 = arith.index_cast %scan3A_226 : i32 to index
      %swap3A_245 = arith.constant 96 : index
      %swap3A_246 = tpu.vector_load %arg19[%swap3A_244, %swap3A_245] {strides = array<i32>} : memref<80x128xf32, #tpu.memory_space<vmem>>, vector<16xf32>,
      tpu.vector_store %arg19[%swap3A_244, %swap3A_245], %broadcast_in_dim3A_0 {strides = array<i32>} : memref<80x128xf32, #tpu.memory_space<vmem>>, vector<16xf32>,
      %swap3A_247 = arith.index_cast %scan3A_226 : i32 to index
      %swap3A_248 = arith.constant 112 : index
      %swap3A_249 = tpu.vector_load %arg19[%swap3A_247, %swap3A_248] {strides = array<i32>} : memref<80x128xf32, #tpu.memory_space<vmem>>, vector<16xf32>,
      tpu.vector_store %arg19[%swap3A_247, %swap3A_248], %broadcast_in_dim3A_0 {strides = array<i32>} : memref<80x128xf32, #tpu.memory_space<vmem>>, vector<16xf32>,
    }
    %scan3A_9 = arith.constant 80 : i32
    %scan3A_10 = arith.constant 0 : i32
    %scan3A_11 = arith.constant 0 : i32
    %scan3A_12 = arith.constant 640 : i32
    %scan3A_13 = arith.addi %scan3A_11, %scan3A_12 : i32
    %scan3A_14 = arith.constant 1 : i32
    scf.for %scan3A_226 = %scan3A_11 to %scan3A_13 step %scan3A_14  : i32 {
      %mul3A_227 = arith.constant 16 : i32
      %mul3A_228 = arith.muli %scan3A_226, %mul3A_227 : i32
      %swap3A = arith.index_cast %mul3A_228 : i32 to index
      %swap3A_229 = tpu.vector_load %arg20[%swap3A] {strides = array<i32>} : memref<10240xf32, #tpu.memory_space<vmem>>, vector<16xf32>,
      tpu.vector_store %arg20[%swap3A], %broadcast_in_dim3A_0 {strides = array<i32>} : memref<10240xf32, #tpu.memory_space<vmem>>, vector<16xf32>,
    }
    %scan3A_15 = arith.constant 640 : i32
    %add3A_16 = arith.constant 0 : i32
    %add3A_17 = arith.addi %mul3A_1, %add3A_16 : i32
    "tpu.region"() ({
      %run_scoped3A = tpu.sem_alloc : memref<!tpu.dma_semaphore, #tpu.memory_space<semaphore_mem>>
      %dma_start3A_226 = arith.constant 0 : i32
      %dma_start3A_227 = tpu.memref_slice %arg21[%add3A_17, %dma_start3A_226] : memref<10240x128xf32, #tpu.memory_space<vmem_shared>> -> memref<80x128xf32, #tpu.memory_space<vmem_shared>>
      %dma_start3A_228 = arith.constant 0 : i32
      %dma_start3A_229 = tpu.memref_slice %arg21[%add3A_17, %dma_start3A_228] : memref<10240x128xf32, #tpu.memory_space<vmem_shared>> -> memref<80x128xf32, #tpu.memory_space<vmem_shared>>
      tpu.enqueue_dma source(%arg19 : memref<80x128xf32, #tpu.memory_space<vmem>>) target(%dma_start3A_229 : memref<80x128xf32, #tpu.memory_space<vmem_shared>>) target_semaphore(%run_scoped3A : memref<!tpu.dma_semaphore, #tpu.memory_space<semaphore_mem>>)
      %dma_wait3A_230 = arith.constant 0 : i32
      %dma_wait3A_231 = tpu.memref_slice %arg21[%add3A_17, %dma_wait3A_230] : memref<10240x128xf32, #tpu.memory_space<vmem_shared>> -> memref<80x128xf32, #tpu.memory_space<vmem_shared>>
      %dma_wait3A_232 = arith.constant 0 : i32
      %dma_wait3A_233 = tpu.memref_slice %arg21[%add3A_17, %dma_wait3A_232] : memref<10240x128xf32, #tpu.memory_space<vmem_shared>> -> memref<80x128xf32, #tpu.memory_space<vmem_shared>>
      tpu.wait_dma2 semaphore(%run_scoped3A : memref<!tpu.dma_semaphore, #tpu.memory_space<semaphore_mem>>) src(%arg19 : memref<80x128xf32, #tpu.memory_space<vmem>>) dst(%dma_wait3A_233 : memref<80x128xf32, #tpu.memory_space<vmem_shared>>)
      tpu.yield
    }) : () -> ()
    %add3A_18 = arith.constant 80 : i32
    %add3A_19 = arith.addi %mul3A_1, %add3A_18 : i32
    "tpu.region"() ({
      %run_scoped3A = tpu.sem_alloc : memref<!tpu.dma_semaphore, #tpu.memory_space<semaphore_mem>>
      %dma_start3A_226 = arith.constant 0 : i32
      %dma_start3A_227 = tpu.memref_slice %arg21[%add3A_19, %dma_start3A_226] : memref<10240x128xf32, #tpu.memory_space<vmem_shared>> -> memref<80x128xf32, #tpu.memory_space<vmem_shared>>
      %dma_start3A_228 = arith.constant 0 : i32
      %dma_start3A_229 = tpu.memref_slice %arg21[%add3A_19, %dma_start3A_228] : memref<10240x128xf32, #tpu.memory_space<vmem_shared>> -> memref<80x128xf32, #tpu.memory_space<vmem_shared>>
      tpu.enqueue_dma source(%arg19 : memref<80x128xf32, #tpu.memory_space<vmem>>) target(%dma_start3A_229 : memref<80x128xf32, #tpu.memory_space<vmem_shared>>) target_semaphore(%run_scoped3A : memref<!tpu.dma_semaphore, #tpu.memory_space<semaphore_mem>>)
      %dma_wait3A_230 = arith.constant 0 : i32
      %dma_wait3A_231 = tpu.memref_slice %arg21[%add3A_19, %dma_wait3A_230] : memref<10240x128xf32, #tpu.memory_space<vmem_shared>> -> memref<80x128xf32, #tpu.memory_space<vmem_shared>>
      %dma_wait3A_232 = arith.constant 0 : i32
      %dma_wait3A_233 = tpu.memref_slice %arg21[%add3A_19, %dma_wait3A_232] : memref<10240x128xf32, #tpu.memory_space<vmem_shared>> -> memref<80x128xf32, #tpu.memory_space<vmem_shared>>
      tpu.wait_dma2 semaphore(%run_scoped3A : memref<!tpu.dma_semaphore, #tpu.memory_space<semaphore_mem>>) src(%arg19 : memref<80x128xf32, #tpu.memory_space<vmem>>) dst(%dma_wait3A_233 : memref<80x128xf32, #tpu.memory_space<vmem_shared>>)
      tpu.yield
    }) : () -> ()
    %add3A_20 = arith.constant 160 : i32
    %add3A_21 = arith.addi %mul3A_1, %add3A_20 : i32
    "tpu.region"() ({
      %run_scoped3A = tpu.sem_alloc : memref<!tpu.dma_semaphore, #tpu.memory_space<semaphore_mem>>
      %dma_start3A_226 = arith.constant 0 : i32
      %dma_start3A_227 = tpu.memref_slice %arg21[%add3A_21, %dma_start3A_226] : memref<10240x128xf32, #tpu.memory_space<vmem_shared>> -> memref<80x128xf32, #tpu.memory_space<vmem_shared>>
      %dma_start3A_228 = arith.constant 0 : i32
      %dma_start3A_229 = tpu.memref_slice %arg21[%add3A_21, %dma_start3A_228] : memref<10240x128xf32, #tpu.memory_space<vmem_shared>> -> memref<80x128xf32, #tpu.memory_space<vmem_shared>>
      tpu.enqueue_dma source(%arg19 : memref<80x128xf32, #tpu.memory_space<vmem>>) target(%dma_start3A_229 : memref<80x128xf32, #tpu.memory_space<vmem_shared>>) target_semaphore(%run_scoped3A : memref<!tpu.dma_semaphore, #tpu.memory_space<semaphore_mem>>)
      %dma_wait3A_230 = arith.constant 0 : i32
      %dma_wait3A_231 = tpu.memref_slice %arg21[%add3A_21, %dma_wait3A_230] : memref<10240x128xf32, #tpu.memory_space<vmem_shared>> -> memref<80x128xf32, #tpu.memory_space<vmem_shared>>
      %dma_wait3A_232 = arith.constant 0 : i32
      %dma_wait3A_233 = tpu.memref_slice %arg21[%add3A_21, %dma_wait3A_232] : memref<10240x128xf32, #tpu.memory_space<vmem_shared>> -> memref<80x128xf32, #tpu.memory_space<vmem_shared>>
      tpu.wait_dma2 semaphore(%run_scoped3A : memref<!tpu.dma_semaphore, #tpu.memory_space<semaphore_mem>>) src(%arg19 : memref<80x128xf32, #tpu.memory_space<vmem>>) dst(%dma_wait3A_233 : memref<80x128xf32, #tpu.memory_space<vmem_shared>>)
      tpu.yield
    }) : () -> ()
    %add3A_22 = arith.constant 240 : i32
    %add3A_23 = arith.addi %mul3A_1, %add3A_22 : i32
    "tpu.region"() ({
      %run_scoped3A = tpu.sem_alloc : memref<!tpu.dma_semaphore, #tpu.memory_space<semaphore_mem>>
      %dma_start3A_226 = arith.constant 0 : i32
      %dma_start3A_227 = tpu.memref_slice %arg21[%add3A_23, %dma_start3A_226] : memref<10240x128xf32, #tpu.memory_space<vmem_shared>> -> memref<80x128xf32, #tpu.memory_space<vmem_shared>>
      %dma_start3A_228 = arith.constant 0 : i32
      %dma_start3A_229 = tpu.memref_slice %arg21[%add3A_23, %dma_start3A_228] : memref<10240x128xf32, #tpu.memory_space<vmem_shared>> -> memref<80x128xf32, #tpu.memory_space<vmem_shared>>
      tpu.enqueue_dma source(%arg19 : memref<80x128xf32, #tpu.memory_space<vmem>>) target(%dma_start3A_229 : memref<80x128xf32, #tpu.memory_space<vmem_shared>>) target_semaphore(%run_scoped3A : memref<!tpu.dma_semaphore, #tpu.memory_space<semaphore_mem>>)
      %dma_wait3A_230 = arith.constant 0 : i32
      %dma_wait3A_231 = tpu.memref_slice %arg21[%add3A_23, %dma_wait3A_230] : memref<10240x128xf32, #tpu.memory_space<vmem_shared>> -> memref<80x128xf32, #tpu.memory_space<vmem_shared>>
      %dma_wait3A_232 = arith.constant 0 : i32
      %dma_wait3A_233 = tpu.memref_slice %arg21[%add3A_23, %dma_wait3A_232] : memref<10240x128xf32, #tpu.memory_space<vmem_shared>> -> memref<80x128xf32, #tpu.memory_space<vmem_shared>>
      tpu.wait_dma2 semaphore(%run_scoped3A : memref<!tpu.dma_semaphore, #tpu.memory_space<semaphore_mem>>) src(%arg19 : memref<80x128xf32, #tpu.memory_space<vmem>>) dst(%dma_wait3A_233 : memref<80x128xf32, #tpu.memory_space<vmem_shared>>)
      tpu.yield
    }) : () -> ()
    %add3A_24 = arith.constant 320 : i32
    %add3A_25 = arith.addi %mul3A_1, %add3A_24 : i32
    "tpu.region"() ({
      %run_scoped3A = tpu.sem_alloc : memref<!tpu.dma_semaphore, #tpu.memory_space<semaphore_mem>>
      %dma_start3A_226 = arith.constant 0 : i32
      %dma_start3A_227 = tpu.memref_slice %arg21[%add3A_25, %dma_start3A_226] : memref<10240x128xf32, #tpu.memory_space<vmem_shared>> -> memref<80x128xf32, #tpu.memory_space<vmem_shared>>
      %dma_start3A_228 = arith.constant 0 : i32
      %dma_start3A_229 = tpu.memref_slice %arg21[%add3A_25, %dma_start3A_228] : memref<10240x128xf32, #tpu.memory_space<vmem_shared>> -> memref<80x128xf32, #tpu.memory_space<vmem_shared>>
      tpu.enqueue_dma source(%arg19 : memref<80x128xf32, #tpu.memory_space<vmem>>) target(%dma_start3A_229 : memref<80x128xf32, #tpu.memory_space<vmem_shared>>) target_semaphore(%run_scoped3A : memref<!tpu.dma_semaphore, #tpu.memory_space<semaphore_mem>>)
      %dma_wait3A_230 = arith.constant 0 : i32
      %dma_wait3A_231 = tpu.memref_slice %arg21[%add3A_25, %dma_wait3A_230] : memref<10240x128xf32, #tpu.memory_space<vmem_shared>> -> memref<80x128xf32, #tpu.memory_space<vmem_shared>>
      %dma_wait3A_232 = arith.constant 0 : i32
      %dma_wait3A_233 = tpu.memref_slice %arg21[%add3A_25, %dma_wait3A_232] : memref<10240x128xf32, #tpu.memory_space<vmem_shared>> -> memref<80x128xf32, #tpu.memory_space<vmem_shared>>
      tpu.wait_dma2 semaphore(%run_scoped3A : memref<!tpu.dma_semaphore, #tpu.memory_space<semaphore_mem>>) src(%arg19 : memref<80x128xf32, #tpu.memory_space<vmem>>) dst(%dma_wait3A_233 : memref<80x128xf32, #tpu.memory_space<vmem_shared>>)
      tpu.yield
    }) : () -> ()
    %add3A_26 = arith.constant 400 : i32
    %add3A_27 = arith.addi %mul3A_1, %add3A_26 : i32
    "tpu.region"() ({
      %run_scoped3A = tpu.sem_alloc : memref<!tpu.dma_semaphore, #tpu.memory_space<semaphore_mem>>
      %dma_start3A_226 = arith.constant 0 : i32
      %dma_start3A_227 = tpu.memref_slice %arg21[%add3A_27, %dma_start3A_226] : memref<10240x128xf32, #tpu.memory_space<vmem_shared>> -> memref<80x128xf32, #tpu.memory_space<vmem_shared>>
      %dma_start3A_228 = arith.constant 0 : i32
      %dma_start3A_229 = tpu.memref_slice %arg21[%add3A_27, %dma_start3A_228] : memref<10240x128xf32, #tpu.memory_space<vmem_shared>> -> memref<80x128xf32, #tpu.memory_space<vmem_shared>>
      tpu.enqueue_dma source(%arg19 : memref<80x128xf32, #tpu.memory_space<vmem>>) target(%dma_start3A_229 : memref<80x128xf32, #tpu.memory_space<vmem_shared>>) target_semaphore(%run_scoped3A : memref<!tpu.dma_semaphore, #tpu.memory_space<semaphore_mem>>)
      %dma_wait3A_230 = arith.constant 0 : i32
      %dma_wait3A_231 = tpu.memref_slice %arg21[%add3A_27, %dma_wait3A_230] : memref<10240x128xf32, #tpu.memory_space<vmem_shared>> -> memref<80x128xf32, #tpu.memory_space<vmem_shared>>
      %dma_wait3A_232 = arith.constant 0 : i32
      %dma_wait3A_233 = tpu.memref_slice %arg21[%add3A_27, %dma_wait3A_232] : memref<10240x128xf32, #tpu.memory_space<vmem_shared>> -> memref<80x128xf32, #tpu.memory_space<vmem_shared>>
      tpu.wait_dma2 semaphore(%run_scoped3A : memref<!tpu.dma_semaphore, #tpu.memory_space<semaphore_mem>>) src(%arg19 : memref<80x128xf32, #tpu.memory_space<vmem>>) dst(%dma_wait3A_233 : memref<80x128xf32, #tpu.memory_space<vmem_shared>>)
      tpu.yield
    }) : () -> ()
    %add3A_28 = arith.constant 480 : i32
    %add3A_29 = arith.addi %mul3A_1, %add3A_28 : i32
    "tpu.region"() ({
      %run_scoped3A = tpu.sem_alloc : memref<!tpu.dma_semaphore, #tpu.memory_space<semaphore_mem>>
      %dma_start3A_226 = arith.constant 0 : i32
      %dma_start3A_227 = tpu.memref_slice %arg21[%add3A_29, %dma_start3A_226] : memref<10240x128xf32, #tpu.memory_space<vmem_shared>> -> memref<80x128xf32, #tpu.memory_space<vmem_shared>>
      %dma_start3A_228 = arith.constant 0 : i32
      %dma_start3A_229 = tpu.memref_slice %arg21[%add3A_29, %dma_start3A_228] : memref<10240x128xf32, #tpu.memory_space<vmem_shared>> -> memref<80x128xf32, #tpu.memory_space<vmem_shared>>
      tpu.enqueue_dma source(%arg19 : memref<80x128xf32, #tpu.memory_space<vmem>>) target(%dma_start3A_229 : memref<80x128xf32, #tpu.memory_space<vmem_shared>>) target_semaphore(%run_scoped3A : memref<!tpu.dma_semaphore, #tpu.memory_space<semaphore_mem>>)
      %dma_wait3A_230 = arith.constant 0 : i32
      %dma_wait3A_231 = tpu.memref_slice %arg21[%add3A_29, %dma_wait3A_230] : memref<10240x128xf32, #tpu.memory_space<vmem_shared>> -> memref<80x128xf32, #tpu.memory_space<vmem_shared>>
      %dma_wait3A_232 = arith.constant 0 : i32
      %dma_wait3A_233 = tpu.memref_slice %arg21[%add3A_29, %dma_wait3A_232] : memref<10240x128xf32, #tpu.memory_space<vmem_shared>> -> memref<80x128xf32, #tpu.memory_space<vmem_shared>>
      tpu.wait_dma2 semaphore(%run_scoped3A : memref<!tpu.dma_semaphore, #tpu.memory_space<semaphore_mem>>) src(%arg19 : memref<80x128xf32, #tpu.memory_space<vmem>>) dst(%dma_wait3A_233 : memref<80x128xf32, #tpu.memory_space<vmem_shared>>)
      tpu.yield
    }) : () -> ()
    %add3A_30 = arith.constant 560 : i32
    %add3A_31 = arith.addi %mul3A_1, %add3A_30 : i32
    "tpu.region"() ({
      %run_scoped3A = tpu.sem_alloc : memref<!tpu.dma_semaphore, #tpu.memory_space<semaphore_mem>>
      %dma_start3A_226 = arith.constant 0 : i32
      %dma_start3A_227 = tpu.memref_slice %arg21[%add3A_31, %dma_start3A_226] : memref<10240x128xf32, #tpu.memory_space<vmem_shared>> -> memref<80x128xf32, #tpu.memory_space<vmem_shared>>
      %dma_start3A_228 = arith.constant 0 : i32
      %dma_start3A_229 = tpu.memref_slice %arg21[%add3A_31, %dma_start3A_228] : memref<10240x128xf32, #tpu.memory_space<vmem_shared>> -> memref<80x128xf32, #tpu.memory_space<vmem_shared>>
      tpu.enqueue_dma source(%arg19 : memref<80x128xf32, #tpu.memory_space<vmem>>) target(%dma_start3A_229 : memref<80x128xf32, #tpu.memory_space<vmem_shared>>) target_semaphore(%run_scoped3A : memref<!tpu.dma_semaphore, #tpu.memory_space<semaphore_mem>>)
      %dma_wait3A_230 = arith.constant 0 : i32
      %dma_wait3A_231 = tpu.memref_slice %arg21[%add3A_31, %dma_wait3A_230] : memref<10240x128xf32, #tpu.memory_space<vmem_shared>> -> memref<80x128xf32, #tpu.memory_space<vmem_shared>>
      %dma_wait3A_232 = arith.constant 0 : i32
      %dma_wait3A_233 = tpu.memref_slice %arg21[%add3A_31, %dma_wait3A_232] : memref<10240x128xf32, #tpu.memory_space<vmem_shared>> -> memref<80x128xf32, #tpu.memory_space<vmem_shared>>
      tpu.wait_dma2 semaphore(%run_scoped3A : memref<!tpu.dma_semaphore, #tpu.memory_space<semaphore_mem>>) src(%arg19 : memref<80x128xf32, #tpu.memory_space<vmem>>) dst(%dma_wait3A_233 : memref<80x128xf32, #tpu.memory_space<vmem_shared>>)
      tpu.yield
    }) : () -> ()
    %barrier3A = arith.constant 0 : index
    tpu.barrier barrier_id(%barrier3A)
    %mul3A_32 = arith.constant 20000 : i32
    %mul3A_33 = arith.muli %arg1, %mul3A_32 : i32
    %add3A_34 = arith.constant 0 : i32
    %add3A_35 = arith.addi %mul3A_33, %add3A_34 : i32
    %dma_start3A = tpu.memref_slice %arg7[%add3A_35] : memref<320000xi32, #tpu.memory_space<hbm>> -> memref<80xi32, #tpu.memory_space<hbm>>
    %dma_start3A_36 = tpu.memref_slice %arg7[%add3A_35] : memref<320000xi32, #tpu.memory_space<hbm>> -> memref<80xi32, #tpu.memory_space<hbm>>
    tpu.enqueue_dma source(%dma_start3A_36 : memref<80xi32, #tpu.memory_space<hbm>>) target(%arg11 : memref<80xi32, #tpu.memory_space<vmem>>) target_semaphore(%arg23 : memref<!tpu.dma_semaphore, #tpu.memory_space<semaphore_mem>>)
    %dma_start3A_37 = tpu.memref_slice %arg8[%add3A_35] : memref<320000xi32, #tpu.memory_space<hbm>> -> memref<80xi32, #tpu.memory_space<hbm>>
    %dma_start3A_38 = tpu.memref_slice %arg8[%add3A_35] : memref<320000xi32, #tpu.memory_space<hbm>> -> memref<80xi32, #tpu.memory_space<hbm>>
    tpu.enqueue_dma source(%dma_start3A_38 : memref<80xi32, #tpu.memory_space<hbm>>) target(%arg13 : memref<80xi32, #tpu.memory_space<vmem>>) target_semaphore(%arg23 : memref<!tpu.dma_semaphore, #tpu.memory_space<semaphore_mem>>)
    %mul3A_39 = arith.constant 4 : i32
    %mul3A_40 = arith.muli %add3A_35, %mul3A_39 : i32
    %dma_start3A_41 = tpu.memref_slice %arg6[%mul3A_40] : memref<1280000xf32, #tpu.memory_space<hbm>> -> memref<320xf32, #tpu.memory_space<hbm>>
    %dma_start3A_42 = tpu.memref_slice %arg6[%mul3A_40] : memref<1280000xf32, #tpu.memory_space<hbm>> -> memref<320xf32, #tpu.memory_space<hbm>>
    tpu.enqueue_dma source(%dma_start3A_42 : memref<320xf32, #tpu.memory_space<hbm>>) target(%arg15 : memref<320xf32, #tpu.memory_space<vmem>>) target_semaphore(%arg23 : memref<!tpu.dma_semaphore, #tpu.memory_space<semaphore_mem>>)
    %dma_wait3A = tpu.memref_slice %arg7[%add3A_35] : memref<320000xi32, #tpu.memory_space<hbm>> -> memref<80xi32, #tpu.memory_space<hbm>>
    %dma_wait3A_43 = tpu.memref_slice %arg7[%add3A_35] : memref<320000xi32, #tpu.memory_space<hbm>> -> memref<80xi32, #tpu.memory_space<hbm>>
    tpu.wait_dma2 semaphore(%arg23 : memref<!tpu.dma_semaphore, #tpu.memory_space<semaphore_mem>>) src(%dma_wait3A_43 : memref<80xi32, #tpu.memory_space<hbm>>) dst(%arg11 : memref<80xi32, #tpu.memory_space<vmem>>)
    %dma_wait3A_44 = tpu.memref_slice %arg8[%add3A_35] : memref<320000xi32, #tpu.memory_space<hbm>> -> memref<80xi32, #tpu.memory_space<hbm>>
    %dma_wait3A_45 = tpu.memref_slice %arg8[%add3A_35] : memref<320000xi32, #tpu.memory_space<hbm>> -> memref<80xi32, #tpu.memory_space<hbm>>
    tpu.wait_dma2 semaphore(%arg23 : memref<!tpu.dma_semaphore, #tpu.memory_space<semaphore_mem>>) src(%dma_wait3A_45 : memref<80xi32, #tpu.memory_space<hbm>>) dst(%arg13 : memref<80xi32, #tpu.memory_space<vmem>>)
    %dma_wait3A_46 = tpu.memref_slice %arg6[%mul3A_40] : memref<1280000xf32, #tpu.memory_space<hbm>> -> memref<320xf32, #tpu.memory_space<hbm>>
    %dma_wait3A_47 = tpu.memref_slice %arg6[%mul3A_40] : memref<1280000xf32, #tpu.memory_space<hbm>> -> memref<320xf32, #tpu.memory_space<hbm>>
    tpu.wait_dma2 semaphore(%arg23 : memref<!tpu.dma_semaphore, #tpu.memory_space<semaphore_mem>>) src(%dma_wait3A_47 : memref<320xf32, #tpu.memory_space<hbm>>) dst(%arg15 : memref<320xf32, #tpu.memory_space<vmem>>)
    %eq3A = arith.constant 0 : i32
    %eq3A_48 = arith.cmpi eq, %arg0, %eq3A : i32
    %convert_element_type3A = arith.extui %eq3A_48 : i1 to i32
    %cond3A = arith.constant 0 : i32
    %cond3A_49 = arith.cmpi ne, %convert_element_type3A, %cond3A : i32
    scf.if %cond3A_49 {
      %dma_start3A_226 = arith.constant 0 : i32
      %dma_start3A_227 = arith.constant 0 : i32
      %dma_start3A_228 = tpu.memref_slice %arg2[%dma_start3A_226, %dma_start3A_227] : memref<10000x128xf32, #tpu.memory_space<hbm>> -> memref<10000x128xf32, #tpu.memory_space<hbm>>
      tpu.enqueue_indirect_dma source(%dma_start3A_228 : memref<10000x128xf32, #tpu.memory_space<hbm>>) target(%arg17 : memref<80x128xf32, #tpu.memory_space<vmem>>) offsets(%arg11 : memref<80xi32, #tpu.memory_space<vmem>>) semaphore(%arg22 : memref<!tpu.dma_semaphore, #tpu.memory_space<semaphore_mem>>)
    } else {
    }
    %eq3A_50 = arith.constant 1 : i32
    %eq3A_51 = arith.cmpi eq, %arg0, %eq3A_50 : i32
    %convert_element_type3A_52 = arith.extui %eq3A_51 : i1 to i32
    %cond3A_53 = arith.constant 0 : i32
    %cond3A_54 = arith.cmpi ne, %convert_element_type3A_52, %cond3A_53 : i32
    scf.if %cond3A_54 {
      %dma_start3A_226 = arith.constant 0 : i32
      %dma_start3A_227 = arith.constant 0 : i32
      %dma_start3A_228 = tpu.memref_slice %arg4[%dma_start3A_226, %dma_start3A_227] : memref<10000x128xf32, #tpu.memory_space<hbm>> -> memref<10000x128xf32, #tpu.memory_space<hbm>>
      tpu.enqueue_indirect_dma source(%dma_start3A_228 : memref<10000x128xf32, #tpu.memory_space<hbm>>) target(%arg17 : memref<80x128xf32, #tpu.memory_space<vmem>>) offsets(%arg11 : memref<80xi32, #tpu.memory_space<vmem>>) semaphore(%arg22 : memref<!tpu.dma_semaphore, #tpu.memory_space<semaphore_mem>>)
    } else {
    }
    %scan3A_55 = arith.constant 0 : i32
    %scan3A_56 = arith.constant 0 : i32
    %scan3A_57 = arith.constant 125 : i32
    %scan3A_58 = arith.addi %scan3A_56, %scan3A_57 : i32
    %scan3A_59 = arith.constant 1 : i32
    scf.for %scan3A_226 = %scan3A_56 to %scan3A_58 step %scan3A_59  : i32 {
      %mul3A_227 = arith.constant 2 : i32
      %mul3A_228 = arith.muli %scan3A_226, %mul3A_227 : i32
      %add3A_229 = arith.constant 0 : i32
      %add3A_230 = arith.addi %mul3A_228, %add3A_229 : i32
      %lt3A = arith.constant 249 : i32
      %lt3A_231 = arith.cmpi slt, %add3A_230, %lt3A : i32
      %convert_element_type3A_232 = arith.extui %lt3A_231 : i1 to i32
      %cond3A_233 = arith.constant 0 : i32
      %cond3A_234 = arith.cmpi ne, %convert_element_type3A_232, %cond3A_233 : i32
      scf.if %cond3A_234 {
        %add3A_370 = arith.constant 1 : i32
        %add3A_371 = arith.addi %add3A_230, %add3A_370 : i32
        %mul3A_372 = arith.constant 80 : i32
        %mul3A_373 = arith.muli %add3A_371, %mul3A_372 : i32
        %add3A_374 = arith.addi %mul3A_33, %mul3A_373 : i32
        %dma_start3A_375 = tpu.memref_slice %arg7[%add3A_374] : memref<320000xi32, #tpu.memory_space<hbm>> -> memref<80xi32, #tpu.memory_space<hbm>>
        %dma_start3A_376 = tpu.memref_slice %arg7[%add3A_374] : memref<320000xi32, #tpu.memory_space<hbm>> -> memref<80xi32, #tpu.memory_space<hbm>>
        tpu.enqueue_dma source(%dma_start3A_376 : memref<80xi32, #tpu.memory_space<hbm>>) target(%arg12 : memref<80xi32, #tpu.memory_space<vmem>>) target_semaphore(%arg23 : memref<!tpu.dma_semaphore, #tpu.memory_space<semaphore_mem>>)
        %dma_start3A_377 = tpu.memref_slice %arg8[%add3A_374] : memref<320000xi32, #tpu.memory_space<hbm>> -> memref<80xi32, #tpu.memory_space<hbm>>
        %dma_start3A_378 = tpu.memref_slice %arg8[%add3A_374] : memref<320000xi32, #tpu.memory_space<hbm>> -> memref<80xi32, #tpu.memory_space<hbm>>
        tpu.enqueue_dma source(%dma_start3A_378 : memref<80xi32, #tpu.memory_space<hbm>>) target(%arg14 : memref<80xi32, #tpu.memory_space<vmem>>) target_semaphore(%arg23 : memref<!tpu.dma_semaphore, #tpu.memory_space<semaphore_mem>>)
        %mul3A_379 = arith.constant 4 : i32
        %mul3A_380 = arith.muli %add3A_374, %mul3A_379 : i32
        %dma_start3A_381 = tpu.memref_slice %arg6[%mul3A_380] : memref<1280000xf32, #tpu.memory_space<hbm>> -> memref<320xf32, #tpu.memory_space<hbm>>
        %dma_start3A_382 = tpu.memref_slice %arg6[%mul3A_380] : memref<1280000xf32, #tpu.memory_space<hbm>> -> memref<320xf32, #tpu.memory_space<hbm>>
        tpu.enqueue_dma source(%dma_start3A_382 : memref<320xf32, #tpu.memory_space<hbm>>) target(%arg16 : memref<320xf32, #tpu.memory_space<vmem>>) target_semaphore(%arg23 : memref<!tpu.dma_semaphore, #tpu.memory_space<semaphore_mem>>)
        %dma_wait3A_383 = tpu.memref_slice %arg7[%add3A_374] : memref<320000xi32, #tpu.memory_space<hbm>> -> memref<80xi32, #tpu.memory_space<hbm>>
        %dma_wait3A_384 = tpu.memref_slice %arg7[%add3A_374] : memref<320000xi32, #tpu.memory_space<hbm>> -> memref<80xi32, #tpu.memory_space<hbm>>
        tpu.wait_dma2 semaphore(%arg23 : memref<!tpu.dma_semaphore, #tpu.memory_space<semaphore_mem>>) src(%dma_wait3A_384 : memref<80xi32, #tpu.memory_space<hbm>>) dst(%arg12 : memref<80xi32, #tpu.memory_space<vmem>>)
        %dma_wait3A_385 = tpu.memref_slice %arg8[%add3A_374] : memref<320000xi32, #tpu.memory_space<hbm>> -> memref<80xi32, #tpu.memory_space<hbm>>
        %dma_wait3A_386 = tpu.memref_slice %arg8[%add3A_374] : memref<320000xi32, #tpu.memory_space<hbm>> -> memref<80xi32, #tpu.memory_space<hbm>>
        tpu.wait_dma2 semaphore(%arg23 : memref<!tpu.dma_semaphore, #tpu.memory_space<semaphore_mem>>) src(%dma_wait3A_386 : memref<80xi32, #tpu.memory_space<hbm>>) dst(%arg14 : memref<80xi32, #tpu.memory_space<vmem>>)
        %dma_wait3A_387 = tpu.memref_slice %arg6[%mul3A_380] : memref<1280000xf32, #tpu.memory_space<hbm>> -> memref<320xf32, #tpu.memory_space<hbm>>
        %dma_wait3A_388 = tpu.memref_slice %arg6[%mul3A_380] : memref<1280000xf32, #tpu.memory_space<hbm>> -> memref<320xf32, #tpu.memory_space<hbm>>
        tpu.wait_dma2 semaphore(%arg23 : memref<!tpu.dma_semaphore, #tpu.memory_space<semaphore_mem>>) src(%dma_wait3A_388 : memref<320xf32, #tpu.memory_space<hbm>>) dst(%arg16 : memref<320xf32, #tpu.memory_space<vmem>>)
        %eq3A_389 = arith.constant 0 : i32
        %eq3A_390 = arith.cmpi eq, %arg0, %eq3A_389 : i32
        %convert_element_type3A_391 = arith.extui %eq3A_390 : i1 to i32
        %cond3A_392 = arith.constant 0 : i32
        %cond3A_393 = arith.cmpi ne, %convert_element_type3A_391, %cond3A_392 : i32
        scf.if %cond3A_393 {
          %dma_start3A_399 = arith.constant 0 : i32
          %dma_start3A_400 = arith.constant 0 : i32
          %dma_start3A_401 = tpu.memref_slice %arg2[%dma_start3A_399, %dma_start3A_400] : memref<10000x128xf32, #tpu.memory_space<hbm>> -> memref<10000x128xf32, #tpu.memory_space<hbm>>
          tpu.enqueue_indirect_dma source(%dma_start3A_401 : memref<10000x128xf32, #tpu.memory_space<hbm>>) target(%arg18 : memref<80x128xf32, #tpu.memory_space<vmem>>) offsets(%arg12 : memref<80xi32, #tpu.memory_space<vmem>>) semaphore(%arg22 : memref<!tpu.dma_semaphore, #tpu.memory_space<semaphore_mem>>)
        } else {
        }
        %eq3A_394 = arith.constant 1 : i32
        %eq3A_395 = arith.cmpi eq, %arg0, %eq3A_394 : i32
        %convert_element_type3A_396 = arith.extui %eq3A_395 : i1 to i32
        %cond3A_397 = arith.constant 0 : i32
        %cond3A_398 = arith.cmpi ne, %convert_element_type3A_396, %cond3A_397 : i32
        scf.if %cond3A_398 {
          %dma_start3A_399 = arith.constant 0 : i32
          %dma_start3A_400 = arith.constant 0 : i32
          %dma_start3A_401 = tpu.memref_slice %arg4[%dma_start3A_399, %dma_start3A_400] : memref<10000x128xf32, #tpu.memory_space<hbm>> -> memref<10000x128xf32, #tpu.memory_space<hbm>>
          tpu.enqueue_indirect_dma source(%dma_start3A_401 : memref<10000x128xf32, #tpu.memory_space<hbm>>) target(%arg18 : memref<80x128xf32, #tpu.memory_space<vmem>>) offsets(%arg12 : memref<80xi32, #tpu.memory_space<vmem>>) semaphore(%arg22 : memref<!tpu.dma_semaphore, #tpu.memory_space<semaphore_mem>>)
        } else {
        }
      } else {
      }
      %dma_wait3A_235 = arith.constant 0 : i32
      %dma_wait3A_236 = arith.constant 0 : i32
      %dma_wait3A_237 = tpu.memref_slice %arg2[%dma_wait3A_235, %dma_wait3A_236] : memref<10000x128xf32, #tpu.memory_space<hbm>> -> memref<10000x128xf32, #tpu.memory_space<hbm>>
      tpu.wait_indirect_dma semaphore(%arg22 : memref<!tpu.dma_semaphore, #tpu.memory_space<semaphore_mem>>) src(%dma_wait3A_237 : memref<10000x128xf32, #tpu.memory_space<hbm>>) dst(%arg17 : memref<80x128xf32, #tpu.memory_space<vmem>>)
      %scan3A_238 = arith.constant 0 : i32
      %scan3A_239 = arith.constant 0 : i32
      %scan3A_240 = arith.constant 80 : i32
      %scan3A_241 = arith.addi %scan3A_239, %scan3A_240 : i32
      %scan3A_242 = arith.constant 1 : i32
      scf.for %scan3A_370 = %scan3A_239 to %scan3A_241 step %scan3A_242  : i32 {
        %mul3A_371 = arith.constant 4 : i32
        %mul3A_372 = arith.muli %scan3A_370, %mul3A_371 : i32
        %add3A_373 = arith.addi %mul3A_372, %add3A_4 : i32
        %broadcast_in_dim3A_374 = vector.broadcast %add3A_373 : i32 to vector<16xi32>
        %gather3A_375 = tpu.vector_load_idx %arg15[%broadcast_in_dim3A_374] : memref<320xf32, #tpu.memory_space<vmem>>[vector<16xi32>], vector<16xf32>,
        %get3A_376 = arith.index_cast %scan3A_370 : i32 to index
        %get3A_377 = arith.constant 0 : index
        %get3A_378 = tpu.vector_load %arg17[%get3A_376, %get3A_377] {strides = array<i32>} : memref<80x128xf32, #tpu.memory_space<vmem>>, vector<16xf32>,
        %mul3A_379 = arith.mulf %get3A_378, %gather3A_375 : vector<16xf32>
        %swap3A = arith.index_cast %scan3A_370 : i32 to index
        %swap3A_380 = arith.constant 0 : index
        %swap3A_381 = tpu.vector_load %arg19[%swap3A, %swap3A_380] {strides = array<i32>} : memref<80x128xf32, #tpu.memory_space<vmem>>, vector<16xf32>,
        tpu.vector_store %arg19[%swap3A, %swap3A_380], %mul3A_379 {strides = array<i32>} : memref<80x128xf32, #tpu.memory_space<vmem>>, vector<16xf32>,
        %get3A_382 = arith.index_cast %scan3A_370 : i32 to index
        %get3A_383 = arith.constant 16 : index
        %get3A_384 = tpu.vector_load %arg17[%get3A_382, %get3A_383] {strides = array<i32>} : memref<80x128xf32, #tpu.memory_space<vmem>>, vector<16xf32>,
        %mul3A_385 = arith.mulf %get3A_384, %gather3A_375 : vector<16xf32>
        %swap3A_386 = arith.index_cast %scan3A_370 : i32 to index
        %swap3A_387 = arith.constant 16 : index
        %swap3A_388 = tpu.vector_load %arg19[%swap3A_386, %swap3A_387] {strides = array<i32>} : memref<80x128xf32, #tpu.memory_space<vmem>>, vector<16xf32>,
        tpu.vector_store %arg19[%swap3A_386, %swap3A_387], %mul3A_385 {strides = array<i32>} : memref<80x128xf32, #tpu.memory_space<vmem>>, vector<16xf32>,
        %get3A_389 = arith.index_cast %scan3A_370 : i32 to index
        %get3A_390 = arith.constant 32 : index
        %get3A_391 = tpu.vector_load %arg17[%get3A_389, %get3A_390] {strides = array<i32>} : memref<80x128xf32, #tpu.memory_space<vmem>>, vector<16xf32>,
        %mul3A_392 = arith.mulf %get3A_391, %gather3A_375 : vector<16xf32>
        %swap3A_393 = arith.index_cast %scan3A_370 : i32 to index
        %swap3A_394 = arith.constant 32 : index
        %swap3A_395 = tpu.vector_load %arg19[%swap3A_393, %swap3A_394] {strides = array<i32>} : memref<80x128xf32, #tpu.memory_space<vmem>>, vector<16xf32>,
        tpu.vector_store %arg19[%swap3A_393, %swap3A_394], %mul3A_392 {strides = array<i32>} : memref<80x128xf32, #tpu.memory_space<vmem>>, vector<16xf32>,
        %get3A_396 = arith.index_cast %scan3A_370 : i32 to index
        %get3A_397 = arith.constant 48 : index
        %get3A_398 = tpu.vector_load %arg17[%get3A_396, %get3A_397] {strides = array<i32>} : memref<80x128xf32, #tpu.memory_space<vmem>>, vector<16xf32>,
        %mul3A_399 = arith.mulf %get3A_398, %gather3A_375 : vector<16xf32>
        %swap3A_400 = arith.index_cast %scan3A_370 : i32 to index
        %swap3A_401 = arith.constant 48 : index
        %swap3A_402 = tpu.vector_load %arg19[%swap3A_400, %swap3A_401] {strides = array<i32>} : memref<80x128xf32, #tpu.memory_space<vmem>>, vector<16xf32>,
        tpu.vector_store %arg19[%swap3A_400, %swap3A_401], %mul3A_399 {strides = array<i32>} : memref<80x128xf32, #tpu.memory_space<vmem>>, vector<16xf32>,
        %get3A_403 = arith.index_cast %scan3A_370 : i32 to index
        %get3A_404 = arith.constant 64 : index
        %get3A_405 = tpu.vector_load %arg17[%get3A_403, %get3A_404] {strides = array<i32>} : memref<80x128xf32, #tpu.memory_space<vmem>>, vector<16xf32>,
        %mul3A_406 = arith.mulf %get3A_405, %gather3A_375 : vector<16xf32>
        %swap3A_407 = arith.index_cast %scan3A_370 : i32 to index
        %swap3A_408 = arith.constant 64 : index
        %swap3A_409 = tpu.vector_load %arg19[%swap3A_407, %swap3A_408] {strides = array<i32>} : memref<80x128xf32, #tpu.memory_space<vmem>>, vector<16xf32>,
        tpu.vector_store %arg19[%swap3A_407, %swap3A_408], %mul3A_406 {strides = array<i32>} : memref<80x128xf32, #tpu.memory_space<vmem>>, vector<16xf32>,
        %get3A_410 = arith.index_cast %scan3A_370 : i32 to index
        %get3A_411 = arith.constant 80 : index
        %get3A_412 = tpu.vector_load %arg17[%get3A_410, %get3A_411] {strides = array<i32>} : memref<80x128xf32, #tpu.memory_space<vmem>>, vector<16xf32>,
        %mul3A_413 = arith.mulf %get3A_412, %gather3A_375 : vector<16xf32>
        %swap3A_414 = arith.index_cast %scan3A_370 : i32 to index
        %swap3A_415 = arith.constant 80 : index
        %swap3A_416 = tpu.vector_load %arg19[%swap3A_414, %swap3A_415] {strides = array<i32>} : memref<80x128xf32, #tpu.memory_space<vmem>>, vector<16xf32>,
        tpu.vector_store %arg19[%swap3A_414, %swap3A_415], %mul3A_413 {strides = array<i32>} : memref<80x128xf32, #tpu.memory_space<vmem>>, vector<16xf32>,
        %get3A_417 = arith.index_cast %scan3A_370 : i32 to index
        %get3A_418 = arith.constant 96 : index
        %get3A_419 = tpu.vector_load %arg17[%get3A_417, %get3A_418] {strides = array<i32>} : memref<80x128xf32, #tpu.memory_space<vmem>>, vector<16xf32>,
        %mul3A_420 = arith.mulf %get3A_419, %gather3A_375 : vector<16xf32>
        %swap3A_421 = arith.index_cast %scan3A_370 : i32 to index
        %swap3A_422 = arith.constant 96 : index
        %swap3A_423 = tpu.vector_load %arg19[%swap3A_421, %swap3A_422] {strides = array<i32>} : memref<80x128xf32, #tpu.memory_space<vmem>>, vector<16xf32>,
        tpu.vector_store %arg19[%swap3A_421, %swap3A_422], %mul3A_420 {strides = array<i32>} : memref<80x128xf32, #tpu.memory_space<vmem>>, vector<16xf32>,
        %get3A_424 = arith.index_cast %scan3A_370 : i32 to index
        %get3A_425 = arith.constant 112 : index
        %get3A_426 = tpu.vector_load %arg17[%get3A_424, %get3A_425] {strides = array<i32>} : memref<80x128xf32, #tpu.memory_space<vmem>>, vector<16xf32>,
        %mul3A_427 = arith.mulf %get3A_426, %gather3A_375 : vector<16xf32>
        %swap3A_428 = arith.index_cast %scan3A_370 : i32 to index
        %swap3A_429 = arith.constant 112 : index
        %swap3A_430 = tpu.vector_load %arg19[%swap3A_428, %swap3A_429] {strides = array<i32>} : memref<80x128xf32, #tpu.memory_space<vmem>>, vector<16xf32>,
        tpu.vector_store %arg19[%swap3A_428, %swap3A_429], %mul3A_427 {strides = array<i32>} : memref<80x128xf32, #tpu.memory_space<vmem>>, vector<16xf32>,
      }
      %scan3A_243 = arith.constant 80 : i32
      "tpu.region"() ({
        %run_scoped3A = tpu.sem_alloc : memref<!tpu.dma_semaphore, #tpu.memory_space<semaphore_mem>>
        %dma_start3A_370 = arith.constant 0 : i32
        %dma_start3A_371 = arith.constant 0 : i32
        %dma_start3A_372 = tpu.memref_slice %arg21[%dma_start3A_370, %dma_start3A_371] : memref<10240x128xf32, #tpu.memory_space<vmem_shared>> -> memref<10240x128xf32, #tpu.memory_space<vmem_shared>>
        tpu.enqueue_indirect_dma source(%arg19 : memref<80x128xf32, #tpu.memory_space<vmem>>) target(%dma_start3A_372 : memref<10240x128xf32, #tpu.memory_space<vmem_shared>>) offsets(%arg13 : memref<80xi32, #tpu.memory_space<vmem>>) semaphore(%run_scoped3A : memref<!tpu.dma_semaphore, #tpu.memory_space<semaphore_mem>>) {add = true}
        %dma_wait3A_373 = arith.constant 0 : i32
        %dma_wait3A_374 = arith.constant 0 : i32
        %dma_wait3A_375 = tpu.memref_slice %arg21[%dma_wait3A_373, %dma_wait3A_374] : memref<10240x128xf32, #tpu.memory_space<vmem_shared>> -> memref<10240x128xf32, #tpu.memory_space<vmem_shared>>
        tpu.wait_indirect_dma semaphore(%run_scoped3A : memref<!tpu.dma_semaphore, #tpu.memory_space<semaphore_mem>>) src(%arg19 : memref<80x128xf32, #tpu.memory_space<vmem>>) dst(%dma_wait3A_375 : memref<10240x128xf32, #tpu.memory_space<vmem_shared>>)
        tpu.yield
      }) : () -> ()
      %get3A = arith.constant 0 : index
      %get3A_244 = tpu.vector_load %arg13[%get3A] {strides = array<i32>} : memref<80xi32, #tpu.memory_space<vmem>>, vector<16xi32>,
      %add3A_245 = arith.constant 0 : i32
      %add3A_246 = vector.broadcast %add3A_245 : i32 to vector<16xi32>
      %add3A_247 = arith.addi %add3A_246, %iota3A : vector<16xi32>
      %mul3A_248 = arith.constant 4 : i32
      %mul3A_249 = vector.broadcast %mul3A_248 : i32 to vector<16xi32>
      %mul3A_250 = arith.muli %add3A_247, %mul3A_249 : vector<16xi32>
      %add3A_251 = vector.broadcast %add3A_4 : i32 to vector<16xi32>
      %add3A_252 = arith.addi %mul3A_250, %add3A_251 : vector<16xi32>
      %gather3A = tpu.vector_load_idx %arg15[%add3A_252] : memref<320xf32, #tpu.memory_space<vmem>>[vector<16xi32>], vector<16xf32>,
      tpu.vector_store_idx %arg20[%get3A_244], %gather3A {add = true} : memref<10240xf32, #tpu.memory_space<vmem>>[vector<16xi32>], vector<16xf32>,
      %get3A_253 = arith.constant 16 : index
      %get3A_254 = tpu.vector_load %arg13[%get3A_253] {strides = array<i32>} : memref<80xi32, #tpu.memory_space<vmem>>, vector<16xi32>,
      %add3A_255 = arith.constant 16 : i32
      %add3A_256 = vector.broadcast %add3A_255 : i32 to vector<16xi32>
      %add3A_257 = arith.addi %add3A_256, %iota3A : vector<16xi32>
      %mul3A_258 = arith.constant 4 : i32
      %mul3A_259 = vector.broadcast %mul3A_258 : i32 to vector<16xi32>
      %mul3A_260 = arith.muli %add3A_257, %mul3A_259 : vector<16xi32>
      %add3A_261 = vector.broadcast %add3A_4 : i32 to vector<16xi32>
      %add3A_262 = arith.addi %mul3A_260, %add3A_261 : vector<16xi32>
      %gather3A_263 = tpu.vector_load_idx %arg15[%add3A_262] : memref<320xf32, #tpu.memory_space<vmem>>[vector<16xi32>], vector<16xf32>,
      tpu.vector_store_idx %arg20[%get3A_254], %gather3A_263 {add = true} : memref<10240xf32, #tpu.memory_space<vmem>>[vector<16xi32>], vector<16xf32>,
      %get3A_264 = arith.constant 32 : index
      %get3A_265 = tpu.vector_load %arg13[%get3A_264] {strides = array<i32>} : memref<80xi32, #tpu.memory_space<vmem>>, vector<16xi32>,
      %add3A_266 = arith.constant 32 : i32
      %add3A_267 = vector.broadcast %add3A_266 : i32 to vector<16xi32>
      %add3A_268 = arith.addi %add3A_267, %iota3A : vector<16xi32>
      %mul3A_269 = arith.constant 4 : i32
      %mul3A_270 = vector.broadcast %mul3A_269 : i32 to vector<16xi32>
      %mul3A_271 = arith.muli %add3A_268, %mul3A_270 : vector<16xi32>
      %add3A_272 = vector.broadcast %add3A_4 : i32 to vector<16xi32>
      %add3A_273 = arith.addi %mul3A_271, %add3A_272 : vector<16xi32>
      %gather3A_274 = tpu.vector_load_idx %arg15[%add3A_273] : memref<320xf32, #tpu.memory_space<vmem>>[vector<16xi32>], vector<16xf32>,
      tpu.vector_store_idx %arg20[%get3A_265], %gather3A_274 {add = true} : memref<10240xf32, #tpu.memory_space<vmem>>[vector<16xi32>], vector<16xf32>,
      %get3A_275 = arith.constant 48 : index
      %get3A_276 = tpu.vector_load %arg13[%get3A_275] {strides = array<i32>} : memref<80xi32, #tpu.memory_space<vmem>>, vector<16xi32>,
      %add3A_277 = arith.constant 48 : i32
      %add3A_278 = vector.broadcast %add3A_277 : i32 to vector<16xi32>
      %add3A_279 = arith.addi %add3A_278, %iota3A : vector<16xi32>
      %mul3A_280 = arith.constant 4 : i32
      %mul3A_281 = vector.broadcast %mul3A_280 : i32 to vector<16xi32>
      %mul3A_282 = arith.muli %add3A_279, %mul3A_281 : vector<16xi32>
      %add3A_283 = vector.broadcast %add3A_4 : i32 to vector<16xi32>
      %add3A_284 = arith.addi %mul3A_282, %add3A_283 : vector<16xi32>
      %gather3A_285 = tpu.vector_load_idx %arg15[%add3A_284] : memref<320xf32, #tpu.memory_space<vmem>>[vector<16xi32>], vector<16xf32>,
      tpu.vector_store_idx %arg20[%get3A_276], %gather3A_285 {add = true} : memref<10240xf32, #tpu.memory_space<vmem>>[vector<16xi32>], vector<16xf32>,
      %get3A_286 = arith.constant 64 : index
      %get3A_287 = tpu.vector_load %arg13[%get3A_286] {strides = array<i32>} : memref<80xi32, #tpu.memory_space<vmem>>, vector<16xi32>,
      %add3A_288 = arith.constant 64 : i32
      %add3A_289 = vector.broadcast %add3A_288 : i32 to vector<16xi32>
      %add3A_290 = arith.addi %add3A_289, %iota3A : vector<16xi32>
      %mul3A_291 = arith.constant 4 : i32
      %mul3A_292 = vector.broadcast %mul3A_291 : i32 to vector<16xi32>
      %mul3A_293 = arith.muli %add3A_290, %mul3A_292 : vector<16xi32>
      %add3A_294 = vector.broadcast %add3A_4 : i32 to vector<16xi32>
      %add3A_295 = arith.addi %mul3A_293, %add3A_294 : vector<16xi32>
      %gather3A_296 = tpu.vector_load_idx %arg15[%add3A_295] : memref<320xf32, #tpu.memory_space<vmem>>[vector<16xi32>], vector<16xf32>,
      tpu.vector_store_idx %arg20[%get3A_287], %gather3A_296 {add = true} : memref<10240xf32, #tpu.memory_space<vmem>>[vector<16xi32>], vector<16xf32>,
      %mul3A_297 = arith.constant 2 : i32
      %mul3A_298 = arith.muli %scan3A_226, %mul3A_297 : i32
      %add3A_299 = arith.constant 1 : i32
      %add3A_300 = arith.addi %mul3A_298, %add3A_299 : i32
      %lt3A_301 = arith.constant 249 : i32
      %lt3A_302 = arith.cmpi slt, %add3A_300, %lt3A_301 : i32
      %convert_element_type3A_303 = arith.extui %lt3A_302 : i1 to i32
      %cond3A_304 = arith.constant 0 : i32
      %cond3A_305 = arith.cmpi ne, %convert_element_type3A_303, %cond3A_304 : i32
      scf.if %cond3A_305 {
        %add3A_370 = arith.constant 1 : i32
        %add3A_371 = arith.addi %add3A_300, %add3A_370 : i32
        %mul3A_372 = arith.constant 80 : i32
        %mul3A_373 = arith.muli %add3A_371, %mul3A_372 : i32
        %add3A_374 = arith.addi %mul3A_33, %mul3A_373 : i32
        %dma_start3A_375 = tpu.memref_slice %arg7[%add3A_374] : memref<320000xi32, #tpu.memory_space<hbm>> -> memref<80xi32, #tpu.memory_space<hbm>>
        %dma_start3A_376 = tpu.memref_slice %arg7[%add3A_374] : memref<320000xi32, #tpu.memory_space<hbm>> -> memref<80xi32, #tpu.memory_space<hbm>>
        tpu.enqueue_dma source(%dma_start3A_376 : memref<80xi32, #tpu.memory_space<hbm>>) target(%arg11 : memref<80xi32, #tpu.memory_space<vmem>>) target_semaphore(%arg23 : memref<!tpu.dma_semaphore, #tpu.memory_space<semaphore_mem>>)
        %dma_start3A_377 = tpu.memref_slice %arg8[%add3A_374] : memref<320000xi32, #tpu.memory_space<hbm>> -> memref<80xi32, #tpu.memory_space<hbm>>
        %dma_start3A_378 = tpu.memref_slice %arg8[%add3A_374] : memref<320000xi32, #tpu.memory_space<hbm>> -> memref<80xi32, #tpu.memory_space<hbm>>
        tpu.enqueue_dma source(%dma_start3A_378 : memref<80xi32, #tpu.memory_space<hbm>>) target(%arg13 : memref<80xi32, #tpu.memory_space<vmem>>) target_semaphore(%arg23 : memref<!tpu.dma_semaphore, #tpu.memory_space<semaphore_mem>>)
        %mul3A_379 = arith.constant 4 : i32
        %mul3A_380 = arith.muli %add3A_374, %mul3A_379 : i32
        %dma_start3A_381 = tpu.memref_slice %arg6[%mul3A_380] : memref<1280000xf32, #tpu.memory_space<hbm>> -> memref<320xf32, #tpu.memory_space<hbm>>
        %dma_start3A_382 = tpu.memref_slice %arg6[%mul3A_380] : memref<1280000xf32, #tpu.memory_space<hbm>> -> memref<320xf32, #tpu.memory_space<hbm>>
        tpu.enqueue_dma source(%dma_start3A_382 : memref<320xf32, #tpu.memory_space<hbm>>) target(%arg15 : memref<320xf32, #tpu.memory_space<vmem>>) target_semaphore(%arg23 : memref<!tpu.dma_semaphore, #tpu.memory_space<semaphore_mem>>)
        %dma_wait3A_383 = tpu.memref_slice %arg7[%add3A_374] : memref<320000xi32, #tpu.memory_space<hbm>> -> memref<80xi32, #tpu.memory_space<hbm>>
        %dma_wait3A_384 = tpu.memref_slice %arg7[%add3A_374] : memref<320000xi32, #tpu.memory_space<hbm>> -> memref<80xi32, #tpu.memory_space<hbm>>
        tpu.wait_dma2 semaphore(%arg23 : memref<!tpu.dma_semaphore, #tpu.memory_space<semaphore_mem>>) src(%dma_wait3A_384 : memref<80xi32, #tpu.memory_space<hbm>>) dst(%arg11 : memref<80xi32, #tpu.memory_space<vmem>>)
        %dma_wait3A_385 = tpu.memref_slice %arg8[%add3A_374] : memref<320000xi32, #tpu.memory_space<hbm>> -> memref<80xi32, #tpu.memory_space<hbm>>
        %dma_wait3A_386 = tpu.memref_slice %arg8[%add3A_374] : memref<320000xi32, #tpu.memory_space<hbm>> -> memref<80xi32, #tpu.memory_space<hbm>>
        tpu.wait_dma2 semaphore(%arg23 : memref<!tpu.dma_semaphore, #tpu.memory_space<semaphore_mem>>) src(%dma_wait3A_386 : memref<80xi32, #tpu.memory_space<hbm>>) dst(%arg13 : memref<80xi32, #tpu.memory_space<vmem>>)
        %dma_wait3A_387 = tpu.memref_slice %arg6[%mul3A_380] : memref<1280000xf32, #tpu.memory_space<hbm>> -> memref<320xf32, #tpu.memory_space<hbm>>
        %dma_wait3A_388 = tpu.memref_slice %arg6[%mul3A_380] : memref<1280000xf32, #tpu.memory_space<hbm>> -> memref<320xf32, #tpu.memory_space<hbm>>
        tpu.wait_dma2 semaphore(%arg23 : memref<!tpu.dma_semaphore, #tpu.memory_space<semaphore_mem>>) src(%dma_wait3A_388 : memref<320xf32, #tpu.memory_space<hbm>>) dst(%arg15 : memref<320xf32, #tpu.memory_space<vmem>>)
        %eq3A_389 = arith.constant 0 : i32
        %eq3A_390 = arith.cmpi eq, %arg0, %eq3A_389 : i32
        %convert_element_type3A_391 = arith.extui %eq3A_390 : i1 to i32
        %cond3A_392 = arith.constant 0 : i32
        %cond3A_393 = arith.cmpi ne, %convert_element_type3A_391, %cond3A_392 : i32
        scf.if %cond3A_393 {
          %dma_start3A_399 = arith.constant 0 : i32
          %dma_start3A_400 = arith.constant 0 : i32
          %dma_start3A_401 = tpu.memref_slice %arg2[%dma_start3A_399, %dma_start3A_400] : memref<10000x128xf32, #tpu.memory_space<hbm>> -> memref<10000x128xf32, #tpu.memory_space<hbm>>
          tpu.enqueue_indirect_dma source(%dma_start3A_401 : memref<10000x128xf32, #tpu.memory_space<hbm>>) target(%arg17 : memref<80x128xf32, #tpu.memory_space<vmem>>) offsets(%arg11 : memref<80xi32, #tpu.memory_space<vmem>>) semaphore(%arg22 : memref<!tpu.dma_semaphore, #tpu.memory_space<semaphore_mem>>)
        } else {
        }
        %eq3A_394 = arith.constant 1 : i32
        %eq3A_395 = arith.cmpi eq, %arg0, %eq3A_394 : i32
        %convert_element_type3A_396 = arith.extui %eq3A_395 : i1 to i32
        %cond3A_397 = arith.constant 0 : i32
        %cond3A_398 = arith.cmpi ne, %convert_element_type3A_396, %cond3A_397 : i32
        scf.if %cond3A_398 {
          %dma_start3A_399 = arith.constant 0 : i32
          %dma_start3A_400 = arith.constant 0 : i32
          %dma_start3A_401 = tpu.memref_slice %arg4[%dma_start3A_399, %dma_start3A_400] : memref<10000x128xf32, #tpu.memory_space<hbm>> -> memref<10000x128xf32, #tpu.memory_space<hbm>>
          tpu.enqueue_indirect_dma source(%dma_start3A_401 : memref<10000x128xf32, #tpu.memory_space<hbm>>) target(%arg17 : memref<80x128xf32, #tpu.memory_space<vmem>>) offsets(%arg11 : memref<80xi32, #tpu.memory_space<vmem>>) semaphore(%arg22 : memref<!tpu.dma_semaphore, #tpu.memory_space<semaphore_mem>>)
        } else {
        }
      } else {
      }
      %dma_wait3A_306 = arith.constant 0 : i32
      %dma_wait3A_307 = arith.constant 0 : i32
      %dma_wait3A_308 = tpu.memref_slice %arg2[%dma_wait3A_306, %dma_wait3A_307] : memref<10000x128xf32, #tpu.memory_space<hbm>> -> memref<10000x128xf32, #tpu.memory_space<hbm>>
      tpu.wait_indirect_dma semaphore(%arg22 : memref<!tpu.dma_semaphore, #tpu.memory_space<semaphore_mem>>) src(%dma_wait3A_308 : memref<10000x128xf32, #tpu.memory_space<hbm>>) dst(%arg18 : memref<80x128xf32, #tpu.memory_space<vmem>>)
      %scan3A_309 = arith.constant 0 : i32
      %scan3A_310 = arith.constant 0 : i32
      %scan3A_311 = arith.constant 80 : i32
      %scan3A_312 = arith.addi %scan3A_310, %scan3A_311 : i32
      %scan3A_313 = arith.constant 1 : i32
      scf.for %scan3A_370 = %scan3A_310 to %scan3A_312 step %scan3A_313  : i32 {
        %mul3A_371 = arith.constant 4 : i32
        %mul3A_372 = arith.muli %scan3A_370, %mul3A_371 : i32
        %add3A_373 = arith.addi %mul3A_372, %add3A_4 : i32
        %broadcast_in_dim3A_374 = vector.broadcast %add3A_373 : i32 to vector<16xi32>
        %gather3A_375 = tpu.vector_load_idx %arg16[%broadcast_in_dim3A_374] : memref<320xf32, #tpu.memory_space<vmem>>[vector<16xi32>], vector<16xf32>,
        %get3A_376 = arith.index_cast %scan3A_370 : i32 to index
        %get3A_377 = arith.constant 0 : index
        %get3A_378 = tpu.vector_load %arg18[%get3A_376, %get3A_377] {strides = array<i32>} : memref<80x128xf32, #tpu.memory_space<vmem>>, vector<16xf32>,
        %mul3A_379 = arith.mulf %get3A_378, %gather3A_375 : vector<16xf32>
        %swap3A = arith.index_cast %scan3A_370 : i32 to index
        %swap3A_380 = arith.constant 0 : index
        %swap3A_381 = tpu.vector_load %arg19[%swap3A, %swap3A_380] {strides = array<i32>} : memref<80x128xf32, #tpu.memory_space<vmem>>, vector<16xf32>,
        tpu.vector_store %arg19[%swap3A, %swap3A_380], %mul3A_379 {strides = array<i32>} : memref<80x128xf32, #tpu.memory_space<vmem>>, vector<16xf32>,
        %get3A_382 = arith.index_cast %scan3A_370 : i32 to index
        %get3A_383 = arith.constant 16 : index
        %get3A_384 = tpu.vector_load %arg18[%get3A_382, %get3A_383] {strides = array<i32>} : memref<80x128xf32, #tpu.memory_space<vmem>>, vector<16xf32>,
        %mul3A_385 = arith.mulf %get3A_384, %gather3A_375 : vector<16xf32>
        %swap3A_386 = arith.index_cast %scan3A_370 : i32 to index
        %swap3A_387 = arith.constant 16 : index
        %swap3A_388 = tpu.vector_load %arg19[%swap3A_386, %swap3A_387] {strides = array<i32>} : memref<80x128xf32, #tpu.memory_space<vmem>>, vector<16xf32>,
        tpu.vector_store %arg19[%swap3A_386, %swap3A_387], %mul3A_385 {strides = array<i32>} : memref<80x128xf32, #tpu.memory_space<vmem>>, vector<16xf32>,
        %get3A_389 = arith.index_cast %scan3A_370 : i32 to index
        %get3A_390 = arith.constant 32 : index
        %get3A_391 = tpu.vector_load %arg18[%get3A_389, %get3A_390] {strides = array<i32>} : memref<80x128xf32, #tpu.memory_space<vmem>>, vector<16xf32>,
        %mul3A_392 = arith.mulf %get3A_391, %gather3A_375 : vector<16xf32>
        %swap3A_393 = arith.index_cast %scan3A_370 : i32 to index
        %swap3A_394 = arith.constant 32 : index
        %swap3A_395 = tpu.vector_load %arg19[%swap3A_393, %swap3A_394] {strides = array<i32>} : memref<80x128xf32, #tpu.memory_space<vmem>>, vector<16xf32>,
        tpu.vector_store %arg19[%swap3A_393, %swap3A_394], %mul3A_392 {strides = array<i32>} : memref<80x128xf32, #tpu.memory_space<vmem>>, vector<16xf32>,
        %get3A_396 = arith.index_cast %scan3A_370 : i32 to index
        %get3A_397 = arith.constant 48 : index
        %get3A_398 = tpu.vector_load %arg18[%get3A_396, %get3A_397] {strides = array<i32>} : memref<80x128xf32, #tpu.memory_space<vmem>>, vector<16xf32>,
        %mul3A_399 = arith.mulf %get3A_398, %gather3A_375 : vector<16xf32>
        %swap3A_400 = arith.index_cast %scan3A_370 : i32 to index
        %swap3A_401 = arith.constant 48 : index
        %swap3A_402 = tpu.vector_load %arg19[%swap3A_400, %swap3A_401] {strides = array<i32>} : memref<80x128xf32, #tpu.memory_space<vmem>>, vector<16xf32>,
        tpu.vector_store %arg19[%swap3A_400, %swap3A_401], %mul3A_399 {strides = array<i32>} : memref<80x128xf32, #tpu.memory_space<vmem>>, vector<16xf32>,
        %get3A_403 = arith.index_cast %scan3A_370 : i32 to index
        %get3A_404 = arith.constant 64 : index
        %get3A_405 = tpu.vector_load %arg18[%get3A_403, %get3A_404] {strides = array<i32>} : memref<80x128xf32, #tpu.memory_space<vmem>>, vector<16xf32>,
        %mul3A_406 = arith.mulf %get3A_405, %gather3A_375 : vector<16xf32>
        %swap3A_407 = arith.index_cast %scan3A_370 : i32 to index
        %swap3A_408 = arith.constant 64 : index
        %swap3A_409 = tpu.vector_load %arg19[%swap3A_407, %swap3A_408] {strides = array<i32>} : memref<80x128xf32, #tpu.memory_space<vmem>>, vector<16xf32>,
        tpu.vector_store %arg19[%swap3A_407, %swap3A_408], %mul3A_406 {strides = array<i32>} : memref<80x128xf32, #tpu.memory_space<vmem>>, vector<16xf32>,
        %get3A_410 = arith.index_cast %scan3A_370 : i32 to index
        %get3A_411 = arith.constant 80 : index
        %get3A_412 = tpu.vector_load %arg18[%get3A_410, %get3A_411] {strides = array<i32>} : memref<80x128xf32, #tpu.memory_space<vmem>>, vector<16xf32>,
        %mul3A_413 = arith.mulf %get3A_412, %gather3A_375 : vector<16xf32>
        %swap3A_414 = arith.index_cast %scan3A_370 : i32 to index
        %swap3A_415 = arith.constant 80 : index
        %swap3A_416 = tpu.vector_load %arg19[%swap3A_414, %swap3A_415] {strides = array<i32>} : memref<80x128xf32, #tpu.memory_space<vmem>>, vector<16xf32>,
        tpu.vector_store %arg19[%swap3A_414, %swap3A_415], %mul3A_413 {strides = array<i32>} : memref<80x128xf32, #tpu.memory_space<vmem>>, vector<16xf32>,
        %get3A_417 = arith.index_cast %scan3A_370 : i32 to index
        %get3A_418 = arith.constant 96 : index
        %get3A_419 = tpu.vector_load %arg18[%get3A_417, %get3A_418] {strides = array<i32>} : memref<80x128xf32, #tpu.memory_space<vmem>>, vector<16xf32>,
        %mul3A_420 = arith.mulf %get3A_419, %gather3A_375 : vector<16xf32>
        %swap3A_421 = arith.index_cast %scan3A_370 : i32 to index
        %swap3A_422 = arith.constant 96 : index
        %swap3A_423 = tpu.vector_load %arg19[%swap3A_421, %swap3A_422] {strides = array<i32>} : memref<80x128xf32, #tpu.memory_space<vmem>>, vector<16xf32>,
        tpu.vector_store %arg19[%swap3A_421, %swap3A_422], %mul3A_420 {strides = array<i32>} : memref<80x128xf32, #tpu.memory_space<vmem>>, vector<16xf32>,
        %get3A_424 = arith.index_cast %scan3A_370 : i32 to index
        %get3A_425 = arith.constant 112 : index
        %get3A_426 = tpu.vector_load %arg18[%get3A_424, %get3A_425] {strides = array<i32>} : memref<80x128xf32, #tpu.memory_space<vmem>>, vector<16xf32>,
        %mul3A_427 = arith.mulf %get3A_426, %gather3A_375 : vector<16xf32>
        %swap3A_428 = arith.index_cast %scan3A_370 : i32 to index
        %swap3A_429 = arith.constant 112 : index
        %swap3A_430 = tpu.vector_load %arg19[%swap3A_428, %swap3A_429] {strides = array<i32>} : memref<80x128xf32, #tpu.memory_space<vmem>>, vector<16xf32>,
        tpu.vector_store %arg19[%swap3A_428, %swap3A_429], %mul3A_427 {strides = array<i32>} : memref<80x128xf32, #tpu.memory_space<vmem>>, vector<16xf32>,
      }
      %scan3A_314 = arith.constant 80 : i32
      "tpu.region"() ({
        %run_scoped3A = tpu.sem_alloc : memref<!tpu.dma_semaphore, #tpu.memory_space<semaphore_mem>>
        %dma_start3A_370 = arith.constant 0 : i32
        %dma_start3A_371 = arith.constant 0 : i32
        %dma_start3A_372 = tpu.memref_slice %arg21[%dma_start3A_370, %dma_start3A_371] : memref<10240x128xf32, #tpu.memory_space<vmem_shared>> -> memref<10240x128xf32, #tpu.memory_space<vmem_shared>>
        tpu.enqueue_indirect_dma source(%arg19 : memref<80x128xf32, #tpu.memory_space<vmem>>) target(%dma_start3A_372 : memref<10240x128xf32, #tpu.memory_space<vmem_shared>>) offsets(%arg14 : memref<80xi32, #tpu.memory_space<vmem>>) semaphore(%run_scoped3A : memref<!tpu.dma_semaphore, #tpu.memory_space<semaphore_mem>>) {add = true}
        %dma_wait3A_373 = arith.constant 0 : i32
        %dma_wait3A_374 = arith.constant 0 : i32
        %dma_wait3A_375 = tpu.memref_slice %arg21[%dma_wait3A_373, %dma_wait3A_374] : memref<10240x128xf32, #tpu.memory_space<vmem_shared>> -> memref<10240x128xf32, #tpu.memory_space<vmem_shared>>
        tpu.wait_indirect_dma semaphore(%run_scoped3A : memref<!tpu.dma_semaphore, #tpu.memory_space<semaphore_mem>>) src(%arg19 : memref<80x128xf32, #tpu.memory_space<vmem>>) dst(%dma_wait3A_375 : memref<10240x128xf32, #tpu.memory_space<vmem_shared>>)
        tpu.yield
      }) : () -> ()
      %get3A_315 = arith.constant 0 : index
      %get3A_316 = tpu.vector_load %arg14[%get3A_315] {strides = array<i32>} : memref<80xi32, #tpu.memory_space<vmem>>, vector<16xi32>,
      %add3A_317 = arith.constant 0 : i32
      %add3A_318 = vector.broadcast %add3A_317 : i32 to vector<16xi32>
      %add3A_319 = arith.addi %add3A_318, %iota3A : vector<16xi32>
      %mul3A_320 = arith.constant 4 : i32
      %mul3A_321 = vector.broadcast %mul3A_320 : i32 to vector<16xi32>
      %mul3A_322 = arith.muli %add3A_319, %mul3A_321 : vector<16xi32>
      %add3A_323 = vector.broadcast %add3A_4 : i32 to vector<16xi32>
      %add3A_324 = arith.addi %mul3A_322, %add3A_323 : vector<16xi32>
      %gather3A_325 = tpu.vector_load_idx %arg16[%add3A_324] : memref<320xf32, #tpu.memory_space<vmem>>[vector<16xi32>], vector<16xf32>,
      tpu.vector_store_idx %arg20[%get3A_316], %gather3A_325 {add = true} : memref<10240xf32, #tpu.memory_space<vmem>>[vector<16xi32>], vector<16xf32>,
      %get3A_326 = arith.constant 16 : index
      %get3A_327 = tpu.vector_load %arg14[%get3A_326] {strides = array<i32>} : memref<80xi32, #tpu.memory_space<vmem>>, vector<16xi32>,
      %add3A_328 = arith.constant 16 : i32
      %add3A_329 = vector.broadcast %add3A_328 : i32 to vector<16xi32>
      %add3A_330 = arith.addi %add3A_329, %iota3A : vector<16xi32>
      %mul3A_331 = arith.constant 4 : i32
      %mul3A_332 = vector.broadcast %mul3A_331 : i32 to vector<16xi32>
      %mul3A_333 = arith.muli %add3A_330, %mul3A_332 : vector<16xi32>
      %add3A_334 = vector.broadcast %add3A_4 : i32 to vector<16xi32>
      %add3A_335 = arith.addi %mul3A_333, %add3A_334 : vector<16xi32>
      %gather3A_336 = tpu.vector_load_idx %arg16[%add3A_335] : memref<320xf32, #tpu.memory_space<vmem>>[vector<16xi32>], vector<16xf32>,
      tpu.vector_store_idx %arg20[%get3A_327], %gather3A_336 {add = true} : memref<10240xf32, #tpu.memory_space<vmem>>[vector<16xi32>], vector<16xf32>,
      %get3A_337 = arith.constant 32 : index
      %get3A_338 = tpu.vector_load %arg14[%get3A_337] {strides = array<i32>} : memref<80xi32, #tpu.memory_space<vmem>>, vector<16xi32>,
      %add3A_339 = arith.constant 32 : i32
      %add3A_340 = vector.broadcast %add3A_339 : i32 to vector<16xi32>
      %add3A_341 = arith.addi %add3A_340, %iota3A : vector<16xi32>
      %mul3A_342 = arith.constant 4 : i32
      %mul3A_343 = vector.broadcast %mul3A_342 : i32 to vector<16xi32>
      %mul3A_344 = arith.muli %add3A_341, %mul3A_343 : vector<16xi32>
      %add3A_345 = vector.broadcast %add3A_4 : i32 to vector<16xi32>
      %add3A_346 = arith.addi %mul3A_344, %add3A_345 : vector<16xi32>
      %gather3A_347 = tpu.vector_load_idx %arg16[%add3A_346] : memref<320xf32, #tpu.memory_space<vmem>>[vector<16xi32>], vector<16xf32>,
      tpu.vector_store_idx %arg20[%get3A_338], %gather3A_347 {add = true} : memref<10240xf32, #tpu.memory_space<vmem>>[vector<16xi32>], vector<16xf32>,
      %get3A_348 = arith.constant 48 : index
      %get3A_349 = tpu.vector_load %arg14[%get3A_348] {strides = array<i32>} : memref<80xi32, #tpu.memory_space<vmem>>, vector<16xi32>,
      %add3A_350 = arith.constant 48 : i32
      %add3A_351 = vector.broadcast %add3A_350 : i32 to vector<16xi32>
      %add3A_352 = arith.addi %add3A_351, %iota3A : vector<16xi32>
      %mul3A_353 = arith.constant 4 : i32
      %mul3A_354 = vector.broadcast %mul3A_353 : i32 to vector<16xi32>
      %mul3A_355 = arith.muli %add3A_352, %mul3A_354 : vector<16xi32>
      %add3A_356 = vector.broadcast %add3A_4 : i32 to vector<16xi32>
      %add3A_357 = arith.addi %mul3A_355, %add3A_356 : vector<16xi32>
      %gather3A_358 = tpu.vector_load_idx %arg16[%add3A_357] : memref<320xf32, #tpu.memory_space<vmem>>[vector<16xi32>], vector<16xf32>,
      tpu.vector_store_idx %arg20[%get3A_349], %gather3A_358 {add = true} : memref<10240xf32, #tpu.memory_space<vmem>>[vector<16xi32>], vector<16xf32>,
      %get3A_359 = arith.constant 64 : index
      %get3A_360 = tpu.vector_load %arg14[%get3A_359] {strides = array<i32>} : memref<80xi32, #tpu.memory_space<vmem>>, vector<16xi32>,
      %add3A_361 = arith.constant 64 : i32
      %add3A_362 = vector.broadcast %add3A_361 : i32 to vector<16xi32>
      %add3A_363 = arith.addi %add3A_362, %iota3A : vector<16xi32>
      %mul3A_364 = arith.constant 4 : i32
      %mul3A_365 = vector.broadcast %mul3A_364 : i32 to vector<16xi32>
      %mul3A_366 = arith.muli %add3A_363, %mul3A_365 : vector<16xi32>
      %add3A_367 = vector.broadcast %add3A_4 : i32 to vector<16xi32>
      %add3A_368 = arith.addi %mul3A_366, %add3A_367 : vector<16xi32>
      %gather3A_369 = tpu.vector_load_idx %arg16[%add3A_368] : memref<320xf32, #tpu.memory_space<vmem>>[vector<16xi32>], vector<16xf32>,
      tpu.vector_store_idx %arg20[%get3A_360], %gather3A_369 {add = true} : memref<10240xf32, #tpu.memory_space<vmem>>[vector<16xi32>], vector<16xf32>,
    }
    %scan3A_60 = arith.constant 125 : i32
    %barrier3A_61 = arith.constant 0 : index
    tpu.barrier barrier_id(%barrier3A_61)
    %mul3A_62 = arith.constant 10240 : i32
    %mul3A_63 = arith.muli %add3A_4, %mul3A_62 : i32
    %add3A_64 = arith.constant 0 : i32
    %add3A_65 = arith.addi %mul3A_1, %add3A_64 : i32
    "tpu.region"() ({
      %run_scoped3A = tpu.sem_alloc : memref<!tpu.dma_semaphore, #tpu.memory_space<semaphore_mem>>
      %dma_start3A_226 = arith.constant 0 : i32
      %dma_start3A_227 = tpu.memref_slice %arg21[%add3A_65, %dma_start3A_226] : memref<10240x128xf32, #tpu.memory_space<vmem_shared>> -> memref<80x128xf32, #tpu.memory_space<vmem_shared>>
      %dma_start3A_228 = arith.constant 0 : i32
      %dma_start3A_229 = tpu.memref_slice %arg21[%add3A_65, %dma_start3A_228] : memref<10240x128xf32, #tpu.memory_space<vmem_shared>> -> memref<80x128xf32, #tpu.memory_space<vmem_shared>>
      tpu.enqueue_dma source(%dma_start3A_229 : memref<80x128xf32, #tpu.memory_space<vmem_shared>>) target(%arg19 : memref<80x128xf32, #tpu.memory_space<vmem>>) target_semaphore(%run_scoped3A : memref<!tpu.dma_semaphore, #tpu.memory_space<semaphore_mem>>)
      %dma_wait3A_230 = arith.constant 0 : i32
      %dma_wait3A_231 = tpu.memref_slice %arg21[%add3A_65, %dma_wait3A_230] : memref<10240x128xf32, #tpu.memory_space<vmem_shared>> -> memref<80x128xf32, #tpu.memory_space<vmem_shared>>
      %dma_wait3A_232 = arith.constant 0 : i32
      %dma_wait3A_233 = tpu.memref_slice %arg21[%add3A_65, %dma_wait3A_232] : memref<10240x128xf32, #tpu.memory_space<vmem_shared>> -> memref<80x128xf32, #tpu.memory_space<vmem_shared>>
      tpu.wait_dma2 semaphore(%run_scoped3A : memref<!tpu.dma_semaphore, #tpu.memory_space<semaphore_mem>>) src(%dma_wait3A_233 : memref<80x128xf32, #tpu.memory_space<vmem_shared>>) dst(%arg19 : memref<80x128xf32, #tpu.memory_space<vmem>>)
      tpu.yield
    }) : () -> ()
    %add3A_66 = arith.addi %mul3A_63, %mul3A_1 : i32
    %add3A_67 = arith.constant 0 : i32
    %add3A_68 = arith.addi %add3A_66, %add3A_67 : i32
    "tpu.region"() ({
      %run_scoped3A = tpu.sem_alloc : memref<!tpu.dma_semaphore, #tpu.memory_space<semaphore_mem>>
      %dma_start3A_226 = arith.constant 0 : i32
      %dma_start3A_227 = tpu.memref_slice %arg9[%add3A_68, %dma_start3A_226] : memref<40960x128xf32, #tpu.memory_space<hbm>> -> memref<80x128xf32, #tpu.memory_space<hbm>>
      %dma_start3A_228 = arith.constant 0 : i32
      %dma_start3A_229 = tpu.memref_slice %arg9[%add3A_68, %dma_start3A_228] : memref<40960x128xf32, #tpu.memory_space<hbm>> -> memref<80x128xf32, #tpu.memory_space<hbm>>
      tpu.enqueue_dma source(%arg19 : memref<80x128xf32, #tpu.memory_space<vmem>>) target(%dma_start3A_229 : memref<80x128xf32, #tpu.memory_space<hbm>>) target_semaphore(%run_scoped3A : memref<!tpu.dma_semaphore, #tpu.memory_space<semaphore_mem>>)
      %dma_wait3A_230 = arith.constant 0 : i32
      %dma_wait3A_231 = tpu.memref_slice %arg9[%add3A_68, %dma_wait3A_230] : memref<40960x128xf32, #tpu.memory_space<hbm>> -> memref<80x128xf32, #tpu.memory_space<hbm>>
      %dma_wait3A_232 = arith.constant 0 : i32
      %dma_wait3A_233 = tpu.memref_slice %arg9[%add3A_68, %dma_wait3A_232] : memref<40960x128xf32, #tpu.memory_space<hbm>> -> memref<80x128xf32, #tpu.memory_space<hbm>>
      tpu.wait_dma2 semaphore(%run_scoped3A : memref<!tpu.dma_semaphore, #tpu.memory_space<semaphore_mem>>) src(%arg19 : memref<80x128xf32, #tpu.memory_space<vmem>>) dst(%dma_wait3A_233 : memref<80x128xf32, #tpu.memory_space<hbm>>)
      tpu.yield
    }) : () -> ()
    %add3A_69 = arith.constant 80 : i32
    %add3A_70 = arith.addi %mul3A_1, %add3A_69 : i32
    "tpu.region"() ({
      %run_scoped3A = tpu.sem_alloc : memref<!tpu.dma_semaphore, #tpu.memory_space<semaphore_mem>>
      %dma_start3A_226 = arith.constant 0 : i32
      %dma_start3A_227 = tpu.memref_slice %arg21[%add3A_70, %dma_start3A_226] : memref<10240x128xf32, #tpu.memory_space<vmem_shared>> -> memref<80x128xf32, #tpu.memory_space<vmem_shared>>
      %dma_start3A_228 = arith.constant 0 : i32
      %dma_start3A_229 = tpu.memref_slice %arg21[%add3A_70, %dma_start3A_228] : memref<10240x128xf32, #tpu.memory_space<vmem_shared>> -> memref<80x128xf32, #tpu.memory_space<vmem_shared>>
      tpu.enqueue_dma source(%dma_start3A_229 : memref<80x128xf32, #tpu.memory_space<vmem_shared>>) target(%arg19 : memref<80x128xf32, #tpu.memory_space<vmem>>) target_semaphore(%run_scoped3A : memref<!tpu.dma_semaphore, #tpu.memory_space<semaphore_mem>>)
      %dma_wait3A_230 = arith.constant 0 : i32
      %dma_wait3A_231 = tpu.memref_slice %arg21[%add3A_70, %dma_wait3A_230] : memref<10240x128xf32, #tpu.memory_space<vmem_shared>> -> memref<80x128xf32, #tpu.memory_space<vmem_shared>>
      %dma_wait3A_232 = arith.constant 0 : i32
      %dma_wait3A_233 = tpu.memref_slice %arg21[%add3A_70, %dma_wait3A_232] : memref<10240x128xf32, #tpu.memory_space<vmem_shared>> -> memref<80x128xf32, #tpu.memory_space<vmem_shared>>
      tpu.wait_dma2 semaphore(%run_scoped3A : memref<!tpu.dma_semaphore, #tpu.memory_space<semaphore_mem>>) src(%dma_wait3A_233 : memref<80x128xf32, #tpu.memory_space<vmem_shared>>) dst(%arg19 : memref<80x128xf32, #tpu.memory_space<vmem>>)
      tpu.yield
    }) : () -> ()
    %add3A_71 = arith.addi %mul3A_63, %mul3A_1 : i32
    %add3A_72 = arith.constant 80 : i32
    %add3A_73 = arith.addi %add3A_71, %add3A_72 : i32
    "tpu.region"() ({
      %run_scoped3A = tpu.sem_alloc : memref<!tpu.dma_semaphore, #tpu.memory_space<semaphore_mem>>
      %dma_start3A_226 = arith.constant 0 : i32
      %dma_start3A_227 = tpu.memref_slice %arg9[%add3A_73, %dma_start3A_226] : memref<40960x128xf32, #tpu.memory_space<hbm>> -> memref<80x128xf32, #tpu.memory_space<hbm>>
      %dma_start3A_228 = arith.constant 0 : i32
      %dma_start3A_229 = tpu.memref_slice %arg9[%add3A_73, %dma_start3A_228] : memref<40960x128xf32, #tpu.memory_space<hbm>> -> memref<80x128xf32, #tpu.memory_space<hbm>>
      tpu.enqueue_dma source(%arg19 : memref<80x128xf32, #tpu.memory_space<vmem>>) target(%dma_start3A_229 : memref<80x128xf32, #tpu.memory_space<hbm>>) target_semaphore(%run_scoped3A : memref<!tpu.dma_semaphore, #tpu.memory_space<semaphore_mem>>)
      %dma_wait3A_230 = arith.constant 0 : i32
      %dma_wait3A_231 = tpu.memref_slice %arg9[%add3A_73, %dma_wait3A_230] : memref<40960x128xf32, #tpu.memory_space<hbm>> -> memref<80x128xf32, #tpu.memory_space<hbm>>
      %dma_wait3A_232 = arith.constant 0 : i32
      %dma_wait3A_233 = tpu.memref_slice %arg9[%add3A_73, %dma_wait3A_232] : memref<40960x128xf32, #tpu.memory_space<hbm>> -> memref<80x128xf32, #tpu.memory_space<hbm>>
      tpu.wait_dma2 semaphore(%run_scoped3A : memref<!tpu.dma_semaphore, #tpu.memory_space<semaphore_mem>>) src(%arg19 : memref<80x128xf32, #tpu.memory_space<vmem>>) dst(%dma_wait3A_233 : memref<80x128xf32, #tpu.memory_space<hbm>>)
      tpu.yield
    }) : () -> ()
    %add3A_74 = arith.constant 160 : i32
    %add3A_75 = arith.addi %mul3A_1, %add3A_74 : i32
    "tpu.region"() ({
      %run_scoped3A = tpu.sem_alloc : memref<!tpu.dma_semaphore, #tpu.memory_space<semaphore_mem>>
      %dma_start3A_226 = arith.constant 0 : i32
      %dma_start3A_227 = tpu.memref_slice %arg21[%add3A_75, %dma_start3A_226] : memref<10240x128xf32, #tpu.memory_space<vmem_shared>> -> memref<80x128xf32, #tpu.memory_space<vmem_shared>>
      %dma_start3A_228 = arith.constant 0 : i32
      %dma_start3A_229 = tpu.memref_slice %arg21[%add3A_75, %dma_start3A_228] : memref<10240x128xf32, #tpu.memory_space<vmem_shared>> -> memref<80x128xf32, #tpu.memory_space<vmem_shared>>
      tpu.enqueue_dma source(%dma_start3A_229 : memref<80x128xf32, #tpu.memory_space<vmem_shared>>) target(%arg19 : memref<80x128xf32, #tpu.memory_space<vmem>>) target_semaphore(%run_scoped3A : memref<!tpu.dma_semaphore, #tpu.memory_space<semaphore_mem>>)
      %dma_wait3A_230 = arith.constant 0 : i32
      %dma_wait3A_231 = tpu.memref_slice %arg21[%add3A_75, %dma_wait3A_230] : memref<10240x128xf32, #tpu.memory_space<vmem_shared>> -> memref<80x128xf32, #tpu.memory_space<vmem_shared>>
      %dma_wait3A_232 = arith.constant 0 : i32
      %dma_wait3A_233 = tpu.memref_slice %arg21[%add3A_75, %dma_wait3A_232] : memref<10240x128xf32, #tpu.memory_space<vmem_shared>> -> memref<80x128xf32, #tpu.memory_space<vmem_shared>>
      tpu.wait_dma2 semaphore(%run_scoped3A : memref<!tpu.dma_semaphore, #tpu.memory_space<semaphore_mem>>) src(%dma_wait3A_233 : memref<80x128xf32, #tpu.memory_space<vmem_shared>>) dst(%arg19 : memref<80x128xf32, #tpu.memory_space<vmem>>)
      tpu.yield
    }) : () -> ()
    %add3A_76 = arith.addi %mul3A_63, %mul3A_1 : i32
    %add3A_77 = arith.constant 160 : i32
    %add3A_78 = arith.addi %add3A_76, %add3A_77 : i32
    "tpu.region"() ({
      %run_scoped3A = tpu.sem_alloc : memref<!tpu.dma_semaphore, #tpu.memory_space<semaphore_mem>>
      %dma_start3A_226 = arith.constant 0 : i32
      %dma_start3A_227 = tpu.memref_slice %arg9[%add3A_78, %dma_start3A_226] : memref<40960x128xf32, #tpu.memory_space<hbm>> -> memref<80x128xf32, #tpu.memory_space<hbm>>
      %dma_start3A_228 = arith.constant 0 : i32
      %dma_start3A_229 = tpu.memref_slice %arg9[%add3A_78, %dma_start3A_228] : memref<40960x128xf32, #tpu.memory_space<hbm>> -> memref<80x128xf32, #tpu.memory_space<hbm>>
      tpu.enqueue_dma source(%arg19 : memref<80x128xf32, #tpu.memory_space<vmem>>) target(%dma_start3A_229 : memref<80x128xf32, #tpu.memory_space<hbm>>) target_semaphore(%run_scoped3A : memref<!tpu.dma_semaphore, #tpu.memory_space<semaphore_mem>>)
      %dma_wait3A_230 = arith.constant 0 : i32
      %dma_wait3A_231 = tpu.memref_slice %arg9[%add3A_78, %dma_wait3A_230] : memref<40960x128xf32, #tpu.memory_space<hbm>> -> memref<80x128xf32, #tpu.memory_space<hbm>>
      %dma_wait3A_232 = arith.constant 0 : i32
      %dma_wait3A_233 = tpu.memref_slice %arg9[%add3A_78, %dma_wait3A_232] : memref<40960x128xf32, #tpu.memory_space<hbm>> -> memref<80x128xf32, #tpu.memory_space<hbm>>
      tpu.wait_dma2 semaphore(%run_scoped3A : memref<!tpu.dma_semaphore, #tpu.memory_space<semaphore_mem>>) src(%arg19 : memref<80x128xf32, #tpu.memory_space<vmem>>) dst(%dma_wait3A_233 : memref<80x128xf32, #tpu.memory_space<hbm>>)
      tpu.yield
    }) : () -> ()
    %add3A_79 = arith.constant 240 : i32
    %add3A_80 = arith.addi %mul3A_1, %add3A_79 : i32
    "tpu.region"() ({
      %run_scoped3A = tpu.sem_alloc : memref<!tpu.dma_semaphore, #tpu.memory_space<semaphore_mem>>
      %dma_start3A_226 = arith.constant 0 : i32
      %dma_start3A_227 = tpu.memref_slice %arg21[%add3A_80, %dma_start3A_226] : memref<10240x128xf32, #tpu.memory_space<vmem_shared>> -> memref<80x128xf32, #tpu.memory_space<vmem_shared>>
      %dma_start3A_228 = arith.constant 0 : i32
      %dma_start3A_229 = tpu.memref_slice %arg21[%add3A_80, %dma_start3A_228] : memref<10240x128xf32, #tpu.memory_space<vmem_shared>> -> memref<80x128xf32, #tpu.memory_space<vmem_shared>>
      tpu.enqueue_dma source(%dma_start3A_229 : memref<80x128xf32, #tpu.memory_space<vmem_shared>>) target(%arg19 : memref<80x128xf32, #tpu.memory_space<vmem>>) target_semaphore(%run_scoped3A : memref<!tpu.dma_semaphore, #tpu.memory_space<semaphore_mem>>)
      %dma_wait3A_230 = arith.constant 0 : i32
      %dma_wait3A_231 = tpu.memref_slice %arg21[%add3A_80, %dma_wait3A_230] : memref<10240x128xf32, #tpu.memory_space<vmem_shared>> -> memref<80x128xf32, #tpu.memory_space<vmem_shared>>
      %dma_wait3A_232 = arith.constant 0 : i32
      %dma_wait3A_233 = tpu.memref_slice %arg21[%add3A_80, %dma_wait3A_232] : memref<10240x128xf32, #tpu.memory_space<vmem_shared>> -> memref<80x128xf32, #tpu.memory_space<vmem_shared>>
      tpu.wait_dma2 semaphore(%run_scoped3A : memref<!tpu.dma_semaphore, #tpu.memory_space<semaphore_mem>>) src(%dma_wait3A_233 : memref<80x128xf32, #tpu.memory_space<vmem_shared>>) dst(%arg19 : memref<80x128xf32, #tpu.memory_space<vmem>>)
      tpu.yield
    }) : () -> ()
    %add3A_81 = arith.addi %mul3A_63, %mul3A_1 : i32
    %add3A_82 = arith.constant 240 : i32
    %add3A_83 = arith.addi %add3A_81, %add3A_82 : i32
    "tpu.region"() ({
      %run_scoped3A = tpu.sem_alloc : memref<!tpu.dma_semaphore, #tpu.memory_space<semaphore_mem>>
      %dma_start3A_226 = arith.constant 0 : i32
      %dma_start3A_227 = tpu.memref_slice %arg9[%add3A_83, %dma_start3A_226] : memref<40960x128xf32, #tpu.memory_space<hbm>> -> memref<80x128xf32, #tpu.memory_space<hbm>>
      %dma_start3A_228 = arith.constant 0 : i32
      %dma_start3A_229 = tpu.memref_slice %arg9[%add3A_83, %dma_start3A_228] : memref<40960x128xf32, #tpu.memory_space<hbm>> -> memref<80x128xf32, #tpu.memory_space<hbm>>
      tpu.enqueue_dma source(%arg19 : memref<80x128xf32, #tpu.memory_space<vmem>>) target(%dma_start3A_229 : memref<80x128xf32, #tpu.memory_space<hbm>>) target_semaphore(%run_scoped3A : memref<!tpu.dma_semaphore, #tpu.memory_space<semaphore_mem>>)
      %dma_wait3A_230 = arith.constant 0 : i32
      %dma_wait3A_231 = tpu.memref_slice %arg9[%add3A_83, %dma_wait3A_230] : memref<40960x128xf32, #tpu.memory_space<hbm>> -> memref<80x128xf32, #tpu.memory_space<hbm>>
      %dma_wait3A_232 = arith.constant 0 : i32
      %dma_wait3A_233 = tpu.memref_slice %arg9[%add3A_83, %dma_wait3A_232] : memref<40960x128xf32, #tpu.memory_space<hbm>> -> memref<80x128xf32, #tpu.memory_space<hbm>>
      tpu.wait_dma2 semaphore(%run_scoped3A : memref<!tpu.dma_semaphore, #tpu.memory_space<semaphore_mem>>) src(%arg19 : memref<80x128xf32, #tpu.memory_space<vmem>>) dst(%dma_wait3A_233 : memref<80x128xf32, #tpu.memory_space<hbm>>)
      tpu.yield
    }) : () -> ()
    %add3A_84 = arith.constant 320 : i32
    %add3A_85 = arith.addi %mul3A_1, %add3A_84 : i32
    "tpu.region"() ({
      %run_scoped3A = tpu.sem_alloc : memref<!tpu.dma_semaphore, #tpu.memory_space<semaphore_mem>>
      %dma_start3A_226 = arith.constant 0 : i32
      %dma_start3A_227 = tpu.memref_slice %arg21[%add3A_85, %dma_start3A_226] : memref<10240x128xf32, #tpu.memory_space<vmem_shared>> -> memref<80x128xf32, #tpu.memory_space<vmem_shared>>
      %dma_start3A_228 = arith.constant 0 : i32
      %dma_start3A_229 = tpu.memref_slice %arg21[%add3A_85, %dma_start3A_228] : memref<10240x128xf32, #tpu.memory_space<vmem_shared>> -> memref<80x128xf32, #tpu.memory_space<vmem_shared>>
      tpu.enqueue_dma source(%dma_start3A_229 : memref<80x128xf32, #tpu.memory_space<vmem_shared>>) target(%arg19 : memref<80x128xf32, #tpu.memory_space<vmem>>) target_semaphore(%run_scoped3A : memref<!tpu.dma_semaphore, #tpu.memory_space<semaphore_mem>>)
      %dma_wait3A_230 = arith.constant 0 : i32
      %dma_wait3A_231 = tpu.memref_slice %arg21[%add3A_85, %dma_wait3A_230] : memref<10240x128xf32, #tpu.memory_space<vmem_shared>> -> memref<80x128xf32, #tpu.memory_space<vmem_shared>>
      %dma_wait3A_232 = arith.constant 0 : i32
      %dma_wait3A_233 = tpu.memref_slice %arg21[%add3A_85, %dma_wait3A_232] : memref<10240x128xf32, #tpu.memory_space<vmem_shared>> -> memref<80x128xf32, #tpu.memory_space<vmem_shared>>
      tpu.wait_dma2 semaphore(%run_scoped3A : memref<!tpu.dma_semaphore, #tpu.memory_space<semaphore_mem>>) src(%dma_wait3A_233 : memref<80x128xf32, #tpu.memory_space<vmem_shared>>) dst(%arg19 : memref<80x128xf32, #tpu.memory_space<vmem>>)
      tpu.yield
    }) : () -> ()
    %add3A_86 = arith.addi %mul3A_63, %mul3A_1 : i32
    %add3A_87 = arith.constant 320 : i32
    %add3A_88 = arith.addi %add3A_86, %add3A_87 : i32
    "tpu.region"() ({
      %run_scoped3A = tpu.sem_alloc : memref<!tpu.dma_semaphore, #tpu.memory_space<semaphore_mem>>
      %dma_start3A_226 = arith.constant 0 : i32
      %dma_start3A_227 = tpu.memref_slice %arg9[%add3A_88, %dma_start3A_226] : memref<40960x128xf32, #tpu.memory_space<hbm>> -> memref<80x128xf32, #tpu.memory_space<hbm>>
      %dma_start3A_228 = arith.constant 0 : i32
      %dma_start3A_229 = tpu.memref_slice %arg9[%add3A_88, %dma_start3A_228] : memref<40960x128xf32, #tpu.memory_space<hbm>> -> memref<80x128xf32, #tpu.memory_space<hbm>>
      tpu.enqueue_dma source(%arg19 : memref<80x128xf32, #tpu.memory_space<vmem>>) target(%dma_start3A_229 : memref<80x128xf32, #tpu.memory_space<hbm>>) target_semaphore(%run_scoped3A : memref<!tpu.dma_semaphore, #tpu.memory_space<semaphore_mem>>)
      %dma_wait3A_230 = arith.constant 0 : i32
      %dma_wait3A_231 = tpu.memref_slice %arg9[%add3A_88, %dma_wait3A_230] : memref<40960x128xf32, #tpu.memory_space<hbm>> -> memref<80x128xf32, #tpu.memory_space<hbm>>
      %dma_wait3A_232 = arith.constant 0 : i32
      %dma_wait3A_233 = tpu.memref_slice %arg9[%add3A_88, %dma_wait3A_232] : memref<40960x128xf32, #tpu.memory_space<hbm>> -> memref<80x128xf32, #tpu.memory_space<hbm>>
      tpu.wait_dma2 semaphore(%run_scoped3A : memref<!tpu.dma_semaphore, #tpu.memory_space<semaphore_mem>>) src(%arg19 : memref<80x128xf32, #tpu.memory_space<vmem>>) dst(%dma_wait3A_233 : memref<80x128xf32, #tpu.memory_space<hbm>>)
      tpu.yield
    }) : () -> ()
    %add3A_89 = arith.constant 400 : i32
    %add3A_90 = arith.addi %mul3A_1, %add3A_89 : i32
    "tpu.region"() ({
      %run_scoped3A = tpu.sem_alloc : memref<!tpu.dma_semaphore, #tpu.memory_space<semaphore_mem>>
      %dma_start3A_226 = arith.constant 0 : i32
      %dma_start3A_227 = tpu.memref_slice %arg21[%add3A_90, %dma_start3A_226] : memref<10240x128xf32, #tpu.memory_space<vmem_shared>> -> memref<80x128xf32, #tpu.memory_space<vmem_shared>>
      %dma_start3A_228 = arith.constant 0 : i32
      %dma_start3A_229 = tpu.memref_slice %arg21[%add3A_90, %dma_start3A_228] : memref<10240x128xf32, #tpu.memory_space<vmem_shared>> -> memref<80x128xf32, #tpu.memory_space<vmem_shared>>
      tpu.enqueue_dma source(%dma_start3A_229 : memref<80x128xf32, #tpu.memory_space<vmem_shared>>) target(%arg19 : memref<80x128xf32, #tpu.memory_space<vmem>>) target_semaphore(%run_scoped3A : memref<!tpu.dma_semaphore, #tpu.memory_space<semaphore_mem>>)
      %dma_wait3A_230 = arith.constant 0 : i32
      %dma_wait3A_231 = tpu.memref_slice %arg21[%add3A_90, %dma_wait3A_230] : memref<10240x128xf32, #tpu.memory_space<vmem_shared>> -> memref<80x128xf32, #tpu.memory_space<vmem_shared>>
      %dma_wait3A_232 = arith.constant 0 : i32
      %dma_wait3A_233 = tpu.memref_slice %arg21[%add3A_90, %dma_wait3A_232] : memref<10240x128xf32, #tpu.memory_space<vmem_shared>> -> memref<80x128xf32, #tpu.memory_space<vmem_shared>>
      tpu.wait_dma2 semaphore(%run_scoped3A : memref<!tpu.dma_semaphore, #tpu.memory_space<semaphore_mem>>) src(%dma_wait3A_233 : memref<80x128xf32, #tpu.memory_space<vmem_shared>>) dst(%arg19 : memref<80x128xf32, #tpu.memory_space<vmem>>)
      tpu.yield
    }) : () -> ()
    %add3A_91 = arith.addi %mul3A_63, %mul3A_1 : i32
    %add3A_92 = arith.constant 400 : i32
    %add3A_93 = arith.addi %add3A_91, %add3A_92 : i32
    "tpu.region"() ({
      %run_scoped3A = tpu.sem_alloc : memref<!tpu.dma_semaphore, #tpu.memory_space<semaphore_mem>>
      %dma_start3A_226 = arith.constant 0 : i32
      %dma_start3A_227 = tpu.memref_slice %arg9[%add3A_93, %dma_start3A_226] : memref<40960x128xf32, #tpu.memory_space<hbm>> -> memref<80x128xf32, #tpu.memory_space<hbm>>
      %dma_start3A_228 = arith.constant 0 : i32
      %dma_start3A_229 = tpu.memref_slice %arg9[%add3A_93, %dma_start3A_228] : memref<40960x128xf32, #tpu.memory_space<hbm>> -> memref<80x128xf32, #tpu.memory_space<hbm>>
      tpu.enqueue_dma source(%arg19 : memref<80x128xf32, #tpu.memory_space<vmem>>) target(%dma_start3A_229 : memref<80x128xf32, #tpu.memory_space<hbm>>) target_semaphore(%run_scoped3A : memref<!tpu.dma_semaphore, #tpu.memory_space<semaphore_mem>>)
      %dma_wait3A_230 = arith.constant 0 : i32
      %dma_wait3A_231 = tpu.memref_slice %arg9[%add3A_93, %dma_wait3A_230] : memref<40960x128xf32, #tpu.memory_space<hbm>> -> memref<80x128xf32, #tpu.memory_space<hbm>>
      %dma_wait3A_232 = arith.constant 0 : i32
      %dma_wait3A_233 = tpu.memref_slice %arg9[%add3A_93, %dma_wait3A_232] : memref<40960x128xf32, #tpu.memory_space<hbm>> -> memref<80x128xf32, #tpu.memory_space<hbm>>
      tpu.wait_dma2 semaphore(%run_scoped3A : memref<!tpu.dma_semaphore, #tpu.memory_space<semaphore_mem>>) src(%arg19 : memref<80x128xf32, #tpu.memory_space<vmem>>) dst(%dma_wait3A_233 : memref<80x128xf32, #tpu.memory_space<hbm>>)
      tpu.yield
    }) : () -> ()
    %add3A_94 = arith.constant 480 : i32
    %add3A_95 = arith.addi %mul3A_1, %add3A_94 : i32
    "tpu.region"() ({
      %run_scoped3A = tpu.sem_alloc : memref<!tpu.dma_semaphore, #tpu.memory_space<semaphore_mem>>
      %dma_start3A_226 = arith.constant 0 : i32
      %dma_start3A_227 = tpu.memref_slice %arg21[%add3A_95, %dma_start3A_226] : memref<10240x128xf32, #tpu.memory_space<vmem_shared>> -> memref<80x128xf32, #tpu.memory_space<vmem_shared>>
      %dma_start3A_228 = arith.constant 0 : i32
      %dma_start3A_229 = tpu.memref_slice %arg21[%add3A_95, %dma_start3A_228] : memref<10240x128xf32, #tpu.memory_space<vmem_shared>> -> memref<80x128xf32, #tpu.memory_space<vmem_shared>>
      tpu.enqueue_dma source(%dma_start3A_229 : memref<80x128xf32, #tpu.memory_space<vmem_shared>>) target(%arg19 : memref<80x128xf32, #tpu.memory_space<vmem>>) target_semaphore(%run_scoped3A : memref<!tpu.dma_semaphore, #tpu.memory_space<semaphore_mem>>)
      %dma_wait3A_230 = arith.constant 0 : i32
      %dma_wait3A_231 = tpu.memref_slice %arg21[%add3A_95, %dma_wait3A_230] : memref<10240x128xf32, #tpu.memory_space<vmem_shared>> -> memref<80x128xf32, #tpu.memory_space<vmem_shared>>
      %dma_wait3A_232 = arith.constant 0 : i32
      %dma_wait3A_233 = tpu.memref_slice %arg21[%add3A_95, %dma_wait3A_232] : memref<10240x128xf32, #tpu.memory_space<vmem_shared>> -> memref<80x128xf32, #tpu.memory_space<vmem_shared>>
      tpu.wait_dma2 semaphore(%run_scoped3A : memref<!tpu.dma_semaphore, #tpu.memory_space<semaphore_mem>>) src(%dma_wait3A_233 : memref<80x128xf32, #tpu.memory_space<vmem_shared>>) dst(%arg19 : memref<80x128xf32, #tpu.memory_space<vmem>>)
      tpu.yield
    }) : () -> ()
    %add3A_96 = arith.addi %mul3A_63, %mul3A_1 : i32
    %add3A_97 = arith.constant 480 : i32
    %add3A_98 = arith.addi %add3A_96, %add3A_97 : i32
    "tpu.region"() ({
      %run_scoped3A = tpu.sem_alloc : memref<!tpu.dma_semaphore, #tpu.memory_space<semaphore_mem>>
      %dma_start3A_226 = arith.constant 0 : i32
      %dma_start3A_227 = tpu.memref_slice %arg9[%add3A_98, %dma_start3A_226] : memref<40960x128xf32, #tpu.memory_space<hbm>> -> memref<80x128xf32, #tpu.memory_space<hbm>>
      %dma_start3A_228 = arith.constant 0 : i32
      %dma_start3A_229 = tpu.memref_slice %arg9[%add3A_98, %dma_start3A_228] : memref<40960x128xf32, #tpu.memory_space<hbm>> -> memref<80x128xf32, #tpu.memory_space<hbm>>
      tpu.enqueue_dma source(%arg19 : memref<80x128xf32, #tpu.memory_space<vmem>>) target(%dma_start3A_229 : memref<80x128xf32, #tpu.memory_space<hbm>>) target_semaphore(%run_scoped3A : memref<!tpu.dma_semaphore, #tpu.memory_space<semaphore_mem>>)
      %dma_wait3A_230 = arith.constant 0 : i32
      %dma_wait3A_231 = tpu.memref_slice %arg9[%add3A_98, %dma_wait3A_230] : memref<40960x128xf32, #tpu.memory_space<hbm>> -> memref<80x128xf32, #tpu.memory_space<hbm>>
      %dma_wait3A_232 = arith.constant 0 : i32
      %dma_wait3A_233 = tpu.memref_slice %arg9[%add3A_98, %dma_wait3A_232] : memref<40960x128xf32, #tpu.memory_space<hbm>> -> memref<80x128xf32, #tpu.memory_space<hbm>>
      tpu.wait_dma2 semaphore(%run_scoped3A : memref<!tpu.dma_semaphore, #tpu.memory_space<semaphore_mem>>) src(%arg19 : memref<80x128xf32, #tpu.memory_space<vmem>>) dst(%dma_wait3A_233 : memref<80x128xf32, #tpu.memory_space<hbm>>)
      tpu.yield
    }) : () -> ()
    %add3A_99 = arith.constant 560 : i32
    %add3A_100 = arith.addi %mul3A_1, %add3A_99 : i32
    "tpu.region"() ({
      %run_scoped3A = tpu.sem_alloc : memref<!tpu.dma_semaphore, #tpu.memory_space<semaphore_mem>>
      %dma_start3A_226 = arith.constant 0 : i32
      %dma_start3A_227 = tpu.memref_slice %arg21[%add3A_100, %dma_start3A_226] : memref<10240x128xf32, #tpu.memory_space<vmem_shared>> -> memref<80x128xf32, #tpu.memory_space<vmem_shared>>
      %dma_start3A_228 = arith.constant 0 : i32
      %dma_start3A_229 = tpu.memref_slice %arg21[%add3A_100, %dma_start3A_228] : memref<10240x128xf32, #tpu.memory_space<vmem_shared>> -> memref<80x128xf32, #tpu.memory_space<vmem_shared>>
      tpu.enqueue_dma source(%dma_start3A_229 : memref<80x128xf32, #tpu.memory_space<vmem_shared>>) target(%arg19 : memref<80x128xf32, #tpu.memory_space<vmem>>) target_semaphore(%run_scoped3A : memref<!tpu.dma_semaphore, #tpu.memory_space<semaphore_mem>>)
      %dma_wait3A_230 = arith.constant 0 : i32
      %dma_wait3A_231 = tpu.memref_slice %arg21[%add3A_100, %dma_wait3A_230] : memref<10240x128xf32, #tpu.memory_space<vmem_shared>> -> memref<80x128xf32, #tpu.memory_space<vmem_shared>>
      %dma_wait3A_232 = arith.constant 0 : i32
      %dma_wait3A_233 = tpu.memref_slice %arg21[%add3A_100, %dma_wait3A_232] : memref<10240x128xf32, #tpu.memory_space<vmem_shared>> -> memref<80x128xf32, #tpu.memory_space<vmem_shared>>
      tpu.wait_dma2 semaphore(%run_scoped3A : memref<!tpu.dma_semaphore, #tpu.memory_space<semaphore_mem>>) src(%dma_wait3A_233 : memref<80x128xf32, #tpu.memory_space<vmem_shared>>) dst(%arg19 : memref<80x128xf32, #tpu.memory_space<vmem>>)
      tpu.yield
    }) : () -> ()
    %add3A_101 = arith.addi %mul3A_63, %mul3A_1 : i32
    %add3A_102 = arith.constant 560 : i32
    %add3A_103 = arith.addi %add3A_101, %add3A_102 : i32
    "tpu.region"() ({
      %run_scoped3A = tpu.sem_alloc : memref<!tpu.dma_semaphore, #tpu.memory_space<semaphore_mem>>
      %dma_start3A_226 = arith.constant 0 : i32
      %dma_start3A_227 = tpu.memref_slice %arg9[%add3A_103, %dma_start3A_226] : memref<40960x128xf32, #tpu.memory_space<hbm>> -> memref<80x128xf32, #tpu.memory_space<hbm>>
      %dma_start3A_228 = arith.constant 0 : i32
      %dma_start3A_229 = tpu.memref_slice %arg9[%add3A_103, %dma_start3A_228] : memref<40960x128xf32, #tpu.memory_space<hbm>> -> memref<80x128xf32, #tpu.memory_space<hbm>>
      tpu.enqueue_dma source(%arg19 : memref<80x128xf32, #tpu.memory_space<vmem>>) target(%dma_start3A_229 : memref<80x128xf32, #tpu.memory_space<hbm>>) target_semaphore(%run_scoped3A : memref<!tpu.dma_semaphore, #tpu.memory_space<semaphore_mem>>)
      %dma_wait3A_230 = arith.constant 0 : i32
      %dma_wait3A_231 = tpu.memref_slice %arg9[%add3A_103, %dma_wait3A_230] : memref<40960x128xf32, #tpu.memory_space<hbm>> -> memref<80x128xf32, #tpu.memory_space<hbm>>
      %dma_wait3A_232 = arith.constant 0 : i32
      %dma_wait3A_233 = tpu.memref_slice %arg9[%add3A_103, %dma_wait3A_232] : memref<40960x128xf32, #tpu.memory_space<hbm>> -> memref<80x128xf32, #tpu.memory_space<hbm>>
      tpu.wait_dma2 semaphore(%run_scoped3A : memref<!tpu.dma_semaphore, #tpu.memory_space<semaphore_mem>>) src(%arg19 : memref<80x128xf32, #tpu.memory_space<vmem>>) dst(%dma_wait3A_233 : memref<80x128xf32, #tpu.memory_space<hbm>>)
      tpu.yield
    }) : () -> ()
    %mul3A_104 = arith.constant 16 : i32
    %mul3A_105 = arith.muli %add3A_4, %mul3A_104 : i32
    %add3A_106 = arith.addi %mul3A_105, %arg1 : i32
    %mul3A_107 = arith.constant 10240 : i32
    %mul3A_108 = arith.muli %add3A_106, %mul3A_107 : i32
    "tpu.region"() ({
      %run_scoped3A = tpu.sem_alloc : memref<!tpu.dma_semaphore, #tpu.memory_space<semaphore_mem>>
      %dma_start3A_226 = tpu.memref_slice %arg10[%mul3A_108] : memref<655360xf32, #tpu.memory_space<hbm>> -> memref<10240xf32, #tpu.memory_space<hbm>>
      %dma_start3A_227 = tpu.memref_slice %arg10[%mul3A_108] : memref<655360xf32, #tpu.memory_space<hbm>> -> memref<10240xf32, #tpu.memory_space<hbm>>
      tpu.enqueue_dma source(%arg20 : memref<10240xf32, #tpu.memory_space<vmem>>) target(%dma_start3A_227 : memref<10240xf32, #tpu.memory_space<hbm>>) target_semaphore(%run_scoped3A : memref<!tpu.dma_semaphore, #tpu.memory_space<semaphore_mem>>)
      %dma_wait3A_228 = tpu.memref_slice %arg10[%mul3A_108] : memref<655360xf32, #tpu.memory_space<hbm>> -> memref<10240xf32, #tpu.memory_space<hbm>>
      %dma_wait3A_229 = tpu.memref_slice %arg10[%mul3A_108] : memref<655360xf32, #tpu.memory_space<hbm>> -> memref<10240xf32, #tpu.memory_space<hbm>>
      tpu.wait_dma2 semaphore(%run_scoped3A : memref<!tpu.dma_semaphore, #tpu.memory_space<semaphore_mem>>) src(%arg20 : memref<10240xf32, #tpu.memory_space<vmem>>) dst(%dma_wait3A_229 : memref<10240xf32, #tpu.memory_space<hbm>>)
      tpu.yield
    }) : () -> ()
    %barrier3A_109 = arith.constant 0 : index
    tpu.barrier barrier_id(%barrier3A_109)
    %mul3A_110 = arith.constant 2 : i32
    %mul3A_111 = arith.muli %arg0, %mul3A_110 : i32
    %add3A_112 = arith.constant 1 : i32
    %add3A_113 = arith.addi %mul3A_111, %add3A_112 : i32
    %scan3A_114 = arith.constant 0 : i32
    %scan3A_115 = arith.constant 0 : i32
    %scan3A_116 = arith.constant 80 : i32
    %scan3A_117 = arith.addi %scan3A_115, %scan3A_116 : i32
    %scan3A_118 = arith.constant 1 : i32
    scf.for %scan3A_226 = %scan3A_115 to %scan3A_117 step %scan3A_118  : i32 {
      %swap3A = arith.index_cast %scan3A_226 : i32 to index
      %swap3A_227 = arith.constant 0 : index
      %swap3A_228 = tpu.vector_load %arg19[%swap3A, %swap3A_227] {strides = array<i32>} : memref<80x128xf32, #tpu.memory_space<vmem>>, vector<16xf32>,
      tpu.vector_store %arg19[%swap3A, %swap3A_227], %broadcast_in_dim3A_0 {strides = array<i32>} : memref<80x128xf32, #tpu.memory_space<vmem>>, vector<16xf32>,
      %swap3A_229 = arith.index_cast %scan3A_226 : i32 to index
      %swap3A_230 = arith.constant 16 : index
      %swap3A_231 = tpu.vector_load %arg19[%swap3A_229, %swap3A_230] {strides = array<i32>} : memref<80x128xf32, #tpu.memory_space<vmem>>, vector<16xf32>,
      tpu.vector_store %arg19[%swap3A_229, %swap3A_230], %broadcast_in_dim3A_0 {strides = array<i32>} : memref<80x128xf32, #tpu.memory_space<vmem>>, vector<16xf32>,
      %swap3A_232 = arith.index_cast %scan3A_226 : i32 to index
      %swap3A_233 = arith.constant 32 : index
      %swap3A_234 = tpu.vector_load %arg19[%swap3A_232, %swap3A_233] {strides = array<i32>} : memref<80x128xf32, #tpu.memory_space<vmem>>, vector<16xf32>,
      tpu.vector_store %arg19[%swap3A_232, %swap3A_233], %broadcast_in_dim3A_0 {strides = array<i32>} : memref<80x128xf32, #tpu.memory_space<vmem>>, vector<16xf32>,
      %swap3A_235 = arith.index_cast %scan3A_226 : i32 to index
      %swap3A_236 = arith.constant 48 : index
      %swap3A_237 = tpu.vector_load %arg19[%swap3A_235, %swap3A_236] {strides = array<i32>} : memref<80x128xf32, #tpu.memory_space<vmem>>, vector<16xf32>,
      tpu.vector_store %arg19[%swap3A_235, %swap3A_236], %broadcast_in_dim3A_0 {strides = array<i32>} : memref<80x128xf32, #tpu.memory_space<vmem>>, vector<16xf32>,
      %swap3A_238 = arith.index_cast %scan3A_226 : i32 to index
      %swap3A_239 = arith.constant 64 : index
      %swap3A_240 = tpu.vector_load %arg19[%swap3A_238, %swap3A_239] {strides = array<i32>} : memref<80x128xf32, #tpu.memory_space<vmem>>, vector<16xf32>,
      tpu.vector_store %arg19[%swap3A_238, %swap3A_239], %broadcast_in_dim3A_0 {strides = array<i32>} : memref<80x128xf32, #tpu.memory_space<vmem>>, vector<16xf32>,
      %swap3A_241 = arith.index_cast %scan3A_226 : i32 to index
      %swap3A_242 = arith.constant 80 : index
      %swap3A_243 = tpu.vector_load %arg19[%swap3A_241, %swap3A_242] {strides = array<i32>} : memref<80x128xf32, #tpu.memory_space<vmem>>, vector<16xf32>,
      tpu.vector_store %arg19[%swap3A_241, %swap3A_242], %broadcast_in_dim3A_0 {strides = array<i32>} : memref<80x128xf32, #tpu.memory_space<vmem>>, vector<16xf32>,
      %swap3A_244 = arith.index_cast %scan3A_226 : i32 to index
      %swap3A_245 = arith.constant 96 : index
      %swap3A_246 = tpu.vector_load %arg19[%swap3A_244, %swap3A_245] {strides = array<i32>} : memref<80x128xf32, #tpu.memory_space<vmem>>, vector<16xf32>,
      tpu.vector_store %arg19[%swap3A_244, %swap3A_245], %broadcast_in_dim3A_0 {strides = array<i32>} : memref<80x128xf32, #tpu.memory_space<vmem>>, vector<16xf32>,
      %swap3A_247 = arith.index_cast %scan3A_226 : i32 to index
      %swap3A_248 = arith.constant 112 : index
      %swap3A_249 = tpu.vector_load %arg19[%swap3A_247, %swap3A_248] {strides = array<i32>} : memref<80x128xf32, #tpu.memory_space<vmem>>, vector<16xf32>,
      tpu.vector_store %arg19[%swap3A_247, %swap3A_248], %broadcast_in_dim3A_0 {strides = array<i32>} : memref<80x128xf32, #tpu.memory_space<vmem>>, vector<16xf32>,
    }
    %scan3A_119 = arith.constant 80 : i32
    %scan3A_120 = arith.constant 0 : i32
    %scan3A_121 = arith.constant 0 : i32
    %scan3A_122 = arith.constant 640 : i32
    %scan3A_123 = arith.addi %scan3A_121, %scan3A_122 : i32
    %scan3A_124 = arith.constant 1 : i32
    scf.for %scan3A_226 = %scan3A_121 to %scan3A_123 step %scan3A_124  : i32 {
      %mul3A_227 = arith.constant 16 : i32
      %mul3A_228 = arith.muli %scan3A_226, %mul3A_227 : i32
      %swap3A = arith.index_cast %mul3A_228 : i32 to index
      %swap3A_229 = tpu.vector_load %arg20[%swap3A] {strides = array<i32>} : memref<10240xf32, #tpu.memory_space<vmem>>, vector<16xf32>,
      tpu.vector_store %arg20[%swap3A], %broadcast_in_dim3A_0 {strides = array<i32>} : memref<10240xf32, #tpu.memory_space<vmem>>, vector<16xf32>,
    }
    %scan3A_125 = arith.constant 640 : i32
    %add3A_126 = arith.constant 0 : i32
    %add3A_127 = arith.addi %mul3A_1, %add3A_126 : i32
    "tpu.region"() ({
      %run_scoped3A = tpu.sem_alloc : memref<!tpu.dma_semaphore, #tpu.memory_space<semaphore_mem>>
      %dma_start3A_226 = arith.constant 0 : i32
      %dma_start3A_227 = tpu.memref_slice %arg21[%add3A_127, %dma_start3A_226] : memref<10240x128xf32, #tpu.memory_space<vmem_shared>> -> memref<80x128xf32, #tpu.memory_space<vmem_shared>>
      %dma_start3A_228 = arith.constant 0 : i32
      %dma_start3A_229 = tpu.memref_slice %arg21[%add3A_127, %dma_start3A_228] : memref<10240x128xf32, #tpu.memory_space<vmem_shared>> -> memref<80x128xf32, #tpu.memory_space<vmem_shared>>
      tpu.enqueue_dma source(%arg19 : memref<80x128xf32, #tpu.memory_space<vmem>>) target(%dma_start3A_229 : memref<80x128xf32, #tpu.memory_space<vmem_shared>>) target_semaphore(%run_scoped3A : memref<!tpu.dma_semaphore, #tpu.memory_space<semaphore_mem>>)
      %dma_wait3A_230 = arith.constant 0 : i32
      %dma_wait3A_231 = tpu.memref_slice %arg21[%add3A_127, %dma_wait3A_230] : memref<10240x128xf32, #tpu.memory_space<vmem_shared>> -> memref<80x128xf32, #tpu.memory_space<vmem_shared>>
      %dma_wait3A_232 = arith.constant 0 : i32
      %dma_wait3A_233 = tpu.memref_slice %arg21[%add3A_127, %dma_wait3A_232] : memref<10240x128xf32, #tpu.memory_space<vmem_shared>> -> memref<80x128xf32, #tpu.memory_space<vmem_shared>>
      tpu.wait_dma2 semaphore(%run_scoped3A : memref<!tpu.dma_semaphore, #tpu.memory_space<semaphore_mem>>) src(%arg19 : memref<80x128xf32, #tpu.memory_space<vmem>>) dst(%dma_wait3A_233 : memref<80x128xf32, #tpu.memory_space<vmem_shared>>)
      tpu.yield
    }) : () -> ()
    %add3A_128 = arith.constant 80 : i32
    %add3A_129 = arith.addi %mul3A_1, %add3A_128 : i32
    "tpu.region"() ({
      %run_scoped3A = tpu.sem_alloc : memref<!tpu.dma_semaphore, #tpu.memory_space<semaphore_mem>>
      %dma_start3A_226 = arith.constant 0 : i32
      %dma_start3A_227 = tpu.memref_slice %arg21[%add3A_129, %dma_start3A_226] : memref<10240x128xf32, #tpu.memory_space<vmem_shared>> -> memref<80x128xf32, #tpu.memory_space<vmem_shared>>
      %dma_start3A_228 = arith.constant 0 : i32
      %dma_start3A_229 = tpu.memref_slice %arg21[%add3A_129, %dma_start3A_228] : memref<10240x128xf32, #tpu.memory_space<vmem_shared>> -> memref<80x128xf32, #tpu.memory_space<vmem_shared>>
      tpu.enqueue_dma source(%arg19 : memref<80x128xf32, #tpu.memory_space<vmem>>) target(%dma_start3A_229 : memref<80x128xf32, #tpu.memory_space<vmem_shared>>) target_semaphore(%run_scoped3A : memref<!tpu.dma_semaphore, #tpu.memory_space<semaphore_mem>>)
      %dma_wait3A_230 = arith.constant 0 : i32
      %dma_wait3A_231 = tpu.memref_slice %arg21[%add3A_129, %dma_wait3A_230] : memref<10240x128xf32, #tpu.memory_space<vmem_shared>> -> memref<80x128xf32, #tpu.memory_space<vmem_shared>>
      %dma_wait3A_232 = arith.constant 0 : i32
      %dma_wait3A_233 = tpu.memref_slice %arg21[%add3A_129, %dma_wait3A_232] : memref<10240x128xf32, #tpu.memory_space<vmem_shared>> -> memref<80x128xf32, #tpu.memory_space<vmem_shared>>
      tpu.wait_dma2 semaphore(%run_scoped3A : memref<!tpu.dma_semaphore, #tpu.memory_space<semaphore_mem>>) src(%arg19 : memref<80x128xf32, #tpu.memory_space<vmem>>) dst(%dma_wait3A_233 : memref<80x128xf32, #tpu.memory_space<vmem_shared>>)
      tpu.yield
    }) : () -> ()
    %add3A_130 = arith.constant 160 : i32
    %add3A_131 = arith.addi %mul3A_1, %add3A_130 : i32
    "tpu.region"() ({
      %run_scoped3A = tpu.sem_alloc : memref<!tpu.dma_semaphore, #tpu.memory_space<semaphore_mem>>
      %dma_start3A_226 = arith.constant 0 : i32
      %dma_start3A_227 = tpu.memref_slice %arg21[%add3A_131, %dma_start3A_226] : memref<10240x128xf32, #tpu.memory_space<vmem_shared>> -> memref<80x128xf32, #tpu.memory_space<vmem_shared>>
      %dma_start3A_228 = arith.constant 0 : i32
      %dma_start3A_229 = tpu.memref_slice %arg21[%add3A_131, %dma_start3A_228] : memref<10240x128xf32, #tpu.memory_space<vmem_shared>> -> memref<80x128xf32, #tpu.memory_space<vmem_shared>>
      tpu.enqueue_dma source(%arg19 : memref<80x128xf32, #tpu.memory_space<vmem>>) target(%dma_start3A_229 : memref<80x128xf32, #tpu.memory_space<vmem_shared>>) target_semaphore(%run_scoped3A : memref<!tpu.dma_semaphore, #tpu.memory_space<semaphore_mem>>)
      %dma_wait3A_230 = arith.constant 0 : i32
      %dma_wait3A_231 = tpu.memref_slice %arg21[%add3A_131, %dma_wait3A_230] : memref<10240x128xf32, #tpu.memory_space<vmem_shared>> -> memref<80x128xf32, #tpu.memory_space<vmem_shared>>
      %dma_wait3A_232 = arith.constant 0 : i32
      %dma_wait3A_233 = tpu.memref_slice %arg21[%add3A_131, %dma_wait3A_232] : memref<10240x128xf32, #tpu.memory_space<vmem_shared>> -> memref<80x128xf32, #tpu.memory_space<vmem_shared>>
      tpu.wait_dma2 semaphore(%run_scoped3A : memref<!tpu.dma_semaphore, #tpu.memory_space<semaphore_mem>>) src(%arg19 : memref<80x128xf32, #tpu.memory_space<vmem>>) dst(%dma_wait3A_233 : memref<80x128xf32, #tpu.memory_space<vmem_shared>>)
      tpu.yield
    }) : () -> ()
    %add3A_132 = arith.constant 240 : i32
    %add3A_133 = arith.addi %mul3A_1, %add3A_132 : i32
    "tpu.region"() ({
      %run_scoped3A = tpu.sem_alloc : memref<!tpu.dma_semaphore, #tpu.memory_space<semaphore_mem>>
      %dma_start3A_226 = arith.constant 0 : i32
      %dma_start3A_227 = tpu.memref_slice %arg21[%add3A_133, %dma_start3A_226] : memref<10240x128xf32, #tpu.memory_space<vmem_shared>> -> memref<80x128xf32, #tpu.memory_space<vmem_shared>>
      %dma_start3A_228 = arith.constant 0 : i32
      %dma_start3A_229 = tpu.memref_slice %arg21[%add3A_133, %dma_start3A_228] : memref<10240x128xf32, #tpu.memory_space<vmem_shared>> -> memref<80x128xf32, #tpu.memory_space<vmem_shared>>
      tpu.enqueue_dma source(%arg19 : memref<80x128xf32, #tpu.memory_space<vmem>>) target(%dma_start3A_229 : memref<80x128xf32, #tpu.memory_space<vmem_shared>>) target_semaphore(%run_scoped3A : memref<!tpu.dma_semaphore, #tpu.memory_space<semaphore_mem>>)
      %dma_wait3A_230 = arith.constant 0 : i32
      %dma_wait3A_231 = tpu.memref_slice %arg21[%add3A_133, %dma_wait3A_230] : memref<10240x128xf32, #tpu.memory_space<vmem_shared>> -> memref<80x128xf32, #tpu.memory_space<vmem_shared>>
      %dma_wait3A_232 = arith.constant 0 : i32
      %dma_wait3A_233 = tpu.memref_slice %arg21[%add3A_133, %dma_wait3A_232] : memref<10240x128xf32, #tpu.memory_space<vmem_shared>> -> memref<80x128xf32, #tpu.memory_space<vmem_shared>>
      tpu.wait_dma2 semaphore(%run_scoped3A : memref<!tpu.dma_semaphore, #tpu.memory_space<semaphore_mem>>) src(%arg19 : memref<80x128xf32, #tpu.memory_space<vmem>>) dst(%dma_wait3A_233 : memref<80x128xf32, #tpu.memory_space<vmem_shared>>)
      tpu.yield
    }) : () -> ()
    %add3A_134 = arith.constant 320 : i32
    %add3A_135 = arith.addi %mul3A_1, %add3A_134 : i32
    "tpu.region"() ({
      %run_scoped3A = tpu.sem_alloc : memref<!tpu.dma_semaphore, #tpu.memory_space<semaphore_mem>>
      %dma_start3A_226 = arith.constant 0 : i32
      %dma_start3A_227 = tpu.memref_slice %arg21[%add3A_135, %dma_start3A_226] : memref<10240x128xf32, #tpu.memory_space<vmem_shared>> -> memref<80x128xf32, #tpu.memory_space<vmem_shared>>
      %dma_start3A_228 = arith.constant 0 : i32
      %dma_start3A_229 = tpu.memref_slice %arg21[%add3A_135, %dma_start3A_228] : memref<10240x128xf32, #tpu.memory_space<vmem_shared>> -> memref<80x128xf32, #tpu.memory_space<vmem_shared>>
      tpu.enqueue_dma source(%arg19 : memref<80x128xf32, #tpu.memory_space<vmem>>) target(%dma_start3A_229 : memref<80x128xf32, #tpu.memory_space<vmem_shared>>) target_semaphore(%run_scoped3A : memref<!tpu.dma_semaphore, #tpu.memory_space<semaphore_mem>>)
      %dma_wait3A_230 = arith.constant 0 : i32
      %dma_wait3A_231 = tpu.memref_slice %arg21[%add3A_135, %dma_wait3A_230] : memref<10240x128xf32, #tpu.memory_space<vmem_shared>> -> memref<80x128xf32, #tpu.memory_space<vmem_shared>>
      %dma_wait3A_232 = arith.constant 0 : i32
      %dma_wait3A_233 = tpu.memref_slice %arg21[%add3A_135, %dma_wait3A_232] : memref<10240x128xf32, #tpu.memory_space<vmem_shared>> -> memref<80x128xf32, #tpu.memory_space<vmem_shared>>
      tpu.wait_dma2 semaphore(%run_scoped3A : memref<!tpu.dma_semaphore, #tpu.memory_space<semaphore_mem>>) src(%arg19 : memref<80x128xf32, #tpu.memory_space<vmem>>) dst(%dma_wait3A_233 : memref<80x128xf32, #tpu.memory_space<vmem_shared>>)
      tpu.yield
    }) : () -> ()
    %add3A_136 = arith.constant 400 : i32
    %add3A_137 = arith.addi %mul3A_1, %add3A_136 : i32
    "tpu.region"() ({
      %run_scoped3A = tpu.sem_alloc : memref<!tpu.dma_semaphore, #tpu.memory_space<semaphore_mem>>
      %dma_start3A_226 = arith.constant 0 : i32
      %dma_start3A_227 = tpu.memref_slice %arg21[%add3A_137, %dma_start3A_226] : memref<10240x128xf32, #tpu.memory_space<vmem_shared>> -> memref<80x128xf32, #tpu.memory_space<vmem_shared>>
      %dma_start3A_228 = arith.constant 0 : i32
      %dma_start3A_229 = tpu.memref_slice %arg21[%add3A_137, %dma_start3A_228] : memref<10240x128xf32, #tpu.memory_space<vmem_shared>> -> memref<80x128xf32, #tpu.memory_space<vmem_shared>>
      tpu.enqueue_dma source(%arg19 : memref<80x128xf32, #tpu.memory_space<vmem>>) target(%dma_start3A_229 : memref<80x128xf32, #tpu.memory_space<vmem_shared>>) target_semaphore(%run_scoped3A : memref<!tpu.dma_semaphore, #tpu.memory_space<semaphore_mem>>)
      %dma_wait3A_230 = arith.constant 0 : i32
      %dma_wait3A_231 = tpu.memref_slice %arg21[%add3A_137, %dma_wait3A_230] : memref<10240x128xf32, #tpu.memory_space<vmem_shared>> -> memref<80x128xf32, #tpu.memory_space<vmem_shared>>
      %dma_wait3A_232 = arith.constant 0 : i32
      %dma_wait3A_233 = tpu.memref_slice %arg21[%add3A_137, %dma_wait3A_232] : memref<10240x128xf32, #tpu.memory_space<vmem_shared>> -> memref<80x128xf32, #tpu.memory_space<vmem_shared>>
      tpu.wait_dma2 semaphore(%run_scoped3A : memref<!tpu.dma_semaphore, #tpu.memory_space<semaphore_mem>>) src(%arg19 : memref<80x128xf32, #tpu.memory_space<vmem>>) dst(%dma_wait3A_233 : memref<80x128xf32, #tpu.memory_space<vmem_shared>>)
      tpu.yield
    }) : () -> ()
    %add3A_138 = arith.constant 480 : i32
    %add3A_139 = arith.addi %mul3A_1, %add3A_138 : i32
    "tpu.region"() ({
      %run_scoped3A = tpu.sem_alloc : memref<!tpu.dma_semaphore, #tpu.memory_space<semaphore_mem>>
      %dma_start3A_226 = arith.constant 0 : i32
      %dma_start3A_227 = tpu.memref_slice %arg21[%add3A_139, %dma_start3A_226] : memref<10240x128xf32, #tpu.memory_space<vmem_shared>> -> memref<80x128xf32, #tpu.memory_space<vmem_shared>>
      %dma_start3A_228 = arith.constant 0 : i32
      %dma_start3A_229 = tpu.memref_slice %arg21[%add3A_139, %dma_start3A_228] : memref<10240x128xf32, #tpu.memory_space<vmem_shared>> -> memref<80x128xf32, #tpu.memory_space<vmem_shared>>
      tpu.enqueue_dma source(%arg19 : memref<80x128xf32, #tpu.memory_space<vmem>>) target(%dma_start3A_229 : memref<80x128xf32, #tpu.memory_space<vmem_shared>>) target_semaphore(%run_scoped3A : memref<!tpu.dma_semaphore, #tpu.memory_space<semaphore_mem>>)
      %dma_wait3A_230 = arith.constant 0 : i32
      %dma_wait3A_231 = tpu.memref_slice %arg21[%add3A_139, %dma_wait3A_230] : memref<10240x128xf32, #tpu.memory_space<vmem_shared>> -> memref<80x128xf32, #tpu.memory_space<vmem_shared>>
      %dma_wait3A_232 = arith.constant 0 : i32
      %dma_wait3A_233 = tpu.memref_slice %arg21[%add3A_139, %dma_wait3A_232] : memref<10240x128xf32, #tpu.memory_space<vmem_shared>> -> memref<80x128xf32, #tpu.memory_space<vmem_shared>>
      tpu.wait_dma2 semaphore(%run_scoped3A : memref<!tpu.dma_semaphore, #tpu.memory_space<semaphore_mem>>) src(%arg19 : memref<80x128xf32, #tpu.memory_space<vmem>>) dst(%dma_wait3A_233 : memref<80x128xf32, #tpu.memory_space<vmem_shared>>)
      tpu.yield
    }) : () -> ()
    %add3A_140 = arith.constant 560 : i32
    %add3A_141 = arith.addi %mul3A_1, %add3A_140 : i32
    "tpu.region"() ({
      %run_scoped3A = tpu.sem_alloc : memref<!tpu.dma_semaphore, #tpu.memory_space<semaphore_mem>>
      %dma_start3A_226 = arith.constant 0 : i32
      %dma_start3A_227 = tpu.memref_slice %arg21[%add3A_141, %dma_start3A_226] : memref<10240x128xf32, #tpu.memory_space<vmem_shared>> -> memref<80x128xf32, #tpu.memory_space<vmem_shared>>
      %dma_start3A_228 = arith.constant 0 : i32
      %dma_start3A_229 = tpu.memref_slice %arg21[%add3A_141, %dma_start3A_228] : memref<10240x128xf32, #tpu.memory_space<vmem_shared>> -> memref<80x128xf32, #tpu.memory_space<vmem_shared>>
      tpu.enqueue_dma source(%arg19 : memref<80x128xf32, #tpu.memory_space<vmem>>) target(%dma_start3A_229 : memref<80x128xf32, #tpu.memory_space<vmem_shared>>) target_semaphore(%run_scoped3A : memref<!tpu.dma_semaphore, #tpu.memory_space<semaphore_mem>>)
      %dma_wait3A_230 = arith.constant 0 : i32
      %dma_wait3A_231 = tpu.memref_slice %arg21[%add3A_141, %dma_wait3A_230] : memref<10240x128xf32, #tpu.memory_space<vmem_shared>> -> memref<80x128xf32, #tpu.memory_space<vmem_shared>>
      %dma_wait3A_232 = arith.constant 0 : i32
      %dma_wait3A_233 = tpu.memref_slice %arg21[%add3A_141, %dma_wait3A_232] : memref<10240x128xf32, #tpu.memory_space<vmem_shared>> -> memref<80x128xf32, #tpu.memory_space<vmem_shared>>
      tpu.wait_dma2 semaphore(%run_scoped3A : memref<!tpu.dma_semaphore, #tpu.memory_space<semaphore_mem>>) src(%arg19 : memref<80x128xf32, #tpu.memory_space<vmem>>) dst(%dma_wait3A_233 : memref<80x128xf32, #tpu.memory_space<vmem_shared>>)
      tpu.yield
    }) : () -> ()
    %barrier3A_142 = arith.constant 0 : index
    tpu.barrier barrier_id(%barrier3A_142)
    %mul3A_143 = arith.constant 20000 : i32
    %mul3A_144 = arith.muli %arg1, %mul3A_143 : i32
    %add3A_145 = arith.constant 0 : i32
    %add3A_146 = arith.addi %mul3A_144, %add3A_145 : i32
    %dma_start3A_147 = tpu.memref_slice %arg7[%add3A_146] : memref<320000xi32, #tpu.memory_space<hbm>> -> memref<80xi32, #tpu.memory_space<hbm>>
    %dma_start3A_148 = tpu.memref_slice %arg7[%add3A_146] : memref<320000xi32, #tpu.memory_space<hbm>> -> memref<80xi32, #tpu.memory_space<hbm>>
    tpu.enqueue_dma source(%dma_start3A_148 : memref<80xi32, #tpu.memory_space<hbm>>) target(%arg11 : memref<80xi32, #tpu.memory_space<vmem>>) target_semaphore(%arg23 : memref<!tpu.dma_semaphore, #tpu.memory_space<semaphore_mem>>)
    %dma_start3A_149 = tpu.memref_slice %arg8[%add3A_146] : memref<320000xi32, #tpu.memory_space<hbm>> -> memref<80xi32, #tpu.memory_space<hbm>>
    %dma_start3A_150 = tpu.memref_slice %arg8[%add3A_146] : memref<320000xi32, #tpu.memory_space<hbm>> -> memref<80xi32, #tpu.memory_space<hbm>>
    tpu.enqueue_dma source(%dma_start3A_150 : memref<80xi32, #tpu.memory_space<hbm>>) target(%arg13 : memref<80xi32, #tpu.memory_space<vmem>>) target_semaphore(%arg23 : memref<!tpu.dma_semaphore, #tpu.memory_space<semaphore_mem>>)
    %mul3A_151 = arith.constant 4 : i32
    %mul3A_152 = arith.muli %add3A_146, %mul3A_151 : i32
    %dma_start3A_153 = tpu.memref_slice %arg6[%mul3A_152] : memref<1280000xf32, #tpu.memory_space<hbm>> -> memref<320xf32, #tpu.memory_space<hbm>>
    %dma_start3A_154 = tpu.memref_slice %arg6[%mul3A_152] : memref<1280000xf32, #tpu.memory_space<hbm>> -> memref<320xf32, #tpu.memory_space<hbm>>
    tpu.enqueue_dma source(%dma_start3A_154 : memref<320xf32, #tpu.memory_space<hbm>>) target(%arg15 : memref<320xf32, #tpu.memory_space<vmem>>) target_semaphore(%arg23 : memref<!tpu.dma_semaphore, #tpu.memory_space<semaphore_mem>>)
    %dma_wait3A_155 = tpu.memref_slice %arg7[%add3A_146] : memref<320000xi32, #tpu.memory_space<hbm>> -> memref<80xi32, #tpu.memory_space<hbm>>
    %dma_wait3A_156 = tpu.memref_slice %arg7[%add3A_146] : memref<320000xi32, #tpu.memory_space<hbm>> -> memref<80xi32, #tpu.memory_space<hbm>>
    tpu.wait_dma2 semaphore(%arg23 : memref<!tpu.dma_semaphore, #tpu.memory_space<semaphore_mem>>) src(%dma_wait3A_156 : memref<80xi32, #tpu.memory_space<hbm>>) dst(%arg11 : memref<80xi32, #tpu.memory_space<vmem>>)
    %dma_wait3A_157 = tpu.memref_slice %arg8[%add3A_146] : memref<320000xi32, #tpu.memory_space<hbm>> -> memref<80xi32, #tpu.memory_space<hbm>>
    %dma_wait3A_158 = tpu.memref_slice %arg8[%add3A_146] : memref<320000xi32, #tpu.memory_space<hbm>> -> memref<80xi32, #tpu.memory_space<hbm>>
    tpu.wait_dma2 semaphore(%arg23 : memref<!tpu.dma_semaphore, #tpu.memory_space<semaphore_mem>>) src(%dma_wait3A_158 : memref<80xi32, #tpu.memory_space<hbm>>) dst(%arg13 : memref<80xi32, #tpu.memory_space<vmem>>)
    %dma_wait3A_159 = tpu.memref_slice %arg6[%mul3A_152] : memref<1280000xf32, #tpu.memory_space<hbm>> -> memref<320xf32, #tpu.memory_space<hbm>>
    %dma_wait3A_160 = tpu.memref_slice %arg6[%mul3A_152] : memref<1280000xf32, #tpu.memory_space<hbm>> -> memref<320xf32, #tpu.memory_space<hbm>>
    tpu.wait_dma2 semaphore(%arg23 : memref<!tpu.dma_semaphore, #tpu.memory_space<semaphore_mem>>) src(%dma_wait3A_160 : memref<320xf32, #tpu.memory_space<hbm>>) dst(%arg15 : memref<320xf32, #tpu.memory_space<vmem>>)
    %eq3A_161 = arith.constant 0 : i32
    %eq3A_162 = arith.cmpi eq, %arg0, %eq3A_161 : i32
    %convert_element_type3A_163 = arith.extui %eq3A_162 : i1 to i32
    %cond3A_164 = arith.constant 0 : i32
    %cond3A_165 = arith.cmpi ne, %convert_element_type3A_163, %cond3A_164 : i32
    scf.if %cond3A_165 {
      %dma_start3A_226 = arith.constant 0 : i32
      %dma_start3A_227 = arith.constant 0 : i32
      %dma_start3A_228 = tpu.memref_slice %arg3[%dma_start3A_226, %dma_start3A_227] : memref<10000x128xf32, #tpu.memory_space<hbm>> -> memref<10000x128xf32, #tpu.memory_space<hbm>>
      tpu.enqueue_indirect_dma source(%dma_start3A_228 : memref<10000x128xf32, #tpu.memory_space<hbm>>) target(%arg17 : memref<80x128xf32, #tpu.memory_space<vmem>>) offsets(%arg11 : memref<80xi32, #tpu.memory_space<vmem>>) semaphore(%arg22 : memref<!tpu.dma_semaphore, #tpu.memory_space<semaphore_mem>>)
    } else {
    }
    %eq3A_166 = arith.constant 1 : i32
    %eq3A_167 = arith.cmpi eq, %arg0, %eq3A_166 : i32
    %convert_element_type3A_168 = arith.extui %eq3A_167 : i1 to i32
    %cond3A_169 = arith.constant 0 : i32
    %cond3A_170 = arith.cmpi ne, %convert_element_type3A_168, %cond3A_169 : i32
    scf.if %cond3A_170 {
      %dma_start3A_226 = arith.constant 0 : i32
      %dma_start3A_227 = arith.constant 0 : i32
      %dma_start3A_228 = tpu.memref_slice %arg5[%dma_start3A_226, %dma_start3A_227] : memref<10000x128xf32, #tpu.memory_space<hbm>> -> memref<10000x128xf32, #tpu.memory_space<hbm>>
      tpu.enqueue_indirect_dma source(%dma_start3A_228 : memref<10000x128xf32, #tpu.memory_space<hbm>>) target(%arg17 : memref<80x128xf32, #tpu.memory_space<vmem>>) offsets(%arg11 : memref<80xi32, #tpu.memory_space<vmem>>) semaphore(%arg22 : memref<!tpu.dma_semaphore, #tpu.memory_space<semaphore_mem>>)
    } else {
    }
    %scan3A_171 = arith.constant 0 : i32
    %scan3A_172 = arith.constant 0 : i32
    %scan3A_173 = arith.constant 125 : i32
    %scan3A_174 = arith.addi %scan3A_172, %scan3A_173 : i32
    %scan3A_175 = arith.constant 1 : i32
    scf.for %scan3A_226 = %scan3A_172 to %scan3A_174 step %scan3A_175  : i32 {
      %mul3A_227 = arith.constant 2 : i32
      %mul3A_228 = arith.muli %scan3A_226, %mul3A_227 : i32
      %add3A_229 = arith.constant 0 : i32
      %add3A_230 = arith.addi %mul3A_228, %add3A_229 : i32
      %lt3A = arith.constant 249 : i32
      %lt3A_231 = arith.cmpi slt, %add3A_230, %lt3A : i32
      %convert_element_type3A_232 = arith.extui %lt3A_231 : i1 to i32
      %cond3A_233 = arith.constant 0 : i32
      %cond3A_234 = arith.cmpi ne, %convert_element_type3A_232, %cond3A_233 : i32
      scf.if %cond3A_234 {
        %add3A_370 = arith.constant 1 : i32
        %add3A_371 = arith.addi %add3A_230, %add3A_370 : i32
        %mul3A_372 = arith.constant 80 : i32
        %mul3A_373 = arith.muli %add3A_371, %mul3A_372 : i32
        %add3A_374 = arith.addi %mul3A_144, %mul3A_373 : i32
        %dma_start3A_375 = tpu.memref_slice %arg7[%add3A_374] : memref<320000xi32, #tpu.memory_space<hbm>> -> memref<80xi32, #tpu.memory_space<hbm>>
        %dma_start3A_376 = tpu.memref_slice %arg7[%add3A_374] : memref<320000xi32, #tpu.memory_space<hbm>> -> memref<80xi32, #tpu.memory_space<hbm>>
        tpu.enqueue_dma source(%dma_start3A_376 : memref<80xi32, #tpu.memory_space<hbm>>) target(%arg12 : memref<80xi32, #tpu.memory_space<vmem>>) target_semaphore(%arg23 : memref<!tpu.dma_semaphore, #tpu.memory_space<semaphore_mem>>)
        %dma_start3A_377 = tpu.memref_slice %arg8[%add3A_374] : memref<320000xi32, #tpu.memory_space<hbm>> -> memref<80xi32, #tpu.memory_space<hbm>>
        %dma_start3A_378 = tpu.memref_slice %arg8[%add3A_374] : memref<320000xi32, #tpu.memory_space<hbm>> -> memref<80xi32, #tpu.memory_space<hbm>>
        tpu.enqueue_dma source(%dma_start3A_378 : memref<80xi32, #tpu.memory_space<hbm>>) target(%arg14 : memref<80xi32, #tpu.memory_space<vmem>>) target_semaphore(%arg23 : memref<!tpu.dma_semaphore, #tpu.memory_space<semaphore_mem>>)
        %mul3A_379 = arith.constant 4 : i32
        %mul3A_380 = arith.muli %add3A_374, %mul3A_379 : i32
        %dma_start3A_381 = tpu.memref_slice %arg6[%mul3A_380] : memref<1280000xf32, #tpu.memory_space<hbm>> -> memref<320xf32, #tpu.memory_space<hbm>>
        %dma_start3A_382 = tpu.memref_slice %arg6[%mul3A_380] : memref<1280000xf32, #tpu.memory_space<hbm>> -> memref<320xf32, #tpu.memory_space<hbm>>
        tpu.enqueue_dma source(%dma_start3A_382 : memref<320xf32, #tpu.memory_space<hbm>>) target(%arg16 : memref<320xf32, #tpu.memory_space<vmem>>) target_semaphore(%arg23 : memref<!tpu.dma_semaphore, #tpu.memory_space<semaphore_mem>>)
        %dma_wait3A_383 = tpu.memref_slice %arg7[%add3A_374] : memref<320000xi32, #tpu.memory_space<hbm>> -> memref<80xi32, #tpu.memory_space<hbm>>
        %dma_wait3A_384 = tpu.memref_slice %arg7[%add3A_374] : memref<320000xi32, #tpu.memory_space<hbm>> -> memref<80xi32, #tpu.memory_space<hbm>>
        tpu.wait_dma2 semaphore(%arg23 : memref<!tpu.dma_semaphore, #tpu.memory_space<semaphore_mem>>) src(%dma_wait3A_384 : memref<80xi32, #tpu.memory_space<hbm>>) dst(%arg12 : memref<80xi32, #tpu.memory_space<vmem>>)
        %dma_wait3A_385 = tpu.memref_slice %arg8[%add3A_374] : memref<320000xi32, #tpu.memory_space<hbm>> -> memref<80xi32, #tpu.memory_space<hbm>>
        %dma_wait3A_386 = tpu.memref_slice %arg8[%add3A_374] : memref<320000xi32, #tpu.memory_space<hbm>> -> memref<80xi32, #tpu.memory_space<hbm>>
        tpu.wait_dma2 semaphore(%arg23 : memref<!tpu.dma_semaphore, #tpu.memory_space<semaphore_mem>>) src(%dma_wait3A_386 : memref<80xi32, #tpu.memory_space<hbm>>) dst(%arg14 : memref<80xi32, #tpu.memory_space<vmem>>)
        %dma_wait3A_387 = tpu.memref_slice %arg6[%mul3A_380] : memref<1280000xf32, #tpu.memory_space<hbm>> -> memref<320xf32, #tpu.memory_space<hbm>>
        %dma_wait3A_388 = tpu.memref_slice %arg6[%mul3A_380] : memref<1280000xf32, #tpu.memory_space<hbm>> -> memref<320xf32, #tpu.memory_space<hbm>>
        tpu.wait_dma2 semaphore(%arg23 : memref<!tpu.dma_semaphore, #tpu.memory_space<semaphore_mem>>) src(%dma_wait3A_388 : memref<320xf32, #tpu.memory_space<hbm>>) dst(%arg16 : memref<320xf32, #tpu.memory_space<vmem>>)
        %eq3A_389 = arith.constant 0 : i32
        %eq3A_390 = arith.cmpi eq, %arg0, %eq3A_389 : i32
        %convert_element_type3A_391 = arith.extui %eq3A_390 : i1 to i32
        %cond3A_392 = arith.constant 0 : i32
        %cond3A_393 = arith.cmpi ne, %convert_element_type3A_391, %cond3A_392 : i32
        scf.if %cond3A_393 {
          %dma_start3A_399 = arith.constant 0 : i32
          %dma_start3A_400 = arith.constant 0 : i32
          %dma_start3A_401 = tpu.memref_slice %arg3[%dma_start3A_399, %dma_start3A_400] : memref<10000x128xf32, #tpu.memory_space<hbm>> -> memref<10000x128xf32, #tpu.memory_space<hbm>>
          tpu.enqueue_indirect_dma source(%dma_start3A_401 : memref<10000x128xf32, #tpu.memory_space<hbm>>) target(%arg18 : memref<80x128xf32, #tpu.memory_space<vmem>>) offsets(%arg12 : memref<80xi32, #tpu.memory_space<vmem>>) semaphore(%arg22 : memref<!tpu.dma_semaphore, #tpu.memory_space<semaphore_mem>>)
        } else {
        }
        %eq3A_394 = arith.constant 1 : i32
        %eq3A_395 = arith.cmpi eq, %arg0, %eq3A_394 : i32
        %convert_element_type3A_396 = arith.extui %eq3A_395 : i1 to i32
        %cond3A_397 = arith.constant 0 : i32
        %cond3A_398 = arith.cmpi ne, %convert_element_type3A_396, %cond3A_397 : i32
        scf.if %cond3A_398 {
          %dma_start3A_399 = arith.constant 0 : i32
          %dma_start3A_400 = arith.constant 0 : i32
          %dma_start3A_401 = tpu.memref_slice %arg5[%dma_start3A_399, %dma_start3A_400] : memref<10000x128xf32, #tpu.memory_space<hbm>> -> memref<10000x128xf32, #tpu.memory_space<hbm>>
          tpu.enqueue_indirect_dma source(%dma_start3A_401 : memref<10000x128xf32, #tpu.memory_space<hbm>>) target(%arg18 : memref<80x128xf32, #tpu.memory_space<vmem>>) offsets(%arg12 : memref<80xi32, #tpu.memory_space<vmem>>) semaphore(%arg22 : memref<!tpu.dma_semaphore, #tpu.memory_space<semaphore_mem>>)
        } else {
        }
      } else {
      }
      %dma_wait3A_235 = arith.constant 0 : i32
      %dma_wait3A_236 = arith.constant 0 : i32
      %dma_wait3A_237 = tpu.memref_slice %arg3[%dma_wait3A_235, %dma_wait3A_236] : memref<10000x128xf32, #tpu.memory_space<hbm>> -> memref<10000x128xf32, #tpu.memory_space<hbm>>
      tpu.wait_indirect_dma semaphore(%arg22 : memref<!tpu.dma_semaphore, #tpu.memory_space<semaphore_mem>>) src(%dma_wait3A_237 : memref<10000x128xf32, #tpu.memory_space<hbm>>) dst(%arg17 : memref<80x128xf32, #tpu.memory_space<vmem>>)
      %scan3A_238 = arith.constant 0 : i32
      %scan3A_239 = arith.constant 0 : i32
      %scan3A_240 = arith.constant 80 : i32
      %scan3A_241 = arith.addi %scan3A_239, %scan3A_240 : i32
      %scan3A_242 = arith.constant 1 : i32
      scf.for %scan3A_370 = %scan3A_239 to %scan3A_241 step %scan3A_242  : i32 {
        %mul3A_371 = arith.constant 4 : i32
        %mul3A_372 = arith.muli %scan3A_370, %mul3A_371 : i32
        %add3A_373 = arith.addi %mul3A_372, %add3A_113 : i32
        %broadcast_in_dim3A_374 = vector.broadcast %add3A_373 : i32 to vector<16xi32>
        %gather3A_375 = tpu.vector_load_idx %arg15[%broadcast_in_dim3A_374] : memref<320xf32, #tpu.memory_space<vmem>>[vector<16xi32>], vector<16xf32>,
        %get3A_376 = arith.index_cast %scan3A_370 : i32 to index
        %get3A_377 = arith.constant 0 : index
        %get3A_378 = tpu.vector_load %arg17[%get3A_376, %get3A_377] {strides = array<i32>} : memref<80x128xf32, #tpu.memory_space<vmem>>, vector<16xf32>,
        %mul3A_379 = arith.mulf %get3A_378, %gather3A_375 : vector<16xf32>
        %swap3A = arith.index_cast %scan3A_370 : i32 to index
        %swap3A_380 = arith.constant 0 : index
        %swap3A_381 = tpu.vector_load %arg19[%swap3A, %swap3A_380] {strides = array<i32>} : memref<80x128xf32, #tpu.memory_space<vmem>>, vector<16xf32>,
        tpu.vector_store %arg19[%swap3A, %swap3A_380], %mul3A_379 {strides = array<i32>} : memref<80x128xf32, #tpu.memory_space<vmem>>, vector<16xf32>,
        %get3A_382 = arith.index_cast %scan3A_370 : i32 to index
        %get3A_383 = arith.constant 16 : index
        %get3A_384 = tpu.vector_load %arg17[%get3A_382, %get3A_383] {strides = array<i32>} : memref<80x128xf32, #tpu.memory_space<vmem>>, vector<16xf32>,
        %mul3A_385 = arith.mulf %get3A_384, %gather3A_375 : vector<16xf32>
        %swap3A_386 = arith.index_cast %scan3A_370 : i32 to index
        %swap3A_387 = arith.constant 16 : index
        %swap3A_388 = tpu.vector_load %arg19[%swap3A_386, %swap3A_387] {strides = array<i32>} : memref<80x128xf32, #tpu.memory_space<vmem>>, vector<16xf32>,
        tpu.vector_store %arg19[%swap3A_386, %swap3A_387], %mul3A_385 {strides = array<i32>} : memref<80x128xf32, #tpu.memory_space<vmem>>, vector<16xf32>,
        %get3A_389 = arith.index_cast %scan3A_370 : i32 to index
        %get3A_390 = arith.constant 32 : index
        %get3A_391 = tpu.vector_load %arg17[%get3A_389, %get3A_390] {strides = array<i32>} : memref<80x128xf32, #tpu.memory_space<vmem>>, vector<16xf32>,
        %mul3A_392 = arith.mulf %get3A_391, %gather3A_375 : vector<16xf32>
        %swap3A_393 = arith.index_cast %scan3A_370 : i32 to index
        %swap3A_394 = arith.constant 32 : index
        %swap3A_395 = tpu.vector_load %arg19[%swap3A_393, %swap3A_394] {strides = array<i32>} : memref<80x128xf32, #tpu.memory_space<vmem>>, vector<16xf32>,
        tpu.vector_store %arg19[%swap3A_393, %swap3A_394], %mul3A_392 {strides = array<i32>} : memref<80x128xf32, #tpu.memory_space<vmem>>, vector<16xf32>,
        %get3A_396 = arith.index_cast %scan3A_370 : i32 to index
        %get3A_397 = arith.constant 48 : index
        %get3A_398 = tpu.vector_load %arg17[%get3A_396, %get3A_397] {strides = array<i32>} : memref<80x128xf32, #tpu.memory_space<vmem>>, vector<16xf32>,
        %mul3A_399 = arith.mulf %get3A_398, %gather3A_375 : vector<16xf32>
        %swap3A_400 = arith.index_cast %scan3A_370 : i32 to index
        %swap3A_401 = arith.constant 48 : index
        %swap3A_402 = tpu.vector_load %arg19[%swap3A_400, %swap3A_401] {strides = array<i32>} : memref<80x128xf32, #tpu.memory_space<vmem>>, vector<16xf32>,
        tpu.vector_store %arg19[%swap3A_400, %swap3A_401], %mul3A_399 {strides = array<i32>} : memref<80x128xf32, #tpu.memory_space<vmem>>, vector<16xf32>,
        %get3A_403 = arith.index_cast %scan3A_370 : i32 to index
        %get3A_404 = arith.constant 64 : index
        %get3A_405 = tpu.vector_load %arg17[%get3A_403, %get3A_404] {strides = array<i32>} : memref<80x128xf32, #tpu.memory_space<vmem>>, vector<16xf32>,
        %mul3A_406 = arith.mulf %get3A_405, %gather3A_375 : vector<16xf32>
        %swap3A_407 = arith.index_cast %scan3A_370 : i32 to index
        %swap3A_408 = arith.constant 64 : index
        %swap3A_409 = tpu.vector_load %arg19[%swap3A_407, %swap3A_408] {strides = array<i32>} : memref<80x128xf32, #tpu.memory_space<vmem>>, vector<16xf32>,
        tpu.vector_store %arg19[%swap3A_407, %swap3A_408], %mul3A_406 {strides = array<i32>} : memref<80x128xf32, #tpu.memory_space<vmem>>, vector<16xf32>,
        %get3A_410 = arith.index_cast %scan3A_370 : i32 to index
        %get3A_411 = arith.constant 80 : index
        %get3A_412 = tpu.vector_load %arg17[%get3A_410, %get3A_411] {strides = array<i32>} : memref<80x128xf32, #tpu.memory_space<vmem>>, vector<16xf32>,
        %mul3A_413 = arith.mulf %get3A_412, %gather3A_375 : vector<16xf32>
        %swap3A_414 = arith.index_cast %scan3A_370 : i32 to index
        %swap3A_415 = arith.constant 80 : index
        %swap3A_416 = tpu.vector_load %arg19[%swap3A_414, %swap3A_415] {strides = array<i32>} : memref<80x128xf32, #tpu.memory_space<vmem>>, vector<16xf32>,
        tpu.vector_store %arg19[%swap3A_414, %swap3A_415], %mul3A_413 {strides = array<i32>} : memref<80x128xf32, #tpu.memory_space<vmem>>, vector<16xf32>,
        %get3A_417 = arith.index_cast %scan3A_370 : i32 to index
        %get3A_418 = arith.constant 96 : index
        %get3A_419 = tpu.vector_load %arg17[%get3A_417, %get3A_418] {strides = array<i32>} : memref<80x128xf32, #tpu.memory_space<vmem>>, vector<16xf32>,
        %mul3A_420 = arith.mulf %get3A_419, %gather3A_375 : vector<16xf32>
        %swap3A_421 = arith.index_cast %scan3A_370 : i32 to index
        %swap3A_422 = arith.constant 96 : index
        %swap3A_423 = tpu.vector_load %arg19[%swap3A_421, %swap3A_422] {strides = array<i32>} : memref<80x128xf32, #tpu.memory_space<vmem>>, vector<16xf32>,
        tpu.vector_store %arg19[%swap3A_421, %swap3A_422], %mul3A_420 {strides = array<i32>} : memref<80x128xf32, #tpu.memory_space<vmem>>, vector<16xf32>,
        %get3A_424 = arith.index_cast %scan3A_370 : i32 to index
        %get3A_425 = arith.constant 112 : index
        %get3A_426 = tpu.vector_load %arg17[%get3A_424, %get3A_425] {strides = array<i32>} : memref<80x128xf32, #tpu.memory_space<vmem>>, vector<16xf32>,
        %mul3A_427 = arith.mulf %get3A_426, %gather3A_375 : vector<16xf32>
        %swap3A_428 = arith.index_cast %scan3A_370 : i32 to index
        %swap3A_429 = arith.constant 112 : index
        %swap3A_430 = tpu.vector_load %arg19[%swap3A_428, %swap3A_429] {strides = array<i32>} : memref<80x128xf32, #tpu.memory_space<vmem>>, vector<16xf32>,
        tpu.vector_store %arg19[%swap3A_428, %swap3A_429], %mul3A_427 {strides = array<i32>} : memref<80x128xf32, #tpu.memory_space<vmem>>, vector<16xf32>,
      }
      %scan3A_243 = arith.constant 80 : i32
      "tpu.region"() ({
        %run_scoped3A = tpu.sem_alloc : memref<!tpu.dma_semaphore, #tpu.memory_space<semaphore_mem>>
        %dma_start3A_370 = arith.constant 0 : i32
        %dma_start3A_371 = arith.constant 0 : i32
        %dma_start3A_372 = tpu.memref_slice %arg21[%dma_start3A_370, %dma_start3A_371] : memref<10240x128xf32, #tpu.memory_space<vmem_shared>> -> memref<10240x128xf32, #tpu.memory_space<vmem_shared>>
        tpu.enqueue_indirect_dma source(%arg19 : memref<80x128xf32, #tpu.memory_space<vmem>>) target(%dma_start3A_372 : memref<10240x128xf32, #tpu.memory_space<vmem_shared>>) offsets(%arg13 : memref<80xi32, #tpu.memory_space<vmem>>) semaphore(%run_scoped3A : memref<!tpu.dma_semaphore, #tpu.memory_space<semaphore_mem>>) {add = true}
        %dma_wait3A_373 = arith.constant 0 : i32
        %dma_wait3A_374 = arith.constant 0 : i32
        %dma_wait3A_375 = tpu.memref_slice %arg21[%dma_wait3A_373, %dma_wait3A_374] : memref<10240x128xf32, #tpu.memory_space<vmem_shared>> -> memref<10240x128xf32, #tpu.memory_space<vmem_shared>>
        tpu.wait_indirect_dma semaphore(%run_scoped3A : memref<!tpu.dma_semaphore, #tpu.memory_space<semaphore_mem>>) src(%arg19 : memref<80x128xf32, #tpu.memory_space<vmem>>) dst(%dma_wait3A_375 : memref<10240x128xf32, #tpu.memory_space<vmem_shared>>)
        tpu.yield
      }) : () -> ()
      %get3A = arith.constant 0 : index
      %get3A_244 = tpu.vector_load %arg13[%get3A] {strides = array<i32>} : memref<80xi32, #tpu.memory_space<vmem>>, vector<16xi32>,
      %add3A_245 = arith.constant 0 : i32
      %add3A_246 = vector.broadcast %add3A_245 : i32 to vector<16xi32>
      %add3A_247 = arith.addi %add3A_246, %iota3A : vector<16xi32>
      %mul3A_248 = arith.constant 4 : i32
      %mul3A_249 = vector.broadcast %mul3A_248 : i32 to vector<16xi32>
      %mul3A_250 = arith.muli %add3A_247, %mul3A_249 : vector<16xi32>
      %add3A_251 = vector.broadcast %add3A_113 : i32 to vector<16xi32>
      %add3A_252 = arith.addi %mul3A_250, %add3A_251 : vector<16xi32>
      %gather3A = tpu.vector_load_idx %arg15[%add3A_252] : memref<320xf32, #tpu.memory_space<vmem>>[vector<16xi32>], vector<16xf32>,
      tpu.vector_store_idx %arg20[%get3A_244], %gather3A {add = true} : memref<10240xf32, #tpu.memory_space<vmem>>[vector<16xi32>], vector<16xf32>,
      %get3A_253 = arith.constant 16 : index
      %get3A_254 = tpu.vector_load %arg13[%get3A_253] {strides = array<i32>} : memref<80xi32, #tpu.memory_space<vmem>>, vector<16xi32>,
      %add3A_255 = arith.constant 16 : i32
      %add3A_256 = vector.broadcast %add3A_255 : i32 to vector<16xi32>
      %add3A_257 = arith.addi %add3A_256, %iota3A : vector<16xi32>
      %mul3A_258 = arith.constant 4 : i32
      %mul3A_259 = vector.broadcast %mul3A_258 : i32 to vector<16xi32>
      %mul3A_260 = arith.muli %add3A_257, %mul3A_259 : vector<16xi32>
      %add3A_261 = vector.broadcast %add3A_113 : i32 to vector<16xi32>
      %add3A_262 = arith.addi %mul3A_260, %add3A_261 : vector<16xi32>
      %gather3A_263 = tpu.vector_load_idx %arg15[%add3A_262] : memref<320xf32, #tpu.memory_space<vmem>>[vector<16xi32>], vector<16xf32>,
      tpu.vector_store_idx %arg20[%get3A_254], %gather3A_263 {add = true} : memref<10240xf32, #tpu.memory_space<vmem>>[vector<16xi32>], vector<16xf32>,
      %get3A_264 = arith.constant 32 : index
      %get3A_265 = tpu.vector_load %arg13[%get3A_264] {strides = array<i32>} : memref<80xi32, #tpu.memory_space<vmem>>, vector<16xi32>,
      %add3A_266 = arith.constant 32 : i32
      %add3A_267 = vector.broadcast %add3A_266 : i32 to vector<16xi32>
      %add3A_268 = arith.addi %add3A_267, %iota3A : vector<16xi32>
      %mul3A_269 = arith.constant 4 : i32
      %mul3A_270 = vector.broadcast %mul3A_269 : i32 to vector<16xi32>
      %mul3A_271 = arith.muli %add3A_268, %mul3A_270 : vector<16xi32>
      %add3A_272 = vector.broadcast %add3A_113 : i32 to vector<16xi32>
      %add3A_273 = arith.addi %mul3A_271, %add3A_272 : vector<16xi32>
      %gather3A_274 = tpu.vector_load_idx %arg15[%add3A_273] : memref<320xf32, #tpu.memory_space<vmem>>[vector<16xi32>], vector<16xf32>,
      tpu.vector_store_idx %arg20[%get3A_265], %gather3A_274 {add = true} : memref<10240xf32, #tpu.memory_space<vmem>>[vector<16xi32>], vector<16xf32>,
      %get3A_275 = arith.constant 48 : index
      %get3A_276 = tpu.vector_load %arg13[%get3A_275] {strides = array<i32>} : memref<80xi32, #tpu.memory_space<vmem>>, vector<16xi32>,
      %add3A_277 = arith.constant 48 : i32
      %add3A_278 = vector.broadcast %add3A_277 : i32 to vector<16xi32>
      %add3A_279 = arith.addi %add3A_278, %iota3A : vector<16xi32>
      %mul3A_280 = arith.constant 4 : i32
      %mul3A_281 = vector.broadcast %mul3A_280 : i32 to vector<16xi32>
      %mul3A_282 = arith.muli %add3A_279, %mul3A_281 : vector<16xi32>
      %add3A_283 = vector.broadcast %add3A_113 : i32 to vector<16xi32>
      %add3A_284 = arith.addi %mul3A_282, %add3A_283 : vector<16xi32>
      %gather3A_285 = tpu.vector_load_idx %arg15[%add3A_284] : memref<320xf32, #tpu.memory_space<vmem>>[vector<16xi32>], vector<16xf32>,
      tpu.vector_store_idx %arg20[%get3A_276], %gather3A_285 {add = true} : memref<10240xf32, #tpu.memory_space<vmem>>[vector<16xi32>], vector<16xf32>,
      %get3A_286 = arith.constant 64 : index
      %get3A_287 = tpu.vector_load %arg13[%get3A_286] {strides = array<i32>} : memref<80xi32, #tpu.memory_space<vmem>>, vector<16xi32>,
      %add3A_288 = arith.constant 64 : i32
      %add3A_289 = vector.broadcast %add3A_288 : i32 to vector<16xi32>
      %add3A_290 = arith.addi %add3A_289, %iota3A : vector<16xi32>
      %mul3A_291 = arith.constant 4 : i32
      %mul3A_292 = vector.broadcast %mul3A_291 : i32 to vector<16xi32>
      %mul3A_293 = arith.muli %add3A_290, %mul3A_292 : vector<16xi32>
      %add3A_294 = vector.broadcast %add3A_113 : i32 to vector<16xi32>
      %add3A_295 = arith.addi %mul3A_293, %add3A_294 : vector<16xi32>
      %gather3A_296 = tpu.vector_load_idx %arg15[%add3A_295] : memref<320xf32, #tpu.memory_space<vmem>>[vector<16xi32>], vector<16xf32>,
      tpu.vector_store_idx %arg20[%get3A_287], %gather3A_296 {add = true} : memref<10240xf32, #tpu.memory_space<vmem>>[vector<16xi32>], vector<16xf32>,
      %mul3A_297 = arith.constant 2 : i32
      %mul3A_298 = arith.muli %scan3A_226, %mul3A_297 : i32
      %add3A_299 = arith.constant 1 : i32
      %add3A_300 = arith.addi %mul3A_298, %add3A_299 : i32
      %lt3A_301 = arith.constant 249 : i32
      %lt3A_302 = arith.cmpi slt, %add3A_300, %lt3A_301 : i32
      %convert_element_type3A_303 = arith.extui %lt3A_302 : i1 to i32
      %cond3A_304 = arith.constant 0 : i32
      %cond3A_305 = arith.cmpi ne, %convert_element_type3A_303, %cond3A_304 : i32
      scf.if %cond3A_305 {
        %add3A_370 = arith.constant 1 : i32
        %add3A_371 = arith.addi %add3A_300, %add3A_370 : i32
        %mul3A_372 = arith.constant 80 : i32
        %mul3A_373 = arith.muli %add3A_371, %mul3A_372 : i32
        %add3A_374 = arith.addi %mul3A_144, %mul3A_373 : i32
        %dma_start3A_375 = tpu.memref_slice %arg7[%add3A_374] : memref<320000xi32, #tpu.memory_space<hbm>> -> memref<80xi32, #tpu.memory_space<hbm>>
        %dma_start3A_376 = tpu.memref_slice %arg7[%add3A_374] : memref<320000xi32, #tpu.memory_space<hbm>> -> memref<80xi32, #tpu.memory_space<hbm>>
        tpu.enqueue_dma source(%dma_start3A_376 : memref<80xi32, #tpu.memory_space<hbm>>) target(%arg11 : memref<80xi32, #tpu.memory_space<vmem>>) target_semaphore(%arg23 : memref<!tpu.dma_semaphore, #tpu.memory_space<semaphore_mem>>)
        %dma_start3A_377 = tpu.memref_slice %arg8[%add3A_374] : memref<320000xi32, #tpu.memory_space<hbm>> -> memref<80xi32, #tpu.memory_space<hbm>>
        %dma_start3A_378 = tpu.memref_slice %arg8[%add3A_374] : memref<320000xi32, #tpu.memory_space<hbm>> -> memref<80xi32, #tpu.memory_space<hbm>>
        tpu.enqueue_dma source(%dma_start3A_378 : memref<80xi32, #tpu.memory_space<hbm>>) target(%arg13 : memref<80xi32, #tpu.memory_space<vmem>>) target_semaphore(%arg23 : memref<!tpu.dma_semaphore, #tpu.memory_space<semaphore_mem>>)
        %mul3A_379 = arith.constant 4 : i32
        %mul3A_380 = arith.muli %add3A_374, %mul3A_379 : i32
        %dma_start3A_381 = tpu.memref_slice %arg6[%mul3A_380] : memref<1280000xf32, #tpu.memory_space<hbm>> -> memref<320xf32, #tpu.memory_space<hbm>>
        %dma_start3A_382 = tpu.memref_slice %arg6[%mul3A_380] : memref<1280000xf32, #tpu.memory_space<hbm>> -> memref<320xf32, #tpu.memory_space<hbm>>
        tpu.enqueue_dma source(%dma_start3A_382 : memref<320xf32, #tpu.memory_space<hbm>>) target(%arg15 : memref<320xf32, #tpu.memory_space<vmem>>) target_semaphore(%arg23 : memref<!tpu.dma_semaphore, #tpu.memory_space<semaphore_mem>>)
        %dma_wait3A_383 = tpu.memref_slice %arg7[%add3A_374] : memref<320000xi32, #tpu.memory_space<hbm>> -> memref<80xi32, #tpu.memory_space<hbm>>
        %dma_wait3A_384 = tpu.memref_slice %arg7[%add3A_374] : memref<320000xi32, #tpu.memory_space<hbm>> -> memref<80xi32, #tpu.memory_space<hbm>>
        tpu.wait_dma2 semaphore(%arg23 : memref<!tpu.dma_semaphore, #tpu.memory_space<semaphore_mem>>) src(%dma_wait3A_384 : memref<80xi32, #tpu.memory_space<hbm>>) dst(%arg11 : memref<80xi32, #tpu.memory_space<vmem>>)
        %dma_wait3A_385 = tpu.memref_slice %arg8[%add3A_374] : memref<320000xi32, #tpu.memory_space<hbm>> -> memref<80xi32, #tpu.memory_space<hbm>>
        %dma_wait3A_386 = tpu.memref_slice %arg8[%add3A_374] : memref<320000xi32, #tpu.memory_space<hbm>> -> memref<80xi32, #tpu.memory_space<hbm>>
        tpu.wait_dma2 semaphore(%arg23 : memref<!tpu.dma_semaphore, #tpu.memory_space<semaphore_mem>>) src(%dma_wait3A_386 : memref<80xi32, #tpu.memory_space<hbm>>) dst(%arg13 : memref<80xi32, #tpu.memory_space<vmem>>)
        %dma_wait3A_387 = tpu.memref_slice %arg6[%mul3A_380] : memref<1280000xf32, #tpu.memory_space<hbm>> -> memref<320xf32, #tpu.memory_space<hbm>>
        %dma_wait3A_388 = tpu.memref_slice %arg6[%mul3A_380] : memref<1280000xf32, #tpu.memory_space<hbm>> -> memref<320xf32, #tpu.memory_space<hbm>>
        tpu.wait_dma2 semaphore(%arg23 : memref<!tpu.dma_semaphore, #tpu.memory_space<semaphore_mem>>) src(%dma_wait3A_388 : memref<320xf32, #tpu.memory_space<hbm>>) dst(%arg15 : memref<320xf32, #tpu.memory_space<vmem>>)
        %eq3A_389 = arith.constant 0 : i32
        %eq3A_390 = arith.cmpi eq, %arg0, %eq3A_389 : i32
        %convert_element_type3A_391 = arith.extui %eq3A_390 : i1 to i32
        %cond3A_392 = arith.constant 0 : i32
        %cond3A_393 = arith.cmpi ne, %convert_element_type3A_391, %cond3A_392 : i32
        scf.if %cond3A_393 {
          %dma_start3A_399 = arith.constant 0 : i32
          %dma_start3A_400 = arith.constant 0 : i32
          %dma_start3A_401 = tpu.memref_slice %arg3[%dma_start3A_399, %dma_start3A_400] : memref<10000x128xf32, #tpu.memory_space<hbm>> -> memref<10000x128xf32, #tpu.memory_space<hbm>>
          tpu.enqueue_indirect_dma source(%dma_start3A_401 : memref<10000x128xf32, #tpu.memory_space<hbm>>) target(%arg17 : memref<80x128xf32, #tpu.memory_space<vmem>>) offsets(%arg11 : memref<80xi32, #tpu.memory_space<vmem>>) semaphore(%arg22 : memref<!tpu.dma_semaphore, #tpu.memory_space<semaphore_mem>>)
        } else {
        }
        %eq3A_394 = arith.constant 1 : i32
        %eq3A_395 = arith.cmpi eq, %arg0, %eq3A_394 : i32
        %convert_element_type3A_396 = arith.extui %eq3A_395 : i1 to i32
        %cond3A_397 = arith.constant 0 : i32
        %cond3A_398 = arith.cmpi ne, %convert_element_type3A_396, %cond3A_397 : i32
        scf.if %cond3A_398 {
          %dma_start3A_399 = arith.constant 0 : i32
          %dma_start3A_400 = arith.constant 0 : i32
          %dma_start3A_401 = tpu.memref_slice %arg5[%dma_start3A_399, %dma_start3A_400] : memref<10000x128xf32, #tpu.memory_space<hbm>> -> memref<10000x128xf32, #tpu.memory_space<hbm>>
          tpu.enqueue_indirect_dma source(%dma_start3A_401 : memref<10000x128xf32, #tpu.memory_space<hbm>>) target(%arg17 : memref<80x128xf32, #tpu.memory_space<vmem>>) offsets(%arg11 : memref<80xi32, #tpu.memory_space<vmem>>) semaphore(%arg22 : memref<!tpu.dma_semaphore, #tpu.memory_space<semaphore_mem>>)
        } else {
        }
      } else {
      }
      %dma_wait3A_306 = arith.constant 0 : i32
      %dma_wait3A_307 = arith.constant 0 : i32
      %dma_wait3A_308 = tpu.memref_slice %arg3[%dma_wait3A_306, %dma_wait3A_307] : memref<10000x128xf32, #tpu.memory_space<hbm>> -> memref<10000x128xf32, #tpu.memory_space<hbm>>
      tpu.wait_indirect_dma semaphore(%arg22 : memref<!tpu.dma_semaphore, #tpu.memory_space<semaphore_mem>>) src(%dma_wait3A_308 : memref<10000x128xf32, #tpu.memory_space<hbm>>) dst(%arg18 : memref<80x128xf32, #tpu.memory_space<vmem>>)
      %scan3A_309 = arith.constant 0 : i32
      %scan3A_310 = arith.constant 0 : i32
      %scan3A_311 = arith.constant 80 : i32
      %scan3A_312 = arith.addi %scan3A_310, %scan3A_311 : i32
      %scan3A_313 = arith.constant 1 : i32
      scf.for %scan3A_370 = %scan3A_310 to %scan3A_312 step %scan3A_313  : i32 {
        %mul3A_371 = arith.constant 4 : i32
        %mul3A_372 = arith.muli %scan3A_370, %mul3A_371 : i32
        %add3A_373 = arith.addi %mul3A_372, %add3A_113 : i32
        %broadcast_in_dim3A_374 = vector.broadcast %add3A_373 : i32 to vector<16xi32>
        %gather3A_375 = tpu.vector_load_idx %arg16[%broadcast_in_dim3A_374] : memref<320xf32, #tpu.memory_space<vmem>>[vector<16xi32>], vector<16xf32>,
        %get3A_376 = arith.index_cast %scan3A_370 : i32 to index
        %get3A_377 = arith.constant 0 : index
        %get3A_378 = tpu.vector_load %arg18[%get3A_376, %get3A_377] {strides = array<i32>} : memref<80x128xf32, #tpu.memory_space<vmem>>, vector<16xf32>,
        %mul3A_379 = arith.mulf %get3A_378, %gather3A_375 : vector<16xf32>
        %swap3A = arith.index_cast %scan3A_370 : i32 to index
        %swap3A_380 = arith.constant 0 : index
        %swap3A_381 = tpu.vector_load %arg19[%swap3A, %swap3A_380] {strides = array<i32>} : memref<80x128xf32, #tpu.memory_space<vmem>>, vector<16xf32>,
        tpu.vector_store %arg19[%swap3A, %swap3A_380], %mul3A_379 {strides = array<i32>} : memref<80x128xf32, #tpu.memory_space<vmem>>, vector<16xf32>,
        %get3A_382 = arith.index_cast %scan3A_370 : i32 to index
        %get3A_383 = arith.constant 16 : index
        %get3A_384 = tpu.vector_load %arg18[%get3A_382, %get3A_383] {strides = array<i32>} : memref<80x128xf32, #tpu.memory_space<vmem>>, vector<16xf32>,
        %mul3A_385 = arith.mulf %get3A_384, %gather3A_375 : vector<16xf32>
        %swap3A_386 = arith.index_cast %scan3A_370 : i32 to index
        %swap3A_387 = arith.constant 16 : index
        %swap3A_388 = tpu.vector_load %arg19[%swap3A_386, %swap3A_387] {strides = array<i32>} : memref<80x128xf32, #tpu.memory_space<vmem>>, vector<16xf32>,
        tpu.vector_store %arg19[%swap3A_386, %swap3A_387], %mul3A_385 {strides = array<i32>} : memref<80x128xf32, #tpu.memory_space<vmem>>, vector<16xf32>,
        %get3A_389 = arith.index_cast %scan3A_370 : i32 to index
        %get3A_390 = arith.constant 32 : index
        %get3A_391 = tpu.vector_load %arg18[%get3A_389, %get3A_390] {strides = array<i32>} : memref<80x128xf32, #tpu.memory_space<vmem>>, vector<16xf32>,
        %mul3A_392 = arith.mulf %get3A_391, %gather3A_375 : vector<16xf32>
        %swap3A_393 = arith.index_cast %scan3A_370 : i32 to index
        %swap3A_394 = arith.constant 32 : index
        %swap3A_395 = tpu.vector_load %arg19[%swap3A_393, %swap3A_394] {strides = array<i32>} : memref<80x128xf32, #tpu.memory_space<vmem>>, vector<16xf32>,
        tpu.vector_store %arg19[%swap3A_393, %swap3A_394], %mul3A_392 {strides = array<i32>} : memref<80x128xf32, #tpu.memory_space<vmem>>, vector<16xf32>,
        %get3A_396 = arith.index_cast %scan3A_370 : i32 to index
        %get3A_397 = arith.constant 48 : index
        %get3A_398 = tpu.vector_load %arg18[%get3A_396, %get3A_397] {strides = array<i32>} : memref<80x128xf32, #tpu.memory_space<vmem>>, vector<16xf32>,
        %mul3A_399 = arith.mulf %get3A_398, %gather3A_375 : vector<16xf32>
        %swap3A_400 = arith.index_cast %scan3A_370 : i32 to index
        %swap3A_401 = arith.constant 48 : index
        %swap3A_402 = tpu.vector_load %arg19[%swap3A_400, %swap3A_401] {strides = array<i32>} : memref<80x128xf32, #tpu.memory_space<vmem>>, vector<16xf32>,
        tpu.vector_store %arg19[%swap3A_400, %swap3A_401], %mul3A_399 {strides = array<i32>} : memref<80x128xf32, #tpu.memory_space<vmem>>, vector<16xf32>,
        %get3A_403 = arith.index_cast %scan3A_370 : i32 to index
        %get3A_404 = arith.constant 64 : index
        %get3A_405 = tpu.vector_load %arg18[%get3A_403, %get3A_404] {strides = array<i32>} : memref<80x128xf32, #tpu.memory_space<vmem>>, vector<16xf32>,
        %mul3A_406 = arith.mulf %get3A_405, %gather3A_375 : vector<16xf32>
        %swap3A_407 = arith.index_cast %scan3A_370 : i32 to index
        %swap3A_408 = arith.constant 64 : index
        %swap3A_409 = tpu.vector_load %arg19[%swap3A_407, %swap3A_408] {strides = array<i32>} : memref<80x128xf32, #tpu.memory_space<vmem>>, vector<16xf32>,
        tpu.vector_store %arg19[%swap3A_407, %swap3A_408], %mul3A_406 {strides = array<i32>} : memref<80x128xf32, #tpu.memory_space<vmem>>, vector<16xf32>,
        %get3A_410 = arith.index_cast %scan3A_370 : i32 to index
        %get3A_411 = arith.constant 80 : index
        %get3A_412 = tpu.vector_load %arg18[%get3A_410, %get3A_411] {strides = array<i32>} : memref<80x128xf32, #tpu.memory_space<vmem>>, vector<16xf32>,
        %mul3A_413 = arith.mulf %get3A_412, %gather3A_375 : vector<16xf32>
        %swap3A_414 = arith.index_cast %scan3A_370 : i32 to index
        %swap3A_415 = arith.constant 80 : index
        %swap3A_416 = tpu.vector_load %arg19[%swap3A_414, %swap3A_415] {strides = array<i32>} : memref<80x128xf32, #tpu.memory_space<vmem>>, vector<16xf32>,
        tpu.vector_store %arg19[%swap3A_414, %swap3A_415], %mul3A_413 {strides = array<i32>} : memref<80x128xf32, #tpu.memory_space<vmem>>, vector<16xf32>,
        %get3A_417 = arith.index_cast %scan3A_370 : i32 to index
        %get3A_418 = arith.constant 96 : index
        %get3A_419 = tpu.vector_load %arg18[%get3A_417, %get3A_418] {strides = array<i32>} : memref<80x128xf32, #tpu.memory_space<vmem>>, vector<16xf32>,
        %mul3A_420 = arith.mulf %get3A_419, %gather3A_375 : vector<16xf32>
        %swap3A_421 = arith.index_cast %scan3A_370 : i32 to index
        %swap3A_422 = arith.constant 96 : index
        %swap3A_423 = tpu.vector_load %arg19[%swap3A_421, %swap3A_422] {strides = array<i32>} : memref<80x128xf32, #tpu.memory_space<vmem>>, vector<16xf32>,
        tpu.vector_store %arg19[%swap3A_421, %swap3A_422], %mul3A_420 {strides = array<i32>} : memref<80x128xf32, #tpu.memory_space<vmem>>, vector<16xf32>,
        %get3A_424 = arith.index_cast %scan3A_370 : i32 to index
        %get3A_425 = arith.constant 112 : index
        %get3A_426 = tpu.vector_load %arg18[%get3A_424, %get3A_425] {strides = array<i32>} : memref<80x128xf32, #tpu.memory_space<vmem>>, vector<16xf32>,
        %mul3A_427 = arith.mulf %get3A_426, %gather3A_375 : vector<16xf32>
        %swap3A_428 = arith.index_cast %scan3A_370 : i32 to index
        %swap3A_429 = arith.constant 112 : index
        %swap3A_430 = tpu.vector_load %arg19[%swap3A_428, %swap3A_429] {strides = array<i32>} : memref<80x128xf32, #tpu.memory_space<vmem>>, vector<16xf32>,
        tpu.vector_store %arg19[%swap3A_428, %swap3A_429], %mul3A_427 {strides = array<i32>} : memref<80x128xf32, #tpu.memory_space<vmem>>, vector<16xf32>,
      }
      %scan3A_314 = arith.constant 80 : i32
      "tpu.region"() ({
        %run_scoped3A = tpu.sem_alloc : memref<!tpu.dma_semaphore, #tpu.memory_space<semaphore_mem>>
        %dma_start3A_370 = arith.constant 0 : i32
        %dma_start3A_371 = arith.constant 0 : i32
        %dma_start3A_372 = tpu.memref_slice %arg21[%dma_start3A_370, %dma_start3A_371] : memref<10240x128xf32, #tpu.memory_space<vmem_shared>> -> memref<10240x128xf32, #tpu.memory_space<vmem_shared>>
        tpu.enqueue_indirect_dma source(%arg19 : memref<80x128xf32, #tpu.memory_space<vmem>>) target(%dma_start3A_372 : memref<10240x128xf32, #tpu.memory_space<vmem_shared>>) offsets(%arg14 : memref<80xi32, #tpu.memory_space<vmem>>) semaphore(%run_scoped3A : memref<!tpu.dma_semaphore, #tpu.memory_space<semaphore_mem>>) {add = true}
        %dma_wait3A_373 = arith.constant 0 : i32
        %dma_wait3A_374 = arith.constant 0 : i32
        %dma_wait3A_375 = tpu.memref_slice %arg21[%dma_wait3A_373, %dma_wait3A_374] : memref<10240x128xf32, #tpu.memory_space<vmem_shared>> -> memref<10240x128xf32, #tpu.memory_space<vmem_shared>>
        tpu.wait_indirect_dma semaphore(%run_scoped3A : memref<!tpu.dma_semaphore, #tpu.memory_space<semaphore_mem>>) src(%arg19 : memref<80x128xf32, #tpu.memory_space<vmem>>) dst(%dma_wait3A_375 : memref<10240x128xf32, #tpu.memory_space<vmem_shared>>)
        tpu.yield
      }) : () -> ()
      %get3A_315 = arith.constant 0 : index
      %get3A_316 = tpu.vector_load %arg14[%get3A_315] {strides = array<i32>} : memref<80xi32, #tpu.memory_space<vmem>>, vector<16xi32>,
      %add3A_317 = arith.constant 0 : i32
      %add3A_318 = vector.broadcast %add3A_317 : i32 to vector<16xi32>
      %add3A_319 = arith.addi %add3A_318, %iota3A : vector<16xi32>
      %mul3A_320 = arith.constant 4 : i32
      %mul3A_321 = vector.broadcast %mul3A_320 : i32 to vector<16xi32>
      %mul3A_322 = arith.muli %add3A_319, %mul3A_321 : vector<16xi32>
      %add3A_323 = vector.broadcast %add3A_113 : i32 to vector<16xi32>
      %add3A_324 = arith.addi %mul3A_322, %add3A_323 : vector<16xi32>
      %gather3A_325 = tpu.vector_load_idx %arg16[%add3A_324] : memref<320xf32, #tpu.memory_space<vmem>>[vector<16xi32>], vector<16xf32>,
      tpu.vector_store_idx %arg20[%get3A_316], %gather3A_325 {add = true} : memref<10240xf32, #tpu.memory_space<vmem>>[vector<16xi32>], vector<16xf32>,
      %get3A_326 = arith.constant 16 : index
      %get3A_327 = tpu.vector_load %arg14[%get3A_326] {strides = array<i32>} : memref<80xi32, #tpu.memory_space<vmem>>, vector<16xi32>,
      %add3A_328 = arith.constant 16 : i32
      %add3A_329 = vector.broadcast %add3A_328 : i32 to vector<16xi32>
      %add3A_330 = arith.addi %add3A_329, %iota3A : vector<16xi32>
      %mul3A_331 = arith.constant 4 : i32
      %mul3A_332 = vector.broadcast %mul3A_331 : i32 to vector<16xi32>
      %mul3A_333 = arith.muli %add3A_330, %mul3A_332 : vector<16xi32>
      %add3A_334 = vector.broadcast %add3A_113 : i32 to vector<16xi32>
      %add3A_335 = arith.addi %mul3A_333, %add3A_334 : vector<16xi32>
      %gather3A_336 = tpu.vector_load_idx %arg16[%add3A_335] : memref<320xf32, #tpu.memory_space<vmem>>[vector<16xi32>], vector<16xf32>,
      tpu.vector_store_idx %arg20[%get3A_327], %gather3A_336 {add = true} : memref<10240xf32, #tpu.memory_space<vmem>>[vector<16xi32>], vector<16xf32>,
      %get3A_337 = arith.constant 32 : index
      %get3A_338 = tpu.vector_load %arg14[%get3A_337] {strides = array<i32>} : memref<80xi32, #tpu.memory_space<vmem>>, vector<16xi32>,
      %add3A_339 = arith.constant 32 : i32
      %add3A_340 = vector.broadcast %add3A_339 : i32 to vector<16xi32>
      %add3A_341 = arith.addi %add3A_340, %iota3A : vector<16xi32>
      %mul3A_342 = arith.constant 4 : i32
      %mul3A_343 = vector.broadcast %mul3A_342 : i32 to vector<16xi32>
      %mul3A_344 = arith.muli %add3A_341, %mul3A_343 : vector<16xi32>
      %add3A_345 = vector.broadcast %add3A_113 : i32 to vector<16xi32>
      %add3A_346 = arith.addi %mul3A_344, %add3A_345 : vector<16xi32>
      %gather3A_347 = tpu.vector_load_idx %arg16[%add3A_346] : memref<320xf32, #tpu.memory_space<vmem>>[vector<16xi32>], vector<16xf32>,
      tpu.vector_store_idx %arg20[%get3A_338], %gather3A_347 {add = true} : memref<10240xf32, #tpu.memory_space<vmem>>[vector<16xi32>], vector<16xf32>,
      %get3A_348 = arith.constant 48 : index
      %get3A_349 = tpu.vector_load %arg14[%get3A_348] {strides = array<i32>} : memref<80xi32, #tpu.memory_space<vmem>>, vector<16xi32>,
      %add3A_350 = arith.constant 48 : i32
      %add3A_351 = vector.broadcast %add3A_350 : i32 to vector<16xi32>
      %add3A_352 = arith.addi %add3A_351, %iota3A : vector<16xi32>
      %mul3A_353 = arith.constant 4 : i32
      %mul3A_354 = vector.broadcast %mul3A_353 : i32 to vector<16xi32>
      %mul3A_355 = arith.muli %add3A_352, %mul3A_354 : vector<16xi32>
      %add3A_356 = vector.broadcast %add3A_113 : i32 to vector<16xi32>
      %add3A_357 = arith.addi %mul3A_355, %add3A_356 : vector<16xi32>
      %gather3A_358 = tpu.vector_load_idx %arg16[%add3A_357] : memref<320xf32, #tpu.memory_space<vmem>>[vector<16xi32>], vector<16xf32>,
      tpu.vector_store_idx %arg20[%get3A_349], %gather3A_358 {add = true} : memref<10240xf32, #tpu.memory_space<vmem>>[vector<16xi32>], vector<16xf32>,
      %get3A_359 = arith.constant 64 : index
      %get3A_360 = tpu.vector_load %arg14[%get3A_359] {strides = array<i32>} : memref<80xi32, #tpu.memory_space<vmem>>, vector<16xi32>,
      %add3A_361 = arith.constant 64 : i32
      %add3A_362 = vector.broadcast %add3A_361 : i32 to vector<16xi32>
      %add3A_363 = arith.addi %add3A_362, %iota3A : vector<16xi32>
      %mul3A_364 = arith.constant 4 : i32
      %mul3A_365 = vector.broadcast %mul3A_364 : i32 to vector<16xi32>
      %mul3A_366 = arith.muli %add3A_363, %mul3A_365 : vector<16xi32>
      %add3A_367 = vector.broadcast %add3A_113 : i32 to vector<16xi32>
      %add3A_368 = arith.addi %mul3A_366, %add3A_367 : vector<16xi32>
      %gather3A_369 = tpu.vector_load_idx %arg16[%add3A_368] : memref<320xf32, #tpu.memory_space<vmem>>[vector<16xi32>], vector<16xf32>,
      tpu.vector_store_idx %arg20[%get3A_360], %gather3A_369 {add = true} : memref<10240xf32, #tpu.memory_space<vmem>>[vector<16xi32>], vector<16xf32>,
    }
    %scan3A_176 = arith.constant 125 : i32
    %barrier3A_177 = arith.constant 0 : index
    tpu.barrier barrier_id(%barrier3A_177)
    %mul3A_178 = arith.constant 10240 : i32
    %mul3A_179 = arith.muli %add3A_113, %mul3A_178 : i32
    %add3A_180 = arith.constant 0 : i32
    %add3A_181 = arith.addi %mul3A_1, %add3A_180 : i32
    "tpu.region"() ({
      %run_scoped3A = tpu.sem_alloc : memref<!tpu.dma_semaphore, #tpu.memory_space<semaphore_mem>>
      %dma_start3A_226 = arith.constant 0 : i32
      %dma_start3A_227 = tpu.memref_slice %arg21[%add3A_181, %dma_start3A_226] : memref<10240x128xf32, #tpu.memory_space<vmem_shared>> -> memref<80x128xf32, #tpu.memory_space<vmem_shared>>
      %dma_start3A_228 = arith.constant 0 : i32
      %dma_start3A_229 = tpu.memref_slice %arg21[%add3A_181, %dma_start3A_228] : memref<10240x128xf32, #tpu.memory_space<vmem_shared>> -> memref<80x128xf32, #tpu.memory_space<vmem_shared>>
      tpu.enqueue_dma source(%dma_start3A_229 : memref<80x128xf32, #tpu.memory_space<vmem_shared>>) target(%arg19 : memref<80x128xf32, #tpu.memory_space<vmem>>) target_semaphore(%run_scoped3A : memref<!tpu.dma_semaphore, #tpu.memory_space<semaphore_mem>>)
      %dma_wait3A_230 = arith.constant 0 : i32
      %dma_wait3A_231 = tpu.memref_slice %arg21[%add3A_181, %dma_wait3A_230] : memref<10240x128xf32, #tpu.memory_space<vmem_shared>> -> memref<80x128xf32, #tpu.memory_space<vmem_shared>>
      %dma_wait3A_232 = arith.constant 0 : i32
      %dma_wait3A_233 = tpu.memref_slice %arg21[%add3A_181, %dma_wait3A_232] : memref<10240x128xf32, #tpu.memory_space<vmem_shared>> -> memref<80x128xf32, #tpu.memory_space<vmem_shared>>
      tpu.wait_dma2 semaphore(%run_scoped3A : memref<!tpu.dma_semaphore, #tpu.memory_space<semaphore_mem>>) src(%dma_wait3A_233 : memref<80x128xf32, #tpu.memory_space<vmem_shared>>) dst(%arg19 : memref<80x128xf32, #tpu.memory_space<vmem>>)
      tpu.yield
    }) : () -> ()
    %add3A_182 = arith.addi %mul3A_179, %mul3A_1 : i32
    %add3A_183 = arith.constant 0 : i32
    %add3A_184 = arith.addi %add3A_182, %add3A_183 : i32
    "tpu.region"() ({
      %run_scoped3A = tpu.sem_alloc : memref<!tpu.dma_semaphore, #tpu.memory_space<semaphore_mem>>
      %dma_start3A_226 = arith.constant 0 : i32
      %dma_start3A_227 = tpu.memref_slice %arg9[%add3A_184, %dma_start3A_226] : memref<40960x128xf32, #tpu.memory_space<hbm>> -> memref<80x128xf32, #tpu.memory_space<hbm>>
      %dma_start3A_228 = arith.constant 0 : i32
      %dma_start3A_229 = tpu.memref_slice %arg9[%add3A_184, %dma_start3A_228] : memref<40960x128xf32, #tpu.memory_space<hbm>> -> memref<80x128xf32, #tpu.memory_space<hbm>>
      tpu.enqueue_dma source(%arg19 : memref<80x128xf32, #tpu.memory_space<vmem>>) target(%dma_start3A_229 : memref<80x128xf32, #tpu.memory_space<hbm>>) target_semaphore(%run_scoped3A : memref<!tpu.dma_semaphore, #tpu.memory_space<semaphore_mem>>)
      %dma_wait3A_230 = arith.constant 0 : i32
      %dma_wait3A_231 = tpu.memref_slice %arg9[%add3A_184, %dma_wait3A_230] : memref<40960x128xf32, #tpu.memory_space<hbm>> -> memref<80x128xf32, #tpu.memory_space<hbm>>
      %dma_wait3A_232 = arith.constant 0 : i32
      %dma_wait3A_233 = tpu.memref_slice %arg9[%add3A_184, %dma_wait3A_232] : memref<40960x128xf32, #tpu.memory_space<hbm>> -> memref<80x128xf32, #tpu.memory_space<hbm>>
      tpu.wait_dma2 semaphore(%run_scoped3A : memref<!tpu.dma_semaphore, #tpu.memory_space<semaphore_mem>>) src(%arg19 : memref<80x128xf32, #tpu.memory_space<vmem>>) dst(%dma_wait3A_233 : memref<80x128xf32, #tpu.memory_space<hbm>>)
      tpu.yield
    }) : () -> ()
    %add3A_185 = arith.constant 80 : i32
    %add3A_186 = arith.addi %mul3A_1, %add3A_185 : i32
    "tpu.region"() ({
      %run_scoped3A = tpu.sem_alloc : memref<!tpu.dma_semaphore, #tpu.memory_space<semaphore_mem>>
      %dma_start3A_226 = arith.constant 0 : i32
      %dma_start3A_227 = tpu.memref_slice %arg21[%add3A_186, %dma_start3A_226] : memref<10240x128xf32, #tpu.memory_space<vmem_shared>> -> memref<80x128xf32, #tpu.memory_space<vmem_shared>>
      %dma_start3A_228 = arith.constant 0 : i32
      %dma_start3A_229 = tpu.memref_slice %arg21[%add3A_186, %dma_start3A_228] : memref<10240x128xf32, #tpu.memory_space<vmem_shared>> -> memref<80x128xf32, #tpu.memory_space<vmem_shared>>
      tpu.enqueue_dma source(%dma_start3A_229 : memref<80x128xf32, #tpu.memory_space<vmem_shared>>) target(%arg19 : memref<80x128xf32, #tpu.memory_space<vmem>>) target_semaphore(%run_scoped3A : memref<!tpu.dma_semaphore, #tpu.memory_space<semaphore_mem>>)
      %dma_wait3A_230 = arith.constant 0 : i32
      %dma_wait3A_231 = tpu.memref_slice %arg21[%add3A_186, %dma_wait3A_230] : memref<10240x128xf32, #tpu.memory_space<vmem_shared>> -> memref<80x128xf32, #tpu.memory_space<vmem_shared>>
      %dma_wait3A_232 = arith.constant 0 : i32
      %dma_wait3A_233 = tpu.memref_slice %arg21[%add3A_186, %dma_wait3A_232] : memref<10240x128xf32, #tpu.memory_space<vmem_shared>> -> memref<80x128xf32, #tpu.memory_space<vmem_shared>>
      tpu.wait_dma2 semaphore(%run_scoped3A : memref<!tpu.dma_semaphore, #tpu.memory_space<semaphore_mem>>) src(%dma_wait3A_233 : memref<80x128xf32, #tpu.memory_space<vmem_shared>>) dst(%arg19 : memref<80x128xf32, #tpu.memory_space<vmem>>)
      tpu.yield
    }) : () -> ()
    %add3A_187 = arith.addi %mul3A_179, %mul3A_1 : i32
    %add3A_188 = arith.constant 80 : i32
    %add3A_189 = arith.addi %add3A_187, %add3A_188 : i32
    "tpu.region"() ({
      %run_scoped3A = tpu.sem_alloc : memref<!tpu.dma_semaphore, #tpu.memory_space<semaphore_mem>>
      %dma_start3A_226 = arith.constant 0 : i32
      %dma_start3A_227 = tpu.memref_slice %arg9[%add3A_189, %dma_start3A_226] : memref<40960x128xf32, #tpu.memory_space<hbm>> -> memref<80x128xf32, #tpu.memory_space<hbm>>
      %dma_start3A_228 = arith.constant 0 : i32
      %dma_start3A_229 = tpu.memref_slice %arg9[%add3A_189, %dma_start3A_228] : memref<40960x128xf32, #tpu.memory_space<hbm>> -> memref<80x128xf32, #tpu.memory_space<hbm>>
      tpu.enqueue_dma source(%arg19 : memref<80x128xf32, #tpu.memory_space<vmem>>) target(%dma_start3A_229 : memref<80x128xf32, #tpu.memory_space<hbm>>) target_semaphore(%run_scoped3A : memref<!tpu.dma_semaphore, #tpu.memory_space<semaphore_mem>>)
      %dma_wait3A_230 = arith.constant 0 : i32
      %dma_wait3A_231 = tpu.memref_slice %arg9[%add3A_189, %dma_wait3A_230] : memref<40960x128xf32, #tpu.memory_space<hbm>> -> memref<80x128xf32, #tpu.memory_space<hbm>>
      %dma_wait3A_232 = arith.constant 0 : i32
      %dma_wait3A_233 = tpu.memref_slice %arg9[%add3A_189, %dma_wait3A_232] : memref<40960x128xf32, #tpu.memory_space<hbm>> -> memref<80x128xf32, #tpu.memory_space<hbm>>
      tpu.wait_dma2 semaphore(%run_scoped3A : memref<!tpu.dma_semaphore, #tpu.memory_space<semaphore_mem>>) src(%arg19 : memref<80x128xf32, #tpu.memory_space<vmem>>) dst(%dma_wait3A_233 : memref<80x128xf32, #tpu.memory_space<hbm>>)
      tpu.yield
    }) : () -> ()
    %add3A_190 = arith.constant 160 : i32
    %add3A_191 = arith.addi %mul3A_1, %add3A_190 : i32
    "tpu.region"() ({
      %run_scoped3A = tpu.sem_alloc : memref<!tpu.dma_semaphore, #tpu.memory_space<semaphore_mem>>
      %dma_start3A_226 = arith.constant 0 : i32
      %dma_start3A_227 = tpu.memref_slice %arg21[%add3A_191, %dma_start3A_226] : memref<10240x128xf32, #tpu.memory_space<vmem_shared>> -> memref<80x128xf32, #tpu.memory_space<vmem_shared>>
      %dma_start3A_228 = arith.constant 0 : i32
      %dma_start3A_229 = tpu.memref_slice %arg21[%add3A_191, %dma_start3A_228] : memref<10240x128xf32, #tpu.memory_space<vmem_shared>> -> memref<80x128xf32, #tpu.memory_space<vmem_shared>>
      tpu.enqueue_dma source(%dma_start3A_229 : memref<80x128xf32, #tpu.memory_space<vmem_shared>>) target(%arg19 : memref<80x128xf32, #tpu.memory_space<vmem>>) target_semaphore(%run_scoped3A : memref<!tpu.dma_semaphore, #tpu.memory_space<semaphore_mem>>)
      %dma_wait3A_230 = arith.constant 0 : i32
      %dma_wait3A_231 = tpu.memref_slice %arg21[%add3A_191, %dma_wait3A_230] : memref<10240x128xf32, #tpu.memory_space<vmem_shared>> -> memref<80x128xf32, #tpu.memory_space<vmem_shared>>
      %dma_wait3A_232 = arith.constant 0 : i32
      %dma_wait3A_233 = tpu.memref_slice %arg21[%add3A_191, %dma_wait3A_232] : memref<10240x128xf32, #tpu.memory_space<vmem_shared>> -> memref<80x128xf32, #tpu.memory_space<vmem_shared>>
      tpu.wait_dma2 semaphore(%run_scoped3A : memref<!tpu.dma_semaphore, #tpu.memory_space<semaphore_mem>>) src(%dma_wait3A_233 : memref<80x128xf32, #tpu.memory_space<vmem_shared>>) dst(%arg19 : memref<80x128xf32, #tpu.memory_space<vmem>>)
      tpu.yield
    }) : () -> ()
    %add3A_192 = arith.addi %mul3A_179, %mul3A_1 : i32
    %add3A_193 = arith.constant 160 : i32
    %add3A_194 = arith.addi %add3A_192, %add3A_193 : i32
    "tpu.region"() ({
      %run_scoped3A = tpu.sem_alloc : memref<!tpu.dma_semaphore, #tpu.memory_space<semaphore_mem>>
      %dma_start3A_226 = arith.constant 0 : i32
      %dma_start3A_227 = tpu.memref_slice %arg9[%add3A_194, %dma_start3A_226] : memref<40960x128xf32, #tpu.memory_space<hbm>> -> memref<80x128xf32, #tpu.memory_space<hbm>>
      %dma_start3A_228 = arith.constant 0 : i32
      %dma_start3A_229 = tpu.memref_slice %arg9[%add3A_194, %dma_start3A_228] : memref<40960x128xf32, #tpu.memory_space<hbm>> -> memref<80x128xf32, #tpu.memory_space<hbm>>
      tpu.enqueue_dma source(%arg19 : memref<80x128xf32, #tpu.memory_space<vmem>>) target(%dma_start3A_229 : memref<80x128xf32, #tpu.memory_space<hbm>>) target_semaphore(%run_scoped3A : memref<!tpu.dma_semaphore, #tpu.memory_space<semaphore_mem>>)
      %dma_wait3A_230 = arith.constant 0 : i32
      %dma_wait3A_231 = tpu.memref_slice %arg9[%add3A_194, %dma_wait3A_230] : memref<40960x128xf32, #tpu.memory_space<hbm>> -> memref<80x128xf32, #tpu.memory_space<hbm>>
      %dma_wait3A_232 = arith.constant 0 : i32
      %dma_wait3A_233 = tpu.memref_slice %arg9[%add3A_194, %dma_wait3A_232] : memref<40960x128xf32, #tpu.memory_space<hbm>> -> memref<80x128xf32, #tpu.memory_space<hbm>>
      tpu.wait_dma2 semaphore(%run_scoped3A : memref<!tpu.dma_semaphore, #tpu.memory_space<semaphore_mem>>) src(%arg19 : memref<80x128xf32, #tpu.memory_space<vmem>>) dst(%dma_wait3A_233 : memref<80x128xf32, #tpu.memory_space<hbm>>)
      tpu.yield
    }) : () -> ()
    %add3A_195 = arith.constant 240 : i32
    %add3A_196 = arith.addi %mul3A_1, %add3A_195 : i32
    "tpu.region"() ({
      %run_scoped3A = tpu.sem_alloc : memref<!tpu.dma_semaphore, #tpu.memory_space<semaphore_mem>>
      %dma_start3A_226 = arith.constant 0 : i32
      %dma_start3A_227 = tpu.memref_slice %arg21[%add3A_196, %dma_start3A_226] : memref<10240x128xf32, #tpu.memory_space<vmem_shared>> -> memref<80x128xf32, #tpu.memory_space<vmem_shared>>
      %dma_start3A_228 = arith.constant 0 : i32
      %dma_start3A_229 = tpu.memref_slice %arg21[%add3A_196, %dma_start3A_228] : memref<10240x128xf32, #tpu.memory_space<vmem_shared>> -> memref<80x128xf32, #tpu.memory_space<vmem_shared>>
      tpu.enqueue_dma source(%dma_start3A_229 : memref<80x128xf32, #tpu.memory_space<vmem_shared>>) target(%arg19 : memref<80x128xf32, #tpu.memory_space<vmem>>) target_semaphore(%run_scoped3A : memref<!tpu.dma_semaphore, #tpu.memory_space<semaphore_mem>>)
      %dma_wait3A_230 = arith.constant 0 : i32
      %dma_wait3A_231 = tpu.memref_slice %arg21[%add3A_196, %dma_wait3A_230] : memref<10240x128xf32, #tpu.memory_space<vmem_shared>> -> memref<80x128xf32, #tpu.memory_space<vmem_shared>>
      %dma_wait3A_232 = arith.constant 0 : i32
      %dma_wait3A_233 = tpu.memref_slice %arg21[%add3A_196, %dma_wait3A_232] : memref<10240x128xf32, #tpu.memory_space<vmem_shared>> -> memref<80x128xf32, #tpu.memory_space<vmem_shared>>
      tpu.wait_dma2 semaphore(%run_scoped3A : memref<!tpu.dma_semaphore, #tpu.memory_space<semaphore_mem>>) src(%dma_wait3A_233 : memref<80x128xf32, #tpu.memory_space<vmem_shared>>) dst(%arg19 : memref<80x128xf32, #tpu.memory_space<vmem>>)
      tpu.yield
    }) : () -> ()
    %add3A_197 = arith.addi %mul3A_179, %mul3A_1 : i32
    %add3A_198 = arith.constant 240 : i32
    %add3A_199 = arith.addi %add3A_197, %add3A_198 : i32
    "tpu.region"() ({
      %run_scoped3A = tpu.sem_alloc : memref<!tpu.dma_semaphore, #tpu.memory_space<semaphore_mem>>
      %dma_start3A_226 = arith.constant 0 : i32
      %dma_start3A_227 = tpu.memref_slice %arg9[%add3A_199, %dma_start3A_226] : memref<40960x128xf32, #tpu.memory_space<hbm>> -> memref<80x128xf32, #tpu.memory_space<hbm>>
      %dma_start3A_228 = arith.constant 0 : i32
      %dma_start3A_229 = tpu.memref_slice %arg9[%add3A_199, %dma_start3A_228] : memref<40960x128xf32, #tpu.memory_space<hbm>> -> memref<80x128xf32, #tpu.memory_space<hbm>>
      tpu.enqueue_dma source(%arg19 : memref<80x128xf32, #tpu.memory_space<vmem>>) target(%dma_start3A_229 : memref<80x128xf32, #tpu.memory_space<hbm>>) target_semaphore(%run_scoped3A : memref<!tpu.dma_semaphore, #tpu.memory_space<semaphore_mem>>)
      %dma_wait3A_230 = arith.constant 0 : i32
      %dma_wait3A_231 = tpu.memref_slice %arg9[%add3A_199, %dma_wait3A_230] : memref<40960x128xf32, #tpu.memory_space<hbm>> -> memref<80x128xf32, #tpu.memory_space<hbm>>
      %dma_wait3A_232 = arith.constant 0 : i32
      %dma_wait3A_233 = tpu.memref_slice %arg9[%add3A_199, %dma_wait3A_232] : memref<40960x128xf32, #tpu.memory_space<hbm>> -> memref<80x128xf32, #tpu.memory_space<hbm>>
      tpu.wait_dma2 semaphore(%run_scoped3A : memref<!tpu.dma_semaphore, #tpu.memory_space<semaphore_mem>>) src(%arg19 : memref<80x128xf32, #tpu.memory_space<vmem>>) dst(%dma_wait3A_233 : memref<80x128xf32, #tpu.memory_space<hbm>>)
      tpu.yield
    }) : () -> ()
    %add3A_200 = arith.constant 320 : i32
    %add3A_201 = arith.addi %mul3A_1, %add3A_200 : i32
    "tpu.region"() ({
      %run_scoped3A = tpu.sem_alloc : memref<!tpu.dma_semaphore, #tpu.memory_space<semaphore_mem>>
      %dma_start3A_226 = arith.constant 0 : i32
      %dma_start3A_227 = tpu.memref_slice %arg21[%add3A_201, %dma_start3A_226] : memref<10240x128xf32, #tpu.memory_space<vmem_shared>> -> memref<80x128xf32, #tpu.memory_space<vmem_shared>>
      %dma_start3A_228 = arith.constant 0 : i32
      %dma_start3A_229 = tpu.memref_slice %arg21[%add3A_201, %dma_start3A_228] : memref<10240x128xf32, #tpu.memory_space<vmem_shared>> -> memref<80x128xf32, #tpu.memory_space<vmem_shared>>
      tpu.enqueue_dma source(%dma_start3A_229 : memref<80x128xf32, #tpu.memory_space<vmem_shared>>) target(%arg19 : memref<80x128xf32, #tpu.memory_space<vmem>>) target_semaphore(%run_scoped3A : memref<!tpu.dma_semaphore, #tpu.memory_space<semaphore_mem>>)
      %dma_wait3A_230 = arith.constant 0 : i32
      %dma_wait3A_231 = tpu.memref_slice %arg21[%add3A_201, %dma_wait3A_230] : memref<10240x128xf32, #tpu.memory_space<vmem_shared>> -> memref<80x128xf32, #tpu.memory_space<vmem_shared>>
      %dma_wait3A_232 = arith.constant 0 : i32
      %dma_wait3A_233 = tpu.memref_slice %arg21[%add3A_201, %dma_wait3A_232] : memref<10240x128xf32, #tpu.memory_space<vmem_shared>> -> memref<80x128xf32, #tpu.memory_space<vmem_shared>>
      tpu.wait_dma2 semaphore(%run_scoped3A : memref<!tpu.dma_semaphore, #tpu.memory_space<semaphore_mem>>) src(%dma_wait3A_233 : memref<80x128xf32, #tpu.memory_space<vmem_shared>>) dst(%arg19 : memref<80x128xf32, #tpu.memory_space<vmem>>)
      tpu.yield
    }) : () -> ()
    %add3A_202 = arith.addi %mul3A_179, %mul3A_1 : i32
    %add3A_203 = arith.constant 320 : i32
    %add3A_204 = arith.addi %add3A_202, %add3A_203 : i32
    "tpu.region"() ({
      %run_scoped3A = tpu.sem_alloc : memref<!tpu.dma_semaphore, #tpu.memory_space<semaphore_mem>>
      %dma_start3A_226 = arith.constant 0 : i32
      %dma_start3A_227 = tpu.memref_slice %arg9[%add3A_204, %dma_start3A_226] : memref<40960x128xf32, #tpu.memory_space<hbm>> -> memref<80x128xf32, #tpu.memory_space<hbm>>
      %dma_start3A_228 = arith.constant 0 : i32
      %dma_start3A_229 = tpu.memref_slice %arg9[%add3A_204, %dma_start3A_228] : memref<40960x128xf32, #tpu.memory_space<hbm>> -> memref<80x128xf32, #tpu.memory_space<hbm>>
      tpu.enqueue_dma source(%arg19 : memref<80x128xf32, #tpu.memory_space<vmem>>) target(%dma_start3A_229 : memref<80x128xf32, #tpu.memory_space<hbm>>) target_semaphore(%run_scoped3A : memref<!tpu.dma_semaphore, #tpu.memory_space<semaphore_mem>>)
      %dma_wait3A_230 = arith.constant 0 : i32
      %dma_wait3A_231 = tpu.memref_slice %arg9[%add3A_204, %dma_wait3A_230] : memref<40960x128xf32, #tpu.memory_space<hbm>> -> memref<80x128xf32, #tpu.memory_space<hbm>>
      %dma_wait3A_232 = arith.constant 0 : i32
      %dma_wait3A_233 = tpu.memref_slice %arg9[%add3A_204, %dma_wait3A_232] : memref<40960x128xf32, #tpu.memory_space<hbm>> -> memref<80x128xf32, #tpu.memory_space<hbm>>
      tpu.wait_dma2 semaphore(%run_scoped3A : memref<!tpu.dma_semaphore, #tpu.memory_space<semaphore_mem>>) src(%arg19 : memref<80x128xf32, #tpu.memory_space<vmem>>) dst(%dma_wait3A_233 : memref<80x128xf32, #tpu.memory_space<hbm>>)
      tpu.yield
    }) : () -> ()
    %add3A_205 = arith.constant 400 : i32
    %add3A_206 = arith.addi %mul3A_1, %add3A_205 : i32
    "tpu.region"() ({
      %run_scoped3A = tpu.sem_alloc : memref<!tpu.dma_semaphore, #tpu.memory_space<semaphore_mem>>
      %dma_start3A_226 = arith.constant 0 : i32
      %dma_start3A_227 = tpu.memref_slice %arg21[%add3A_206, %dma_start3A_226] : memref<10240x128xf32, #tpu.memory_space<vmem_shared>> -> memref<80x128xf32, #tpu.memory_space<vmem_shared>>
      %dma_start3A_228 = arith.constant 0 : i32
      %dma_start3A_229 = tpu.memref_slice %arg21[%add3A_206, %dma_start3A_228] : memref<10240x128xf32, #tpu.memory_space<vmem_shared>> -> memref<80x128xf32, #tpu.memory_space<vmem_shared>>
      tpu.enqueue_dma source(%dma_start3A_229 : memref<80x128xf32, #tpu.memory_space<vmem_shared>>) target(%arg19 : memref<80x128xf32, #tpu.memory_space<vmem>>) target_semaphore(%run_scoped3A : memref<!tpu.dma_semaphore, #tpu.memory_space<semaphore_mem>>)
      %dma_wait3A_230 = arith.constant 0 : i32
      %dma_wait3A_231 = tpu.memref_slice %arg21[%add3A_206, %dma_wait3A_230] : memref<10240x128xf32, #tpu.memory_space<vmem_shared>> -> memref<80x128xf32, #tpu.memory_space<vmem_shared>>
      %dma_wait3A_232 = arith.constant 0 : i32
      %dma_wait3A_233 = tpu.memref_slice %arg21[%add3A_206, %dma_wait3A_232] : memref<10240x128xf32, #tpu.memory_space<vmem_shared>> -> memref<80x128xf32, #tpu.memory_space<vmem_shared>>
      tpu.wait_dma2 semaphore(%run_scoped3A : memref<!tpu.dma_semaphore, #tpu.memory_space<semaphore_mem>>) src(%dma_wait3A_233 : memref<80x128xf32, #tpu.memory_space<vmem_shared>>) dst(%arg19 : memref<80x128xf32, #tpu.memory_space<vmem>>)
      tpu.yield
    }) : () -> ()
    %add3A_207 = arith.addi %mul3A_179, %mul3A_1 : i32
    %add3A_208 = arith.constant 400 : i32
    %add3A_209 = arith.addi %add3A_207, %add3A_208 : i32
    "tpu.region"() ({
      %run_scoped3A = tpu.sem_alloc : memref<!tpu.dma_semaphore, #tpu.memory_space<semaphore_mem>>
      %dma_start3A_226 = arith.constant 0 : i32
      %dma_start3A_227 = tpu.memref_slice %arg9[%add3A_209, %dma_start3A_226] : memref<40960x128xf32, #tpu.memory_space<hbm>> -> memref<80x128xf32, #tpu.memory_space<hbm>>
      %dma_start3A_228 = arith.constant 0 : i32
      %dma_start3A_229 = tpu.memref_slice %arg9[%add3A_209, %dma_start3A_228] : memref<40960x128xf32, #tpu.memory_space<hbm>> -> memref<80x128xf32, #tpu.memory_space<hbm>>
      tpu.enqueue_dma source(%arg19 : memref<80x128xf32, #tpu.memory_space<vmem>>) target(%dma_start3A_229 : memref<80x128xf32, #tpu.memory_space<hbm>>) target_semaphore(%run_scoped3A : memref<!tpu.dma_semaphore, #tpu.memory_space<semaphore_mem>>)
      %dma_wait3A_230 = arith.constant 0 : i32
      %dma_wait3A_231 = tpu.memref_slice %arg9[%add3A_209, %dma_wait3A_230] : memref<40960x128xf32, #tpu.memory_space<hbm>> -> memref<80x128xf32, #tpu.memory_space<hbm>>
      %dma_wait3A_232 = arith.constant 0 : i32
      %dma_wait3A_233 = tpu.memref_slice %arg9[%add3A_209, %dma_wait3A_232] : memref<40960x128xf32, #tpu.memory_space<hbm>> -> memref<80x128xf32, #tpu.memory_space<hbm>>
      tpu.wait_dma2 semaphore(%run_scoped3A : memref<!tpu.dma_semaphore, #tpu.memory_space<semaphore_mem>>) src(%arg19 : memref<80x128xf32, #tpu.memory_space<vmem>>) dst(%dma_wait3A_233 : memref<80x128xf32, #tpu.memory_space<hbm>>)
      tpu.yield
    }) : () -> ()
    %add3A_210 = arith.constant 480 : i32
    %add3A_211 = arith.addi %mul3A_1, %add3A_210 : i32
    "tpu.region"() ({
      %run_scoped3A = tpu.sem_alloc : memref<!tpu.dma_semaphore, #tpu.memory_space<semaphore_mem>>
      %dma_start3A_226 = arith.constant 0 : i32
      %dma_start3A_227 = tpu.memref_slice %arg21[%add3A_211, %dma_start3A_226] : memref<10240x128xf32, #tpu.memory_space<vmem_shared>> -> memref<80x128xf32, #tpu.memory_space<vmem_shared>>
      %dma_start3A_228 = arith.constant 0 : i32
      %dma_start3A_229 = tpu.memref_slice %arg21[%add3A_211, %dma_start3A_228] : memref<10240x128xf32, #tpu.memory_space<vmem_shared>> -> memref<80x128xf32, #tpu.memory_space<vmem_shared>>
      tpu.enqueue_dma source(%dma_start3A_229 : memref<80x128xf32, #tpu.memory_space<vmem_shared>>) target(%arg19 : memref<80x128xf32, #tpu.memory_space<vmem>>) target_semaphore(%run_scoped3A : memref<!tpu.dma_semaphore, #tpu.memory_space<semaphore_mem>>)
      %dma_wait3A_230 = arith.constant 0 : i32
      %dma_wait3A_231 = tpu.memref_slice %arg21[%add3A_211, %dma_wait3A_230] : memref<10240x128xf32, #tpu.memory_space<vmem_shared>> -> memref<80x128xf32, #tpu.memory_space<vmem_shared>>
      %dma_wait3A_232 = arith.constant 0 : i32
      %dma_wait3A_233 = tpu.memref_slice %arg21[%add3A_211, %dma_wait3A_232] : memref<10240x128xf32, #tpu.memory_space<vmem_shared>> -> memref<80x128xf32, #tpu.memory_space<vmem_shared>>
      tpu.wait_dma2 semaphore(%run_scoped3A : memref<!tpu.dma_semaphore, #tpu.memory_space<semaphore_mem>>) src(%dma_wait3A_233 : memref<80x128xf32, #tpu.memory_space<vmem_shared>>) dst(%arg19 : memref<80x128xf32, #tpu.memory_space<vmem>>)
      tpu.yield
    }) : () -> ()
    %add3A_212 = arith.addi %mul3A_179, %mul3A_1 : i32
    %add3A_213 = arith.constant 480 : i32
    %add3A_214 = arith.addi %add3A_212, %add3A_213 : i32
    "tpu.region"() ({
      %run_scoped3A = tpu.sem_alloc : memref<!tpu.dma_semaphore, #tpu.memory_space<semaphore_mem>>
      %dma_start3A_226 = arith.constant 0 : i32
      %dma_start3A_227 = tpu.memref_slice %arg9[%add3A_214, %dma_start3A_226] : memref<40960x128xf32, #tpu.memory_space<hbm>> -> memref<80x128xf32, #tpu.memory_space<hbm>>
      %dma_start3A_228 = arith.constant 0 : i32
      %dma_start3A_229 = tpu.memref_slice %arg9[%add3A_214, %dma_start3A_228] : memref<40960x128xf32, #tpu.memory_space<hbm>> -> memref<80x128xf32, #tpu.memory_space<hbm>>
      tpu.enqueue_dma source(%arg19 : memref<80x128xf32, #tpu.memory_space<vmem>>) target(%dma_start3A_229 : memref<80x128xf32, #tpu.memory_space<hbm>>) target_semaphore(%run_scoped3A : memref<!tpu.dma_semaphore, #tpu.memory_space<semaphore_mem>>)
      %dma_wait3A_230 = arith.constant 0 : i32
      %dma_wait3A_231 = tpu.memref_slice %arg9[%add3A_214, %dma_wait3A_230] : memref<40960x128xf32, #tpu.memory_space<hbm>> -> memref<80x128xf32, #tpu.memory_space<hbm>>
      %dma_wait3A_232 = arith.constant 0 : i32
      %dma_wait3A_233 = tpu.memref_slice %arg9[%add3A_214, %dma_wait3A_232] : memref<40960x128xf32, #tpu.memory_space<hbm>> -> memref<80x128xf32, #tpu.memory_space<hbm>>
      tpu.wait_dma2 semaphore(%run_scoped3A : memref<!tpu.dma_semaphore, #tpu.memory_space<semaphore_mem>>) src(%arg19 : memref<80x128xf32, #tpu.memory_space<vmem>>) dst(%dma_wait3A_233 : memref<80x128xf32, #tpu.memory_space<hbm>>)
      tpu.yield
    }) : () -> ()
    %add3A_215 = arith.constant 560 : i32
    %add3A_216 = arith.addi %mul3A_1, %add3A_215 : i32
    "tpu.region"() ({
      %run_scoped3A = tpu.sem_alloc : memref<!tpu.dma_semaphore, #tpu.memory_space<semaphore_mem>>
      %dma_start3A_226 = arith.constant 0 : i32
      %dma_start3A_227 = tpu.memref_slice %arg21[%add3A_216, %dma_start3A_226] : memref<10240x128xf32, #tpu.memory_space<vmem_shared>> -> memref<80x128xf32, #tpu.memory_space<vmem_shared>>
      %dma_start3A_228 = arith.constant 0 : i32
      %dma_start3A_229 = tpu.memref_slice %arg21[%add3A_216, %dma_start3A_228] : memref<10240x128xf32, #tpu.memory_space<vmem_shared>> -> memref<80x128xf32, #tpu.memory_space<vmem_shared>>
      tpu.enqueue_dma source(%dma_start3A_229 : memref<80x128xf32, #tpu.memory_space<vmem_shared>>) target(%arg19 : memref<80x128xf32, #tpu.memory_space<vmem>>) target_semaphore(%run_scoped3A : memref<!tpu.dma_semaphore, #tpu.memory_space<semaphore_mem>>)
      %dma_wait3A_230 = arith.constant 0 : i32
      %dma_wait3A_231 = tpu.memref_slice %arg21[%add3A_216, %dma_wait3A_230] : memref<10240x128xf32, #tpu.memory_space<vmem_shared>> -> memref<80x128xf32, #tpu.memory_space<vmem_shared>>
      %dma_wait3A_232 = arith.constant 0 : i32
      %dma_wait3A_233 = tpu.memref_slice %arg21[%add3A_216, %dma_wait3A_232] : memref<10240x128xf32, #tpu.memory_space<vmem_shared>> -> memref<80x128xf32, #tpu.memory_space<vmem_shared>>
      tpu.wait_dma2 semaphore(%run_scoped3A : memref<!tpu.dma_semaphore, #tpu.memory_space<semaphore_mem>>) src(%dma_wait3A_233 : memref<80x128xf32, #tpu.memory_space<vmem_shared>>) dst(%arg19 : memref<80x128xf32, #tpu.memory_space<vmem>>)
      tpu.yield
    }) : () -> ()
    %add3A_217 = arith.addi %mul3A_179, %mul3A_1 : i32
    %add3A_218 = arith.constant 560 : i32
    %add3A_219 = arith.addi %add3A_217, %add3A_218 : i32
    "tpu.region"() ({
      %run_scoped3A = tpu.sem_alloc : memref<!tpu.dma_semaphore, #tpu.memory_space<semaphore_mem>>
      %dma_start3A_226 = arith.constant 0 : i32
      %dma_start3A_227 = tpu.memref_slice %arg9[%add3A_219, %dma_start3A_226] : memref<40960x128xf32, #tpu.memory_space<hbm>> -> memref<80x128xf32, #tpu.memory_space<hbm>>
      %dma_start3A_228 = arith.constant 0 : i32
      %dma_start3A_229 = tpu.memref_slice %arg9[%add3A_219, %dma_start3A_228] : memref<40960x128xf32, #tpu.memory_space<hbm>> -> memref<80x128xf32, #tpu.memory_space<hbm>>
      tpu.enqueue_dma source(%arg19 : memref<80x128xf32, #tpu.memory_space<vmem>>) target(%dma_start3A_229 : memref<80x128xf32, #tpu.memory_space<hbm>>) target_semaphore(%run_scoped3A : memref<!tpu.dma_semaphore, #tpu.memory_space<semaphore_mem>>)
      %dma_wait3A_230 = arith.constant 0 : i32
      %dma_wait3A_231 = tpu.memref_slice %arg9[%add3A_219, %dma_wait3A_230] : memref<40960x128xf32, #tpu.memory_space<hbm>> -> memref<80x128xf32, #tpu.memory_space<hbm>>
      %dma_wait3A_232 = arith.constant 0 : i32
      %dma_wait3A_233 = tpu.memref_slice %arg9[%add3A_219, %dma_wait3A_232] : memref<40960x128xf32, #tpu.memory_space<hbm>> -> memref<80x128xf32, #tpu.memory_space<hbm>>
      tpu.wait_dma2 semaphore(%run_scoped3A : memref<!tpu.dma_semaphore, #tpu.memory_space<semaphore_mem>>) src(%arg19 : memref<80x128xf32, #tpu.memory_space<vmem>>) dst(%dma_wait3A_233 : memref<80x128xf32, #tpu.memory_space<hbm>>)
      tpu.yield
    }) : () -> ()
    %mul3A_220 = arith.constant 16 : i32
    %mul3A_221 = arith.muli %add3A_113, %mul3A_220 : i32
    %add3A_222 = arith.addi %mul3A_221, %arg1 : i32
    %mul3A_223 = arith.constant 10240 : i32
    %mul3A_224 = arith.muli %add3A_222, %mul3A_223 : i32
    "tpu.region"() ({
      %run_scoped3A = tpu.sem_alloc : memref<!tpu.dma_semaphore, #tpu.memory_space<semaphore_mem>>
      %dma_start3A_226 = tpu.memref_slice %arg10[%mul3A_224] : memref<655360xf32, #tpu.memory_space<hbm>> -> memref<10240xf32, #tpu.memory_space<hbm>>
      %dma_start3A_227 = tpu.memref_slice %arg10[%mul3A_224] : memref<655360xf32, #tpu.memory_space<hbm>> -> memref<10240xf32, #tpu.memory_space<hbm>>
      tpu.enqueue_dma source(%arg20 : memref<10240xf32, #tpu.memory_space<vmem>>) target(%dma_start3A_227 : memref<10240xf32, #tpu.memory_space<hbm>>) target_semaphore(%run_scoped3A : memref<!tpu.dma_semaphore, #tpu.memory_space<semaphore_mem>>)
      %dma_wait3A_228 = tpu.memref_slice %arg10[%mul3A_224] : memref<655360xf32, #tpu.memory_space<hbm>> -> memref<10240xf32, #tpu.memory_space<hbm>>
      %dma_wait3A_229 = tpu.memref_slice %arg10[%mul3A_224] : memref<655360xf32, #tpu.memory_space<hbm>> -> memref<10240xf32, #tpu.memory_space<hbm>>
      tpu.wait_dma2 semaphore(%run_scoped3A : memref<!tpu.dma_semaphore, #tpu.memory_space<semaphore_mem>>) src(%arg20 : memref<10240xf32, #tpu.memory_space<vmem>>) dst(%dma_wait3A_229 : memref<10240xf32, #tpu.memory_space<hbm>>)
      tpu.yield
    }) : () -> ()
    %barrier3A_225 = arith.constant 0 : index
    tpu.barrier barrier_id(%barrier3A_225)
    return
  }
}

module attributes {stable_mosaic.version = 14 : i64} {
  func.func @_proj_body(%arg0: i32, %arg1: i32, %arg2: memref<2000x128xf32, #tpu.memory_space<vmem>>, %arg3: memref<1x128x128xf32, #tpu.memory_space<vmem>>, %arg4: memref<1x1x128xf32, #tpu.memory_space<vmem>>, %arg5: memref<1x128x128xf32, #tpu.memory_space<vmem>>, %arg6: memref<1x1x128xf32, #tpu.memory_space<vmem>>, %arg7: memref<1x128x128xf32, #tpu.memory_space<vmem>>, %arg8: memref<1x1x128xf32, #tpu.memory_space<vmem>>, %arg9: memref<2000x128xf32, #tpu.memory_space<vmem>>, %arg10: memref<2000x128xf32, #tpu.memory_space<vmem>>, %arg11: memref<2000x128xf32, #tpu.memory_space<vmem>>) attributes {dimension_semantics = [#tpu.dimension_semantics<arbitrary>, #tpu.dimension_semantics<arbitrary>], iteration_bounds = array<i64: 4, 5>, scalar_prefetch = 0 : i64, scratch_operands = 0 : i64, tpu.core_type = #tpu.core_type<tc>, window_params = [{transform_indices = @transform_0, window_bounds = array<i64: 2000, 128>}, {transform_indices = @transform_1, window_bounds = array<i64: 1, 128, 128>}, {transform_indices = @transform_2, window_bounds = array<i64: 1, 1, 128>}, {transform_indices = @transform_3, window_bounds = array<i64: 1, 128, 128>}, {transform_indices = @transform_4, window_bounds = array<i64: 1, 1, 128>}, {transform_indices = @transform_5, window_bounds = array<i64: 1, 128, 128>}, {transform_indices = @transform_6, window_bounds = array<i64: 1, 1, 128>}, {transform_indices = @transform_7, window_bounds = array<i64: 2000, 128>}, {transform_indices = @transform_8, window_bounds = array<i64: 2000, 128>}, {transform_indices = @transform_9, window_bounds = array<i64: 2000, 128>}]} {
    %get3A = arith.constant 0 : index
    %get3A_0 = arith.constant 0 : index
    %get3A_1 = vector.load %arg2[%get3A, %get3A_0] : memref<2000x128xf32, #tpu.memory_space<vmem>>, vector<2000x128xf32>
    %get3A_2 = arith.constant 0 : index
    %get3A_3 = arith.constant 0 : index
    %get3A_4 = arith.constant 0 : index
    %get3A_5 = vector.load %arg3[%get3A_2, %get3A_3, %get3A_4] : memref<1x128x128xf32, #tpu.memory_space<vmem>>, vector<1x128x128xf32>
    %get3A_6 = vector.shape_cast %get3A_5 : vector<1x128x128xf32> to vector<128x128xf32>
    %dot_general3A = arith.constant dense<0.000000e+00> : vector<2000x128xf32>
    %dot_general3A_7 = tpu.matmul %get3A_1, %get3A_6, %dot_general3A {dimension_numbers = #tpu.dot_dimension_numbers<[1], [0], [0], [1], [0, 0, 1, 1], [], []>, transpose_lhs_hint = false} : vector<2000x128xf32>, vector<128x128xf32>, vector<2000x128xf32> -> vector<2000x128xf32>
    %get3A_8 = arith.constant 0 : index
    %get3A_9 = arith.constant 0 : index
    %get3A_10 = arith.constant 0 : index
    %get3A_11 = vector.load %arg4[%get3A_8, %get3A_9, %get3A_10] : memref<1x1x128xf32, #tpu.memory_space<vmem>>, vector<1x1x128xf32>
    %get3A_12 = vector.shape_cast %get3A_11 : vector<1x1x128xf32> to vector<1x128xf32>
    %add3A = vector.broadcast %get3A_12 : vector<1x128xf32> to vector<2000x128xf32>
    %add3A_13 = arith.addf %dot_general3A_7, %add3A : vector<2000x128xf32>
    %swap3A = arith.constant 0 : index
    %swap3A_14 = arith.constant 0 : index
    %swap3A_15 = vector.load %arg9[%swap3A, %swap3A_14] : memref<2000x128xf32, #tpu.memory_space<vmem>>, vector<2000x128xf32>
    tpu.vector_store %arg9[%swap3A, %swap3A_14], %add3A_13 {strides = array<i32>} : memref<2000x128xf32, #tpu.memory_space<vmem>>, vector<2000x128xf32>,
    %get3A_16 = arith.constant 0 : index
    %get3A_17 = arith.constant 0 : index
    %get3A_18 = arith.constant 0 : index
    %get3A_19 = vector.load %arg5[%get3A_16, %get3A_17, %get3A_18] : memref<1x128x128xf32, #tpu.memory_space<vmem>>, vector<1x128x128xf32>
    %get3A_20 = vector.shape_cast %get3A_19 : vector<1x128x128xf32> to vector<128x128xf32>
    %dot_general3A_21 = arith.constant dense<0.000000e+00> : vector<2000x128xf32>
    %dot_general3A_22 = tpu.matmul %get3A_1, %get3A_20, %dot_general3A_21 {dimension_numbers = #tpu.dot_dimension_numbers<[1], [0], [0], [1], [0, 0, 1, 1], [], []>, transpose_lhs_hint = false} : vector<2000x128xf32>, vector<128x128xf32>, vector<2000x128xf32> -> vector<2000x128xf32>
    %get3A_23 = arith.constant 0 : index
    %get3A_24 = arith.constant 0 : index
    %get3A_25 = arith.constant 0 : index
    %get3A_26 = vector.load %arg6[%get3A_23, %get3A_24, %get3A_25] : memref<1x1x128xf32, #tpu.memory_space<vmem>>, vector<1x1x128xf32>
    %get3A_27 = vector.shape_cast %get3A_26 : vector<1x1x128xf32> to vector<1x128xf32>
    %add3A_28 = vector.broadcast %get3A_27 : vector<1x128xf32> to vector<2000x128xf32>
    %add3A_29 = arith.addf %dot_general3A_22, %add3A_28 : vector<2000x128xf32>
    %swap3A_30 = arith.constant 0 : index
    %swap3A_31 = arith.constant 0 : index
    %swap3A_32 = vector.load %arg10[%swap3A_30, %swap3A_31] : memref<2000x128xf32, #tpu.memory_space<vmem>>, vector<2000x128xf32>
    tpu.vector_store %arg10[%swap3A_30, %swap3A_31], %add3A_29 {strides = array<i32>} : memref<2000x128xf32, #tpu.memory_space<vmem>>, vector<2000x128xf32>,
    %get3A_33 = arith.constant 0 : index
    %get3A_34 = arith.constant 0 : index
    %get3A_35 = arith.constant 0 : index
    %get3A_36 = vector.load %arg7[%get3A_33, %get3A_34, %get3A_35] : memref<1x128x128xf32, #tpu.memory_space<vmem>>, vector<1x128x128xf32>
    %get3A_37 = vector.shape_cast %get3A_36 : vector<1x128x128xf32> to vector<128x128xf32>
    %dot_general3A_38 = arith.constant dense<0.000000e+00> : vector<2000x128xf32>
    %dot_general3A_39 = tpu.matmul %get3A_1, %get3A_37, %dot_general3A_38 {dimension_numbers = #tpu.dot_dimension_numbers<[1], [0], [0], [1], [0, 0, 1, 1], [], []>, transpose_lhs_hint = false} : vector<2000x128xf32>, vector<128x128xf32>, vector<2000x128xf32> -> vector<2000x128xf32>
    %get3A_40 = arith.constant 0 : index
    %get3A_41 = arith.constant 0 : index
    %get3A_42 = arith.constant 0 : index
    %get3A_43 = vector.load %arg8[%get3A_40, %get3A_41, %get3A_42] : memref<1x1x128xf32, #tpu.memory_space<vmem>>, vector<1x1x128xf32>
    %get3A_44 = vector.shape_cast %get3A_43 : vector<1x1x128xf32> to vector<1x128xf32>
    %add3A_45 = vector.broadcast %get3A_44 : vector<1x128xf32> to vector<2000x128xf32>
    %add3A_46 = arith.addf %dot_general3A_39, %add3A_45 : vector<2000x128xf32>
    %swap3A_47 = arith.constant 0 : index
    %swap3A_48 = arith.constant 0 : index
    %swap3A_49 = vector.load %arg11[%swap3A_47, %swap3A_48] : memref<2000x128xf32, #tpu.memory_space<vmem>>, vector<2000x128xf32>
    tpu.vector_store %arg11[%swap3A_47, %swap3A_48], %add3A_46 {strides = array<i32>} : memref<2000x128xf32, #tpu.memory_space<vmem>>, vector<2000x128xf32>,
    return
  }
  func.func @transform_0(%arg0: i32, %arg1: i32) -> (i32, i32) {
    %c0_i32 = arith.constant 0 : i32
    %c0_i32_0 = arith.constant 0 : i32
    return %arg1, %c0_i32 : i32, i32
  }
  func.func @transform_1(%arg0: i32, %arg1: i32) -> (i32, i32, i32) {
    %c0_i32 = arith.constant 0 : i32
    %c0_i32_0 = arith.constant 0 : i32
    %c0_i32_1 = arith.constant 0 : i32
    return %arg0, %c0_i32, %c0_i32_0 : i32, i32, i32
  }
  func.func @transform_2(%arg0: i32, %arg1: i32) -> (i32, i32, i32) {
    %c0_i32 = arith.constant 0 : i32
    %c0_i32_0 = arith.constant 0 : i32
    %c0_i32_1 = arith.constant 0 : i32
    return %arg0, %c0_i32, %c0_i32_0 : i32, i32, i32
  }
  func.func @transform_3(%arg0: i32, %arg1: i32) -> (i32, i32, i32) {
    %c0_i32 = arith.constant 0 : i32
    %c0_i32_0 = arith.constant 0 : i32
    %c0_i32_1 = arith.constant 0 : i32
    return %arg0, %c0_i32, %c0_i32_0 : i32, i32, i32
  }
  func.func @transform_4(%arg0: i32, %arg1: i32) -> (i32, i32, i32) {
    %c0_i32 = arith.constant 0 : i32
    %c0_i32_0 = arith.constant 0 : i32
    %c0_i32_1 = arith.constant 0 : i32
    return %arg0, %c0_i32, %c0_i32_0 : i32, i32, i32
  }
  func.func @transform_5(%arg0: i32, %arg1: i32) -> (i32, i32, i32) {
    %c0_i32 = arith.constant 0 : i32
    %c0_i32_0 = arith.constant 0 : i32
    %c0_i32_1 = arith.constant 0 : i32
    return %arg0, %c0_i32, %c0_i32_0 : i32, i32, i32
  }
  func.func @transform_6(%arg0: i32, %arg1: i32) -> (i32, i32, i32) {
    %c0_i32 = arith.constant 0 : i32
    %c0_i32_0 = arith.constant 0 : i32
    %c0_i32_1 = arith.constant 0 : i32
    return %arg0, %c0_i32, %c0_i32_0 : i32, i32, i32
  }
  func.func @transform_7(%arg0: i32, %arg1: i32) -> (i32, i32) {
    %c0_i32 = arith.constant 0 : i32
    return %arg1, %arg0 : i32, i32
  }
  func.func @transform_8(%arg0: i32, %arg1: i32) -> (i32, i32) {
    %c0_i32 = arith.constant 0 : i32
    return %arg1, %arg0 : i32, i32
  }
  func.func @transform_9(%arg0: i32, %arg1: i32) -> (i32, i32) {
    %mul3A = arith.constant 5 : i32
    %mul3A_0 = arith.muli %arg0, %mul3A : i32
    %add3A = arith.addi %mul3A_0, %arg1 : i32
    %c0_i32 = arith.constant 0 : i32
    %c0_i32_1 = arith.constant 0 : i32
    return %add3A, %c0_i32 : i32, i32
  }
}

module attributes {stable_mosaic.version = 14 : i64} {
  func.func @_out_body(%arg0: i32, %arg1: memref<4x1024x128xf32, #tpu.memory_space<vmem>>, %arg2: memref<4x16x1024xf32, #tpu.memory_space<vmem>>, %arg3: memref<512x128xf32, #tpu.memory_space<vmem>>, %arg4: memref<1x128xf32, #tpu.memory_space<vmem>>, %arg5: memref<1024x128xf32, #tpu.memory_space<vmem>>) attributes {dimension_semantics = [#tpu.dimension_semantics<arbitrary>], iteration_bounds = array<i64: 10>, scalar_prefetch = 0 : i64, scratch_operands = 0 : i64, tpu.core_type = #tpu.core_type<tc>, window_params = [{transform_indices = @transform_0, window_bounds = array<i64: 4, 1024, 128>}, {transform_indices = @transform_1, window_bounds = array<i64: 4, 16, 1024>}, {pipeline_mode = #tpu.pipeline_mode<synchronous>, transform_indices = @transform_2, window_bounds = array<i64: 512, 128>}, {pipeline_mode = #tpu.pipeline_mode<synchronous>, transform_indices = @transform_3, window_bounds = array<i64: 1, 128>}, {transform_indices = @transform_4, window_bounds = array<i64: 1024, 128>}]} {
    %get3A = arith.constant 0 : index
    %get3A_0 = arith.constant 0 : index
    %get3A_1 = arith.constant 0 : index
    %get3A_2 = vector.load %arg2[%get3A, %get3A_0, %get3A_1] : memref<4x16x1024xf32, #tpu.memory_space<vmem>>, vector<1x16x1024xf32>
    %get3A_3 = vector.shape_cast %get3A_2 : vector<1x16x1024xf32> to vector<16x1024xf32>
    %reduce_sum3A = arith.constant dense<0.000000e+00> : vector<1024xf32>
    %reduce_sum3A_4 = vector.multi_reduction <add>, %get3A_3, %reduce_sum3A [0] : vector<16x1024xf32> to vector<1024xf32>
    %broadcast_in_dim3A = vector.shape_cast %reduce_sum3A_4 : vector<1024xf32> to vector<1024x1xf32>
    %get3A_5 = arith.constant 0 : index
    %get3A_6 = arith.constant 0 : index
    %get3A_7 = arith.constant 0 : index
    %get3A_8 = vector.load %arg1[%get3A_5, %get3A_6, %get3A_7] : memref<4x1024x128xf32, #tpu.memory_space<vmem>>, vector<1x1024x128xf32>
    %get3A_9 = vector.shape_cast %get3A_8 : vector<1x1024x128xf32> to vector<1024x128xf32>
    %gt3A = arith.constant 0.000000e+00 : f32
    %gt3A_10 = vector.broadcast %gt3A : f32 to vector<1024x1xf32>
    %gt3A_11 = arith.cmpf ogt, %broadcast_in_dim3A, %gt3A_10 : vector<1024x1xf32>
    %gt3A_12 = arith.constant 0.000000e+00 : f32
    %gt3A_13 = vector.broadcast %gt3A_12 : f32 to vector<1024x1xf32>
    %gt3A_14 = arith.cmpf ogt, %broadcast_in_dim3A, %gt3A_13 : vector<1024x1xf32>
    %jit3A = arith.constant 1.000000e+00 : f32
    %broadcast_in_dim3A_15 = vector.broadcast %jit3A : f32 to vector<1024x1xf32>
    %select_n3A = arith.select %gt3A_14, %broadcast_in_dim3A, %broadcast_in_dim3A_15 : vector<1024x1xi1>, vector<1024x1xf32>
    %div3A = vector.broadcast %select_n3A : vector<1024x1xf32> to vector<1024x128xf32>
    %div3A_16 = arith.divf %get3A_9, %div3A : vector<1024x128xf32>
    %jit3A_17 = arith.constant 0.000000e+00 : f32
    %broadcast_in_dim3A_18 = vector.shape_cast %gt3A_11 : vector<1024x1xi1> to vector<1024x1xi1>
    %broadcast_in_dim3A_19 = vector.broadcast %broadcast_in_dim3A_18 : vector<1024x1xi1> to vector<1024x128xi1>
    %broadcast_in_dim3A_20 = vector.broadcast %jit3A_17 : f32 to vector<1024x128xf32>
    %select_n3A_21 = arith.select %broadcast_in_dim3A_19, %div3A_16, %broadcast_in_dim3A_20 : vector<1024x128xi1>, vector<1024x128xf32>
    %get3A_22 = arith.constant 1 : index
    %get3A_23 = arith.constant 0 : index
    %get3A_24 = arith.constant 0 : index
    %get3A_25 = vector.load %arg2[%get3A_22, %get3A_23, %get3A_24] : memref<4x16x1024xf32, #tpu.memory_space<vmem>>, vector<1x16x1024xf32>
    %get3A_26 = vector.shape_cast %get3A_25 : vector<1x16x1024xf32> to vector<16x1024xf32>
    %reduce_sum3A_27 = arith.constant dense<0.000000e+00> : vector<1024xf32>
    %reduce_sum3A_28 = vector.multi_reduction <add>, %get3A_26, %reduce_sum3A_27 [0] : vector<16x1024xf32> to vector<1024xf32>
    %broadcast_in_dim3A_29 = vector.shape_cast %reduce_sum3A_28 : vector<1024xf32> to vector<1024x1xf32>
    %get3A_30 = arith.constant 1 : index
    %get3A_31 = arith.constant 0 : index
    %get3A_32 = arith.constant 0 : index
    %get3A_33 = vector.load %arg1[%get3A_30, %get3A_31, %get3A_32] : memref<4x1024x128xf32, #tpu.memory_space<vmem>>, vector<1x1024x128xf32>
    %get3A_34 = vector.shape_cast %get3A_33 : vector<1x1024x128xf32> to vector<1024x128xf32>
    %gt3A_35 = arith.constant 0.000000e+00 : f32
    %gt3A_36 = vector.broadcast %gt3A_35 : f32 to vector<1024x1xf32>
    %gt3A_37 = arith.cmpf ogt, %broadcast_in_dim3A_29, %gt3A_36 : vector<1024x1xf32>
    %gt3A_38 = arith.constant 0.000000e+00 : f32
    %gt3A_39 = vector.broadcast %gt3A_38 : f32 to vector<1024x1xf32>
    %gt3A_40 = arith.cmpf ogt, %broadcast_in_dim3A_29, %gt3A_39 : vector<1024x1xf32>
    %jit3A_41 = arith.constant 1.000000e+00 : f32
    %broadcast_in_dim3A_42 = vector.broadcast %jit3A_41 : f32 to vector<1024x1xf32>
    %select_n3A_43 = arith.select %gt3A_40, %broadcast_in_dim3A_29, %broadcast_in_dim3A_42 : vector<1024x1xi1>, vector<1024x1xf32>
    %div3A_44 = vector.broadcast %select_n3A_43 : vector<1024x1xf32> to vector<1024x128xf32>
    %div3A_45 = arith.divf %get3A_34, %div3A_44 : vector<1024x128xf32>
    %jit3A_46 = arith.constant 0.000000e+00 : f32
    %broadcast_in_dim3A_47 = vector.shape_cast %gt3A_37 : vector<1024x1xi1> to vector<1024x1xi1>
    %broadcast_in_dim3A_48 = vector.broadcast %broadcast_in_dim3A_47 : vector<1024x1xi1> to vector<1024x128xi1>
    %broadcast_in_dim3A_49 = vector.broadcast %jit3A_46 : f32 to vector<1024x128xf32>
    %select_n3A_50 = arith.select %broadcast_in_dim3A_48, %div3A_45, %broadcast_in_dim3A_49 : vector<1024x128xi1>, vector<1024x128xf32>
    %get3A_51 = arith.constant 2 : index
    %get3A_52 = arith.constant 0 : index
    %get3A_53 = arith.constant 0 : index
    %get3A_54 = vector.load %arg2[%get3A_51, %get3A_52, %get3A_53] : memref<4x16x1024xf32, #tpu.memory_space<vmem>>, vector<1x16x1024xf32>
    %get3A_55 = vector.shape_cast %get3A_54 : vector<1x16x1024xf32> to vector<16x1024xf32>
    %reduce_sum3A_56 = arith.constant dense<0.000000e+00> : vector<1024xf32>
    %reduce_sum3A_57 = vector.multi_reduction <add>, %get3A_55, %reduce_sum3A_56 [0] : vector<16x1024xf32> to vector<1024xf32>
    %broadcast_in_dim3A_58 = vector.shape_cast %reduce_sum3A_57 : vector<1024xf32> to vector<1024x1xf32>
    %get3A_59 = arith.constant 2 : index
    %get3A_60 = arith.constant 0 : index
    %get3A_61 = arith.constant 0 : index
    %get3A_62 = vector.load %arg1[%get3A_59, %get3A_60, %get3A_61] : memref<4x1024x128xf32, #tpu.memory_space<vmem>>, vector<1x1024x128xf32>
    %get3A_63 = vector.shape_cast %get3A_62 : vector<1x1024x128xf32> to vector<1024x128xf32>
    %gt3A_64 = arith.constant 0.000000e+00 : f32
    %gt3A_65 = vector.broadcast %gt3A_64 : f32 to vector<1024x1xf32>
    %gt3A_66 = arith.cmpf ogt, %broadcast_in_dim3A_58, %gt3A_65 : vector<1024x1xf32>
    %gt3A_67 = arith.constant 0.000000e+00 : f32
    %gt3A_68 = vector.broadcast %gt3A_67 : f32 to vector<1024x1xf32>
    %gt3A_69 = arith.cmpf ogt, %broadcast_in_dim3A_58, %gt3A_68 : vector<1024x1xf32>
    %jit3A_70 = arith.constant 1.000000e+00 : f32
    %broadcast_in_dim3A_71 = vector.broadcast %jit3A_70 : f32 to vector<1024x1xf32>
    %select_n3A_72 = arith.select %gt3A_69, %broadcast_in_dim3A_58, %broadcast_in_dim3A_71 : vector<1024x1xi1>, vector<1024x1xf32>
    %div3A_73 = vector.broadcast %select_n3A_72 : vector<1024x1xf32> to vector<1024x128xf32>
    %div3A_74 = arith.divf %get3A_63, %div3A_73 : vector<1024x128xf32>
    %jit3A_75 = arith.constant 0.000000e+00 : f32
    %broadcast_in_dim3A_76 = vector.shape_cast %gt3A_66 : vector<1024x1xi1> to vector<1024x1xi1>
    %broadcast_in_dim3A_77 = vector.broadcast %broadcast_in_dim3A_76 : vector<1024x1xi1> to vector<1024x128xi1>
    %broadcast_in_dim3A_78 = vector.broadcast %jit3A_75 : f32 to vector<1024x128xf32>
    %select_n3A_79 = arith.select %broadcast_in_dim3A_77, %div3A_74, %broadcast_in_dim3A_78 : vector<1024x128xi1>, vector<1024x128xf32>
    %get3A_80 = arith.constant 3 : index
    %get3A_81 = arith.constant 0 : index
    %get3A_82 = arith.constant 0 : index
    %get3A_83 = vector.load %arg2[%get3A_80, %get3A_81, %get3A_82] : memref<4x16x1024xf32, #tpu.memory_space<vmem>>, vector<1x16x1024xf32>
    %get3A_84 = vector.shape_cast %get3A_83 : vector<1x16x1024xf32> to vector<16x1024xf32>
    %reduce_sum3A_85 = arith.constant dense<0.000000e+00> : vector<1024xf32>
    %reduce_sum3A_86 = vector.multi_reduction <add>, %get3A_84, %reduce_sum3A_85 [0] : vector<16x1024xf32> to vector<1024xf32>
    %broadcast_in_dim3A_87 = vector.shape_cast %reduce_sum3A_86 : vector<1024xf32> to vector<1024x1xf32>
    %get3A_88 = arith.constant 3 : index
    %get3A_89 = arith.constant 0 : index
    %get3A_90 = arith.constant 0 : index
    %get3A_91 = vector.load %arg1[%get3A_88, %get3A_89, %get3A_90] : memref<4x1024x128xf32, #tpu.memory_space<vmem>>, vector<1x1024x128xf32>
    %get3A_92 = vector.shape_cast %get3A_91 : vector<1x1024x128xf32> to vector<1024x128xf32>
    %gt3A_93 = arith.constant 0.000000e+00 : f32
    %gt3A_94 = vector.broadcast %gt3A_93 : f32 to vector<1024x1xf32>
    %gt3A_95 = arith.cmpf ogt, %broadcast_in_dim3A_87, %gt3A_94 : vector<1024x1xf32>
    %gt3A_96 = arith.constant 0.000000e+00 : f32
    %gt3A_97 = vector.broadcast %gt3A_96 : f32 to vector<1024x1xf32>
    %gt3A_98 = arith.cmpf ogt, %broadcast_in_dim3A_87, %gt3A_97 : vector<1024x1xf32>
    %jit3A_99 = arith.constant 1.000000e+00 : f32
    %broadcast_in_dim3A_100 = vector.broadcast %jit3A_99 : f32 to vector<1024x1xf32>
    %select_n3A_101 = arith.select %gt3A_98, %broadcast_in_dim3A_87, %broadcast_in_dim3A_100 : vector<1024x1xi1>, vector<1024x1xf32>
    %div3A_102 = vector.broadcast %select_n3A_101 : vector<1024x1xf32> to vector<1024x128xf32>
    %div3A_103 = arith.divf %get3A_92, %div3A_102 : vector<1024x128xf32>
    %jit3A_104 = arith.constant 0.000000e+00 : f32
    %broadcast_in_dim3A_105 = vector.shape_cast %gt3A_95 : vector<1024x1xi1> to vector<1024x1xi1>
    %broadcast_in_dim3A_106 = vector.broadcast %broadcast_in_dim3A_105 : vector<1024x1xi1> to vector<1024x128xi1>
    %broadcast_in_dim3A_107 = vector.broadcast %jit3A_104 : f32 to vector<1024x128xf32>
    %select_n3A_108 = arith.select %broadcast_in_dim3A_106, %div3A_103, %broadcast_in_dim3A_107 : vector<1024x128xi1>, vector<1024x128xf32>
    %concatenate3A = tpu.concatenate %select_n3A_21, %select_n3A_50, %select_n3A_79, %select_n3A_108 in 1 : vector<1024x128xf32>, vector<1024x128xf32>, vector<1024x128xf32>, vector<1024x128xf32> -> vector<1024x512xf32>
    %get3A_109 = arith.constant 0 : index
    %get3A_110 = arith.constant 0 : index
    %get3A_111 = vector.load %arg3[%get3A_109, %get3A_110] : memref<512x128xf32, #tpu.memory_space<vmem>>, vector<512x128xf32>
    %dot_general3A = arith.constant dense<0.000000e+00> : vector<1024x128xf32>
    %dot_general3A_112 = tpu.matmul %concatenate3A, %get3A_111, %dot_general3A {dimension_numbers = #tpu.dot_dimension_numbers<[1], [0], [0], [1], [0, 0, 1, 1], [], []>, transpose_lhs_hint = false} : vector<1024x512xf32>, vector<512x128xf32>, vector<1024x128xf32> -> vector<1024x128xf32>
    %get3A_113 = arith.constant 0 : index
    %get3A_114 = arith.constant 0 : index
    %get3A_115 = vector.load %arg4[%get3A_113, %get3A_114] : memref<1x128xf32, #tpu.memory_space<vmem>>, vector<1x128xf32>
    %add3A = vector.broadcast %get3A_115 : vector<1x128xf32> to vector<1024x128xf32>
    %add3A_116 = arith.addf %dot_general3A_112, %add3A : vector<1024x128xf32>
    %max3A = arith.constant 0.000000e+00 : f32
    %max3A_117 = vector.broadcast %max3A : f32 to vector<1024x128xf32>
    %max3A_118 = arith.maximumf %add3A_116, %max3A_117 : vector<1024x128xf32>
    %swap3A = arith.constant 0 : index
    %swap3A_119 = arith.constant 0 : index
    %swap3A_120 = vector.load %arg5[%swap3A, %swap3A_119] : memref<1024x128xf32, #tpu.memory_space<vmem>>, vector<1024x128xf32>
    tpu.vector_store %arg5[%swap3A, %swap3A_119], %max3A_118 {strides = array<i32>} : memref<1024x128xf32, #tpu.memory_space<vmem>>, vector<1024x128xf32>,
    return
  }
  func.func @transform_0(%arg0: i32) -> (i32, i32, i32) {
    %c0_i32 = arith.constant 0 : i32
    %c0_i32_0 = arith.constant 0 : i32
    %c0_i32_1 = arith.constant 0 : i32
    return %c0_i32, %arg0, %c0_i32_0 : i32, i32, i32
  }
  func.func @transform_1(%arg0: i32) -> (i32, i32, i32) {
    %c0_i32 = arith.constant 0 : i32
    %c0_i32_0 = arith.constant 0 : i32
    %c0_i32_1 = arith.constant 0 : i32
    return %c0_i32, %c0_i32_0, %arg0 : i32, i32, i32
  }
  func.func @transform_2(%arg0: i32) -> (i32, i32) {
    %c0_i32 = arith.constant 0 : i32
    %c0_i32_0 = arith.constant 0 : i32
    %c0_i32_1 = arith.constant 0 : i32
    return %c0_i32, %c0_i32_0 : i32, i32
  }
  func.func @transform_3(%arg0: i32) -> (i32, i32) {
    %c0_i32 = arith.constant 0 : i32
    %c0_i32_0 = arith.constant 0 : i32
    %c0_i32_1 = arith.constant 0 : i32
    return %c0_i32, %c0_i32_0 : i32, i32
  }
  func.func @transform_4(%arg0: i32) -> (i32, i32) {
    %c0_i32 = arith.constant 0 : i32
    %c0_i32_0 = arith.constant 0 : i32
    return %arg0, %c0_i32 : i32, i32
  }
}

</mosaic_0001>

<sc_bundles>
// kernel: kernel.6.cloned.1.call-start
scs
__scs_entry_jumppad:
0x0: {  	(pc) =	sbr.rel $0x88, $3  }
0x1: {  	(tag) =	ssettag $0x0;
	lr =	simm.s32 $0x1  }
0x2: {  	[smem:$0x3F97] =	sst lr;
	_ =	strace $0xD0000000  }
0x3: {  	_ = 	snop  }
0x4: {  	_ = 	snop  }
0x5: {  	_ = 	snop  }
0x6: {  	_ = 	snop  }
0x7: {  	_ = 	snop  }
__scs_overlays_trampoline_lowered:
0x8: {  	[smem:$0x3FA6] =	sst s0  }
0x9: {  	[smem:$0x3FA7] =	sst s1  }
0xa: {  	[smem:$0x3FA8] =	sst s2  }
0xb: {  	[smem:$0x3FA9] =	sst s3  }
0xc: {  	[smem:$0x3FAA] =	sst s4  }
0xd: {  	[smem:$0x3FAB] =	sst s5  }
0xe: {  	[smem:$0x3FAC] =	sst s6  }
0xf: {  	[smem:$0x3FAD] =	sst s7  }
0x10: {  	[smem:$0x3FAE] =	sst s8  }
0x11: {  	[smem:$0x3FAF] =	sst s9;
	s0 =	simm.s32 @!p0 $0x0  }
0x12: {  	s1 =	sld [smem:$0x3F95];
	s0 =	simm.s32 @p0 $0x1  }
0x13: {  	[smem:$0x3FB0] =	sst s0;
	s0 =	simm.s32 @!p1 $0x0  }
0x14: {  	s2 =	sld [smem:$0x3F94];
	s0 =	simm.s32 @p1 $0x1  }
0x15: {  	[smem:$0x3FB1] =	sst s0;
	s0 =	simm.s32 @!p2 $0x0  }
0x16: {  	s3 =	sld [smem:$0x3FDB];
	s0 =	simm.s32 @p2 $0x1  }
0x17: {  	s4 =	simm.s32 $0x1BF5;
	[smem:$0x3FB3] =	sst s0  }
0x18: {  	s0 =	sld [smem:$0x3F96];
	_ =	swait.ge [sflag:s4], $0x0  }
0x19: {  	s7 =	sld [smem:$0x3F97]  }
0x1a: {  	s8 =	sadd.s32 $0xFFFFE003, lr  }
0x1b: {  	s9 =	sadd.s32 $0xFFFFFEF7, lr;
	s5 =	simm.s32 $0xFFFFFFFF;
	p2 =	slt.u32 s8, $0xFFFFF086  }
0x1c: {  	p1 =	slt.u32 s9, $0xF7A;
	s5 =	simm.s32 @!p2 $0x0  }
0x1d: {  	s5 =	simm.s32 @p1 $0x1;
	p0 =	seq.s32 s7, s2  }
0x1e: {  	s7 =	smul.u32 @!p0 $0xF7A, s2;
	p2 =	seq.s32 @!p0 s5, $0x0  }
0x1f: {  	s9 =	smul.u32 $0xF7A, s1;
	s8 =	simm.s32 @!p0 $0x1BF5;
	p2 =	por !p2, p0  }
0x20: {  	[sflag:s8] =	ssyncset.s32 @!p0 $0xFFFFF086;
	s6 =	sadd.s32 @!p0 s3, s7;
	s7 =	simm.s32 @!p0 $0x108  }
0x21: {  	s3 =	sadd.s32 s3, s9;
	s6 =	sadd.s32 @!p0 $0x88, s6;
	s7 =	simm.s32 @p2 $0x1082  }
0x22: {  	[simem:s7], [sflag:s8] =	dma.local @!p0 [hbm:s6], $0xF7A  }
0x23: {  	s9 =	sor.u32 $0xD0000000, s2;
	s6 =	simm.s32 $0x108;
	_ =	swait.ge @!p0 [sflag:s8], $0x0  }
0x24: {  	s3 =	sadd.s32 $0x88, s3;
	s6 =	simm.s32 @!p1 $0x1082;
	[sflag:s4] =	ssyncset.s32 $0xFFFFF086  }
0x25: {  	[simem:s6], [sflag:s4] =	dma.local [hbm:s3], $0xF7A  }
0x26: {  	[smem:$0x3F97] =	sst s1;
	(tag) =	ssettag s2;
	_ =	strace s9  }
0x27: {  	s1 =	sld [smem:$0x3FA7]  }
0x28: {  	s2 =	sld [smem:$0x3FA8]  }
0x29: {  	s4 =	sld [smem:$0x3FAA]  }
0x2a: {  	p0 =	seq.s32 s5, $0x0;
	s5 =	sld [smem:$0x3FAB]  }
0x2b: {  	s6 =	sld [smem:$0x3FAC]  }
0x2c: {  	s7 =	sld [smem:$0x3FAD]  }
0x2d: {  	s3 =	simm.s32 $0x108;
	s8 =	sld [smem:$0x3FAE]  }
0x2e: {  	s3 =	simm.s32 @!p0 $0x1082;
	s9 =	sld [smem:$0x3FAF]  }
0x2f: {  	lr =	sadd.s32 s0, s3;
	s0 =	sld [smem:$0x3FA6]  }
0x30: {  	s3 =	sld [smem:$0x3FA9]  }
0x31: {  	[smem:$0x3FB2] =	sst s10  }
0x32: {  	s10 =	sld [smem:$0x3FB0];
	_ =	sdelay $0x3  }
0x33: {  	p0 =	seq.s32 s10, $0x1;
	s10 =	sld [smem:$0x3FB2];
	_ =	sdelay $0x3  }
0x34: {  	[smem:$0x3FB2] =	sst s10  }
0x35: {  	s10 =	sld [smem:$0x3FB1];
	_ =	sdelay $0x3  }
0x36: {  	p1 =	seq.s32 s10, $0x1;
	s10 =	sld [smem:$0x3FB2];
	_ =	sdelay $0x3  }
0x37: {  	[smem:$0x3FB2] =	sst s10  }
0x38: {  	s10 =	sld [smem:$0x3FB3]  }
0x39: {  	_ = 	snop;
	(pc) =	sbr.ind lr, $3  }
0x3a: {  	_ = 	snop  }
0x3b: {  	_ = 	snop  }
0x3c: {  	p2 =	seq.s32 s10, $0x1;
	s10 =	sld [smem:$0x3FB2]  }
0x3d: {  	_ =	shalt  }
0x3e: {  	_ =	shalt  }
0x3f: {  	_ =	shalt  }
0x40: {  	_ =	shalt  }
0x41: {  	_ =	shalt  }
0x42: {  	_ =	shalt  }
0x43: {  	_ =	shalt  }
0x44: {  	_ =	shalt  }
0x45: {  	_ =	shalt  }
0x46: {  	_ =	shalt  }
0x47: {  	_ =	shalt  }
0x48: {  	_ =	shalt  }
0x49: {  	_ =	shalt  }
0x4a: {  	_ =	shalt  }
0x4b: {  	_ =	shalt  }
0x4c: {  	_ =	shalt  }
0x4d: {  	_ =	shalt  }
0x4e: {  	_ =	shalt  }
0x4f: {  	_ =	shalt  }
0x50: {  	_ =	shalt  }
0x51: {  	_ =	shalt  }
0x52: {  	_ =	shalt  }
0x53: {  	_ =	shalt  }
0x54: {  	_ =	shalt  }
0x55: {  	_ =	shalt  }
0x56: {  	_ =	shalt  }
0x57: {  	_ =	shalt  }
0x58: {  	_ =	shalt  }
0x59: {  	_ =	shalt  }
0x5a: {  	_ =	shalt  }
0x5b: {  	_ =	shalt  }
0x5c: {  	_ =	shalt  }
0x5d: {  	_ =	shalt  }
0x5e: {  	_ =	shalt  }
0x5f: {  	_ =	shalt  }
0x60: {  	_ =	shalt  }
0x61: {  	_ =	shalt  }
0x62: {  	_ =	shalt  }
0x63: {  	_ =	shalt  }
0x64: {  	_ =	shalt  }
0x65: {  	_ =	shalt  }
0x66: {  	_ =	shalt  }
0x67: {  	_ =	shalt  }
0x68: {  	_ =	shalt  }
0x69: {  	_ =	shalt  }
0x6a: {  	_ =	shalt  }
0x6b: {  	_ =	shalt  }
0x6c: {  	_ =	shalt  }
0x6d: {  	_ =	shalt  }
0x6e: {  	_ =	shalt  }
0x6f: {  	_ =	shalt  }
0x70: {  	_ =	shalt  }
0x71: {  	_ =	shalt  }
0x72: {  	_ =	shalt  }
0x73: {  	_ =	shalt  }
0x74: {  	_ =	shalt  }
0x75: {  	_ =	shalt  }
0x76: {  	_ =	shalt  }
0x77: {  	_ =	shalt  }
0x78: {  	_ =	shalt  }
0x79: {  	_ =	shalt  }
0x7a: {  	_ =	shalt  }
0x7b: {  	_ =	shalt  }
0x7c: {  	_ =	shalt  }
0x7d: {  	_ =	shalt  }
0x7e: {  	_ =	shalt  }
0x7f: {  	_ =	shalt  }
0x80: {  	_ =	shalt  }
0x81: {  	_ =	shalt  }
0x82: {  	_ =	shalt  }
0x83: {  	_ =	shalt  }
0x84: {  	_ =	shalt  }
0x85: {  	_ =	shalt  }
0x86: {  	_ =	shalt  }
0x87: {  	_ =	shalt  }
.Lfunc_end0:
.L_simem_size_0:
called_computation_lowered:
.L_overlay_start_0:
0x88: {  	s2 =	sld [smem:$0x3FD9]  }
0x89: {  	s3 =	sld [smem:$0x3FFE];
	_ =	sdelay $0x1  }
0x8a: {  	s1 =	srdreg.scid  }
0x8b: {  	s0 =	sand.u32 $0x1, s1  }
0x8c: {  	s16 =	sshll.u32 s0, $0xA;
	s2 =	sadd.s32 s3, s2  }
0x8d: {  	s2 =	sadd.s32 s2, s16  }
0x8e: {  	[smem:$0x3FBE] =	sst s2  }
0x8f: {  	_ = 	snop  }
0x90: {  	(tm) =	ssettm $0x1  }
0x91: {  	s17 =	sld [smem:$0x3FFB];
	_ =	sdelay $0x3  }
0x92: {  	_ =	strace s17  }
0x93: {  	s2 =	sld [smem:$0x3FFC];
	_ =	sdelay $0x3  }
0x94: {  	_ =	strace s2  }
0x95: {  	s2 =	sld [smem:$0x3FFD];
	_ =	sdelay $0x3  }
0x96: {  	_ =	strace s2  }
0x97: {  	_ =	strace $0x8FFFFFFF  }
0x98: {  	s18 =	sld [smem:$0x3FDB];
	_ =	sdelay $0x1  }
0x99: {  	s19 =	simm.s32 $_scs_section_size  }
0x9a: {  	s4 =	simm.s32 $_size__tile_overlayer_lowered;
	s5 =	simm.s32 $_tile_overlayer_lowered  }
0x9b: {  	s22 =	simm.s32 $0x1BFF;
	s21 =	sshll.u32 s5, $0x1;
	s2 =	sadd.s32 s19, s18  }
0x9c: {  	s6 =	simm.s32 $0x0;
	s20 =	sshll.u32 s4, $0x1;
	s4 =	sadd.s32 s21, s2  }
0x9d: {  	[timem:s6], [sflag:s22] =	dma.local [hbm:s4], s20  }
0x9e: {  	_ =	swait.ge [sflag:s22], s20  }
0x9f: {  	s3 =	ssub.s32 $0x0, s20;
	[sflag:s22] =	ssyncset.done $0x0  }
0xa0: {  	[sflag:s22] =	ssyncadd.s32 s3;
	_ =	sdelay $0x1  }
0xa1: {  	s23 =	simm.s32 $0x1B8B  }
0xa2: {  	_ =	swait.ge [sflag:s23], $0x1  }
0xa3: {  	[sflag:s23] =	ssyncset.done $0x0  }
0xa4: {  	s25 =	simm.s32 $0x1B8E;
	s24 =	sld [smem:$0x3FFE];
	[sflag:s23] =	ssyncadd.s32 $0xFFFFFFFF  }
0xa5: {  	s26 =	simm.s32 $execute0_lowered;
	[smem:$0x3FD2] =	sst s25  }
0xa6: {  	s4 =	sshll.u32 s26, $0x1;
	_ =	strace $0x80000046;
	[dreg:$0x1] =	wrdreg $0xFFFFFFFF  }
0xa7: {  	s28 =	simm.s32 $_size_execute0_lowered;
	s2 =	sadd.s32 s2, s4;
	[dreg:$0x0] =	wrdreg $0x0  }
0xa8: {  	s4 =	sshll.u32 s28, $0x1;
	[dreg:$0x2] =	wrdreg s2  }
0xa9: {  	[dreg:$0x3] =	wrdreg s4  }
0xaa: {  	[dreg:$0x4] =	wrdreg $0xC0  }
0xab: {  	_ =	task [dreg:s6], $0x5FFFF  }
0xac: {  	[dreg:$0x1] =	wrdreg $0xFFFFFFFF  }
0xad: {  	[dreg:$0x0] =	wrdreg $0x60  }
0xae: {  	[dreg:$0x2] =	wrdreg s24  }
0xaf: {  	[dreg:$0x3] =	wrdreg $0x9  }
0xb0: {  	_ =	task.clear_ibuf [dreg:s6], $0x4FFFF;
	_ =	strace $0x90000046  }
0xb1: {  	s29 =	simm.s32 $0x9;
	_ =	strace $0x80000048  }
0xb2: {  	_ =	swait.ge [sflag:s29], $0x1  }
0xb3: {  	[sflag:s29] =	ssyncadd.s32 $0xFFFFFFFF  }
0xb4: {  	_ =	strace $0x90000048  }
0xb5: {  	_ =	sfence  }
0xb6: {  	s30 =	sld [smem:$0x0];
	_ =	sdelay $0x2  }
0xb7: {  	s31 =	sshll.u32 s1, $0xD;
	s1 =	sshrl.u32 s1, $0x2  }
0xb8: {  	s3 =	sand.u32 $0x4000, s31;
	s1 =	sadd.s32 s1, s30  }
0xb9: {  	s0 =	sor.u32 s3, s0;
	s1 =	sshll.u32 s1, $0x11  }
0xba: {  	s0 =	sor.u32 s1, s0  }
0xbb: {  	s0 =	sadd.s32 $0x8F2B, s0  }
0xbc: {  	[sflag:s0] =	ssyncadd.remote.s32 $0x1  }
0xbd: {  	_ =	sfence.sel $0xFFFF  }
0xbe: {  	[dreg:$0x0] =	wrdreg $0xFFFFFFFF;
	(pc) =	sbr.abs _section_cstart, $3  }
0xbf: {  	[dreg:$0x1] =	wrdreg $0xFFFFFFFF  }
0xc0: {  	_ =	task.clear_ibuf [dreg:s6], $0x2FFFF;
	_ =	strace $0x9FFFFFFF  }
0xc1: {  	(tm) =	ssettm $0x7FFFFFFF  }
tec
execute0_lowered:
.L_overlay_start_1:
0x0: {  	(tag) =	ssettag $0x1  }
0x1: {  	s0 =	rddreg [dreg:$0x0];
	s2 =	simm.s32 $0x0;
	s1 =	srdreg.scid  }
0x2: {  	s3 =	stileid.u32;
	s17 =	simm.s32 $0x2;
	s15 =	simm.s32 $0x11200  }
0x3: {  	s16 =	simm.s32 $0x11A00;
	s18 =	simm.s32 $0x12200;
	s14 =	simm.s32 $0x12A00  }
0x4: {  	s19 =	simm.s32 $0x13200;
	s20 =	simm.s32 $0x13A00;
	s21 =	simm.s32 $0x1  }
0x5: {  	s22 =	simm.s32 $0x14200;
	s23 =	simm.s32 $0x3;
	s25 =	simm.s32 $0x0  }
0x6: {  	[smem:$0x7FF] =	sst s2;
	s1 =	sand.u32 $0x1, s1;
	s3 =	sshll.u32 s3, $0x1  }
0x7: {  	s5 =	sadd.s32 $0xB2E00, s0;
	s6 =	sadd.s32 $0xCC00, s0;
	s7 =	sadd.s32 $0x2E00, s0  }
0x8: {  	s8 =	sadd.s32 $0x1EB600, s0;
	s11 =	sadd.s32 $0x14F300, s0;
	s4 =	sor.u32 s1, s3  }
0x9: {  	s12 =	sadd.s32 $0xB2F00, s0;
	s1 =	ssub.s32 $0x2, s1;
	s4 =	smul.u32 $0x2710, s4  }
0xa: {  	_ =	strace $0x80000047;
	s3 =	sadd.s32 $0x14F200, s0;
	s9 =	sshrl.u32 s1, $0x1  }
0xb: {  	s0 =	simm.s32 $0xF200;
	s1 =	ssub.s32 s1, s9;
	s30 =	sadd.s32 $0x50, s4  }
0xc: {  	s10 =	sshrl.u32 s4, $0x3;
	s31 =	smax.u32 s1, $0x1;
	[dreg:$0x4] =	wrdreg s30  }
0xd: {  	v0 =	vlaneseq.u32;
	vm0 =	vmmov $0xffff;
	vm1 =	vcmask $0x3F0C;
	s9 =	simm.s32 $0x10200;
	s28 =	sadd.s32 s6, s10;
	[dreg:$0x5] =	wrdreg s31  }
0xe: {  	vm2 =	vcmask $0x3F08;
	vm3 =	vcmask $0x3F04;
	v2 =	vshrl.u32 v0, $0x3;
	s13 =	sadd.s32 $0x28, s4;
	s29 =	sadd.s32 s7, s10;
	[dreg:$0x2] =	wrdreg s28  }
0xf: {  	v1 =	vand.u32 $0x7, v0;
	v3 =	vor.u32 $0x8, v0;
	v2 =	vmul.u32 $0x8, v2;
	s1 =	simm.s32 $0xFA00;
	s10 =	simm.s32 $0x10A00;
	[dreg:$0x3] =	wrdreg s29  }
.LBB2_1:
0x10: {  	[dreg:$0x6] =	wrdreg s25  }
0x11: {  	s24 =	rddreg [dreg:$0x2]  }
0x12: {  	[tilespmem:s2], [sflag:$0x2] =	stream.linear.gather [hbm4b:s24+s2], $0x28, $0x38;
	[tilespmem:$0x14300] =	vst v63  }
0x13: {  	s28 =	rddreg [dreg:$0x3];
	s29 =	simm.s32 $0x100  }
0x14: {  	[tilespmem:s29], [sflag:$0x2] =	stream.linear.gather [hbm4b:s28+s2], $0x28, $0x38;
	[tilespmem:$0x14300] =	vst v63  }
0x15: {  	_ =	swait.ge [sflag:s17], $0x28  }
0x16: {  	[sflag:s17] =	ssyncset.done $0x0  }
0x17: {  	[sflag:s17] =	ssyncadd.s32 $0xFFFFFFD8  }
0x18: {  	_ =	swait.ge [sflag:s17], $0x28  }
0x19: {  	[sflag:s17] =	ssyncset.done $0x0  }
0x1a: {  	[sflag:s17] =	ssyncadd.s32 $0xFFFFFFD8  }
0x1b: {  	v4 =	vld [tilespmem:$0x0];
	_ =	sdelay $0x4  }
0x1c: {  	v5 =	vshll.u32 v4, $0x2  }
0x1d: {  	v4 =	vand.u32 $0x7, v4;
	v5 =	vand.u32 $0xFFFFFFE0, v5  }
0x1e: {  	v4 =	vor.u32 v4, v5  }
0x1f: {  	v5 =	vperm.xlane v4, v1;
	_ =	sdelay $0x1  }
0x20: {  	v5 =	vadd.s32 v2, v5;
	_ =	sdelay $0x1  }
0x21: {  	v4 =	vperm.xlane v4, v3;
	_ =	sdelay $0x1  }
0x22: {  	s30 =	simm.s32 $0x200;
	v4 =	vadd.s32 v2, v4  }
0x23: {  	[tilespmem:s30], [sflag:$0x1] =	stream.indirect_vreg.gather [hbm4b:s3+s2], $0x80, v5, vm0, $0xb8;
	[tilespmem:$0x14300] =	vst v63  }
0x24: {  	s31 =	simm.s32 $0xA00  }
0x25: {  	[tilespmem:s31], [sflag:$0x1] =	stream.indirect_vreg.gather [hbm4b:s11+s2], $0x80, v5, vm0, $0xb8;
	[tilespmem:$0x14300] =	vst v63  }
0x26: {  	s25 =	simm.s32 $0x1200  }
0x27: {  	[tilespmem:s25], [sflag:$0x1] =	stream.indirect_vreg.gather [hbm4b:s3+s2], $0x80, v4, vm0, $0xb8;
	[tilespmem:$0x14300] =	vst v63  }
0x28: {  	s26 =	simm.s32 $0x1A00  }
0x29: {  	[tilespmem:s26], [sflag:$0x1] =	stream.indirect_vreg.gather [hbm4b:s11+s2], $0x80, v4, vm0, $0xb8;
	[tilespmem:$0x14300] =	vst v63  }
0x2a: {  	v4 =	vld [tilespmem:$0x10];
	_ =	sdelay $0x4  }
0x2b: {  	v5 =	vshll.u32 v4, $0x2  }
0x2c: {  	v4 =	vand.u32 $0x7, v4;
	v5 =	vand.u32 $0xFFFFFFE0, v5  }
0x2d: {  	v4 =	vor.u32 v4, v5  }
0x2e: {  	v5 =	vperm.xlane v4, v1;
	_ =	sdelay $0x1  }
0x2f: {  	v5 =	vadd.s32 v2, v5;
	_ =	sdelay $0x1  }
0x30: {  	v4 =	vperm.xlane v4, v3;
	_ =	sdelay $0x1  }
0x31: {  	s28 =	simm.s32 $0x2200;
	v4 =	vadd.s32 v2, v4  }
0x32: {  	[tilespmem:s28], [sflag:$0x1] =	stream.indirect_vreg.gather [hbm4b:s3+s2], $0x80, v5, vm0, $0xb8;
	[tilespmem:$0x14300] =	vst v63  }
0x33: {  	s29 =	simm.s32 $0x2A00  }
0x34: {  	[tilespmem:s29], [sflag:$0x1] =	stream.indirect_vreg.gather [hbm4b:s11+s2], $0x80, v5, vm0, $0xb8;
	[tilespmem:$0x14300] =	vst v63  }
0x35: {  	s30 =	simm.s32 $0x3200  }
0x36: {  	[tilespmem:s30], [sflag:$0x1] =	stream.indirect_vreg.gather [hbm4b:s3+s2], $0x80, v4, vm0, $0xb8;
	[tilespmem:$0x14300] =	vst v63  }
0x37: {  	s31 =	simm.s32 $0x3A00  }
0x38: {  	[tilespmem:s31], [sflag:$0x1] =	stream.indirect_vreg.gather [hbm4b:s11+s2], $0x80, v4, vm0, $0xb8;
	[tilespmem:$0x14300] =	vst v63  }
0x39: {  	v4 =	vld.msk [tilespmem:$0x20], $0xff;
	_ =	sdelay $0x4  }
0x3a: {  	v5 =	vshll.u32 v4, $0x2  }
0x3b: {  	v4 =	vand.u32 $0x7, v4;
	v5 =	vand.u32 $0xFFFFFFE0, v5  }
0x3c: {  	v4 =	vor.u32 v4, v5  }
0x3d: {  	v4 =	vperm.xlane v4, v1;
	_ =	sdelay $0x1  }
0x3e: {  	v4 =	vadd.s32 v2, v4;
	_ =	sdelay $0x3  }
0x3f: {  	s25 =	simm.s32 $0x4200  }
0x40: {  	[tilespmem:s25], [sflag:$0x1] =	stream.indirect_vreg.gather [hbm4b:s3+s2], $0x80, v4, vm0, $0xb8;
	[tilespmem:$0x14300] =	vst v63  }
0x41: {  	s26 =	simm.s32 $0x4A00  }
0x42: {  	[tilespmem:s26], [sflag:$0x1] =	stream.indirect_vreg.gather [hbm4b:s11+s2], $0x80, v4, vm0, $0xb8;
	[tilespmem:$0x14300] =	vst v63  }
0x43: {  	v4 =	vld [tilespmem:$0x100];
	_ =	sdelay $0x4  }
0x44: {  	v5 =	vshll.u32 v4, $0x2  }
0x45: {  	v4 =	vand.u32 $0x7, v4;
	v5 =	vand.u32 $0xFFFFFFE0, v5  }
0x46: {  	v4 =	vor.u32 v4, v5  }
0x47: {  	v5 =	vperm.xlane v4, v1;
	_ =	sdelay $0x1  }
0x48: {  	v5 =	vadd.s32 v2, v5;
	_ =	sdelay $0x1  }
0x49: {  	v4 =	vperm.xlane v4, v3;
	_ =	sdelay $0x1  }
0x4a: {  	s28 =	simm.s32 $0xA200;
	v4 =	vadd.s32 v2, v4  }
0x4b: {  	[tilespmem:s28], [sflag:$0x1] =	stream.indirect_vreg.gather [hbm4b:s5+s2], $0x80, v5, vm0, $0xb8;
	[tilespmem:$0x14300] =	vst v63  }
0x4c: {  	s29 =	simm.s32 $0xAA00  }
0x4d: {  	[tilespmem:s29], [sflag:$0x1] =	stream.indirect_vreg.gather [hbm4b:s12+s2], $0x80, v5, vm0, $0xb8;
	[tilespmem:$0x14300] =	vst v63  }
0x4e: {  	s30 =	simm.s32 $0xB200  }
0x4f: {  	[tilespmem:s30], [sflag:$0x1] =	stream.indirect_vreg.gather [hbm4b:s5+s2], $0x80, v4, vm0, $0xb8;
	[tilespmem:$0x14300] =	vst v63  }
0x50: {  	s31 =	simm.s32 $0xBA00  }
0x51: {  	[tilespmem:s31], [sflag:$0x1] =	stream.indirect_vreg.gather [hbm4b:s12+s2], $0x80, v4, vm0, $0xb8;
	[tilespmem:$0x14300] =	vst v63  }
0x52: {  	v4 =	vld [tilespmem:$0x110];
	_ =	sdelay $0x4  }
0x53: {  	v5 =	vshll.u32 v4, $0x2  }
0x54: {  	v4 =	vand.u32 $0x7, v4;
	v5 =	vand.u32 $0xFFFFFFE0, v5  }
0x55: {  	v4 =	vor.u32 v4, v5  }
0x56: {  	v5 =	vperm.xlane v4, v1;
	_ =	sdelay $0x1  }
0x57: {  	v5 =	vadd.s32 v2, v5;
	_ =	sdelay $0x1  }
0x58: {  	v4 =	vperm.xlane v4, v3;
	_ =	sdelay $0x1  }
0x59: {  	s25 =	simm.s32 $0xC200;
	v4 =	vadd.s32 v2, v4  }
0x5a: {  	[tilespmem:s25], [sflag:$0x1] =	stream.indirect_vreg.gather [hbm4b:s5+s2], $0x80, v5, vm0, $0xb8;
	[tilespmem:$0x14300] =	vst v63  }
0x5b: {  	s26 =	simm.s32 $0xCA00  }
0x5c: {  	[tilespmem:s26], [sflag:$0x1] =	stream.indirect_vreg.gather [hbm4b:s12+s2], $0x80, v5, vm0, $0xb8;
	[tilespmem:$0x14300] =	vst v63  }
0x5d: {  	s28 =	simm.s32 $0xD200  }
0x5e: {  	[tilespmem:s28], [sflag:$0x1] =	stream.indirect_vreg.gather [hbm4b:s5+s2], $0x80, v4, vm0, $0xb8;
	[tilespmem:$0x14300] =	vst v63  }
0x5f: {  	s29 =	simm.s32 $0xDA00  }
0x60: {  	[tilespmem:s29], [sflag:$0x1] =	stream.indirect_vreg.gather [hbm4b:s12+s2], $0x80, v4, vm0, $0xb8;
	[tilespmem:$0x14300] =	vst v63  }
0x61: {  	v4 =	vld.msk [tilespmem:$0x120], $0xff;
	_ =	sdelay $0x4  }
0x62: {  	v5 =	vshll.u32 v4, $0x2  }
0x63: {  	v4 =	vand.u32 $0x7, v4;
	v5 =	vand.u32 $0xFFFFFFE0, v5  }
0x64: {  	v4 =	vor.u32 v4, v5  }
0x65: {  	v4 =	vperm.xlane v4, v1;
	_ =	sdelay $0x1  }
0x66: {  	v4 =	vadd.s32 v2, v4;
	_ =	sdelay $0x3  }
0x67: {  	s30 =	simm.s32 $0xE200  }
0x68: {  	[tilespmem:s30], [sflag:$0x1] =	stream.indirect_vreg.gather [hbm4b:s5+s2], $0x80, v4, vm0, $0xb8;
	[tilespmem:$0x14300] =	vst v63  }
0x69: {  	s24 =	simm.s32 $0x0;
	s31 =	simm.s32 $0xEA00  }
0x6a: {  	[tilespmem:s31], [sflag:$0x1] =	stream.indirect_vreg.gather [hbm4b:s12+s2], $0x80, v4, vm0, $0xb8;
	[tilespmem:$0x14300] =	vst v63  }
.LBB2_2:
0x6b: {  	s25 =	smul.u32 $0x50, s24;
	_ =	sdelay $0x1  }
0x6c: {  	s26 =	sadd.s32 s25, s13  }
0x6d: {  	s28 =	sshrl.u32 s26, $0x3  }
0x6e: {  	s30 =	simm.s32 $0x80;
	s26 =	simm.s32 $0x0;
	s29 =	sadd.s32 s6, s28  }
0x6f: {  	[tilespmem:s30], [sflag:$0x2] =	stream.linear.gather [hbm4b:s29+s26], $0x28, $0x38;
	[tilespmem:$0x14300] =	vst v63  }
0x70: {  	s28 =	sadd.s32 s7, s28;
	s29 =	simm.s32 $0x180  }
0x71: {  	[tilespmem:s29], [sflag:$0x2] =	stream.linear.gather [hbm4b:s28+s26], $0x28, $0x38;
	[tilespmem:$0x14300] =	vst v63  }
0x72: {  	_ =	swait.ge [sflag:s17], $0x28  }
0x73: {  	[sflag:s17] =	ssyncset.done $0x0  }
0x74: {  	[sflag:s17] =	ssyncadd.s32 $0xFFFFFFD8  }
0x75: {  	_ =	swait.ge [sflag:s17], $0x28  }
0x76: {  	[sflag:s17] =	ssyncset.done $0x0  }
0x77: {  	[sflag:s17] =	ssyncadd.s32 $0xFFFFFFD8  }
0x78: {  	v4 =	vld [tilespmem:$0x80];
	_ =	sdelay $0x4  }
0x79: {  	v5 =	vshll.u32 v4, $0x2  }
0x7a: {  	v4 =	vand.u32 $0x7, v4;
	v5 =	vand.u32 $0xFFFFFFE0, v5  }
0x7b: {  	v4 =	vor.u32 v4, v5  }
0x7c: {  	v5 =	vperm.xlane v4, v1;
	_ =	sdelay $0x1  }
0x7d: {  	v5 =	vadd.s32 v2, v5;
	_ =	sdelay $0x1  }
0x7e: {  	v4 =	vperm.xlane v4, v3;
	_ =	sdelay $0x1  }
0x7f: {  	s28 =	simm.s32 $0x5200;
	v4 =	vadd.s32 v2, v4  }
0x80: {  	[tilespmem:s28], [sflag:$0x1] =	stream.indirect_vreg.gather [hbm4b:s3+s26], $0x80, v5, vm0, $0xb8;
	[tilespmem:$0x14300] =	vst v63  }
0x81: {  	s28 =	simm.s32 $0x5A00  }
0x82: {  	[tilespmem:s28], [sflag:$0x1] =	stream.indirect_vreg.gather [hbm4b:s11+s26], $0x80, v5, vm0, $0xb8;
	[tilespmem:$0x14300] =	vst v63  }
0x83: {  	s28 =	simm.s32 $0x6200  }
0x84: {  	[tilespmem:s28], [sflag:$0x1] =	stream.indirect_vreg.gather [hbm4b:s3+s26], $0x80, v4, vm0, $0xb8;
	[tilespmem:$0x14300] =	vst v63  }
0x85: {  	s28 =	simm.s32 $0x6A00  }
0x86: {  	[tilespmem:s28], [sflag:$0x1] =	stream.indirect_vreg.gather [hbm4b:s11+s26], $0x80, v4, vm0, $0xb8;
	[tilespmem:$0x14300] =	vst v63  }
0x87: {  	v4 =	vld [tilespmem:$0x90];
	_ =	sdelay $0x4  }
0x88: {  	v5 =	vshll.u32 v4, $0x2  }
0x89: {  	v4 =	vand.u32 $0x7, v4;
	v5 =	vand.u32 $0xFFFFFFE0, v5  }
0x8a: {  	v4 =	vor.u32 v4, v5  }
0x8b: {  	v5 =	vperm.xlane v4, v1;
	_ =	sdelay $0x1  }
0x8c: {  	v5 =	vadd.s32 v2, v5;
	_ =	sdelay $0x1  }
0x8d: {  	v4 =	vperm.xlane v4, v3;
	_ =	sdelay $0x1  }
0x8e: {  	s28 =	simm.s32 $0x7200;
	v4 =	vadd.s32 v2, v4  }
0x8f: {  	[tilespmem:s28], [sflag:$0x1] =	stream.indirect_vreg.gather [hbm4b:s3+s26], $0x80, v5, vm0, $0xb8;
	[tilespmem:$0x14300] =	vst v63  }
0x90: {  	s28 =	simm.s32 $0x7A00  }
0x91: {  	[tilespmem:s28], [sflag:$0x1] =	stream.indirect_vreg.gather [hbm4b:s11+s26], $0x80, v5, vm0, $0xb8;
	[tilespmem:$0x14300] =	vst v63  }
0x92: {  	s28 =	simm.s32 $0x8200  }
0x93: {  	[tilespmem:s28], [sflag:$0x1] =	stream.indirect_vreg.gather [hbm4b:s3+s26], $0x80, v4, vm0, $0xb8;
	[tilespmem:$0x14300] =	vst v63  }
0x94: {  	s28 =	simm.s32 $0x8A00  }
0x95: {  	[tilespmem:s28], [sflag:$0x1] =	stream.indirect_vreg.gather [hbm4b:s11+s26], $0x80, v4, vm0, $0xb8;
	[tilespmem:$0x14300] =	vst v63  }
0x96: {  	v4 =	vld.msk [tilespmem:$0xA0], $0xff;
	_ =	sdelay $0x4  }
0x97: {  	v5 =	vshll.u32 v4, $0x2  }
0x98: {  	v4 =	vand.u32 $0x7, v4;
	v5 =	vand.u32 $0xFFFFFFE0, v5  }
0x99: {  	v4 =	vor.u32 v4, v5  }
0x9a: {  	v4 =	vperm.xlane v4, v1;
	_ =	sdelay $0x1  }
0x9b: {  	v4 =	vadd.s32 v2, v4;
	_ =	sdelay $0x3  }
0x9c: {  	s28 =	simm.s32 $0x9200  }
0x9d: {  	[tilespmem:s28], [sflag:$0x1] =	stream.indirect_vreg.gather [hbm4b:s3+s26], $0x80, v4, vm0, $0xb8;
	[tilespmem:$0x14300] =	vst v63  }
0x9e: {  	s28 =	simm.s32 $0x9A00  }
0x9f: {  	[tilespmem:s28], [sflag:$0x1] =	stream.indirect_vreg.gather [hbm4b:s11+s26], $0x80, v4, vm0, $0xb8;
	[tilespmem:$0x14300] =	vst v63  }
0xa0: {  	v4 =	vld [tilespmem:$0x180];
	_ =	sdelay $0x4  }
0xa1: {  	v5 =	vshll.u32 v4, $0x2  }
0xa2: {  	v4 =	vand.u32 $0x7, v4;
	v5 =	vand.u32 $0xFFFFFFE0, v5  }
0xa3: {  	v4 =	vor.u32 v4, v5  }
0xa4: {  	v5 =	vperm.xlane v4, v1;
	_ =	sdelay $0x1  }
0xa5: {  	v5 =	vadd.s32 v2, v5;
	_ =	sdelay $0x1  }
0xa6: {  	v4 =	vperm.xlane v4, v3;
	_ =	sdelay $0x1  }
0xa7: {  	v4 =	vadd.s32 v2, v4  }
0xa8: {  	[tilespmem:s0], [sflag:$0x1] =	stream.indirect_vreg.gather [hbm4b:s5+s26], $0x80, v5, vm0, $0xb8;
	[tilespmem:$0x14300] =	vst v63  }
0xa9: {  	_ = 	snop  }
0xaa: {  	[tilespmem:s1], [sflag:$0x1] =	stream.indirect_vreg.gather [hbm4b:s12+s26], $0x80, v5, vm0, $0xb8;
	[tilespmem:$0x14300] =	vst v63  }
0xab: {  	_ = 	snop  }
0xac: {  	[tilespmem:s9], [sflag:$0x1] =	stream.indirect_vreg.gather [hbm4b:s5+s26], $0x80, v4, vm0, $0xb8;
	[tilespmem:$0x14300] =	vst v63  }
0xad: {  	_ = 	snop  }
0xae: {  	[tilespmem:s10], [sflag:$0x1] =	stream.indirect_vreg.gather [hbm4b:s12+s26], $0x80, v4, vm0, $0xb8;
	[tilespmem:$0x14300] =	vst v63  }
0xaf: {  	v4 =	vld [tilespmem:$0x190];
	_ =	sdelay $0x4  }
0xb0: {  	v5 =	vshll.u32 v4, $0x2  }
0xb1: {  	v4 =	vand.u32 $0x7, v4;
	v5 =	vand.u32 $0xFFFFFFE0, v5  }
0xb2: {  	v4 =	vor.u32 v4, v5  }
0xb3: {  	v5 =	vperm.xlane v4, v1;
	_ =	sdelay $0x1  }
0xb4: {  	v5 =	vadd.s32 v2, v5;
	_ =	sdelay $0x1  }
0xb5: {  	v4 =	vperm.xlane v4, v3;
	_ =	sdelay $0x1  }
0xb6: {  	v4 =	vadd.s32 v2, v4  }
0xb7: {  	[tilespmem:s15], [sflag:$0x1] =	stream.indirect_vreg.gather [hbm4b:s5+s26], $0x80, v5, vm0, $0xb8;
	[tilespmem:$0x14300] =	vst v63  }
0xb8: {  	_ = 	snop  }
0xb9: {  	[tilespmem:s16], [sflag:$0x1] =	stream.indirect_vreg.gather [hbm4b:s12+s26], $0x80, v5, vm0, $0xb8;
	[tilespmem:$0x14300] =	vst v63  }
0xba: {  	_ = 	snop  }
0xbb: {  	[tilespmem:s18], [sflag:$0x1] =	stream.indirect_vreg.gather [hbm4b:s5+s26], $0x80, v4, vm0, $0xb8;
	[tilespmem:$0x14300] =	vst v63  }
0xbc: {  	_ = 	snop  }
0xbd: {  	[tilespmem:s14], [sflag:$0x1] =	stream.indirect_vreg.gather [hbm4b:s12+s26], $0x80, v4, vm0, $0xb8;
	[tilespmem:$0x14300] =	vst v63  }
0xbe: {  	v4 =	vld.msk [tilespmem:$0x1A0], $0xff;
	_ =	sdelay $0x4  }
0xbf: {  	v5 =	vshll.u32 v4, $0x2  }
0xc0: {  	v4 =	vand.u32 $0x7, v4;
	v5 =	vand.u32 $0xFFFFFFE0, v5  }
0xc1: {  	v4 =	vor.u32 v4, v5  }
0xc2: {  	v4 =	vperm.xlane v4, v1;
	_ =	sdelay $0x1  }
0xc3: {  	v4 =	vadd.s32 v2, v4;
	_ =	sdelay $0x4  }
0xc4: {  	[tilespmem:s19], [sflag:$0x1] =	stream.indirect_vreg.gather [hbm4b:s5+s26], $0x80, v4, vm0, $0xb8;
	[tilespmem:$0x14300] =	vst v63  }
0xc5: {  	_ = 	snop  }
0xc6: {  	[tilespmem:s20], [sflag:$0x1] =	stream.indirect_vreg.gather [hbm4b:s12+s26], $0x80, v4, vm0, $0xb8;
	[tilespmem:$0x14300] =	vst v63  }
0xc7: {  	_ =	swait.ge [sflag:s21], $0x5000  }
0xc8: {  	[sflag:s21] =	ssyncset.done $0x0  }
0xc9: {  	[sflag:s21] =	ssyncadd.s32 $0xFFFFB000  }
0xca: {  	_ =	swait.ge [sflag:s21], $0x5000  }
0xcb: {  	s29 =	sand.u32 $0x380, s26;
	s28 =	sand.u32 $0x7000, s26;
	[sflag:s21] =	ssyncset.done $0x0  }
0xcc: {  	s28 =	sor.u32 s29, s28;
	[sflag:s21] =	ssyncadd.s32 $0xFFFFB000  }
0xcd: {  	v4 =	vld [tilespmem:s28+$0x270]  }
0xce: {  	v5 =	vld [tilespmem:s28+$0xA270]  }
0xcf: {  	v6 =	vld [tilespmem:s28+$0x670]  }
0xd0: {  	v7 =	vld [tilespmem:s28+$0xA670]  }
0xd1: {  	v8 =	vld [tilespmem:s28+$0x260]  }
0xd2: {  	v9 =	vld [tilespmem:s28+$0xA260]  }
0xd3: {  	v10 =	vld [tilespmem:s28+$0xA70]  }
0xd4: {  	v11 =	vld [tilespmem:s28+$0xAA70]  }
0xd5: {  	v12 =	vld [tilespmem:s28+$0x660]  }
0xd6: {  	v13 =	vld [tilespmem:s28+$0xA660]  }
0xd7: {  	v14 =	vld [tilespmem:s28+$0x250]  }
0xd8: {  	v15 =	vld [tilespmem:s28+$0xA250]  }
0xd9: {  	v16 =	vld [tilespmem:s28+$0xA60]  }
0xda: {  	v17 =	vld [tilespmem:s28+$0xAA60]  }
0xdb: {  	v18 =	vld [tilespmem:s28+$0x650]  }
0xdc: {  	v19 =	vld [tilespmem:s28+$0xA650]  }
0xdd: {  	v20 =	vld [tilespmem:s28+$0x240]  }
0xde: {  	v21 =	vld [tilespmem:s28+$0xA240]  }
0xdf: {  	v22 =	vld [tilespmem:s28+$0xA50]  }
0xe0: {  	v23 =	vld [tilespmem:s28+$0xAA50]  }
0xe1: {  	v24 =	vld [tilespmem:s28+$0x640]  }
0xe2: {  	v25 =	vld [tilespmem:s28+$0xA640]  }
0xe3: {  	v26 =	vld [tilespmem:s28+$0x230]  }
0xe4: {  	v27 =	vld [tilespmem:s28+$0xA230]  }
0xe5: {  	v28 =	vld [tilespmem:s28+$0xA40]  }
0xe6: {  	v29 =	vld [tilespmem:s28+$0xAA40]  }
0xe7: {  	v30 =	vld [tilespmem:s28+$0x630]  }
0xe8: {  	v31 =	vld [tilespmem:s28+$0xA630]  }
0xe9: {  	v32 =	vld [tilespmem:s28+$0x220]  }
0xea: {  	v33 =	vld [tilespmem:s28+$0xA220]  }
0xeb: {  	v34 =	vld [tilespmem:s28+$0xA30]  }
0xec: {  	v35 =	vld [tilespmem:s28+$0xAA30]  }
0xed: {  	v36 =	vld [tilespmem:s28+$0x620]  }
0xee: {  	v37 =	vld [tilespmem:s28+$0xA620]  }
0xef: {  	v38 =	vld [tilespmem:s28+$0xA200]  }
0xf0: {  	v39 =	vld [tilespmem:s28+$0x200]  }
0xf1: {  	v40 =	vld [tilespmem:s28+$0x210]  }
0xf2: {  	v41 =	vld [tilespmem:s28+$0xA210]  }
0xf3: {  	v42 =	vld [tilespmem:s28+$0xA20]  }
0xf4: {  	v44 =	vld [tilespmem:s28+$0x600]  }
0xf5: {  	v45 =	vld [tilespmem:s28+$0xA600]  }
0xf6: {  	v46 =	vld [tilespmem:s28+$0x610]  }
0xf7: {  	v47 =	vld [tilespmem:s28+$0xA610]  }
0xf8: {  	v48 =	vld [tilespmem:s28+$0xA00]  }
0xf9: {  	v49 =	vld [tilespmem:s28+$0xAA00]  }
0xfa: {  	v50 =	vld [tilespmem:s28+$0xA10]  }
0xfb: {  	v51 =	vld [tilespmem:s28+$0xAA10]  }
0xfc: {  	v63 =	vld [tilespmem:s28+$0xAE00];
	v4 =	vmul.f32 v5, v4;
	v5 =	vmul.f32 v7, v6  }
0xfd: {  	v6 =	vld [tilespmem:s28+$0xE00];
	v7 =	vmul.f32 v38, v39;
	v62 =	vmul.f32 v41, v40  }
0xfe: {  	v8 =	vmul.f32 v9, v8;
	v9 =	vmul.f32 v13, v12;
	v12 =	vld [tilespmem:s28+$0xE10]  }
0xff: {  	v13 =	vmul.f32 v33, v32;
	v14 =	vmul.f32 v15, v14;
	v15 =	vld [tilespmem:s28+$0xAE10]  }
0x100: {  	v43 =	vld [tilespmem:s28+$0xAA20];
	v45 =	vmul.f32 v45, v44;
	v46 =	vmul.f32 v47, v46;
	v7 =	vadd.f32 v62, v7  }
0x101: {  	v47 =	vld [tilespmem:s28+$0xE20];
	v26 =	vmul.f32 v27, v26;
	v18 =	vmul.f32 v19, v18  }
0x102: {  	v19 =	vld [tilespmem:s28+$0xAE20];
	v48 =	vmul.f32 v49, v48;
	v49 =	vmul.f32 v51, v50;
	v7 =	vadd.f32 v13, v7  }
0x103: {  	v50 =	vld [tilespmem:s28+$0xAE30];
	v27 =	vadd.f32 v46, v45;
	v13 =	vmul.f32 v21, v20;
	v20 =	vmul.f32 v37, v36  }
0x104: {  	v21 =	vld [tilespmem:s28+$0xE30];
	v6 =	vmul.f32 v63, v6;
	v12 =	vmul.f32 v15, v12;
	v7 =	vadd.f32 v26, v7  }
0x105: {  	v51 =	vld [tilespmem:s28+$0xAE40];
	v20 =	vadd.f32 v20, v27;
	v26 =	vadd.f32 v49, v48;
	v27 =	vmul.f32 v43, v42  }
0x106: {  	v30 =	vmul.f32 v31, v30;
	v24 =	vmul.f32 v25, v24;
	v15 =	vld [tilespmem:s28+$0xE40];
	v6 =	vadd.f32 v12, v6  }
0x107: {  	v12 =	vmul.f32 v19, v47;
	v19 =	vld [tilespmem:s28+$0xE50];
	v25 =	vadd.f32 v27, v26;
	v26 =	vmul.f32 v35, v34  }
0x108: {  	v27 =	vld [tilespmem:s28+$0xAE50];
	v20 =	vadd.f32 v30, v20;
	v7 =	vadd.f32 v13, v7  }
0x109: {  	v6 =	vadd.f32 v12, v6;
	v12 =	vmul.f32 v50, v21;
	v21 =	vld [tilespmem:s28+$0xE60];
	v13 =	vadd.f32 v26, v25  }
0x10a: {  	v25 =	vmul.f32 v29, v28;
	v26 =	vld [tilespmem:s28+$0xAE60];
	v20 =	vadd.f32 v24, v20;
	v7 =	vadd.f32 v14, v7  }
0x10b: {  	v14 =	vmul.f32 v23, v22;
	v22 =	vld [tilespmem:s28+$0xAE70];
	v6 =	vadd.f32 v12, v6;
	v12 =	vmul.f32 v51, v15  }
0x10c: {  	v15 =	vld [tilespmem:s28+$0xE70];
	v13 =	vadd.f32 v25, v13  }
0x10d: {  	v18 =	vadd.f32 v18, v20;
	v6 =	vadd.f32 v12, v6;
	v12 =	vmul.f32 v27, v19  }
0x10e: {  	v7 =	vadd.f32 v8, v7;
	v8 =	vadd.f32 v14, v13;
	v13 =	vmul.f32 v17, v16  }
0x10f: {  	v9 =	vadd.f32 v9, v18;
	v6 =	vadd.f32 v12, v6;
	v12 =	vmul.f32 v26, v21  }
0x110: {  	v4 =	vadd.f32 v4, v7;
	v7 =	vadd.f32 v13, v8;
	v8 =	vmul.f32 v11, v10  }
0x111: {  	v5 =	vadd.f32 v5, v9;
	v9 =	vmul.f32 v22, v15;
	v6 =	vadd.f32 v12, v6  }
0x112: {  	(xrf2) =	vadd.scan.msk.f32 $0xffff, v4;
	v4 =	vadd.f32 v8, v7  }
0x113: {  	(xrf2) =	vadd.scan.msk.f32 $0xffff, v5;
	v5 =	vadd.f32 v9, v6  }
0x114: {  	(xrf2) =	vadd.scan.msk.f32 $0xffff, v4  }
0x115: {  	(xrf2) =	vadd.scan.msk.f32 $0xffff, v5;
	_ =	sdelay $0x6  }
0x116: {  	v4, _, _ =	vpop (xrf2)  }
0x117: {  	v5, _, _ =	vpop (xrf2)  }
0x118: {  	v6, _, _ =	vpop (xrf2)  }
0x119: {  	v7, _, _ =	vpop (xrf2)  }
0x11a: {  	v6 =	vbroadcast v6, $0xF;
	v7 =	vbroadcast v7, $0xF  }
0x11b: {  	v5 =	vbroadcast v5, $0xF  }
0x11c: {  	v4 =	vbroadcast v4, $0xF;
	v6 =	vsel vm1, v7, v6  }
0x11d: {  	v5 =	vsel vm2, v6, v5  }
0x11e: {  	v4 =	vsel vm3, v5, v4  }
0x11f: {  	v4 =	vmul.f32 $3.000000120e-01, v4;
	_ =	sdelay $0x1  }
0x120: {  	v4 =	vmul.f32 $1.442695020e+00, v4;
	_ =	sdelay $0x1  }
0x121: {  	(erf) = vpow2.f32 v4;
	_ =	sdelay $0x4  }
0x122: {  	v4 =	vadd.s32 s26, v0;
	_ =	sdelay $0x2  }
0x123: {  	s29 =	simm.s32 $0x200;
	s28 =	simm.s32 $0x80  }
0x124: {  	s29 =	sand.u32 $0x7000, s29;
	s30 =	sand.u32 $0x380, s28;
	v5 =	vpop (erf)  }
0x125: {  	s29 =	sor.u32 s30, s29;
	[tilespmem:v4+s22+$0x0] =	vst.idx.msk $0xf, v5  }
0x126: {  	v13 =	vld [tilespmem:s29+$0x270]  }
0x127: {  	v17 =	vld [tilespmem:s29+$0xA270]  }
0x128: {  	v24 =	vld [tilespmem:s29+$0x670]  }
0x129: {  	v26 =	vld [tilespmem:s29+$0xA670]  }
0x12a: {  	v52 =	vld [tilespmem:s29+$0x260]  }
0x12b: {  	v53 =	vld [tilespmem:s29+$0xA260]  }
0x12c: {  	v4 =	vld [tilespmem:s29+$0xA70]  }
0x12d: {  	v5 =	vld [tilespmem:s29+$0xAA70]  }
0x12e: {  	v54 =	vld [tilespmem:s29+$0x660]  }
0x12f: {  	v55 =	vld [tilespmem:s29+$0xA660]  }
0x130: {  	v56 =	vld [tilespmem:s29+$0x250]  }
0x131: {  	v57 =	vld [tilespmem:s29+$0xA250]  }
0x132: {  	v6 =	vld [tilespmem:s29+$0xA60]  }
0x133: {  	v7 =	vld [tilespmem:s29+$0xAA60]  }
0x134: {  	v18 =	vld [tilespmem:s29+$0x650]  }
0x135: {  	v20 =	vld [tilespmem:s29+$0xA650]  }
0x136: {  	v19 =	vld [tilespmem:s29+$0x240]  }
0x137: {  	v21 =	vld [tilespmem:s29+$0xA240]  }
0x138: {  	v8 =	vld [tilespmem:s29+$0xA50]  }
0x139: {  	v9 =	vld [tilespmem:s29+$0xAA50]  }
0x13a: {  	v12 =	vld [tilespmem:s29+$0x640]  }
0x13b: {  	v14 =	vld [tilespmem:s29+$0xA640]  }
0x13c: {  	v25 =	vld [tilespmem:s29+$0x230]  }
0x13d: {  	v27 =	vld [tilespmem:s29+$0xA230]  }
0x13e: {  	v10 =	vld [tilespmem:s29+$0xA40]  }
0x13f: {  	v11 =	vld [tilespmem:s29+$0xAA40]  }
0x140: {  	v22 =	vld [tilespmem:s29+$0x630]  }
0x141: {  	v23 =	vld [tilespmem:s29+$0xA630]  }
0x142: {  	v58 =	vld [tilespmem:s29+$0x220]  }
0x143: {  	v59 =	vld [tilespmem:s29+$0xA220]  }
0x144: {  	v15 =	vld [tilespmem:s29+$0xA30]  }
0x145: {  	v16 =	vld [tilespmem:s29+$0xAA30]  }
0x146: {  	v30 =	vld [tilespmem:s29+$0x620]  }
0x147: {  	v31 =	vld [tilespmem:s29+$0xA620]  }
0x148: {  	v60 =	vld [tilespmem:s29+$0xA200]  }
0x149: {  	v61 =	vld [tilespmem:s29+$0x200]  }
0x14a: {  	v62 =	vld [tilespmem:s29+$0x210]  }
0x14b: {  	v63 =	vld [tilespmem:s29+$0xA210]  }
0x14c: {  	v28 =	vld [tilespmem:s29+$0xA20]  }
0x14d: {  	v29 =	vld [tilespmem:s29+$0xAA20]  }
0x14e: {  	v37 =	vld [tilespmem:s29+$0x600]  }
0x14f: {  	v40 =	vld [tilespmem:s29+$0xA600]  }
0x150: {  	v41 =	vld [tilespmem:s29+$0x610]  }
0x151: {  	v42 =	vld [tilespmem:s29+$0xA610]  }
0x152: {  	v33 =	vld [tilespmem:s29+$0xA00]  }
0x153: {  	v34 =	vld [tilespmem:s29+$0xAA00]  }
0x154: {  	v36 =	vld [tilespmem:s29+$0xA10];
	v17 =	vmul.f32 v17, v13;
	v13 =	vmul.f32 v26, v24  }
0x155: {  	v39 =	vld [tilespmem:s29+$0xAA10];
	v48 =	vmul.f32 v60, v61;
	v49 =	vmul.f32 v63, v62  }
0x156: {  	v35 =	vld [tilespmem:s29+$0xE00];
	v26 =	vmul.f32 v53, v52;
	v24 =	vmul.f32 v55, v54  }
0x157: {  	s30 =	simm.s32 $0x400;
	v38 =	vld [tilespmem:s29+$0xAE00];
	v44 =	vmul.f32 v59, v58;
	v32 =	vmul.f32 v57, v56;
	v43 =	vadd.f32 v49, v48  }
.LBB2_3:
0x158: {  	p0 =	sne.s32 s30, $0x4E00;
	v37 =	vmul.f32 v40, v37;
	v40 =	vmul.f32 v42, v41;
	v41 =	vld [tilespmem:s29+$0xE10]  }
0x159: {  	v25 =	vmul.f32 v27, v25;
	v18 =	vmul.f32 v20, v18;
	v42 =	vadd.f32 v44, v43;
	v20 =	vld [tilespmem:s29+$0xAE10]  }
0x15a: {  	v19 =	vmul.f32 v21, v19;
	v27 =	vmul.f32 v31, v30;
	v21 =	vadd.f32 v40, v37;
	v30 =	vld [tilespmem:s29+$0xE20]  }
0x15b: {  	v31 =	vmul.f32 v34, v33;
	v33 =	vmul.f32 v39, v36;
	v25 =	vadd.f32 v25, v42;
	v34 =	vld [tilespmem:s29+$0xAE20]  }
0x15c: {  	v22 =	vmul.f32 v23, v22;
	v12 =	vmul.f32 v14, v12;
	v21 =	vadd.f32 v27, v21;
	v14 =	vld [tilespmem:s29+$0xE30]  }
0x15d: {  	v23 =	vadd.f32 v33, v31;
	v19 =	vadd.f32 v19, v25;
	v25 =	vmul.f32 v29, v28;
	v27 =	vld [tilespmem:s29+$0xAE30]  }
0x15e: {  	v21 =	vadd.f32 v22, v21;
	v22 =	vmul.f32 v38, v35;
	v20 =	vmul.f32 v20, v41;
	v28 =	vld [tilespmem:s29+$0xE40]  }
0x15f: {  	v15 =	vmul.f32 v16, v15;
	v19 =	vadd.f32 v32, v19;
	v23 =	vadd.f32 v25, v23;
	v16 =	vld [tilespmem:s29+$0xAE40]  }
0x160: {  	v12 =	vadd.f32 v12, v21;
	v20 =	vadd.f32 v20, v22;
	v21 =	vmul.f32 v34, v30;
	v22 =	vld [tilespmem:s29+$0xE50]  }
0x161: {  	v10 =	vmul.f32 v11, v10;
	v19 =	vadd.f32 v26, v19;
	v15 =	vadd.f32 v15, v23;
	v11 =	vld [tilespmem:s29+$0xAE50]  }
0x162: {  	v12 =	vadd.f32 v18, v12;
	v18 =	vadd.f32 v21, v20;
	v14 =	vmul.f32 v27, v14;
	v20 =	vld [tilespmem:s29+$0xE60]  }
0x163: {  	v8 =	vmul.f32 v9, v8;
	v17 =	vadd.f32 v17, v19;
	v10 =	vadd.f32 v10, v15;
	v9 =	vld [tilespmem:s29+$0xAE60]  }
0x164: {  	v12 =	vadd.f32 v24, v12;
	v14 =	vadd.f32 v14, v18;
	v15 =	vmul.f32 v16, v28;
	v16 =	vld [tilespmem:s29+$0xE70]  }
0x165: {  	v6 =	vmul.f32 v7, v6;
	v8 =	vadd.f32 v8, v10;
	v7 =	vld [tilespmem:s29+$0xAE70];
	(xrf2) =	vadd.scan.msk.f32 $0xffff, v17  }
0x166: {  	v10 =	vadd.f32 v13, v12;
	v12 =	vadd.f32 v15, v14;
	v11 =	vmul.f32 v11, v22  }
0x167: {  	v4 =	vmul.f32 v5, v4;
	v6 =	vadd.f32 v6, v8  }
0x168: {  	v5 =	vadd.f32 v11, v12;
	v8 =	vmul.f32 v9, v20;
	(xrf2) =	vadd.scan.msk.f32 $0xffff, v10  }
0x169: {  	v4 =	vadd.f32 v4, v6  }
0x16a: {  	v5 =	vadd.f32 v8, v5;
	v6 =	vmul.f32 v7, v16  }
0x16b: {  	(xrf2) =	vadd.scan.msk.f32 $0xffff, v4  }
0x16c: {  	v5 =	vadd.f32 v6, v5;
	_ =	sdelay $0x1  }
0x16d: {  	(xrf2) =	vadd.scan.msk.f32 $0xffff, v5  }
0x16e: {  	v4, _, _ =	vpop (xrf2);
	_ =	sdelay $0x2  }
0x16f: {  	v5, _, _ =	vpop (xrf2);
	_ =	sdelay $0x2  }
0x170: {  	v6, _, _ =	vpop (xrf2);
	_ =	sdelay $0x2  }
0x171: {  	v7, _, _ =	vpop (xrf2)  }
0x172: {  	v6 =	vbroadcast v6, $0xF;
	v7 =	vbroadcast v7, $0xF  }
0x173: {  	v5 =	vbroadcast v5, $0xF  }
0x174: {  	v4 =	vbroadcast v4, $0xF;
	v6 =	vsel vm1, v7, v6  }
0x175: {  	v5 =	vsel vm2, v6, v5  }
0x176: {  	v4 =	vsel vm3, v5, v4  }
0x177: {  	v4 =	vmul.f32 $3.000000120e-01, v4;
	_ =	sdelay $0x1  }
0x178: {  	v4 =	vmul.f32 $1.442695020e+00, v4;
	_ =	sdelay $0x1  }
0x179: {  	(erf) = vpow2.f32 v4;
	_ =	sdelay $0x3  }
0x17a: {  	s26 =	sadd.s32 $0x4, s26  }
0x17b: {  	v4 =	vadd.s32 s26, v0;
	_ =	sdelay $0x2  }
0x17c: {  	s28 =	sadd.s32 $0x80, s28  }
0x17d: {  	s31 =	sand.u32 $0x380, s28;
	s29 =	sand.u32 $0x7000, s30;
	v5 =	vpop (erf)  }
0x17e: {  	s29 =	sor.u32 s31, s29;
	[tilespmem:v4+s22+$0x0] =	vst.idx.msk $0xf, v5  }
0x17f: {  	v13 =	vld [tilespmem:s29+$0x270]  }
0x180: {  	v17 =	vld [tilespmem:s29+$0xA270]  }
0x181: {  	v24 =	vld [tilespmem:s29+$0x670]  }
0x182: {  	v26 =	vld [tilespmem:s29+$0xA670]  }
0x183: {  	v32 =	vld [tilespmem:s29+$0x260]  }
0x184: {  	v35 =	vld [tilespmem:s29+$0xA260]  }
0x185: {  	v4 =	vld [tilespmem:s29+$0xA70]  }
0x186: {  	v5 =	vld [tilespmem:s29+$0xAA70]  }
0x187: {  	v38 =	vld [tilespmem:s29+$0x660]  }
0x188: {  	v43 =	vld [tilespmem:s29+$0xA660]  }
0x189: {  	v45 =	vld [tilespmem:s29+$0x250]  }
0x18a: {  	v46 =	vld [tilespmem:s29+$0xA250]  }
0x18b: {  	v6 =	vld [tilespmem:s29+$0xA60]  }
0x18c: {  	v7 =	vld [tilespmem:s29+$0xAA60]  }
0x18d: {  	v18 =	vld [tilespmem:s29+$0x650]  }
0x18e: {  	v20 =	vld [tilespmem:s29+$0xA650]  }
0x18f: {  	v19 =	vld [tilespmem:s29+$0x240]  }
0x190: {  	v21 =	vld [tilespmem:s29+$0xA240]  }
0x191: {  	v8 =	vld [tilespmem:s29+$0xA50]  }
0x192: {  	v9 =	vld [tilespmem:s29+$0xAA50]  }
0x193: {  	v12 =	vld [tilespmem:s29+$0x640]  }
0x194: {  	v14 =	vld [tilespmem:s29+$0xA640]  }
0x195: {  	v25 =	vld [tilespmem:s29+$0x230]  }
0x196: {  	v27 =	vld [tilespmem:s29+$0xA230]  }
0x197: {  	v10 =	vld [tilespmem:s29+$0xA40]  }
0x198: {  	v11 =	vld [tilespmem:s29+$0xAA40]  }
0x199: {  	v22 =	vld [tilespmem:s29+$0x630]  }
0x19a: {  	v23 =	vld [tilespmem:s29+$0xA630]  }
0x19b: {  	v44 =	vld [tilespmem:s29+$0x220]  }
0x19c: {  	v47 =	vld [tilespmem:s29+$0xA220]  }
0x19d: {  	v15 =	vld [tilespmem:s29+$0xA30]  }
0x19e: {  	v16 =	vld [tilespmem:s29+$0xAA30]  }
0x19f: {  	v30 =	vld [tilespmem:s29+$0x620]  }
0x1a0: {  	v31 =	vld [tilespmem:s29+$0xA620]  }
0x1a1: {  	v39 =	vld [tilespmem:s29+$0xA200]  }
0x1a2: {  	v48 =	vld [tilespmem:s29+$0x200]  }
0x1a3: {  	v49 =	vld [tilespmem:s29+$0x210]  }
0x1a4: {  	v50 =	vld [tilespmem:s29+$0xA210]  }
0x1a5: {  	v28 =	vld [tilespmem:s29+$0xA20]  }
0x1a6: {  	v29 =	vld [tilespmem:s29+$0xAA20]  }
0x1a7: {  	v37 =	vld [tilespmem:s29+$0x600]  }
0x1a8: {  	v40 =	vld [tilespmem:s29+$0xA600]  }
0x1a9: {  	v41 =	vld [tilespmem:s29+$0x610]  }
0x1aa: {  	v42 =	vld [tilespmem:s29+$0xA610]  }
0x1ab: {  	v33 =	vld [tilespmem:s29+$0xA00]  }
.Ltmp0:
0x1ac: {  	v34 =	vld [tilespmem:s29+$0xAA00];
	(pc) =	sbr.rel @p0 .LBB2_3-.Ltmp0, $4  }
0x1ad: {  	v17 =	vmul.f32 v17, v13;
	v13 =	vmul.f32 v26, v24;
	v36 =	vld [tilespmem:s29+$0xA10]  }
0x1ae: {  	v48 =	vmul.f32 v39, v48;
	v49 =	vmul.f32 v50, v49;
	v39 =	vld [tilespmem:s29+$0xAA10]  }
0x1af: {  	v26 =	vmul.f32 v35, v32;
	v24 =	vmul.f32 v43, v38;
	v35 =	vld [tilespmem:s29+$0xE00]  }
0x1b0: {  	s30 =	sadd.s32 $0x200, s30;
	v32 =	vmul.f32 v46, v45;
	v44 =	vmul.f32 v47, v44;
	v43 =	vadd.f32 v49, v48;
	v38 =	vld [tilespmem:s29+$0xAE00]  }
0x1b1: {  	v45 =	vld [tilespmem:s29+$0xE10]  }
0x1b2: {  	v46 =	vld [tilespmem:s29+$0xAE10];
	v37 =	vmul.f32 v40, v37;
	v52 =	vmul.f32 v42, v41  }
0x1b3: {  	v53 =	vld [tilespmem:s29+$0xE20];
	v25 =	vmul.f32 v27, v25;
	v18 =	vmul.f32 v20, v18  }
0x1b4: {  	v54 =	vld [tilespmem:s29+$0xAE20];
	v19 =	vmul.f32 v21, v19;
	v56 =	vmul.f32 v31, v30  }
0x1b5: {  	v57 =	vld [tilespmem:s29+$0xE30];
	v33 =	vmul.f32 v34, v33;
	v28 =	vmul.f32 v29, v28  }
0x1b6: {  	v60 =	vld [tilespmem:s29+$0xAE30];
	v22 =	vmul.f32 v23, v22;
	v59 =	vmul.f32 v39, v36  }
0x1b7: {  	v63 =	vld [tilespmem:s29+$0xE40];
	v58 =	vadd.f32 v52, v37;
	v61 =	vmul.f32 v38, v35;
	v62 =	vmul.f32 v46, v45  }
0x1b8: {  	v42 =	vld [tilespmem:s29+$0xAE40];
	v12 =	vmul.f32 v14, v12;
	v55 =	vadd.f32 v44, v43;
	v40 =	vadd.f32 v59, v33  }
0x1b9: {  	v44 =	vld [tilespmem:s29+$0xE50];
	v21 =	vadd.f32 v56, v58;
	v20 =	vmul.f32 v54, v53;
	v43 =	vadd.f32 v62, v61  }
0x1ba: {  	v15 =	vmul.f32 v16, v15;
	v25 =	vadd.f32 v25, v55;
	v46 =	vld [tilespmem:s29+$0xAE50];
	v45 =	vadd.f32 v28, v40  }
0x1bb: {  	v48 =	vld [tilespmem:s29+$0xE60];
	v47 =	vmul.f32 v60, v57;
	v21 =	vadd.f32 v22, v21;
	v20 =	vadd.f32 v20, v43  }
0x1bc: {  	v10 =	vmul.f32 v11, v10;
	v49 =	vld [tilespmem:s29+$0xAE60];
	v19 =	vadd.f32 v19, v25;
	v14 =	vadd.f32 v15, v45  }
0x1bd: {  	v52 =	vld [tilespmem:s29+$0xE70];
	v51 =	vmul.f32 v42, v63;
	v12 =	vadd.f32 v12, v21;
	v50 =	vadd.f32 v47, v20  }
0x1be: {  	v8 =	vmul.f32 v9, v8;
	v53 =	vld [tilespmem:s29+$0xAE70];
	v19 =	vadd.f32 v32, v19;
	v10 =	vadd.f32 v10, v14  }
0x1bf: {  	v12 =	vadd.f32 v18, v12;
	v55 =	vmul.f32 v46, v44;
	v54 =	vadd.f32 v51, v50  }
0x1c0: {  	v6 =	vmul.f32 v7, v6;
	v56 =	vadd.f32 v26, v19;
	v8 =	vadd.f32 v8, v10  }
0x1c1: {  	v11 =	vmul.f32 v49, v48;
	v57 =	vadd.f32 v24, v12;
	v58 =	vadd.f32 v55, v54  }
0x1c2: {  	v4 =	vmul.f32 v5, v4;
	v59 =	vadd.f32 v17, v56;
	v6 =	vadd.f32 v6, v8  }
0x1c3: {  	v61 =	vmul.f32 v53, v52;
	v5 =	vadd.f32 v13, v57;
	v60 =	vadd.f32 v11, v58  }
0x1c4: {  	(xrf2) =	vadd.scan.msk.f32 $0xffff, v59;
	v4 =	vadd.f32 v4, v6  }
0x1c5: {  	(xrf2) =	vadd.scan.msk.f32 $0xffff, v5;
	v5 =	vadd.f32 v61, v60  }
0x1c6: {  	(xrf2) =	vadd.scan.msk.f32 $0xffff, v4  }
0x1c7: {  	(xrf2) =	vadd.scan.msk.f32 $0xffff, v5;
	_ =	sdelay $0x6  }
0x1c8: {  	v4, _, _ =	vpop (xrf2)  }
0x1c9: {  	v5, _, _ =	vpop (xrf2)  }
0x1ca: {  	v62, _, _ =	vpop (xrf2)  }
0x1cb: {  	v63, _, _ =	vpop (xrf2)  }
0x1cc: {  	v6 =	vbroadcast v62, $0xF;
	v7 =	vbroadcast v63, $0xF  }
0x1cd: {  	v5 =	vbroadcast v5, $0xF  }
0x1ce: {  	v4 =	vbroadcast v4, $0xF;
	v6 =	vsel vm1, v7, v6  }
0x1cf: {  	v5 =	vsel vm2, v6, v5  }
0x1d0: {  	v4 =	vsel vm3, v5, v4  }
0x1d1: {  	v4 =	vmul.f32 $3.000000120e-01, v4;
	_ =	sdelay $0x1  }
0x1d2: {  	v4 =	vmul.f32 $1.442695020e+00, v4;
	_ =	sdelay $0x1  }
0x1d3: {  	(erf) = vpow2.f32 v4;
	_ =	sdelay $0x3  }
0x1d4: {  	s26 =	sadd.s32 $0x4, s26  }
0x1d5: {  	v4 =	vadd.s32 s26, v0;
	_ =	sdelay $0x2  }
0x1d6: {  	s31 =	sadd.s32 s4, s25  }
0x1d7: {  	s26 =	sshrl.u32 s31, $0x1;
	v5 =	vpop (erf)  }
0x1d8: {  	s26 =	sadd.s32 s8, s26;
	[tilespmem:v4+s22+$0x0] =	vst.idx.msk $0xf, v5  }
0x1d9: {  	[hbm4b:s26+s2] =	stream.linear.scatter [tilespmem:s22], [sflag:$0x3], $0xA0, $0x38;
	[tilespmem:$0x14300] =	vst v63  }
0x1da: {  	s26 =	sshllo.u32 s24, $0x1  }
0x1db: {  	p0 =	sgt.u32 s26, $0xF8  }
.Ltmp1:
0x1dc: {  	_ = 	snop;
	(pc) =	sbr.rel @p0 .LBB2_6-.Ltmp1, $4  }
0x1dd: {  	_ = 	snop  }
0x1de: {  	_ =	swait.ge [sflag:s23], $0xA0  }
0x1df: {  	[sflag:s23] =	ssyncset.done $0x0  }
0x1e0: {  	[sflag:s23] =	ssyncadd.s32 $0xFFFFFF60  }
0x1e1: {  	s28 =	rddreg [dreg:$0x4]  }
0x1e2: {  	s25 =	sadd.s32 s25, s28  }
0x1e3: {  	s25 =	sshrl.u32 s25, $0x3  }
0x1e4: {  	s30 =	sadd.s32 s6, s25  }
0x1e5: {  	[tilespmem:s2], [sflag:$0x2] =	stream.linear.gather [hbm4b:s30+s2], $0x28, $0x38;
	[tilespmem:$0x14300] =	vst v63  }
0x1e6: {  	s31 =	simm.s32 $0x100;
	s25 =	sadd.s32 s7, s25  }
0x1e7: {  	[tilespmem:s31], [sflag:$0x2] =	stream.linear.gather [hbm4b:s25+s2], $0x28, $0x38;
	[tilespmem:$0x14300] =	vst v63  }
0x1e8: {  	_ =	swait.ge [sflag:s17], $0x28  }
0x1e9: {  	[sflag:s17] =	ssyncset.done $0x0  }
0x1ea: {  	[sflag:s17] =	ssyncadd.s32 $0xFFFFFFD8  }
0x1eb: {  	_ =	swait.ge [sflag:s17], $0x28  }
0x1ec: {  	[sflag:s17] =	ssyncset.done $0x0  }
0x1ed: {  	[sflag:s17] =	ssyncadd.s32 $0xFFFFFFD8  }
0x1ee: {  	v4 =	vld [tilespmem:$0x0];
	_ =	sdelay $0x4  }
0x1ef: {  	v5 =	vshll.u32 v4, $0x2  }
0x1f0: {  	v4 =	vand.u32 $0x7, v4;
	v5 =	vand.u32 $0xFFFFFFE0, v5  }
0x1f1: {  	v4 =	vor.u32 v4, v5  }
0x1f2: {  	v5 =	vperm.xlane v4, v1;
	_ =	sdelay $0x1  }
0x1f3: {  	v5 =	vadd.s32 v2, v5;
	_ =	sdelay $0x1  }
0x1f4: {  	v4 =	vperm.xlane v4, v3;
	_ =	sdelay $0x1  }
0x1f5: {  	s28 =	simm.s32 $0x200;
	v4 =	vadd.s32 v2, v4  }
0x1f6: {  	[tilespmem:s28], [sflag:$0x1] =	stream.indirect_vreg.gather [hbm4b:s3+s2], $0x80, v5, vm0, $0xb8;
	[tilespmem:$0x14300] =	vst v63  }
0x1f7: {  	s29 =	simm.s32 $0xA00  }
0x1f8: {  	[tilespmem:s29], [sflag:$0x1] =	stream.indirect_vreg.gather [hbm4b:s11+s2], $0x80, v5, vm0, $0xb8;
	[tilespmem:$0x14300] =	vst v63  }
0x1f9: {  	s30 =	simm.s32 $0x1200  }
0x1fa: {  	[tilespmem:s30], [sflag:$0x1] =	stream.indirect_vreg.gather [hbm4b:s3+s2], $0x80, v4, vm0, $0xb8;
	[tilespmem:$0x14300] =	vst v63  }
0x1fb: {  	s31 =	simm.s32 $0x1A00  }
0x1fc: {  	[tilespmem:s31], [sflag:$0x1] =	stream.indirect_vreg.gather [hbm4b:s11+s2], $0x80, v4, vm0, $0xb8;
	[tilespmem:$0x14300] =	vst v63  }
0x1fd: {  	v4 =	vld [tilespmem:$0x10];
	_ =	sdelay $0x4  }
0x1fe: {  	v5 =	vshll.u32 v4, $0x2  }
0x1ff: {  	v4 =	vand.u32 $0x7, v4;
	v5 =	vand.u32 $0xFFFFFFE0, v5  }
0x200: {  	v4 =	vor.u32 v4, v5  }
0x201: {  	v5 =	vperm.xlane v4, v1;
	_ =	sdelay $0x1  }
0x202: {  	v5 =	vadd.s32 v2, v5;
	_ =	sdelay $0x1  }
0x203: {  	v4 =	vperm.xlane v4, v3;
	_ =	sdelay $0x1  }
0x204: {  	s28 =	simm.s32 $0x2200;
	v4 =	vadd.s32 v2, v4  }
0x205: {  	[tilespmem:s28], [sflag:$0x1] =	stream.indirect_vreg.gather [hbm4b:s3+s2], $0x80, v5, vm0, $0xb8;
	[tilespmem:$0x14300] =	vst v63  }
0x206: {  	s29 =	simm.s32 $0x2A00  }
0x207: {  	[tilespmem:s29], [sflag:$0x1] =	stream.indirect_vreg.gather [hbm4b:s11+s2], $0x80, v5, vm0, $0xb8;
	[tilespmem:$0x14300] =	vst v63  }
0x208: {  	s30 =	simm.s32 $0x3200  }
0x209: {  	[tilespmem:s30], [sflag:$0x1] =	stream.indirect_vreg.gather [hbm4b:s3+s2], $0x80, v4, vm0, $0xb8;
	[tilespmem:$0x14300] =	vst v63  }
0x20a: {  	s31 =	simm.s32 $0x3A00  }
0x20b: {  	[tilespmem:s31], [sflag:$0x1] =	stream.indirect_vreg.gather [hbm4b:s11+s2], $0x80, v4, vm0, $0xb8;
	[tilespmem:$0x14300] =	vst v63  }
0x20c: {  	v4 =	vld.msk [tilespmem:$0x20], $0xff;
	_ =	sdelay $0x4  }
0x20d: {  	v5 =	vshll.u32 v4, $0x2  }
0x20e: {  	v4 =	vand.u32 $0x7, v4;
	v5 =	vand.u32 $0xFFFFFFE0, v5  }
0x20f: {  	v4 =	vor.u32 v4, v5  }
0x210: {  	v4 =	vperm.xlane v4, v1;
	_ =	sdelay $0x1  }
0x211: {  	v4 =	vadd.s32 v2, v4;
	_ =	sdelay $0x3  }
0x212: {  	s28 =	simm.s32 $0x4200  }
0x213: {  	[tilespmem:s28], [sflag:$0x1] =	stream.indirect_vreg.gather [hbm4b:s3+s2], $0x80, v4, vm0, $0xb8;
	[tilespmem:$0x14300] =	vst v63  }
0x214: {  	s29 =	simm.s32 $0x4A00  }
0x215: {  	[tilespmem:s29], [sflag:$0x1] =	stream.indirect_vreg.gather [hbm4b:s11+s2], $0x80, v4, vm0, $0xb8;
	[tilespmem:$0x14300] =	vst v63  }
0x216: {  	v4 =	vld [tilespmem:$0x100];
	_ =	sdelay $0x4  }
0x217: {  	v5 =	vshll.u32 v4, $0x2  }
0x218: {  	v4 =	vand.u32 $0x7, v4;
	v5 =	vand.u32 $0xFFFFFFE0, v5  }
0x219: {  	v4 =	vor.u32 v4, v5  }
0x21a: {  	v5 =	vperm.xlane v4, v1;
	_ =	sdelay $0x1  }
0x21b: {  	v5 =	vadd.s32 v2, v5;
	_ =	sdelay $0x1  }
0x21c: {  	v4 =	vperm.xlane v4, v3;
	_ =	sdelay $0x1  }
0x21d: {  	s30 =	simm.s32 $0xA200;
	v4 =	vadd.s32 v2, v4  }
0x21e: {  	[tilespmem:s30], [sflag:$0x1] =	stream.indirect_vreg.gather [hbm4b:s5+s2], $0x80, v5, vm0, $0xb8;
	[tilespmem:$0x14300] =	vst v63  }
0x21f: {  	s31 =	simm.s32 $0xAA00  }
0x220: {  	[tilespmem:s31], [sflag:$0x1] =	stream.indirect_vreg.gather [hbm4b:s12+s2], $0x80, v5, vm0, $0xb8;
	[tilespmem:$0x14300] =	vst v63  }
0x221: {  	s28 =	simm.s32 $0xB200  }
0x222: {  	[tilespmem:s28], [sflag:$0x1] =	stream.indirect_vreg.gather [hbm4b:s5+s2], $0x80, v4, vm0, $0xb8;
	[tilespmem:$0x14300] =	vst v63  }
0x223: {  	s29 =	simm.s32 $0xBA00  }
0x224: {  	[tilespmem:s29], [sflag:$0x1] =	stream.indirect_vreg.gather [hbm4b:s12+s2], $0x80, v4, vm0, $0xb8;
	[tilespmem:$0x14300] =	vst v63  }
0x225: {  	v4 =	vld [tilespmem:$0x110];
	_ =	sdelay $0x4  }
0x226: {  	v5 =	vshll.u32 v4, $0x2  }
0x227: {  	v4 =	vand.u32 $0x7, v4;
	v5 =	vand.u32 $0xFFFFFFE0, v5  }
0x228: {  	v4 =	vor.u32 v4, v5  }
0x229: {  	v5 =	vperm.xlane v4, v1;
	_ =	sdelay $0x1  }
0x22a: {  	v5 =	vadd.s32 v2, v5;
	_ =	sdelay $0x1  }
0x22b: {  	v4 =	vperm.xlane v4, v3;
	_ =	sdelay $0x1  }
0x22c: {  	s30 =	simm.s32 $0xC200;
	v4 =	vadd.s32 v2, v4  }
0x22d: {  	[tilespmem:s30], [sflag:$0x1] =	stream.indirect_vreg.gather [hbm4b:s5+s2], $0x80, v5, vm0, $0xb8;
	[tilespmem:$0x14300] =	vst v63  }
0x22e: {  	s31 =	simm.s32 $0xCA00  }
0x22f: {  	[tilespmem:s31], [sflag:$0x1] =	stream.indirect_vreg.gather [hbm4b:s12+s2], $0x80, v5, vm0, $0xb8;
	[tilespmem:$0x14300] =	vst v63  }
0x230: {  	s28 =	simm.s32 $0xD200  }
0x231: {  	[tilespmem:s28], [sflag:$0x1] =	stream.indirect_vreg.gather [hbm4b:s5+s2], $0x80, v4, vm0, $0xb8;
	[tilespmem:$0x14300] =	vst v63  }
0x232: {  	s29 =	simm.s32 $0xDA00  }
0x233: {  	[tilespmem:s29], [sflag:$0x1] =	stream.indirect_vreg.gather [hbm4b:s12+s2], $0x80, v4, vm0, $0xb8;
	[tilespmem:$0x14300] =	vst v63  }
0x234: {  	v4 =	vld.msk [tilespmem:$0x120], $0xff;
	_ =	sdelay $0x4  }
0x235: {  	v5 =	vshll.u32 v4, $0x2  }
0x236: {  	v4 =	vand.u32 $0x7, v4;
	v5 =	vand.u32 $0xFFFFFFE0, v5  }
0x237: {  	v4 =	vor.u32 v4, v5  }
0x238: {  	v4 =	vperm.xlane v4, v1;
	_ =	sdelay $0x1  }
0x239: {  	v4 =	vadd.s32 v2, v4;
	_ =	sdelay $0x3  }
0x23a: {  	s30 =	simm.s32 $0xE200  }
0x23b: {  	[tilespmem:s30], [sflag:$0x1] =	stream.indirect_vreg.gather [hbm4b:s5+s2], $0x80, v4, vm0, $0xb8;
	[tilespmem:$0x14300] =	vst v63  }
0x23c: {  	s31 =	simm.s32 $0xEA00  }
0x23d: {  	[tilespmem:s31], [sflag:$0x1] =	stream.indirect_vreg.gather [hbm4b:s12+s2], $0x80, v4, vm0, $0xb8;
	[tilespmem:$0x14300] =	vst v63  }
.LBB2_6:
0x23e: {  	_ =	swait.ge [sflag:s21], $0x5000  }
0x23f: {  	[sflag:s21] =	ssyncset.done $0x0  }
0x240: {  	[sflag:s21] =	ssyncadd.s32 $0xFFFFB000  }
0x241: {  	s25 =	simm.s32 $0x0;
	_ =	swait.ge [sflag:s21], $0x5000  }
0x242: {  	s28 =	sand.u32 $0x7000, s25;
	s29 =	sand.u32 $0x380, s25;
	[sflag:s21] =	ssyncset.done $0x0  }
0x243: {  	s28 =	sor.u32 s29, s28;
	[sflag:s21] =	ssyncadd.s32 $0xFFFFB000  }
0x244: {  	v4 =	vld [tilespmem:s28+$0x5270]  }
0x245: {  	v5 =	vld [tilespmem:s28+$0xF270]  }
0x246: {  	v6 =	vld [tilespmem:s28+$0x5670]  }
0x247: {  	v7 =	vld [tilespmem:s28+$0xF670]  }
0x248: {  	v8 =	vld [tilespmem:s28+$0x5260]  }
0x249: {  	v9 =	vld [tilespmem:s28+$0xF260]  }
0x24a: {  	v10 =	vld [tilespmem:s28+$0x5A70]  }
0x24b: {  	v11 =	vld [tilespmem:s28+$0xFA70]  }
0x24c: {  	v12 =	vld [tilespmem:s28+$0x5660]  }
0x24d: {  	v13 =	vld [tilespmem:s28+$0xF660]  }
0x24e: {  	v14 =	vld [tilespmem:s28+$0x5250]  }
0x24f: {  	v15 =	vld [tilespmem:s28+$0xF250]  }
0x250: {  	v16 =	vld [tilespmem:s28+$0x5A60]  }
0x251: {  	v17 =	vld [tilespmem:s28+$0xFA60]  }
0x252: {  	v18 =	vld [tilespmem:s28+$0x5650]  }
0x253: {  	v19 =	vld [tilespmem:s28+$0xF650]  }
0x254: {  	v20 =	vld [tilespmem:s28+$0x5240]  }
0x255: {  	v21 =	vld [tilespmem:s28+$0xF240]  }
0x256: {  	v22 =	vld [tilespmem:s28+$0x5A50]  }
0x257: {  	v23 =	vld [tilespmem:s28+$0xFA50]  }
0x258: {  	v24 =	vld [tilespmem:s28+$0x5640]  }
0x259: {  	v25 =	vld [tilespmem:s28+$0xF640]  }
0x25a: {  	v26 =	vld [tilespmem:s28+$0x5230]  }
0x25b: {  	v27 =	vld [tilespmem:s28+$0xF230]  }
0x25c: {  	v28 =	vld [tilespmem:s28+$0x5A40]  }
0x25d: {  	v29 =	vld [tilespmem:s28+$0xFA40]  }
0x25e: {  	v30 =	vld [tilespmem:s28+$0x5630]  }
0x25f: {  	v31 =	vld [tilespmem:s28+$0xF630]  }
0x260: {  	v32 =	vld [tilespmem:s28+$0x5220]  }
0x261: {  	v33 =	vld [tilespmem:s28+$0xF220]  }
0x262: {  	v34 =	vld [tilespmem:s28+$0x5A30]  }
0x263: {  	v35 =	vld [tilespmem:s28+$0xFA30]  }
0x264: {  	v36 =	vld [tilespmem:s28+$0x5620]  }
0x265: {  	v37 =	vld [tilespmem:s28+$0xF620]  }
0x266: {  	v38 =	vld [tilespmem:s28+$0xF200]  }
0x267: {  	v39 =	vld [tilespmem:s28+$0x5200]  }
0x268: {  	v40 =	vld [tilespmem:s28+$0x5210]  }
0x269: {  	v41 =	vld [tilespmem:s28+$0xF210]  }
0x26a: {  	v42 =	vld [tilespmem:s28+$0x5A20]  }
0x26b: {  	v44 =	vld [tilespmem:s28+$0x5600]  }
0x26c: {  	v45 =	vld [tilespmem:s28+$0xF600]  }
0x26d: {  	v46 =	vld [tilespmem:s28+$0x5610]  }
0x26e: {  	v47 =	vld [tilespmem:s28+$0xF610]  }
0x26f: {  	v48 =	vld [tilespmem:s28+$0x5A00]  }
0x270: {  	v49 =	vld [tilespmem:s28+$0xFA00]  }
0x271: {  	v50 =	vld [tilespmem:s28+$0x5A10]  }
0x272: {  	v51 =	vld [tilespmem:s28+$0xFA10]  }
0x273: {  	v63 =	vld [tilespmem:s28+$0xFE00];
	v4 =	vmul.f32 v5, v4;
	v5 =	vmul.f32 v7, v6  }
0x274: {  	v6 =	vld [tilespmem:s28+$0x5E00];
	v7 =	vmul.f32 v38, v39;
	v62 =	vmul.f32 v41, v40  }
0x275: {  	v8 =	vmul.f32 v9, v8;
	v9 =	vmul.f32 v13, v12;
	v12 =	vld [tilespmem:s28+$0x5E10]  }
0x276: {  	v13 =	vmul.f32 v33, v32;
	v14 =	vmul.f32 v15, v14;
	v15 =	vld [tilespmem:s28+$0xFE10]  }
0x277: {  	v43 =	vld [tilespmem:s28+$0xFA20];
	v45 =	vmul.f32 v45, v44;
	v46 =	vmul.f32 v47, v46;
	v7 =	vadd.f32 v62, v7  }
0x278: {  	v47 =	vld [tilespmem:s28+$0x5E20];
	v26 =	vmul.f32 v27, v26;
	v18 =	vmul.f32 v19, v18  }
0x279: {  	v19 =	vld [tilespmem:s28+$0xFE20];
	v48 =	vmul.f32 v49, v48;
	v49 =	vmul.f32 v51, v50;
	v7 =	vadd.f32 v13, v7  }
0x27a: {  	v50 =	vld [tilespmem:s28+$0xFE30];
	v27 =	vadd.f32 v46, v45;
	v13 =	vmul.f32 v21, v20;
	v20 =	vmul.f32 v37, v36  }
0x27b: {  	v21 =	vld [tilespmem:s28+$0x5E30];
	v6 =	vmul.f32 v63, v6;
	v12 =	vmul.f32 v15, v12;
	v7 =	vadd.f32 v26, v7  }
0x27c: {  	v51 =	vld [tilespmem:s28+$0xFE40];
	v20 =	vadd.f32 v20, v27;
	v26 =	vadd.f32 v49, v48;
	v27 =	vmul.f32 v43, v42  }
0x27d: {  	v30 =	vmul.f32 v31, v30;
	v24 =	vmul.f32 v25, v24;
	v15 =	vld [tilespmem:s28+$0x5E40];
	v6 =	vadd.f32 v12, v6  }
0x27e: {  	v12 =	vmul.f32 v19, v47;
	v19 =	vld [tilespmem:s28+$0x5E50];
	v25 =	vadd.f32 v27, v26;
	v26 =	vmul.f32 v35, v34  }
0x27f: {  	v27 =	vld [tilespmem:s28+$0xFE50];
	v20 =	vadd.f32 v30, v20;
	v7 =	vadd.f32 v13, v7  }
0x280: {  	v6 =	vadd.f32 v12, v6;
	v12 =	vmul.f32 v50, v21;
	v21 =	vld [tilespmem:s28+$0x5E60];
	v13 =	vadd.f32 v26, v25  }
0x281: {  	v25 =	vmul.f32 v29, v28;
	v26 =	vld [tilespmem:s28+$0xFE60];
	v20 =	vadd.f32 v24, v20;
	v7 =	vadd.f32 v14, v7  }
0x282: {  	v14 =	vmul.f32 v23, v22;
	v22 =	vld [tilespmem:s28+$0xFE70];
	v6 =	vadd.f32 v12, v6;
	v12 =	vmul.f32 v51, v15  }
0x283: {  	v15 =	vld [tilespmem:s28+$0x5E70];
	v13 =	vadd.f32 v25, v13  }
0x284: {  	v18 =	vadd.f32 v18, v20;
	v6 =	vadd.f32 v12, v6;
	v12 =	vmul.f32 v27, v19  }
0x285: {  	v7 =	vadd.f32 v8, v7;
	v8 =	vadd.f32 v14, v13;
	v13 =	vmul.f32 v17, v16  }
0x286: {  	v9 =	vadd.f32 v9, v18;
	v6 =	vadd.f32 v12, v6;
	v12 =	vmul.f32 v26, v21  }
0x287: {  	v4 =	vadd.f32 v4, v7;
	v7 =	vadd.f32 v13, v8;
	v8 =	vmul.f32 v11, v10  }
0x288: {  	v5 =	vadd.f32 v5, v9;
	v9 =	vmul.f32 v22, v15;
	v6 =	vadd.f32 v12, v6  }
0x289: {  	(xrf2) =	vadd.scan.msk.f32 $0xffff, v4;
	v4 =	vadd.f32 v8, v7  }
0x28a: {  	(xrf2) =	vadd.scan.msk.f32 $0xffff, v5;
	v5 =	vadd.f32 v9, v6  }
0x28b: {  	(xrf2) =	vadd.scan.msk.f32 $0xffff, v4  }
0x28c: {  	(xrf2) =	vadd.scan.msk.f32 $0xffff, v5;
	_ =	sdelay $0x6  }
0x28d: {  	v4, _, _ =	vpop (xrf2)  }
0x28e: {  	v5, _, _ =	vpop (xrf2)  }
0x28f: {  	v6, _, _ =	vpop (xrf2)  }
0x290: {  	v7, _, _ =	vpop (xrf2)  }
0x291: {  	v6 =	vbroadcast v6, $0xF;
	v7 =	vbroadcast v7, $0xF  }
0x292: {  	v5 =	vbroadcast v5, $0xF  }
0x293: {  	v4 =	vbroadcast v4, $0xF;
	v6 =	vsel vm1, v7, v6  }
0x294: {  	v5 =	vsel vm2, v6, v5  }
0x295: {  	v4 =	vsel vm3, v5, v4  }
0x296: {  	v4 =	vmul.f32 $3.000000120e-01, v4;
	_ =	sdelay $0x1  }
0x297: {  	v4 =	vmul.f32 $1.442695020e+00, v4;
	_ =	sdelay $0x1  }
0x298: {  	(erf) = vpow2.f32 v4;
	_ =	sdelay $0x4  }
0x299: {  	v4 =	vadd.s32 s25, v0;
	_ =	sdelay $0x2  }
0x29a: {  	s29 =	simm.s32 $0x200;
	s28 =	simm.s32 $0x80  }
0x29b: {  	s29 =	sand.u32 $0x7000, s29;
	s30 =	sand.u32 $0x380, s28;
	v5 =	vpop (erf)  }
0x29c: {  	s29 =	sor.u32 s30, s29;
	[tilespmem:v4+s22+$0x0] =	vst.idx.msk $0xf, v5  }
0x29d: {  	v13 =	vld [tilespmem:s29+$0x5270]  }
0x29e: {  	v17 =	vld [tilespmem:s29+$0xF270]  }
0x29f: {  	v24 =	vld [tilespmem:s29+$0x5670]  }
0x2a0: {  	v26 =	vld [tilespmem:s29+$0xF670]  }
0x2a1: {  	v52 =	vld [tilespmem:s29+$0x5260]  }
0x2a2: {  	v53 =	vld [tilespmem:s29+$0xF260]  }
0x2a3: {  	v4 =	vld [tilespmem:s29+$0x5A70]  }
0x2a4: {  	v5 =	vld [tilespmem:s29+$0xFA70]  }
0x2a5: {  	v54 =	vld [tilespmem:s29+$0x5660]  }
0x2a6: {  	v55 =	vld [tilespmem:s29+$0xF660]  }
0x2a7: {  	v56 =	vld [tilespmem:s29+$0x5250]  }
0x2a8: {  	v57 =	vld [tilespmem:s29+$0xF250]  }
0x2a9: {  	v6 =	vld [tilespmem:s29+$0x5A60]  }
0x2aa: {  	v7 =	vld [tilespmem:s29+$0xFA60]  }
0x2ab: {  	v18 =	vld [tilespmem:s29+$0x5650]  }
0x2ac: {  	v20 =	vld [tilespmem:s29+$0xF650]  }
0x2ad: {  	v19 =	vld [tilespmem:s29+$0x5240]  }
0x2ae: {  	v21 =	vld [tilespmem:s29+$0xF240]  }
0x2af: {  	v8 =	vld [tilespmem:s29+$0x5A50]  }
0x2b0: {  	v9 =	vld [tilespmem:s29+$0xFA50]  }
0x2b1: {  	v12 =	vld [tilespmem:s29+$0x5640]  }
0x2b2: {  	v14 =	vld [tilespmem:s29+$0xF640]  }
0x2b3: {  	v25 =	vld [tilespmem:s29+$0x5230]  }
0x2b4: {  	v27 =	vld [tilespmem:s29+$0xF230]  }
0x2b5: {  	v10 =	vld [tilespmem:s29+$0x5A40]  }
0x2b6: {  	v11 =	vld [tilespmem:s29+$0xFA40]  }
0x2b7: {  	v22 =	vld [tilespmem:s29+$0x5630]  }
0x2b8: {  	v23 =	vld [tilespmem:s29+$0xF630]  }
0x2b9: {  	v58 =	vld [tilespmem:s29+$0x5220]  }
0x2ba: {  	v59 =	vld [tilespmem:s29+$0xF220]  }
0x2bb: {  	v15 =	vld [tilespmem:s29+$0x5A30]  }
0x2bc: {  	v16 =	vld [tilespmem:s29+$0xFA30]  }
0x2bd: {  	v30 =	vld [tilespmem:s29+$0x5620]  }
0x2be: {  	v31 =	vld [tilespmem:s29+$0xF620]  }
0x2bf: {  	v60 =	vld [tilespmem:s29+$0xF200]  }
0x2c0: {  	v61 =	vld [tilespmem:s29+$0x5200]  }
0x2c1: {  	v62 =	vld [tilespmem:s29+$0x5210]  }
0x2c2: {  	v63 =	vld [tilespmem:s29+$0xF210]  }
0x2c3: {  	v28 =	vld [tilespmem:s29+$0x5A20]  }
0x2c4: {  	v29 =	vld [tilespmem:s29+$0xFA20]  }
0x2c5: {  	v37 =	vld [tilespmem:s29+$0x5600]  }
0x2c6: {  	v40 =	vld [tilespmem:s29+$0xF600]  }
0x2c7: {  	v41 =	vld [tilespmem:s29+$0x5610]  }
0x2c8: {  	v42 =	vld [tilespmem:s29+$0xF610]  }
0x2c9: {  	v33 =	vld [tilespmem:s29+$0x5A00]  }
0x2ca: {  	v34 =	vld [tilespmem:s29+$0xFA00]  }
0x2cb: {  	v36 =	vld [tilespmem:s29+$0x5A10];
	v17 =	vmul.f32 v17, v13;
	v13 =	vmul.f32 v26, v24  }
0x2cc: {  	v39 =	vld [tilespmem:s29+$0xFA10];
	v48 =	vmul.f32 v60, v61;
	v49 =	vmul.f32 v63, v62  }
0x2cd: {  	v35 =	vld [tilespmem:s29+$0x5E00];
	v26 =	vmul.f32 v53, v52;
	v24 =	vmul.f32 v55, v54  }
0x2ce: {  	s30 =	simm.s32 $0x400;
	v38 =	vld [tilespmem:s29+$0xFE00];
	v44 =	vmul.f32 v59, v58;
	v32 =	vmul.f32 v57, v56;
	v43 =	vadd.f32 v49, v48  }
.LBB2_7:
0x2cf: {  	p0 =	sne.s32 s30, $0x4E00;
	v37 =	vmul.f32 v40, v37;
	v40 =	vmul.f32 v42, v41;
	v41 =	vld [tilespmem:s29+$0x5E10]  }
0x2d0: {  	v25 =	vmul.f32 v27, v25;
	v18 =	vmul.f32 v20, v18;
	v42 =	vadd.f32 v44, v43;
	v20 =	vld [tilespmem:s29+$0xFE10]  }
0x2d1: {  	v19 =	vmul.f32 v21, v19;
	v27 =	vmul.f32 v31, v30;
	v21 =	vadd.f32 v40, v37;
	v30 =	vld [tilespmem:s29+$0x5E20]  }
0x2d2: {  	v31 =	vmul.f32 v34, v33;
	v33 =	vmul.f32 v39, v36;
	v25 =	vadd.f32 v25, v42;
	v34 =	vld [tilespmem:s29+$0xFE20]  }
0x2d3: {  	v22 =	vmul.f32 v23, v22;
	v12 =	vmul.f32 v14, v12;
	v21 =	vadd.f32 v27, v21;
	v14 =	vld [tilespmem:s29+$0x5E30]  }
0x2d4: {  	v23 =	vadd.f32 v33, v31;
	v19 =	vadd.f32 v19, v25;
	v25 =	vmul.f32 v29, v28;
	v27 =	vld [tilespmem:s29+$0xFE30]  }
0x2d5: {  	v21 =	vadd.f32 v22, v21;
	v22 =	vmul.f32 v38, v35;
	v20 =	vmul.f32 v20, v41;
	v28 =	vld [tilespmem:s29+$0x5E40]  }
0x2d6: {  	v15 =	vmul.f32 v16, v15;
	v19 =	vadd.f32 v32, v19;
	v23 =	vadd.f32 v25, v23;
	v16 =	vld [tilespmem:s29+$0xFE40]  }
0x2d7: {  	v12 =	vadd.f32 v12, v21;
	v20 =	vadd.f32 v20, v22;
	v21 =	vmul.f32 v34, v30;
	v22 =	vld [tilespmem:s29+$0x5E50]  }
0x2d8: {  	v10 =	vmul.f32 v11, v10;
	v19 =	vadd.f32 v26, v19;
	v15 =	vadd.f32 v15, v23;
	v11 =	vld [tilespmem:s29+$0xFE50]  }
0x2d9: {  	v12 =	vadd.f32 v18, v12;
	v18 =	vadd.f32 v21, v20;
	v14 =	vmul.f32 v27, v14;
	v20 =	vld [tilespmem:s29+$0x5E60]  }
0x2da: {  	v8 =	vmul.f32 v9, v8;
	v17 =	vadd.f32 v17, v19;
	v10 =	vadd.f32 v10, v15;
	v9 =	vld [tilespmem:s29+$0xFE60]  }
0x2db: {  	v12 =	vadd.f32 v24, v12;
	v14 =	vadd.f32 v14, v18;
	v15 =	vmul.f32 v16, v28;
	v16 =	vld [tilespmem:s29+$0x5E70]  }
0x2dc: {  	v6 =	vmul.f32 v7, v6;
	v8 =	vadd.f32 v8, v10;
	v7 =	vld [tilespmem:s29+$0xFE70];
	(xrf2) =	vadd.scan.msk.f32 $0xffff, v17  }
0x2dd: {  	v10 =	vadd.f32 v13, v12;
	v12 =	vadd.f32 v15, v14;
	v11 =	vmul.f32 v11, v22  }
0x2de: {  	v4 =	vmul.f32 v5, v4;
	v6 =	vadd.f32 v6, v8  }
0x2df: {  	v5 =	vadd.f32 v11, v12;
	v8 =	vmul.f32 v9, v20;
	(xrf2) =	vadd.scan.msk.f32 $0xffff, v10  }
0x2e0: {  	v4 =	vadd.f32 v4, v6  }
0x2e1: {  	v5 =	vadd.f32 v8, v5;
	v6 =	vmul.f32 v7, v16  }
0x2e2: {  	(xrf2) =	vadd.scan.msk.f32 $0xffff, v4  }
0x2e3: {  	v5 =	vadd.f32 v6, v5;
	_ =	sdelay $0x1  }
0x2e4: {  	(xrf2) =	vadd.scan.msk.f32 $0xffff, v5  }
0x2e5: {  	v4, _, _ =	vpop (xrf2);
	_ =	sdelay $0x2  }
0x2e6: {  	v5, _, _ =	vpop (xrf2);
	_ =	sdelay $0x2  }
0x2e7: {  	v6, _, _ =	vpop (xrf2);
	_ =	sdelay $0x2  }
0x2e8: {  	v7, _, _ =	vpop (xrf2)  }
0x2e9: {  	v6 =	vbroadcast v6, $0xF;
	v7 =	vbroadcast v7, $0xF  }
0x2ea: {  	v5 =	vbroadcast v5, $0xF  }
0x2eb: {  	v4 =	vbroadcast v4, $0xF;
	v6 =	vsel vm1, v7, v6  }
0x2ec: {  	v5 =	vsel vm2, v6, v5  }
0x2ed: {  	v4 =	vsel vm3, v5, v4  }
0x2ee: {  	v4 =	vmul.f32 $3.000000120e-01, v4;
	_ =	sdelay $0x1  }
0x2ef: {  	v4 =	vmul.f32 $1.442695020e+00, v4;
	_ =	sdelay $0x1  }
0x2f0: {  	(erf) = vpow2.f32 v4;
	_ =	sdelay $0x3  }
0x2f1: {  	s25 =	sadd.s32 $0x4, s25  }
0x2f2: {  	v4 =	vadd.s32 s25, v0;
	_ =	sdelay $0x2  }
0x2f3: {  	s28 =	sadd.s32 $0x80, s28  }
0x2f4: {  	s31 =	sand.u32 $0x380, s28;
	s29 =	sand.u32 $0x7000, s30;
	v5 =	vpop (erf)  }
0x2f5: {  	s29 =	sor.u32 s31, s29;
	[tilespmem:v4+s22+$0x0] =	vst.idx.msk $0xf, v5  }
0x2f6: {  	v13 =	vld [tilespmem:s29+$0x5270]  }
0x2f7: {  	v17 =	vld [tilespmem:s29+$0xF270]  }
0x2f8: {  	v24 =	vld [tilespmem:s29+$0x5670]  }
0x2f9: {  	v26 =	vld [tilespmem:s29+$0xF670]  }
0x2fa: {  	v32 =	vld [tilespmem:s29+$0x5260]  }
0x2fb: {  	v35 =	vld [tilespmem:s29+$0xF260]  }
0x2fc: {  	v4 =	vld [tilespmem:s29+$0x5A70]  }
0x2fd: {  	v5 =	vld [tilespmem:s29+$0xFA70]  }
0x2fe: {  	v38 =	vld [tilespmem:s29+$0x5660]  }
0x2ff: {  	v43 =	vld [tilespmem:s29+$0xF660]  }
0x300: {  	v45 =	vld [tilespmem:s29+$0x5250]  }
0x301: {  	v46 =	vld [tilespmem:s29+$0xF250]  }
0x302: {  	v6 =	vld [tilespmem:s29+$0x5A60]  }
0x303: {  	v7 =	vld [tilespmem:s29+$0xFA60]  }
0x304: {  	v18 =	vld [tilespmem:s29+$0x5650]  }
0x305: {  	v20 =	vld [tilespmem:s29+$0xF650]  }
0x306: {  	v19 =	vld [tilespmem:s29+$0x5240]  }
0x307: {  	v21 =	vld [tilespmem:s29+$0xF240]  }
0x308: {  	v8 =	vld [tilespmem:s29+$0x5A50]  }
0x309: {  	v9 =	vld [tilespmem:s29+$0xFA50]  }
0x30a: {  	v12 =	vld [tilespmem:s29+$0x5640]  }
0x30b: {  	v14 =	vld [tilespmem:s29+$0xF640]  }
0x30c: {  	v25 =	vld [tilespmem:s29+$0x5230]  }
0x30d: {  	v27 =	vld [tilespmem:s29+$0xF230]  }
0x30e: {  	v10 =	vld [tilespmem:s29+$0x5A40]  }
0x30f: {  	v11 =	vld [tilespmem:s29+$0xFA40]  }
0x310: {  	v22 =	vld [tilespmem:s29+$0x5630]  }
0x311: {  	v23 =	vld [tilespmem:s29+$0xF630]  }
0x312: {  	v44 =	vld [tilespmem:s29+$0x5220]  }
0x313: {  	v47 =	vld [tilespmem:s29+$0xF220]  }
0x314: {  	v15 =	vld [tilespmem:s29+$0x5A30]  }
0x315: {  	v16 =	vld [tilespmem:s29+$0xFA30]  }
0x316: {  	v30 =	vld [tilespmem:s29+$0x5620]  }
0x317: {  	v31 =	vld [tilespmem:s29+$0xF620]  }
0x318: {  	v39 =	vld [tilespmem:s29+$0xF200]  }
0x319: {  	v48 =	vld [tilespmem:s29+$0x5200]  }
0x31a: {  	v49 =	vld [tilespmem:s29+$0x5210]  }
0x31b: {  	v50 =	vld [tilespmem:s29+$0xF210]  }
0x31c: {  	v28 =	vld [tilespmem:s29+$0x5A20]  }
0x31d: {  	v29 =	vld [tilespmem:s29+$0xFA20]  }
0x31e: {  	v37 =	vld [tilespmem:s29+$0x5600]  }
0x31f: {  	v40 =	vld [tilespmem:s29+$0xF600]  }
0x320: {  	v41 =	vld [tilespmem:s29+$0x5610]  }
0x321: {  	v42 =	vld [tilespmem:s29+$0xF610]  }
0x322: {  	v33 =	vld [tilespmem:s29+$0x5A00]  }
.Ltmp2:
0x323: {  	v34 =	vld [tilespmem:s29+$0xFA00];
	(pc) =	sbr.rel @p0 .LBB2_7-.Ltmp2, $4  }
0x324: {  	v17 =	vmul.f32 v17, v13;
	v13 =	vmul.f32 v26, v24;
	v36 =	vld [tilespmem:s29+$0x5A10]  }
0x325: {  	v48 =	vmul.f32 v39, v48;
	v49 =	vmul.f32 v50, v49;
	v39 =	vld [tilespmem:s29+$0xFA10]  }
0x326: {  	v26 =	vmul.f32 v35, v32;
	v24 =	vmul.f32 v43, v38;
	v35 =	vld [tilespmem:s29+$0x5E00]  }
0x327: {  	s30 =	sadd.s32 $0x200, s30;
	v32 =	vmul.f32 v46, v45;
	v44 =	vmul.f32 v47, v44;
	v43 =	vadd.f32 v49, v48;
	v38 =	vld [tilespmem:s29+$0xFE00]  }
0x328: {  	v45 =	vld [tilespmem:s29+$0x5E10]  }
0x329: {  	v46 =	vld [tilespmem:s29+$0xFE10];
	v37 =	vmul.f32 v40, v37;
	v52 =	vmul.f32 v42, v41  }
0x32a: {  	v53 =	vld [tilespmem:s29+$0x5E20];
	v25 =	vmul.f32 v27, v25;
	v18 =	vmul.f32 v20, v18  }
0x32b: {  	v54 =	vld [tilespmem:s29+$0xFE20];
	v19 =	vmul.f32 v21, v19;
	v56 =	vmul.f32 v31, v30  }
0x32c: {  	v57 =	vld [tilespmem:s29+$0x5E30];
	v33 =	vmul.f32 v34, v33;
	v28 =	vmul.f32 v29, v28  }
0x32d: {  	v60 =	vld [tilespmem:s29+$0xFE30];
	v22 =	vmul.f32 v23, v22;
	v59 =	vmul.f32 v39, v36  }
0x32e: {  	v63 =	vld [tilespmem:s29+$0x5E40];
	v58 =	vadd.f32 v52, v37;
	v61 =	vmul.f32 v38, v35;
	v62 =	vmul.f32 v46, v45  }
0x32f: {  	v42 =	vld [tilespmem:s29+$0xFE40];
	v12 =	vmul.f32 v14, v12;
	v55 =	vadd.f32 v44, v43;
	v40 =	vadd.f32 v59, v33  }
0x330: {  	v44 =	vld [tilespmem:s29+$0x5E50];
	v21 =	vadd.f32 v56, v58;
	v20 =	vmul.f32 v54, v53;
	v43 =	vadd.f32 v62, v61  }
0x331: {  	v15 =	vmul.f32 v16, v15;
	v25 =	vadd.f32 v25, v55;
	v46 =	vld [tilespmem:s29+$0xFE50];
	v45 =	vadd.f32 v28, v40  }
0x332: {  	v48 =	vld [tilespmem:s29+$0x5E60];
	v47 =	vmul.f32 v60, v57;
	v21 =	vadd.f32 v22, v21;
	v20 =	vadd.f32 v20, v43  }
0x333: {  	v10 =	vmul.f32 v11, v10;
	v49 =	vld [tilespmem:s29+$0xFE60];
	v19 =	vadd.f32 v19, v25;
	v14 =	vadd.f32 v15, v45  }
0x334: {  	v52 =	vld [tilespmem:s29+$0x5E70];
	v51 =	vmul.f32 v42, v63;
	v12 =	vadd.f32 v12, v21;
	v50 =	vadd.f32 v47, v20  }
0x335: {  	v8 =	vmul.f32 v9, v8;
	v53 =	vld [tilespmem:s29+$0xFE70];
	v19 =	vadd.f32 v32, v19;
	v10 =	vadd.f32 v10, v14  }
0x336: {  	v12 =	vadd.f32 v18, v12;
	v55 =	vmul.f32 v46, v44;
	v54 =	vadd.f32 v51, v50  }
0x337: {  	v6 =	vmul.f32 v7, v6;
	v56 =	vadd.f32 v26, v19;
	v8 =	vadd.f32 v8, v10  }
0x338: {  	v11 =	vmul.f32 v49, v48;
	v57 =	vadd.f32 v24, v12;
	v58 =	vadd.f32 v55, v54  }
0x339: {  	v4 =	vmul.f32 v5, v4;
	v59 =	vadd.f32 v17, v56;
	v6 =	vadd.f32 v6, v8  }
0x33a: {  	v61 =	vmul.f32 v53, v52;
	v5 =	vadd.f32 v13, v57;
	v60 =	vadd.f32 v11, v58  }
0x33b: {  	(xrf2) =	vadd.scan.msk.f32 $0xffff, v59;
	v4 =	vadd.f32 v4, v6  }
0x33c: {  	(xrf2) =	vadd.scan.msk.f32 $0xffff, v5;
	v5 =	vadd.f32 v61, v60  }
0x33d: {  	(xrf2) =	vadd.scan.msk.f32 $0xffff, v4  }
0x33e: {  	(xrf2) =	vadd.scan.msk.f32 $0xffff, v5;
	_ =	sdelay $0x6  }
0x33f: {  	v4, _, _ =	vpop (xrf2)  }
0x340: {  	v5, _, _ =	vpop (xrf2)  }
0x341: {  	v62, _, _ =	vpop (xrf2)  }
0x342: {  	v63, _, _ =	vpop (xrf2)  }
0x343: {  	v6 =	vbroadcast v62, $0xF;
	v7 =	vbroadcast v63, $0xF  }
0x344: {  	v5 =	vbroadcast v5, $0xF  }
0x345: {  	v4 =	vbroadcast v4, $0xF;
	v6 =	vsel vm1, v7, v6  }
0x346: {  	v5 =	vsel vm2, v6, v5  }
0x347: {  	v4 =	vsel vm3, v5, v4  }
0x348: {  	v4 =	vmul.f32 $3.000000120e-01, v4;
	_ =	sdelay $0x1  }
0x349: {  	v4 =	vmul.f32 $1.442695020e+00, v4;
	_ =	sdelay $0x1  }
0x34a: {  	(erf) = vpow2.f32 v4;
	_ =	sdelay $0x3  }
0x34b: {  	s25 =	sadd.s32 $0x4, s25  }
0x34c: {  	v4 =	vadd.s32 s25, v0  }
0x34d: {  	s31 =	smul.u32 $0x28, s26;
	_ =	sdelay $0x1  }
0x34e: {  	s24 =	sadd.s32 $0x1, s24;
	s25 =	sadd.s32 s4, s31  }
0x34f: {  	p0 =	sne.s32 s24, $0x7D;
	s25 =	sshrl.u32 s25, $0x1;
	v5 =	vpop (erf)  }
.Ltmp3:
0x350: {  	s25 =	sadd.s32 s8, s25;
	[tilespmem:v4+s22+$0x0] =	vst.idx.msk $0xf, v5;
	(pc) =	sbr.rel @p0 .LBB2_2-.Ltmp3, $4  }
0x351: {  	[hbm4b:s25+s2] =	stream.linear.scatter [tilespmem:s22], [sflag:$0x3], $0xA0, $0x38;
	[tilespmem:$0x14300] =	vst v63  }
0x352: {  	_ =	swait.ge [sflag:s23], $0xA0  }
0x353: {  	[sflag:s23] =	ssyncset.done $0x0  }
0x354: {  	[sflag:s23] =	ssyncadd.s32 $0xFFFFFF60  }
0x355: {  	s25 =	rddreg [dreg:$0x6]  }
0x356: {  	s24 =	rddreg [dreg:$0x5];
	s25 =	sadd.s32 $0x1, s25  }
0x357: {  	p0 =	sne.s32 s25, s24  }
.Ltmp4:
0x358: {  	_ = 	snop;
	(pc) =	sbr.rel @p0 .LBB2_1-.Ltmp4, $1  }
0x359: {  	_ =	sdelay $0x3  }
0x35a: {  	_ =	sfence.sel $0x180000  }
0x35b: {  	[bflag:$0x0] =	sbarrier.arrive $0xFFFF  }
0x35c: {  	_ =	strace $0x90000047  }
0x35d: {  	s0 =	stileid.u32;
	[bflag:$0x2] =	sbarrier.arrive $0xFFFF  }
0x35e: {  	p0 =	sne.s32 s0, $0x0;
	s0 =	rddreg [dreg:$0x1]  }
0x35f: {  	s0 =	sadd.s32 @!p0 $0x100000, s0  }
0x360: {  	[sflag:s0] =	ssyncadd.tile.s32 @!p0 $0x1;
	_ =	shalt  }
.Lfunc_end2:
_tile_overlayer_lowered:
.L_overlay_start_2:
0x361: {  	(tag) =	ssettag $0x2  }
0x362: {  	s0 =	rddreg [dreg:$0x0];
	s2 =	stileid.u32  }
0x363: {  	s1 =	rddreg [dreg:$0x1];
	p0 =	sne.s32 s2, $0x0  }
0x364: {  	s3 =	rddreg [dreg:$0x2];
	[bflag:$0x3] =	sbarrier.arrive $0xFFFF;
	s2 =	simm.s32 @!p0 $0x1C03  }
0x365: {  	[timem:s3], [sflag:s2] =	dma.local @!p0 [hbm:s0], s1  }
0x366: {  	s0 =	simm.s32 @!p0 $0x3  }
0x367: {  	_ =	swait.ge @!p0 [sflag:s0], s1  }
0x368: {  	s1 =	ssub.s32 @!p0 $0x0, s1;
	[sflag:s0] =	ssyncset.done @!p0 $0x0  }
0x369: {  	[sflag:s0] =	ssyncadd.s32 @!p0 s1  }
0x36a: {  	[bflag:$0x3] =	sbarrier.arrive $0xFFFF  }
0x36b: {  	_ =	shalt  }

// kernel: kernel.9.cloned.1.call-start
scs
__scs_entry_jumppad:
0x0: {  	(pc) =	sbr.rel $0x88, $3  }
0x1: {  	(tag) =	ssettag $0x0;
	lr =	simm.s32 $0x1  }
0x2: {  	[smem:$0x3F97] =	sst lr;
	_ =	strace $0xD0000000  }
0x3: {  	_ = 	snop  }
0x4: {  	_ = 	snop  }
0x5: {  	_ = 	snop  }
0x6: {  	_ = 	snop  }
0x7: {  	_ = 	snop  }
__scs_overlays_trampoline_lowered:
0x8: {  	[smem:$0x3FA6] =	sst s0  }
0x9: {  	[smem:$0x3FA7] =	sst s1  }
0xa: {  	[smem:$0x3FA8] =	sst s2  }
0xb: {  	[smem:$0x3FA9] =	sst s3  }
0xc: {  	[smem:$0x3FAA] =	sst s4  }
0xd: {  	[smem:$0x3FAB] =	sst s5  }
0xe: {  	[smem:$0x3FAC] =	sst s6  }
0xf: {  	[smem:$0x3FAD] =	sst s7  }
0x10: {  	[smem:$0x3FAE] =	sst s8  }
0x11: {  	[smem:$0x3FAF] =	sst s9;
	s0 =	simm.s32 @!p0 $0x0  }
0x12: {  	s1 =	sld [smem:$0x3F95];
	s0 =	simm.s32 @p0 $0x1  }
0x13: {  	[smem:$0x3FB0] =	sst s0;
	s0 =	simm.s32 @!p1 $0x0  }
0x14: {  	s2 =	sld [smem:$0x3F94];
	s0 =	simm.s32 @p1 $0x1  }
0x15: {  	[smem:$0x3FB1] =	sst s0;
	s0 =	simm.s32 @!p2 $0x0  }
0x16: {  	s3 =	sld [smem:$0x3FDB];
	s0 =	simm.s32 @p2 $0x1  }
0x17: {  	s4 =	simm.s32 $0x1BF5;
	[smem:$0x3FB3] =	sst s0  }
0x18: {  	s0 =	sld [smem:$0x3F96];
	_ =	swait.ge [sflag:s4], $0x0  }
0x19: {  	s7 =	sld [smem:$0x3F97]  }
0x1a: {  	s8 =	sadd.s32 $0xFFFFE003, lr  }
0x1b: {  	s9 =	sadd.s32 $0xFFFFFEF7, lr;
	s5 =	simm.s32 $0xFFFFFFFF;
	p2 =	slt.u32 s8, $0xFFFFF086  }
0x1c: {  	p1 =	slt.u32 s9, $0xF7A;
	s5 =	simm.s32 @!p2 $0x0  }
0x1d: {  	s5 =	simm.s32 @p1 $0x1;
	p0 =	seq.s32 s7, s2  }
0x1e: {  	s7 =	smul.u32 @!p0 $0xF7A, s2;
	p2 =	seq.s32 @!p0 s5, $0x0  }
0x1f: {  	s9 =	smul.u32 $0xF7A, s1;
	s8 =	simm.s32 @!p0 $0x1BF5;
	p2 =	por !p2, p0  }
0x20: {  	[sflag:s8] =	ssyncset.s32 @!p0 $0xFFFFF086;
	s6 =	sadd.s32 @!p0 s3, s7;
	s7 =	simm.s32 @!p0 $0x108  }
0x21: {  	s3 =	sadd.s32 s3, s9;
	s6 =	sadd.s32 @!p0 $0x88, s6;
	s7 =	simm.s32 @p2 $0x1082  }
0x22: {  	[simem:s7], [sflag:s8] =	dma.local @!p0 [hbm:s6], $0xF7A  }
0x23: {  	s9 =	sor.u32 $0xD0000000, s2;
	s6 =	simm.s32 $0x108;
	_ =	swait.ge @!p0 [sflag:s8], $0x0  }
0x24: {  	s3 =	sadd.s32 $0x88, s3;
	s6 =	simm.s32 @!p1 $0x1082;
	[sflag:s4] =	ssyncset.s32 $0xFFFFF086  }
0x25: {  	[simem:s6], [sflag:s4] =	dma.local [hbm:s3], $0xF7A  }
0x26: {  	[smem:$0x3F97] =	sst s1;
	(tag) =	ssettag s2;
	_ =	strace s9  }
0x27: {  	s1 =	sld [smem:$0x3FA7]  }
0x28: {  	s2 =	sld [smem:$0x3FA8]  }
0x29: {  	s4 =	sld [smem:$0x3FAA]  }
0x2a: {  	p0 =	seq.s32 s5, $0x0;
	s5 =	sld [smem:$0x3FAB]  }
0x2b: {  	s6 =	sld [smem:$0x3FAC]  }
0x2c: {  	s7 =	sld [smem:$0x3FAD]  }
0x2d: {  	s3 =	simm.s32 $0x108;
	s8 =	sld [smem:$0x3FAE]  }
0x2e: {  	s3 =	simm.s32 @!p0 $0x1082;
	s9 =	sld [smem:$0x3FAF]  }
0x2f: {  	lr =	sadd.s32 s0, s3;
	s0 =	sld [smem:$0x3FA6]  }
0x30: {  	s3 =	sld [smem:$0x3FA9]  }
0x31: {  	[smem:$0x3FB2] =	sst s10  }
0x32: {  	s10 =	sld [smem:$0x3FB0];
	_ =	sdelay $0x3  }
0x33: {  	p0 =	seq.s32 s10, $0x1;
	s10 =	sld [smem:$0x3FB2];
	_ =	sdelay $0x3  }
0x34: {  	[smem:$0x3FB2] =	sst s10  }
0x35: {  	s10 =	sld [smem:$0x3FB1];
	_ =	sdelay $0x3  }
0x36: {  	p1 =	seq.s32 s10, $0x1;
	s10 =	sld [smem:$0x3FB2];
	_ =	sdelay $0x3  }
0x37: {  	[smem:$0x3FB2] =	sst s10  }
0x38: {  	s10 =	sld [smem:$0x3FB3]  }
0x39: {  	_ = 	snop;
	(pc) =	sbr.ind lr, $3  }
0x3a: {  	_ = 	snop  }
0x3b: {  	_ = 	snop  }
0x3c: {  	p2 =	seq.s32 s10, $0x1;
	s10 =	sld [smem:$0x3FB2]  }
0x3d: {  	_ =	shalt  }
0x3e: {  	_ =	shalt  }
0x3f: {  	_ =	shalt  }
0x40: {  	_ =	shalt  }
0x41: {  	_ =	shalt  }
0x42: {  	_ =	shalt  }
0x43: {  	_ =	shalt  }
0x44: {  	_ =	shalt  }
0x45: {  	_ =	shalt  }
0x46: {  	_ =	shalt  }
0x47: {  	_ =	shalt  }
0x48: {  	_ =	shalt  }
0x49: {  	_ =	shalt  }
0x4a: {  	_ =	shalt  }
0x4b: {  	_ =	shalt  }
0x4c: {  	_ =	shalt  }
0x4d: {  	_ =	shalt  }
0x4e: {  	_ =	shalt  }
0x4f: {  	_ =	shalt  }
0x50: {  	_ =	shalt  }
0x51: {  	_ =	shalt  }
0x52: {  	_ =	shalt  }
0x53: {  	_ =	shalt  }
0x54: {  	_ =	shalt  }
0x55: {  	_ =	shalt  }
0x56: {  	_ =	shalt  }
0x57: {  	_ =	shalt  }
0x58: {  	_ =	shalt  }
0x59: {  	_ =	shalt  }
0x5a: {  	_ =	shalt  }
0x5b: {  	_ =	shalt  }
0x5c: {  	_ =	shalt  }
0x5d: {  	_ =	shalt  }
0x5e: {  	_ =	shalt  }
0x5f: {  	_ =	shalt  }
0x60: {  	_ =	shalt  }
0x61: {  	_ =	shalt  }
0x62: {  	_ =	shalt  }
0x63: {  	_ =	shalt  }
0x64: {  	_ =	shalt  }
0x65: {  	_ =	shalt  }
0x66: {  	_ =	shalt  }
0x67: {  	_ =	shalt  }
0x68: {  	_ =	shalt  }
0x69: {  	_ =	shalt  }
0x6a: {  	_ =	shalt  }
0x6b: {  	_ =	shalt  }
0x6c: {  	_ =	shalt  }
0x6d: {  	_ =	shalt  }
0x6e: {  	_ =	shalt  }
0x6f: {  	_ =	shalt  }
0x70: {  	_ =	shalt  }
0x71: {  	_ =	shalt  }
0x72: {  	_ =	shalt  }
0x73: {  	_ =	shalt  }
0x74: {  	_ =	shalt  }
0x75: {  	_ =	shalt  }
0x76: {  	_ =	shalt  }
0x77: {  	_ =	shalt  }
0x78: {  	_ =	shalt  }
0x79: {  	_ =	shalt  }
0x7a: {  	_ =	shalt  }
0x7b: {  	_ =	shalt  }
0x7c: {  	_ =	shalt  }
0x7d: {  	_ =	shalt  }
0x7e: {  	_ =	shalt  }
0x7f: {  	_ =	shalt  }
0x80: {  	_ =	shalt  }
0x81: {  	_ =	shalt  }
0x82: {  	_ =	shalt  }
0x83: {  	_ =	shalt  }
0x84: {  	_ =	shalt  }
0x85: {  	_ =	shalt  }
0x86: {  	_ =	shalt  }
0x87: {  	_ =	shalt  }
.Lfunc_end0:
.L_simem_size_0:
called_computation.1_lowered:
.L_overlay_start_0:
0x88: {  	s2 =	sld [smem:$0x3FD9]  }
0x89: {  	s3 =	sld [smem:$0x3FFE];
	_ =	sdelay $0x1  }
0x8a: {  	s1 =	srdreg.scid  }
0x8b: {  	s0 =	sand.u32 $0x1, s1  }
0x8c: {  	s17 =	sshll.u32 s0, $0xA;
	s2 =	sadd.s32 s3, s2  }
0x8d: {  	s2 =	sadd.s32 s2, s17  }
0x8e: {  	[smem:$0x3FBE] =	sst s2  }
0x8f: {  	_ = 	snop  }
0x90: {  	s2 =	sld [smem:$0x3FD0];
	(tm) =	ssettm $0x1  }
0x91: {  	s18 =	sld [smem:$0x3FFB];
	_ =	sdelay $0x3  }
0x92: {  	_ =	strace s18  }
0x93: {  	s3 =	sld [smem:$0x3FFC];
	_ =	sdelay $0x3  }
0x94: {  	_ =	strace s3  }
0x95: {  	s3 =	sld [smem:$0x3FFD];
	_ =	sdelay $0x3  }
0x96: {  	_ =	strace s3  }
0x97: {  	_ =	strace $0x8FFFFFFF  }
0x98: {  	s19 =	sld [smem:$0x3FDB];
	_ =	sdelay $0x1  }
0x99: {  	s4 =	simm.s32 $_scs_section_size  }
0x9a: {  	s5 =	simm.s32 $_size__tile_overlayer_lowered;
	s6 =	simm.s32 $_tile_overlayer_lowered  }
0x9b: {  	s22 =	simm.s32 $0x1BFF;
	s21 =	sshll.u32 s6, $0x1;
	s3 =	sadd.s32 s4, s19  }
0x9c: {  	s7 =	simm.s32 $0x0;
	s20 =	sshll.u32 s5, $0x1;
	s5 =	sadd.s32 s21, s3  }
0x9d: {  	[timem:s7], [sflag:s22] =	dma.local [hbm:s5], s20  }
0x9e: {  	_ =	swait.ge [sflag:s22], s20  }
0x9f: {  	s4 =	ssub.s32 $0x0, s20;
	[sflag:s22] =	ssyncset.done $0x0  }
0xa0: {  	[sflag:s22] =	ssyncadd.s32 s4;
	_ =	sdelay $0x1  }
0xa1: {  	s23 =	simm.s32 $0x1B8B  }
0xa2: {  	_ =	swait.ge [sflag:s23], $0x1  }
0xa3: {  	[sflag:s23] =	ssyncset.done $0x0  }
0xa4: {  	s25 =	simm.s32 $0x1B8E;
	s24 =	sld [smem:$0x3FFE];
	[sflag:s23] =	ssyncadd.s32 $0xFFFFFFFF  }
0xa5: {  	s26 =	simm.s32 $execute0_lowered;
	[smem:$0x3FD2] =	sst s25  }
0xa6: {  	s5 =	sshll.u32 s26, $0x1;
	_ =	strace $0x80000049;
	[dreg:$0x1] =	wrdreg $0xFFFFFFFF  }
0xa7: {  	s28 =	simm.s32 $_size_execute0_lowered;
	s3 =	sadd.s32 s3, s5;
	[dreg:$0x0] =	wrdreg $0x0  }
0xa8: {  	s5 =	sshll.u32 s28, $0x1;
	[dreg:$0x2] =	wrdreg s3  }
0xa9: {  	[dreg:$0x3] =	wrdreg s5  }
0xaa: {  	[dreg:$0x4] =	wrdreg $0xC0  }
0xab: {  	_ =	task [dreg:s7], $0x5FFFF  }
0xac: {  	[dreg:$0x1] =	wrdreg $0xFFFFFFFF  }
0xad: {  	[dreg:$0x0] =	wrdreg $0x60  }
0xae: {  	[dreg:$0x2] =	wrdreg s24  }
0xaf: {  	[dreg:$0x3] =	wrdreg s2  }
0xb0: {  	[dreg:$0x4] =	wrdreg $0xA5000  }
0xb1: {  	[dreg:$0x5] =	wrdreg $0x9  }
0xb2: {  	_ =	task.clear_ibuf [dreg:s7], $0x6FFFF;
	_ =	strace $0x90000049  }
0xb3: {  	s29 =	simm.s32 $0x9;
	_ =	strace $0x8000004B  }
0xb4: {  	_ =	swait.ge [sflag:s29], $0x1  }
0xb5: {  	[sflag:s29] =	ssyncadd.s32 $0xFFFFFFFF  }
0xb6: {  	_ =	strace $0x9000004B  }
0xb7: {  	_ =	sfence  }
0xb8: {  	s30 =	sld [smem:$0x0];
	_ =	sdelay $0x2  }
0xb9: {  	s31 =	sshll.u32 s1, $0xD;
	s1 =	sshrl.u32 s1, $0x2  }
0xba: {  	s3 =	sand.u32 $0x4000, s31;
	s1 =	sadd.s32 s1, s30  }
0xbb: {  	s0 =	sor.u32 s3, s0;
	s1 =	sshll.u32 s1, $0x11  }
0xbc: {  	s0 =	sor.u32 s1, s0  }
0xbd: {  	s0 =	sadd.s32 $0x8F2B, s0  }
0xbe: {  	[sflag:s0] =	ssyncadd.remote.s32 $0x1  }
0xbf: {  	_ =	sfence.sel $0xFFFF  }
0xc0: {  	[dreg:$0x0] =	wrdreg $0xFFFFFFFF;
	(pc) =	sbr.abs _section_cstart, $3  }
0xc1: {  	[dreg:$0x1] =	wrdreg $0xFFFFFFFF  }
0xc2: {  	_ =	task.clear_ibuf [dreg:s7], $0x2FFFF;
	_ =	strace $0x9FFFFFFF  }
0xc3: {  	(tm) =	ssettm $0x7FFFFFFF  }
tec
execute0_lowered:
.L_overlay_start_1:
0x0: {  	(tag) =	ssettag $0x1  }
0x1: {  	s0 =	rddreg [dreg:$0x0]  }
0x2: {  	s1 =	rddreg [dreg:$0x1]  }
0x3: {  	s2 =	rddreg [dreg:$0x2];
	s3 =	simm.s32 $0x0  }
0x4: {  	s10 =	srdreg.scid;
	[smem:$0x7FF] =	sst s3;
	s4 =	sadd.s32 $0x64E00, s0  }
0x5: {  	s9 =	sadd.s32 $0x3DC00, s0;
	s5 =	sadd.s32 $0x16A00, s0;
	s6 =	sadd.s32 $0x1EB600, s0  }
0x6: {  	s7 =	sadd.s32 $0xCC00, s0;
	s3 =	stileid.u32;
	s8 =	sadd.s32 $0x2E00, s0  }
0x7: {  	s13 =	sadd.s32 $0xA0000, s0;
	s14 =	sadd.s32 $0x8C000, s0;
	s11 =	smul.u32 $0x50000, s3  }
0x8: {  	s15 =	sand.u32 $0x1, s10;
	s0 =	sadd.s32 $0xA0500, s0;
	s16 =	smul.u32 $0x280, s3  }
0x9: {  	_ =	strace $0x8000004A;
	s10 =	ssub.s32 $0x2, s15;
	s20 =	smul.u32 $0x5000, s15  }
0xa: {  	s18 =	smul.u32 $0x4E20, s3;
	p0 =	seq.s32 s15, $0x0;
	s12 =	sshrl.u32 s10, $0x1  }
0xb: {  	s5 =	smov.u32 @p0 s4;
	s11 =	sshrl.u32 s11, $0x2;
	s17 =	ssub.s32 s10, s12  }
0xc: {  	s10 =	sshll.u32 s15, $0x1;
	s12 =	sshllo.u32 s15, $0x1;
	s15 =	sshll.u32 s15, $0x5  }
0xd: {  	s24 =	sshrl.u32 s18, $0x3;
	s26 =	sadd.s32 s11, s2;
	s11 =	sadd.s32 s16, s20  }
0xe: {  	s19 =	smul.u32 $0x2800, s12;
	s4 =	sadd.s32 $0x11800, s26;
	[dreg:$0x4] =	wrdreg s26  }
0xf: {  	s15 =	sor.u32 s3, s15;
	s28 =	sadd.s32 $0x2800, s26;
	[dreg:$0x15] =	wrdreg s4  }
0x10: {  	s21 =	sshll.u32 s12, $0x4;
	s29 =	sadd.s32 $0x5000, s26;
	[dreg:$0x5] =	wrdreg s28  }
0x11: {  	s11 =	sshll.u32 s11, $0x4;
	s30 =	sadd.s32 $0x7800, s26;
	[dreg:$0x6] =	wrdreg s29  }
0x12: {  	s15 =	smul.u32 $0x500, s15;
	s31 =	sadd.s32 $0xA000, s26;
	[dreg:$0x11] =	wrdreg s30  }
0x13: {  	s20 =	sadd.s32 s13, s11;
	s11 =	sadd.s32 s11, s0;
	[dreg:$0x12] =	wrdreg s31  }
0x14: {  	s16 =	sadd.s32 s16, s19;
	s19 =	sor.u32 s3, s21;
	[dreg:$0x8] =	wrdreg s11  }
0x15: {  	s22 =	sshll.u32 s16, $0x4;
	s25 =	sadd.s32 s14, s15;
	[dreg:$0x7] =	wrdreg s20  }
0x16: {  	s23 =	smul.u32 $0x500, s19;
	s19 =	sadd.s32 s7, s24;
	[dreg:$0xb] =	wrdreg s25  }
0x17: {  	s16 =	smul.u32 $0x2710, s3;
	s3 =	sadd.s32 $0xF000, s26;
	[dreg:$0xd] =	wrdreg s19  }
0x18: {  	s1 =	smov.u32 @p0 s9;
	s9 =	sadd.s32 $0xA00, s20;
	[dreg:$0x14] =	wrdreg s3  }
0x19: {  	s11 =	sadd.s32 $0xF00, s20;
	[dreg:$0x16] =	wrdreg s9  }
0x1a: {  	s0 =	sadd.s32 s22, s0;
	[dreg:$0x17] =	wrdreg s11  }
0x1b: {  	s13 =	sadd.s32 s13, s22;
	s22 =	smax.u32 s17, $0x1;
	[dreg:$0xa] =	wrdreg s0  }
0x1c: {  	s25 =	sadd.s32 $0xC800, s26;
	[dreg:$0x10] =	wrdreg s22  }
0x1d: {  	s17 =	sadd.s32 $0x2300, s20;
	[dreg:$0x13] =	wrdreg s25  }
0x1e: {  	[dreg:$0x1b] =	wrdreg s17  }
0x1f: {  	s15 =	sadd.s32 s14, s23;
	[dreg:$0x9] =	wrdreg s13  }
0x20: {  	s0 =	sadd.s32 s8, s24;
	[dreg:$0xc] =	wrdreg s15  }
0x21: {  	s4 =	simm.s32 $0x200;
	s21 =	sadd.s32 s6, s16;
	[dreg:$0xe] =	wrdreg s0  }
0x22: {  	s11 =	simm.s32 $0x0;
	s14 =	sadd.s32 $0x1400, s20;
	[dreg:$0xf] =	wrdreg s21  }
0x23: {  	s23 =	sadd.s32 $0x50, s18;
	s16 =	sadd.s32 $0x1E00, s20;
	[dreg:$0x18] =	wrdreg s14  }
0x24: {  	s24 =	sadd.s32 $0xA0, s18;
	s18 =	sadd.s32 $0xA00, s13;
	[dreg:$0x1a] =	wrdreg s16  }
0x25: {  	v0 =	vlaneseq.u32;
	s19 =	sadd.s32 $0xF00, s13;
	s22 =	sadd.s32 $0x1E00, s13;
	[dreg:$0x1c] =	wrdreg s18  }
0x26: {  	v5 =	vmul.u32 $0x4, v0;
	s25 =	sadd.s32 $0x2300, s13;
	s17 =	simm.s32 $0x50;
	[dreg:$0x1d] =	wrdreg s19  }
0x27: {  	s15 =	sadd.s32 $0x1900, s20;
	s20 =	sadd.s32 $0x1400, s13;
	[smem:$0x7FC] =	sst s22  }
0x28: {  	v10 =	vimm.f32 $0.0e+00;
	v6 =	vor.u32 $0x40, v5;
	v7 =	vor.u32 $0x80, v5;
	s21 =	sadd.s32 $0x1900, s13;
	[smem:$0x7FD] =	sst s25;
	s19 =	simm.s32 $0x5500  }
0x29: {  	v8 =	vor.u32 $0xC0, v5;
	v9 =	vor.u32 $0x100, v5;
	v0 =	vor.u32 s10, v5;
	s25 =	simm.s32 $0x3;
	s0 =	simm.s32 $0x100;
	[dreg:$0x19] =	wrdreg s15  }
0x2a: {  	v1 =	vor.u32 s10, v6;
	v2 =	vor.u32 s10, v7;
	v3 =	vor.u32 s10, v8;
	s18 =	simm.s32 $0x80;
	s14 =	simm.s32 $0x180;
	[dreg:$0x1e] =	wrdreg s20  }
0x2b: {  	v4 =	vor.u32 s10, v9;
	v5 =	vor.u32 s12, v5;
	v6 =	vor.u32 s12, v6;
	s16 =	simm.s32 $0x380;
	s22 =	simm.s32 $0x7D00;
	[dreg:$0x1f] =	wrdreg s21  }
0x2c: {  	v7 =	vor.u32 s12, v7;
	v8 =	vor.u32 s12, v8;
	v9 =	vor.u32 s12, v9;
	s15 =	simm.s32 $0x2;
	s20 =	simm.s32 $0x2D00;
	s21 =	simm.s32 $0x1  }
.LBB2_1:
0x2d: {  	s9 =	simm.s32 $0x0;
	s13 =	simm.s32 $0x200  }
.LBB2_2:
0x2e: {  	p0 =	sne.s32 s13, $0x9E00;
	[tilespmem:s9+$0x5570] =	vst v10  }
0x2f: {  	[tilespmem:s9+$0x5500] =	vst v10  }
0x30: {  	[tilespmem:s9+$0x5510] =	vst v10  }
.Ltmp0:
0x31: {  	[tilespmem:s9+$0x5520] =	vst v10;
	(pc) =	sbr.rel @p0 .LBB2_2-.Ltmp0, $4  }
0x32: {  	[tilespmem:s9+$0x5530] =	vst v10  }
0x33: {  	[tilespmem:s9+$0x5540] =	vst v10  }
0x34: {  	[tilespmem:s9+$0x5550] =	vst v10  }
0x35: {  	[tilespmem:s9+$0x5560] =	vst v10;
	s9 =	sshra.s32 s13, $0x2;
	s13 =	sadd.s32 $0x200, s13  }
0x36: {  	[tilespmem:s9+$0x5570] =	vst v10  }
0x37: {  	[tilespmem:s9+$0x5500] =	vst v10  }
0x38: {  	[tilespmem:s9+$0x5510] =	vst v10  }
0x39: {  	[tilespmem:s9+$0x5520] =	vst v10  }
0x3a: {  	[tilespmem:s9+$0x5530] =	vst v10  }
0x3b: {  	[tilespmem:s9+$0x5540] =	vst v10  }
0x3c: {  	[tilespmem:s9+$0x5550] =	vst v10  }
0x3d: {  	[tilespmem:s9+$0x5560] =	vst v10;
	s9 =	simm.s32 $0x40;
	s13 =	simm.s32 $0x0  }
.LBB2_4:
0x3e: {  	p0 =	sne.s32 s9, $0x9FC0;
	[tilespmem:s13+$0x7D00] =	vst v10;
	s13 =	smov.u32 s9;
	s9 =	sadd.s32 $0x40, s9  }
.Ltmp1:
0x3f: {  	(pc) =	sbr.rel @p0 .LBB2_4-.Ltmp1, $2  }
0x40: {  	_ =	sdelay $0x2  }
0x41: {  	s13 =	sshra.s32 s13, $0x2  }
0x42: {  	[tilespmem:s13+$0x7D00] =	vst v10  }
0x43: {  	[spmem:s26] =	stream.linear.scatter [tilespmem:s19], [sflag:$0x3], $0x2800, $0x38;
	[tilespmem:$0x1E500] =	vst v63  }
0x44: {  	_ =	swait.ge [sflag:s25], $0x2800  }
0x45: {  	[sflag:s25] =	ssyncset.done $0x0  }
0x46: {  	[sflag:s25] =	ssyncadd.s32 $0xFFFFD800  }
0x47: {  	[spmem:s28] =	stream.linear.scatter [tilespmem:s19], [sflag:$0x3], $0x2800, $0x38;
	[tilespmem:$0x1E500] =	vst v63  }
0x48: {  	_ =	swait.ge [sflag:s25], $0x2800  }
0x49: {  	[sflag:s25] =	ssyncset.done $0x0  }
0x4a: {  	[sflag:s25] =	ssyncadd.s32 $0xFFFFD800  }
0x4b: {  	[spmem:s29] =	stream.linear.scatter [tilespmem:s19], [sflag:$0x3], $0x2800, $0x38;
	[tilespmem:$0x1E500] =	vst v63  }
0x4c: {  	_ =	swait.ge [sflag:s25], $0x2800  }
0x4d: {  	[sflag:s25] =	ssyncset.done $0x0  }
0x4e: {  	[sflag:s25] =	ssyncadd.s32 $0xFFFFD800  }
0x4f: {  	[spmem:s30] =	stream.linear.scatter [tilespmem:s19], [sflag:$0x3], $0x2800, $0x38;
	[tilespmem:$0x1E500] =	vst v63  }
0x50: {  	_ =	swait.ge [sflag:s25], $0x2800  }
0x51: {  	[sflag:s25] =	ssyncset.done $0x0  }
0x52: {  	[sflag:s25] =	ssyncadd.s32 $0xFFFFD800  }
0x53: {  	[spmem:s31] =	stream.linear.scatter [tilespmem:s19], [sflag:$0x3], $0x2800, $0x38;
	[tilespmem:$0x1E500] =	vst v63  }
0x54: {  	_ =	swait.ge [sflag:s25], $0x2800  }
0x55: {  	[sflag:s25] =	ssyncset.done $0x0  }
0x56: {  	s3 =	rddreg [dreg:$0x13];
	[sflag:s25] =	ssyncadd.s32 $0xFFFFD800  }
0x57: {  	[spmem:s3] =	stream.linear.scatter [tilespmem:s19], [sflag:$0x3], $0x2800, $0x38;
	[tilespmem:$0x1E500] =	vst v63  }
0x58: {  	_ =	swait.ge [sflag:s25], $0x2800  }
0x59: {  	[sflag:s25] =	ssyncset.done $0x0  }
0x5a: {  	s13 =	rddreg [dreg:$0x14];
	[sflag:s25] =	ssyncadd.s32 $0xFFFFD800  }
0x5b: {  	[spmem:s13] =	stream.linear.scatter [tilespmem:s19], [sflag:$0x3], $0x2800, $0x38;
	[tilespmem:$0x1E500] =	vst v63  }
0x5c: {  	_ =	swait.ge [sflag:s25], $0x2800  }
0x5d: {  	[sflag:s25] =	ssyncset.done $0x0  }
0x5e: {  	s26 =	rddreg [dreg:$0x15];
	[sflag:s25] =	ssyncadd.s32 $0xFFFFD800  }
0x5f: {  	[spmem:s26] =	stream.linear.scatter [tilespmem:s19], [sflag:$0x3], $0x2800, $0x38;
	[tilespmem:$0x1E500] =	vst v63  }
0x60: {  	_ =	swait.ge [sflag:s25], $0x2800  }
0x61: {  	[sflag:s25] =	ssyncset.done $0x0  }
0x62: {  	[sflag:s25] =	ssyncadd.s32 $0xFFFFD800  }
0x63: {  	[bflag:$0x0] =	sbarrier.arrive $0xFFFF  }
0x64: {  	s13 =	simm.s32 $0x0;
	s28 =	rddreg [dreg:$0xd]  }
0x65: {  	[tilespmem:s13], [sflag:$0x2] =	stream.linear.gather [hbm4b:s28+s13], $0x50, $0x38;
	[tilespmem:$0x1E500] =	vst v63  }
0x66: {  	s29 =	rddreg [dreg:$0xe]  }
0x67: {  	[tilespmem:s0], [sflag:$0x2] =	stream.linear.gather [hbm4b:s29+s13], $0x50, $0x38;
	[tilespmem:$0x1E500] =	vst v63  }
0x68: {  	s30 =	rddreg [dreg:$0xf]  }
0x69: {  	[tilespmem:s4], [sflag:$0x2] =	stream.linear.gather [hbm4b:s30+s13], $0x140, $0x38;
	[tilespmem:$0x1E500] =	vst v63  }
0x6a: {  	_ =	swait.ge [sflag:s15], $0x50  }
0x6b: {  	[sflag:s15] =	ssyncset.done $0x0  }
0x6c: {  	[sflag:s15] =	ssyncadd.s32 $0xFFFFFFB0  }
0x6d: {  	_ =	swait.ge [sflag:s15], $0x50  }
0x6e: {  	[sflag:s15] =	ssyncset.done $0x0  }
0x6f: {  	[sflag:s15] =	ssyncadd.s32 $0xFFFFFFB0  }
0x70: {  	_ =	swait.ge [sflag:s15], $0x140  }
0x71: {  	[sflag:s15] =	ssyncset.done $0x0  }
0x72: {  	s31 =	simm.s32 $0x500;
	s26 =	simm.s32 $0x0;
	[sflag:s15] =	ssyncadd.s32 $0xFFFFFEC0  }
0x73: {  	[tilespmem:s31], [sflag:$0x1] =	stream.indirect.gather [hbm4b:s5+s17], $0x80, s13, s17, $0xb8;
	[tilespmem:$0x1E500] =	vst v63  }
.LBB2_6:
0x74: {  	s28 =	smul.u32 $0xA0, s26;
	_ =	sdelay $0x1  }
0x75: {  	s9 =	sadd.s32 s28, s23  }
0x76: {  	s29 =	sshrl.u32 s9, $0x3  }
0x77: {  	s30 =	sadd.s32 s7, s29  }
0x78: {  	[tilespmem:s18], [sflag:$0x2] =	stream.linear.gather [hbm4b:s30+s13], $0x50, $0x38;
	[tilespmem:$0x1E500] =	vst v63  }
0x79: {  	s9 =	sshrl.u32 s9, $0x1;
	s29 =	sadd.s32 s8, s29  }
0x7a: {  	[tilespmem:s14], [sflag:$0x2] =	stream.linear.gather [hbm4b:s29+s13], $0x50, $0x38;
	[tilespmem:$0x1E500] =	vst v63  }
0x7b: {  	s9 =	sadd.s32 s6, s9  }
0x7c: {  	[tilespmem:s16], [sflag:$0x2] =	stream.linear.gather [hbm4b:s9+s13], $0x140, $0x38;
	[tilespmem:$0x1E500] =	vst v63  }
0x7d: {  	_ =	swait.ge [sflag:s15], $0x50  }
0x7e: {  	[sflag:s15] =	ssyncset.done $0x0  }
0x7f: {  	[sflag:s15] =	ssyncadd.s32 $0xFFFFFFB0  }
0x80: {  	_ =	swait.ge [sflag:s15], $0x50  }
0x81: {  	[sflag:s15] =	ssyncset.done $0x0  }
0x82: {  	[sflag:s15] =	ssyncadd.s32 $0xFFFFFFB0  }
0x83: {  	_ =	swait.ge [sflag:s15], $0x140  }
0x84: {  	[sflag:s15] =	ssyncset.done $0x0  }
0x85: {  	v11 =	vmov s10;
	[sflag:s15] =	ssyncadd.s32 $0xFFFFFEC0  }
0x86: {  	v11 =	vand.u32 $0xFFFFFFFE, v11;
	[tilespmem:s20], [sflag:$0x1] =	stream.indirect.gather [hbm4b:s5+s17], $0x80, s18, s17, $0xb8;
	[tilespmem:$0x1E500] =	vst v63  }
0x87: {  	v11 =	vbroadcast v11, $0x0;
	_ =	swait.ge [sflag:s21], $0x2800  }
0x88: {  	[sflag:s21] =	ssyncset.done $0x0  }
0x89: {  	s29 =	simm.s32 $0x0;
	[sflag:s21] =	ssyncadd.s32 $0xFFFFD800  }
0x8a: {  	v14 =	vld [tilespmem:s29+$0x500]  }
0x8b: {  	v15 =	vld [tilespmem:s29+$0x510]  }
0x8c: {  	v16 =	vld [tilespmem:s29+$0x520]  }
0x8d: {  	v12 =	vld.idx.msk [tilespmem:v11+s4+$0x0], $0xffff  }
0x8e: {  	v19 =	vld [tilespmem:s29+$0x530]  }
0x8f: {  	v21 =	vld [tilespmem:s29+$0x540]  }
0x90: {  	v22 =	vld [tilespmem:s29+$0x550]  }
0x91: {  	v13 =	vld [tilespmem:s29+$0x560]  }
0x92: {  	v23 =	vmul.f32 v14, v12;
	v14 =	vld [tilespmem:s29+$0x570];
	_ =	sdelay $0x1  }
0x93: {  	v18 =	vmul.f32 v15, v12  }
0x94: {  	s31 =	sadd.s32 $0x4, s10;
	v17 =	vmul.f32 v16, v12;
	v15 =	vmul.f32 v19, v12  }
0x95: {  	v20 =	vmov s31;
	s30 =	simm.s32 $0x200;
	s9 =	simm.s32 $0x400;
	v19 =	vmul.f32 v21, v12;
	v16 =	vmul.f32 v22, v12;
	[tilespmem:s29+$0x5500] =	vst v23  }
.LBB2_7:
0x96: {  	p0 =	sne.s32 s9, $0x9E00;
	v20 =	vand.u32 $0xFFFFFFFE, v20;
	[tilespmem:s29+$0x5510] =	vst v18;
	v13 =	vmul.f32 v13, v12;
	v12 =	vmul.f32 v14, v12  }
0x97: {  	v14 =	vbroadcast v20, $0x0;
	[tilespmem:s29+$0x5520] =	vst v17  }
0x98: {  	s3 =	sshra.s32 s30, $0x2;
	s30 =	smov.u32 s9;
	[tilespmem:s29+$0x5530] =	vst v15  }
0x99: {  	v15 =	vld [tilespmem:s3+$0x500];
	[tilespmem:s29+$0x5540] =	vst v19  }
0x9a: {  	v17 =	vld [tilespmem:s3+$0x510];
	[tilespmem:s29+$0x5550] =	vst v16  }
0x9b: {  	v16 =	vld [tilespmem:s3+$0x520];
	[tilespmem:s29+$0x5560] =	vst v13  }
0x9c: {  	v19 =	vld [tilespmem:s3+$0x530];
	[tilespmem:s29+$0x5570] =	vst v12;
	s29 =	smov.u32 s3  }
0x9d: {  	v12 =	vld.idx.msk [tilespmem:v14+s4+$0x0], $0xffff  }
0x9e: {  	v21 =	vld [tilespmem:s29+$0x540]  }
0x9f: {  	v22 =	vld [tilespmem:s29+$0x550]  }
0xa0: {  	v13 =	vld [tilespmem:s29+$0x560]  }
.Ltmp2:
0xa1: {  	v14 =	vld [tilespmem:s29+$0x570];
	(pc) =	sbr.rel @p0 .LBB2_7-.Ltmp2, $4  }
0xa2: {  	_ = 	snop  }
0xa3: {  	v23 =	vmul.f32 v15, v12;
	v18 =	vmul.f32 v17, v12  }
0xa4: {  	s31 =	sadd.s32 $0x4, s31;
	v17 =	vmul.f32 v16, v12;
	v15 =	vmul.f32 v19, v12  }
0xa5: {  	s9 =	sadd.s32 $0x200, s9;
	v20 =	vmov s31;
	v19 =	vmul.f32 v21, v12;
	v16 =	vmul.f32 v22, v12;
	[tilespmem:s29+$0x5500] =	vst v23  }
0xa6: {  	[tilespmem:s29+$0x5520] =	vst v17;
	v17 =	vand.u32 $0xFFFFFFFE, v20  }
0xa7: {  	[tilespmem:s29+$0x5510] =	vst v18;
	v17 =	vbroadcast v17, $0x0  }
0xa8: {  	s3 =	sshra.s32 s30, $0x2;
	[tilespmem:s29+$0x5530] =	vst v15  }
0xa9: {  	v13 =	vmul.f32 v13, v12;
	v15 =	vld [tilespmem:s3+$0x500];
	[tilespmem:s29+$0x5540] =	vst v19  }
0xaa: {  	v12 =	vmul.f32 v14, v12;
	v18 =	vld [tilespmem:s3+$0x510];
	[tilespmem:s29+$0x5550] =	vst v16  }
0xab: {  	v16 =	vld [tilespmem:s3+$0x520];
	[tilespmem:s29+$0x5560] =	vst v13  }
0xac: {  	v13 =	vld [tilespmem:s3+$0x530];
	[tilespmem:s29+$0x5570] =	vst v12  }
0xad: {  	v12 =	vld.idx.msk [tilespmem:v17+s4+$0x0], $0xffff;
	_ =	sdelay $0x3  }
0xae: {  	v14 =	vld [tilespmem:s3+$0x540]  }
0xaf: {  	v17 =	vld [tilespmem:s3+$0x550];
	v15 =	vmul.f32 v15, v12  }
0xb0: {  	v19 =	vld [tilespmem:s3+$0x560];
	v18 =	vmul.f32 v18, v12  }
0xb1: {  	v20 =	vld [tilespmem:s3+$0x570];
	v16 =	vmul.f32 v16, v12;
	[tilespmem:s3+$0x5500] =	vst v15  }
0xb2: {  	v13 =	vmul.f32 v13, v12;
	[tilespmem:s3+$0x5510] =	vst v18  }
0xb3: {  	v14 =	vmul.f32 v14, v12;
	[tilespmem:s3+$0x5520] =	vst v16  }
0xb4: {  	v15 =	vmul.f32 v17, v12;
	[tilespmem:s3+$0x5530] =	vst v13  }
0xb5: {  	v13 =	vmul.f32 v19, v12;
	[tilespmem:s3+$0x5540] =	vst v14  }
0xb6: {  	v12 =	vmul.f32 v20, v12;
	[tilespmem:s3+$0x5550] =	vst v15  }
0xb7: {  	[tilespmem:s3+$0x5560] =	vst v13  }
0xb8: {  	[tilespmem:s3+$0x5570] =	vst v12  }
0xb9: {  	[spmem:s2] =	stream.indirect.scatter.add.f32 [tilespmem:s19], [sflag:$0x3], $0x80, s0, s17, $0xb8;
	[tilespmem:$0x1E500] =	vst v63  }
0xba: {  	_ =	swait.ge [sflag:s25], $0x2800  }
0xbb: {  	[sflag:s25] =	ssyncset.done $0x0  }
0xbc: {  	[sflag:s25] =	ssyncadd.s32 $0xFFFFD800  }
0xbd: {  	v12 =	vld [tilespmem:$0x100];
	_ =	sdelay $0x2  }
0xbe: {  	v13 =	vld.idx.msk [tilespmem:v0+s4+$0x0], $0xffff;
	_ =	sdelay $0x4  }
0xbf: {  	[tilespmem:v12+s22+$0x0] =	vst.idx.add.f32.msk $0xffff, v13  }
0xc0: {  	v12 =	vld [tilespmem:$0x110];
	_ =	sdelay $0x2  }
0xc1: {  	v13 =	vld.idx.msk [tilespmem:v1+s4+$0x0], $0xffff;
	_ =	sdelay $0x4  }
0xc2: {  	[tilespmem:v12+s22+$0x0] =	vst.idx.add.f32.msk $0xffff, v13  }
0xc3: {  	v12 =	vld [tilespmem:$0x120];
	_ =	sdelay $0x2  }
0xc4: {  	v13 =	vld.idx.msk [tilespmem:v2+s4+$0x0], $0xffff;
	_ =	sdelay $0x4  }
0xc5: {  	[tilespmem:v12+s22+$0x0] =	vst.idx.add.f32.msk $0xffff, v13  }
0xc6: {  	v12 =	vld [tilespmem:$0x130];
	_ =	sdelay $0x2  }
0xc7: {  	v13 =	vld.idx.msk [tilespmem:v3+s4+$0x0], $0xffff;
	_ =	sdelay $0x4  }
0xc8: {  	[tilespmem:v12+s22+$0x0] =	vst.idx.add.f32.msk $0xffff, v13  }
0xc9: {  	v12 =	vld [tilespmem:$0x140];
	_ =	sdelay $0x2  }
0xca: {  	v13 =	vld.idx.msk [tilespmem:v4+s4+$0x0], $0xffff;
	_ =	sdelay $0x1  }
0xcb: {  	p0 =	sgt.u32 s26, $0x7B  }
0xcc: {  	s3 =	sadd.s32 @!p0 s28, s24  }
0xcd: {  	s9 =	sshrl.u32 @!p0 s3, $0x3  }
0xce: {  	s29 =	simm.s32 @!p0 $0x0;
	s28 =	sadd.s32 @!p0 s7, s9;
	[tilespmem:v12+s22+$0x0] =	vst.idx.add.f32.msk $0xffff, v13  }
0xcf: {  	[tilespmem:s29], [sflag:$0x2] =	stream.linear.gather @!p0 [hbm4b:s28+s29], $0x50, $0x38;
	[tilespmem:$0x1E500] =	vst v63  }
0xd0: {  	s3 =	sshrl.u32 @!p0 s3, $0x1;
	s9 =	sadd.s32 @!p0 s8, s9;
	s28 =	simm.s32 @!p0 $0x100  }
0xd1: {  	[tilespmem:s28], [sflag:$0x2] =	stream.linear.gather @!p0 [hbm4b:s9+s29], $0x50, $0x38;
	[tilespmem:$0x1E500] =	vst v63  }
0xd2: {  	s3 =	sadd.s32 @!p0 s6, s3;
	s9 =	simm.s32 @!p0 $0x200  }
0xd3: {  	[tilespmem:s9], [sflag:$0x2] =	stream.linear.gather @!p0 [hbm4b:s3+s29], $0x140, $0x38;
	[tilespmem:$0x1E500] =	vst v63  }
0xd4: {  	s3 =	simm.s32 @!p0 $0x2  }
0xd5: {  	_ =	swait.ge @!p0 [sflag:s3], $0x50  }
0xd6: {  	[sflag:s3] =	ssyncset.done @!p0 $0x0  }
0xd7: {  	[sflag:s3] =	ssyncadd.s32 @!p0 $0xFFFFFFB0  }
0xd8: {  	_ =	swait.ge @!p0 [sflag:s3], $0x50  }
0xd9: {  	[sflag:s3] =	ssyncset.done @!p0 $0x0  }
0xda: {  	[sflag:s3] =	ssyncadd.s32 @!p0 $0xFFFFFFB0  }
0xdb: {  	_ =	swait.ge @!p0 [sflag:s3], $0x140  }
0xdc: {  	[sflag:s3] =	ssyncset.done @!p0 $0x0  }
0xdd: {  	s9 =	simm.s32 @!p0 $0x500;
	[sflag:s3] =	ssyncadd.s32 @!p0 $0xFFFFFEC0;
	s3 =	simm.s32 @!p0 $0x50  }
0xde: {  	[tilespmem:s9], [sflag:$0x1] =	stream.indirect.gather @!p0 [hbm4b:s5+s3], $0x80, s29, s3, $0xb8;
	[tilespmem:$0x1E500] =	vst v63  }
0xdf: {  	_ =	swait.ge [sflag:s21], $0x2800  }
0xe0: {  	[sflag:s21] =	ssyncset.done $0x0  }
0xe1: {  	s28 =	simm.s32 $0x0;
	[sflag:s21] =	ssyncadd.s32 $0xFFFFD800  }
0xe2: {  	v13 =	vld [tilespmem:s28+$0x2D00]  }
0xe3: {  	v14 =	vld [tilespmem:s28+$0x2D10]  }
0xe4: {  	v15 =	vld [tilespmem:s28+$0x2D20]  }
0xe5: {  	v11 =	vld.idx.msk [tilespmem:v11+s16+$0x0], $0xffff  }
0xe6: {  	v18 =	vld [tilespmem:s28+$0x2D30]  }
0xe7: {  	v20 =	vld [tilespmem:s28+$0x2D40]  }
0xe8: {  	v21 =	vld [tilespmem:s28+$0x2D50]  }
0xe9: {  	v12 =	vld [tilespmem:s28+$0x2D60]  }
0xea: {  	v22 =	vmul.f32 v13, v11;
	v13 =	vld [tilespmem:s28+$0x2D70];
	_ =	sdelay $0x1  }
0xeb: {  	v17 =	vmul.f32 v14, v11  }
0xec: {  	s30 =	sadd.s32 $0x4, s10;
	v16 =	vmul.f32 v15, v11;
	v14 =	vmul.f32 v18, v11  }
0xed: {  	v19 =	vmov s30;
	s29 =	simm.s32 $0x200;
	s9 =	simm.s32 $0x400;
	v18 =	vmul.f32 v20, v11;
	v15 =	vmul.f32 v21, v11;
	[tilespmem:s28+$0x5500] =	vst v22  }
.LBB2_9:
0xee: {  	p0 =	sne.s32 s9, $0x9E00;
	v19 =	vand.u32 $0xFFFFFFFE, v19;
	[tilespmem:s28+$0x5510] =	vst v17;
	v12 =	vmul.f32 v12, v11;
	v11 =	vmul.f32 v13, v11  }
0xef: {  	v13 =	vbroadcast v19, $0x0;
	[tilespmem:s28+$0x5520] =	vst v16  }
0xf0: {  	s3 =	sshra.s32 s29, $0x2;
	s29 =	smov.u32 s9;
	[tilespmem:s28+$0x5530] =	vst v14  }
0xf1: {  	v14 =	vld [tilespmem:s3+$0x2D00];
	[tilespmem:s28+$0x5540] =	vst v18  }
0xf2: {  	v16 =	vld [tilespmem:s3+$0x2D10];
	[tilespmem:s28+$0x5550] =	vst v15  }
0xf3: {  	v15 =	vld [tilespmem:s3+$0x2D20];
	[tilespmem:s28+$0x5560] =	vst v12  }
0xf4: {  	v18 =	vld [tilespmem:s3+$0x2D30];
	[tilespmem:s28+$0x5570] =	vst v11;
	s28 =	smov.u32 s3  }
0xf5: {  	v11 =	vld.idx.msk [tilespmem:v13+s16+$0x0], $0xffff  }
0xf6: {  	v20 =	vld [tilespmem:s28+$0x2D40]  }
0xf7: {  	v21 =	vld [tilespmem:s28+$0x2D50]  }
0xf8: {  	v12 =	vld [tilespmem:s28+$0x2D60]  }
.Ltmp3:
0xf9: {  	v13 =	vld [tilespmem:s28+$0x2D70];
	(pc) =	sbr.rel @p0 .LBB2_9-.Ltmp3, $4  }
0xfa: {  	_ = 	snop  }
0xfb: {  	v22 =	vmul.f32 v14, v11;
	v17 =	vmul.f32 v16, v11  }
0xfc: {  	s30 =	sadd.s32 $0x4, s30;
	v16 =	vmul.f32 v15, v11;
	v14 =	vmul.f32 v18, v11  }
0xfd: {  	s9 =	sadd.s32 $0x200, s9;
	v19 =	vmov s30;
	v18 =	vmul.f32 v20, v11;
	v15 =	vmul.f32 v21, v11;
	[tilespmem:s28+$0x5500] =	vst v22  }
0xfe: {  	[tilespmem:s28+$0x5510] =	vst v17;
	v57 =	vand.u32 $0xFFFFFFFE, v19  }
0xff: {  	[tilespmem:s28+$0x5520] =	vst v16;
	v16 =	vbroadcast v57, $0x0  }
0x100: {  	s3 =	sshra.s32 s29, $0x2;
	[tilespmem:s28+$0x5530] =	vst v14  }
0x101: {  	v12 =	vmul.f32 v12, v11;
	v14 =	vld [tilespmem:s3+$0x2D00];
	[tilespmem:s28+$0x5540] =	vst v18  }
0x102: {  	v11 =	vmul.f32 v13, v11;
	v17 =	vld [tilespmem:s3+$0x2D10];
	[tilespmem:s28+$0x5550] =	vst v15  }
0x103: {  	v15 =	vld [tilespmem:s3+$0x2D20];
	[tilespmem:s28+$0x5560] =	vst v12  }
0x104: {  	v12 =	vld [tilespmem:s3+$0x2D30];
	[tilespmem:s28+$0x5570] =	vst v11  }
0x105: {  	v11 =	vld.idx.msk [tilespmem:v16+s16+$0x0], $0xffff;
	_ =	sdelay $0x3  }
0x106: {  	v58 =	vld [tilespmem:s3+$0x2D40]  }
0x107: {  	v59 =	vld [tilespmem:s3+$0x2D50];
	v14 =	vmul.f32 v14, v11  }
0x108: {  	v18 =	vld [tilespmem:s3+$0x2D60];
	v17 =	vmul.f32 v17, v11  }
0x109: {  	v60 =	vld [tilespmem:s3+$0x2D70];
	v15 =	vmul.f32 v15, v11;
	[tilespmem:s3+$0x5500] =	vst v14  }
0x10a: {  	v12 =	vmul.f32 v12, v11;
	[tilespmem:s3+$0x5510] =	vst v17  }
0x10b: {  	v13 =	vmul.f32 v58, v11;
	[tilespmem:s3+$0x5520] =	vst v15  }
0x10c: {  	v61 =	vmul.f32 v59, v11;
	[tilespmem:s3+$0x5530] =	vst v12  }
0x10d: {  	v62 =	vmul.f32 v18, v11;
	[tilespmem:s3+$0x5540] =	vst v13  }
0x10e: {  	v11 =	vmul.f32 v60, v11;
	[tilespmem:s3+$0x5550] =	vst v61  }
0x10f: {  	[tilespmem:s3+$0x5560] =	vst v62  }
0x110: {  	[tilespmem:s3+$0x5570] =	vst v11  }
0x111: {  	[spmem:s2] =	stream.indirect.scatter.add.f32 [tilespmem:s19], [sflag:$0x3], $0x80, s14, s17, $0xb8;
	[tilespmem:$0x1E500] =	vst v63  }
0x112: {  	_ =	swait.ge [sflag:s25], $0x2800  }
0x113: {  	[sflag:s25] =	ssyncset.done $0x0  }
0x114: {  	[sflag:s25] =	ssyncadd.s32 $0xFFFFD800  }
0x115: {  	v11 =	vld [tilespmem:$0x180];
	_ =	sdelay $0x2  }
0x116: {  	v63 =	vld.idx.msk [tilespmem:v0+s16+$0x0], $0xffff;
	_ =	sdelay $0x4  }
0x117: {  	[tilespmem:v11+s22+$0x0] =	vst.idx.add.f32.msk $0xffff, v63  }
0x118: {  	v11 =	vld [tilespmem:$0x190];
	_ =	sdelay $0x2  }
0x119: {  	v12 =	vld.idx.msk [tilespmem:v1+s16+$0x0], $0xffff;
	_ =	sdelay $0x4  }
0x11a: {  	[tilespmem:v11+s22+$0x0] =	vst.idx.add.f32.msk $0xffff, v12  }
0x11b: {  	v11 =	vld [tilespmem:$0x1A0];
	_ =	sdelay $0x2  }
0x11c: {  	v12 =	vld.idx.msk [tilespmem:v2+s16+$0x0], $0xffff;
	_ =	sdelay $0x4  }
0x11d: {  	[tilespmem:v11+s22+$0x0] =	vst.idx.add.f32.msk $0xffff, v12  }
0x11e: {  	v11 =	vld [tilespmem:$0x1B0];
	_ =	sdelay $0x2  }
0x11f: {  	v12 =	vld.idx.msk [tilespmem:v3+s16+$0x0], $0xffff;
	_ =	sdelay $0x4  }
0x120: {  	[tilespmem:v11+s22+$0x0] =	vst.idx.add.f32.msk $0xffff, v12  }
0x121: {  	v11 =	vld [tilespmem:$0x1C0];
	_ =	sdelay $0x1  }
0x122: {  	s26 =	sadd.s32 $0x1, s26  }
0x123: {  	p0 =	sne.s32 s26, $0x7D;
	v12 =	vld.idx.msk [tilespmem:v4+s16+$0x0], $0xffff  }
.Ltmp4:
0x124: {  	_ = 	snop;
	(pc) =	sbr.rel @p0 .LBB2_6-.Ltmp4, $2  }
0x125: {  	_ =	sdelay $0x2  }
0x126: {  	[tilespmem:v11+s22+$0x0] =	vst.idx.add.f32.msk $0xffff, v12  }
0x127: {  	[bflag:$0x0] =	sbarrier.arrive $0xFFFF  }
0x128: {  	s26 =	rddreg [dreg:$0x4]  }
0x129: {  	[tilespmem:s19], [sflag:$0x3] =	stream.linear.gather [spmem:s26], $0x2800, $0x38;
	[tilespmem:$0x1E500] =	vst v63  }
0x12a: {  	_ =	swait.ge [sflag:s25], $0x2800  }
0x12b: {  	[sflag:s25] =	ssyncset.done $0x0  }
0x12c: {  	s3 =	simm.s32 $0x0;
	s9 =	rddreg [dreg:$0x7];
	[sflag:s25] =	ssyncadd.s32 $0xFFFFD800  }
0x12d: {  	[hbm4b:s9+s3] =	stream.linear.scatter [tilespmem:s19], [sflag:$0x3], $0x2800, $0x38;
	[tilespmem:$0x1E500] =	vst v63  }
0x12e: {  	_ =	swait.ge [sflag:s25], $0x2800  }
0x12f: {  	[sflag:s25] =	ssyncset.done $0x0  }
0x130: {  	s28 =	rddreg [dreg:$0x5];
	[sflag:s25] =	ssyncadd.s32 $0xFFFFD800  }
0x131: {  	[tilespmem:s19], [sflag:$0x3] =	stream.linear.gather [spmem:s28], $0x2800, $0x38;
	[tilespmem:$0x1E500] =	vst v63  }
0x132: {  	_ =	swait.ge [sflag:s25], $0x2800  }
0x133: {  	[sflag:s25] =	ssyncset.done $0x0  }
0x134: {  	s13 =	rddreg [dreg:$0x8];
	[sflag:s25] =	ssyncadd.s32 $0xFFFFD800  }
0x135: {  	[hbm4b:s13+s3] =	stream.linear.scatter [tilespmem:s19], [sflag:$0x3], $0x2800, $0x38;
	[tilespmem:$0x1E500] =	vst v63  }
0x136: {  	_ =	swait.ge [sflag:s25], $0x2800  }
0x137: {  	[sflag:s25] =	ssyncset.done $0x0  }
0x138: {  	s29 =	rddreg [dreg:$0x6];
	[sflag:s25] =	ssyncadd.s32 $0xFFFFD800  }
0x139: {  	[tilespmem:s19], [sflag:$0x3] =	stream.linear.gather [spmem:s29], $0x2800, $0x38;
	[tilespmem:$0x1E500] =	vst v63  }
0x13a: {  	_ =	swait.ge [sflag:s25], $0x2800  }
0x13b: {  	[sflag:s25] =	ssyncset.done $0x0  }
0x13c: {  	s13 =	rddreg [dreg:$0x16];
	[sflag:s25] =	ssyncadd.s32 $0xFFFFD800  }
0x13d: {  	[hbm4b:s13+s3] =	stream.linear.scatter [tilespmem:s19], [sflag:$0x3], $0x2800, $0x38;
	[tilespmem:$0x1E500] =	vst v63  }
0x13e: {  	_ =	swait.ge [sflag:s25], $0x2800  }
0x13f: {  	[sflag:s25] =	ssyncset.done $0x0  }
0x140: {  	s30 =	rddreg [dreg:$0x11];
	[sflag:s25] =	ssyncadd.s32 $0xFFFFD800  }
0x141: {  	[tilespmem:s19], [sflag:$0x3] =	stream.linear.gather [spmem:s30], $0x2800, $0x38;
	[tilespmem:$0x1E500] =	vst v63  }
0x142: {  	_ =	swait.ge [sflag:s25], $0x2800  }
0x143: {  	[sflag:s25] =	ssyncset.done $0x0  }
0x144: {  	s13 =	rddreg [dreg:$0x17];
	[sflag:s25] =	ssyncadd.s32 $0xFFFFD800  }
0x145: {  	[hbm4b:s13+s3] =	stream.linear.scatter [tilespmem:s19], [sflag:$0x3], $0x2800, $0x38;
	[tilespmem:$0x1E500] =	vst v63  }
0x146: {  	_ =	swait.ge [sflag:s25], $0x2800  }
0x147: {  	[sflag:s25] =	ssyncset.done $0x0  }
0x148: {  	s31 =	rddreg [dreg:$0x12];
	[sflag:s25] =	ssyncadd.s32 $0xFFFFD800  }
0x149: {  	[tilespmem:s19], [sflag:$0x3] =	stream.linear.gather [spmem:s31], $0x2800, $0x38;
	[tilespmem:$0x1E500] =	vst v63  }
0x14a: {  	_ =	swait.ge [sflag:s25], $0x2800  }
0x14b: {  	[sflag:s25] =	ssyncset.done $0x0  }
0x14c: {  	s13 =	rddreg [dreg:$0x18];
	[sflag:s25] =	ssyncadd.s32 $0xFFFFD800  }
0x14d: {  	[hbm4b:s13+s3] =	stream.linear.scatter [tilespmem:s19], [sflag:$0x3], $0x2800, $0x38;
	[tilespmem:$0x1E500] =	vst v63  }
0x14e: {  	_ =	swait.ge [sflag:s25], $0x2800  }
0x14f: {  	[sflag:s25] =	ssyncset.done $0x0  }
0x150: {  	s13 =	rddreg [dreg:$0x13];
	[sflag:s25] =	ssyncadd.s32 $0xFFFFD800  }
0x151: {  	[tilespmem:s19], [sflag:$0x3] =	stream.linear.gather [spmem:s13], $0x2800, $0x38;
	[tilespmem:$0x1E500] =	vst v63  }
0x152: {  	_ =	swait.ge [sflag:s25], $0x2800  }
0x153: {  	[sflag:s25] =	ssyncset.done $0x0  }
0x154: {  	s13 =	rddreg [dreg:$0x19];
	[sflag:s25] =	ssyncadd.s32 $0xFFFFD800  }
0x155: {  	[hbm4b:s13+s3] =	stream.linear.scatter [tilespmem:s19], [sflag:$0x3], $0x2800, $0x38;
	[tilespmem:$0x1E500] =	vst v63  }
0x156: {  	_ =	swait.ge [sflag:s25], $0x2800  }
0x157: {  	[sflag:s25] =	ssyncset.done $0x0  }
0x158: {  	s13 =	rddreg [dreg:$0x14];
	[sflag:s25] =	ssyncadd.s32 $0xFFFFD800  }
0x159: {  	[tilespmem:s19], [sflag:$0x3] =	stream.linear.gather [spmem:s13], $0x2800, $0x38;
	[tilespmem:$0x1E500] =	vst v63  }
0x15a: {  	_ =	swait.ge [sflag:s25], $0x2800  }
0x15b: {  	[sflag:s25] =	ssyncset.done $0x0  }
0x15c: {  	s13 =	rddreg [dreg:$0x1a];
	[sflag:s25] =	ssyncadd.s32 $0xFFFFD800  }
0x15d: {  	[hbm4b:s13+s3] =	stream.linear.scatter [tilespmem:s19], [sflag:$0x3], $0x2800, $0x38;
	[tilespmem:$0x1E500] =	vst v63  }
0x15e: {  	_ =	swait.ge [sflag:s25], $0x2800  }
0x15f: {  	[sflag:s25] =	ssyncset.done $0x0  }
0x160: {  	s13 =	rddreg [dreg:$0x15];
	[sflag:s25] =	ssyncadd.s32 $0xFFFFD800  }
0x161: {  	[tilespmem:s19], [sflag:$0x3] =	stream.linear.gather [spmem:s13], $0x2800, $0x38;
	[tilespmem:$0x1E500] =	vst v63  }
0x162: {  	_ =	swait.ge [sflag:s25], $0x2800  }
0x163: {  	[sflag:s25] =	ssyncset.done $0x0  }
0x164: {  	s13 =	rddreg [dreg:$0x1b];
	[sflag:s25] =	ssyncadd.s32 $0xFFFFD800  }
0x165: {  	[hbm4b:s13+s3] =	stream.linear.scatter [tilespmem:s19], [sflag:$0x3], $0x2800, $0x38;
	[tilespmem:$0x1E500] =	vst v63  }
0x166: {  	_ =	swait.ge [sflag:s25], $0x2800  }
0x167: {  	[sflag:s25] =	ssyncset.done $0x0  }
0x168: {  	s13 =	rddreg [dreg:$0xb];
	[sflag:s25] =	ssyncadd.s32 $0xFFFFD800  }
0x169: {  	[hbm4b:s13+s3] =	stream.linear.scatter [tilespmem:s22], [sflag:$0x3], $0x2800, $0x38;
	[tilespmem:$0x1E500] =	vst v63  }
0x16a: {  	_ =	swait.ge [sflag:s25], $0x2800  }
0x16b: {  	[sflag:s25] =	ssyncset.done $0x0  }
0x16c: {  	[sflag:s25] =	ssyncadd.s32 $0xFFFFD800  }
0x16d: {  	s9 =	simm.s32 $0x0;
	s13 =	simm.s32 $0x200;
	[bflag:$0x0] =	sbarrier.arrive $0xFFFF  }
.LBB2_12:
0x16e: {  	p0 =	sne.s32 s13, $0x9E00;
	[tilespmem:s9+$0x5570] =	vst v10  }
0x16f: {  	[tilespmem:s9+$0x5500] =	vst v10  }
0x170: {  	[tilespmem:s9+$0x5510] =	vst v10  }
.Ltmp5:
0x171: {  	[tilespmem:s9+$0x5520] =	vst v10;
	(pc) =	sbr.rel @p0 .LBB2_12-.Ltmp5, $4  }
0x172: {  	[tilespmem:s9+$0x5530] =	vst v10  }
0x173: {  	[tilespmem:s9+$0x5540] =	vst v10  }
0x174: {  	[tilespmem:s9+$0x5550] =	vst v10  }
0x175: {  	[tilespmem:s9+$0x5560] =	vst v10;
	s9 =	sshra.s32 s13, $0x2;
	s13 =	sadd.s32 $0x200, s13  }
0x176: {  	[tilespmem:s9+$0x5570] =	vst v10  }
0x177: {  	[tilespmem:s9+$0x5500] =	vst v10  }
0x178: {  	[tilespmem:s9+$0x5510] =	vst v10  }
0x179: {  	[tilespmem:s9+$0x5520] =	vst v10  }
0x17a: {  	[tilespmem:s9+$0x5530] =	vst v10  }
0x17b: {  	[tilespmem:s9+$0x5540] =	vst v10  }
0x17c: {  	[tilespmem:s9+$0x5550] =	vst v10  }
0x17d: {  	[tilespmem:s9+$0x5560] =	vst v10;
	s9 =	simm.s32 $0x40;
	s13 =	simm.s32 $0x0  }
.LBB2_14:
0x17e: {  	p0 =	sne.s32 s9, $0x9FC0;
	[tilespmem:s13+$0x7D00] =	vst v10;
	s3 =	smov.u32 s9;
	s9 =	sadd.s32 $0x40, s9  }
.Ltmp6:
0x17f: {  	(pc) =	sbr.rel @p0 .LBB2_14-.Ltmp6, $2  }
0x180: {  	_ =	sdelay $0x2  }
0x181: {  	s13 =	sshra.s32 s3, $0x2  }
0x182: {  	[tilespmem:s13+$0x7D00] =	vst v10  }
0x183: {  	[spmem:s26] =	stream.linear.scatter [tilespmem:s19], [sflag:$0x3], $0x2800, $0x38;
	[tilespmem:$0x1E500] =	vst v63  }
0x184: {  	_ =	swait.ge [sflag:s25], $0x2800  }
0x185: {  	[sflag:s25] =	ssyncset.done $0x0  }
0x186: {  	[sflag:s25] =	ssyncadd.s32 $0xFFFFD800  }
0x187: {  	[spmem:s28] =	stream.linear.scatter [tilespmem:s19], [sflag:$0x3], $0x2800, $0x38;
	[tilespmem:$0x1E500] =	vst v63  }
0x188: {  	_ =	swait.ge [sflag:s25], $0x2800  }
0x189: {  	[sflag:s25] =	ssyncset.done $0x0  }
0x18a: {  	[sflag:s25] =	ssyncadd.s32 $0xFFFFD800  }
0x18b: {  	[spmem:s29] =	stream.linear.scatter [tilespmem:s19], [sflag:$0x3], $0x2800, $0x38;
	[tilespmem:$0x1E500] =	vst v63  }
0x18c: {  	_ =	swait.ge [sflag:s25], $0x2800  }
0x18d: {  	[sflag:s25] =	ssyncset.done $0x0  }
0x18e: {  	[sflag:s25] =	ssyncadd.s32 $0xFFFFD800  }
0x18f: {  	[spmem:s30] =	stream.linear.scatter [tilespmem:s19], [sflag:$0x3], $0x2800, $0x38;
	[tilespmem:$0x1E500] =	vst v63  }
0x190: {  	_ =	swait.ge [sflag:s25], $0x2800  }
0x191: {  	[sflag:s25] =	ssyncset.done $0x0  }
0x192: {  	[sflag:s25] =	ssyncadd.s32 $0xFFFFD800  }
0x193: {  	[spmem:s31] =	stream.linear.scatter [tilespmem:s19], [sflag:$0x3], $0x2800, $0x38;
	[tilespmem:$0x1E500] =	vst v63  }
0x194: {  	_ =	swait.ge [sflag:s25], $0x2800  }
0x195: {  	[sflag:s25] =	ssyncset.done $0x0  }
0x196: {  	s3 =	rddreg [dreg:$0x13];
	[sflag:s25] =	ssyncadd.s32 $0xFFFFD800  }
0x197: {  	[spmem:s3] =	stream.linear.scatter [tilespmem:s19], [sflag:$0x3], $0x2800, $0x38;
	[tilespmem:$0x1E500] =	vst v63  }
0x198: {  	_ =	swait.ge [sflag:s25], $0x2800  }
0x199: {  	[sflag:s25] =	ssyncset.done $0x0  }
0x19a: {  	s13 =	rddreg [dreg:$0x14];
	[sflag:s25] =	ssyncadd.s32 $0xFFFFD800  }
0x19b: {  	[spmem:s13] =	stream.linear.scatter [tilespmem:s19], [sflag:$0x3], $0x2800, $0x38;
	[tilespmem:$0x1E500] =	vst v63  }
0x19c: {  	_ =	swait.ge [sflag:s25], $0x2800  }
0x19d: {  	[sflag:s25] =	ssyncset.done $0x0  }
0x19e: {  	s26 =	rddreg [dreg:$0x15];
	[sflag:s25] =	ssyncadd.s32 $0xFFFFD800  }
0x19f: {  	[spmem:s26] =	stream.linear.scatter [tilespmem:s19], [sflag:$0x3], $0x2800, $0x38;
	[tilespmem:$0x1E500] =	vst v63  }
0x1a0: {  	_ =	swait.ge [sflag:s25], $0x2800  }
0x1a1: {  	[sflag:s25] =	ssyncset.done $0x0  }
0x1a2: {  	[sflag:s25] =	ssyncadd.s32 $0xFFFFD800  }
0x1a3: {  	[bflag:$0x0] =	sbarrier.arrive $0xFFFF  }
0x1a4: {  	s13 =	simm.s32 $0x0;
	s28 =	rddreg [dreg:$0xd]  }
0x1a5: {  	[tilespmem:s13], [sflag:$0x2] =	stream.linear.gather [hbm4b:s28+s13], $0x50, $0x38;
	[tilespmem:$0x1E500] =	vst v63  }
0x1a6: {  	s29 =	rddreg [dreg:$0xe]  }
0x1a7: {  	[tilespmem:s0], [sflag:$0x2] =	stream.linear.gather [hbm4b:s29+s13], $0x50, $0x38;
	[tilespmem:$0x1E500] =	vst v63  }
0x1a8: {  	s30 =	rddreg [dreg:$0xf]  }
0x1a9: {  	[tilespmem:s4], [sflag:$0x2] =	stream.linear.gather [hbm4b:s30+s13], $0x140, $0x38;
	[tilespmem:$0x1E500] =	vst v63  }
0x1aa: {  	_ =	swait.ge [sflag:s15], $0x50  }
0x1ab: {  	[sflag:s15] =	ssyncset.done $0x0  }
0x1ac: {  	[sflag:s15] =	ssyncadd.s32 $0xFFFFFFB0  }
0x1ad: {  	_ =	swait.ge [sflag:s15], $0x50  }
0x1ae: {  	[sflag:s15] =	ssyncset.done $0x0  }
0x1af: {  	[sflag:s15] =	ssyncadd.s32 $0xFFFFFFB0  }
0x1b0: {  	_ =	swait.ge [sflag:s15], $0x140  }
0x1b1: {  	[sflag:s15] =	ssyncset.done $0x0  }
0x1b2: {  	s31 =	simm.s32 $0x500;
	s26 =	simm.s32 $0x0;
	[sflag:s15] =	ssyncadd.s32 $0xFFFFFEC0  }
0x1b3: {  	[tilespmem:s31], [sflag:$0x1] =	stream.indirect.gather [hbm4b:s1+s17], $0x80, s13, s17, $0xb8;
	[tilespmem:$0x1E500] =	vst v63  }
.LBB2_16:
0x1b4: {  	s28 =	smul.u32 $0xA0, s26;
	_ =	sdelay $0x1  }
0x1b5: {  	s3 =	sadd.s32 s28, s23  }
0x1b6: {  	s9 =	sshrl.u32 s3, $0x3  }
0x1b7: {  	s29 =	sadd.s32 s7, s9  }
0x1b8: {  	[tilespmem:s18], [sflag:$0x2] =	stream.linear.gather [hbm4b:s29+s13], $0x50, $0x38;
	[tilespmem:$0x1E500] =	vst v63  }
0x1b9: {  	s3 =	sshrl.u32 s3, $0x1;
	s9 =	sadd.s32 s8, s9  }
0x1ba: {  	[tilespmem:s14], [sflag:$0x2] =	stream.linear.gather [hbm4b:s9+s13], $0x50, $0x38;
	[tilespmem:$0x1E500] =	vst v63  }
0x1bb: {  	s3 =	sadd.s32 s6, s3  }
0x1bc: {  	[tilespmem:s16], [sflag:$0x2] =	stream.linear.gather [hbm4b:s3+s13], $0x140, $0x38;
	[tilespmem:$0x1E500] =	vst v63  }
0x1bd: {  	_ =	swait.ge [sflag:s15], $0x50  }
0x1be: {  	[sflag:s15] =	ssyncset.done $0x0  }
0x1bf: {  	[sflag:s15] =	ssyncadd.s32 $0xFFFFFFB0  }
0x1c0: {  	_ =	swait.ge [sflag:s15], $0x50  }
0x1c1: {  	[sflag:s15] =	ssyncset.done $0x0  }
0x1c2: {  	[sflag:s15] =	ssyncadd.s32 $0xFFFFFFB0  }
0x1c3: {  	_ =	swait.ge [sflag:s15], $0x140  }
0x1c4: {  	[sflag:s15] =	ssyncset.done $0x0  }
0x1c5: {  	[sflag:s15] =	ssyncadd.s32 $0xFFFFFEC0  }
0x1c6: {  	[tilespmem:s20], [sflag:$0x1] =	stream.indirect.gather [hbm4b:s1+s17], $0x80, s18, s17, $0xb8;
	[tilespmem:$0x1E500] =	vst v63  }
0x1c7: {  	_ =	swait.ge [sflag:s21], $0x2800  }
0x1c8: {  	v11 =	vmov s12;
	[sflag:s21] =	ssyncset.done $0x0  }
0x1c9: {  	s29 =	simm.s32 $0x0;
	[sflag:s21] =	ssyncadd.s32 $0xFFFFD800  }
0x1ca: {  	v12 =	vld [tilespmem:s29+$0x500]  }
0x1cb: {  	v13 =	vld [tilespmem:s29+$0x510]  }
0x1cc: {  	v14 =	vld [tilespmem:s29+$0x520]  }
0x1cd: {  	v17 =	vld.idx.msk [tilespmem:v11+s4+$0x0], $0xffff  }
0x1ce: {  	v15 =	vld [tilespmem:s29+$0x530]  }
0x1cf: {  	v16 =	vld [tilespmem:s29+$0x540]  }
0x1d0: {  	v18 =	vld [tilespmem:s29+$0x550]  }
0x1d1: {  	v19 =	vld [tilespmem:s29+$0x560]  }
0x1d2: {  	v20 =	vld [tilespmem:s29+$0x570];
	v12 =	vmul.f32 v12, v17  }
0x1d3: {  	v13 =	vmul.f32 v13, v17  }
0x1d4: {  	v14 =	vmul.f32 v14, v17;
	[tilespmem:s29+$0x5500] =	vst v12  }
0x1d5: {  	v21 =	vmul.f32 v15, v17;
	[tilespmem:s29+$0x5510] =	vst v13  }
0x1d6: {  	s9 =	sadd.s32 $0x4, s12;
	v16 =	vmul.f32 v16, v17;
	v15 =	vmul.f32 v19, v17;
	[tilespmem:s29+$0x5520] =	vst v14  }
0x1d7: {  	s31 =	simm.s32 $0x80;
	s30 =	simm.s32 $0x400;
	v13 =	vmul.f32 v18, v17;
	v12 =	vmul.f32 v20, v17;
	v14 =	vmov s9;
	[tilespmem:s29+$0x5530] =	vst v21  }
.LBB2_17:
0x1d8: {  	p0 =	sne.s32 s30, $0x9E00;
	v17 =	vld [tilespmem:s31+$0x500];
	[tilespmem:s29+$0x5540] =	vst v16  }
0x1d9: {  	v16 =	vld [tilespmem:s31+$0x510];
	[tilespmem:s29+$0x5550] =	vst v13  }
0x1da: {  	v13 =	vld [tilespmem:s31+$0x520];
	[tilespmem:s29+$0x5560] =	vst v15  }
0x1db: {  	v15 =	vld [tilespmem:s31+$0x530];
	[tilespmem:s29+$0x5570] =	vst v12;
	s29 =	smov.u32 s31  }
0x1dc: {  	v12 =	vld.idx.msk [tilespmem:v14+s4+$0x0], $0xffff  }
0x1dd: {  	v14 =	vld [tilespmem:s29+$0x540]  }
0x1de: {  	v18 =	vld [tilespmem:s29+$0x550]  }
0x1df: {  	v19 =	vld [tilespmem:s29+$0x560]  }
0x1e0: {  	v20 =	vld [tilespmem:s29+$0x570];
	_ =	sdelay $0x1  }
0x1e1: {  	v17 =	vmul.f32 v17, v12;
	v21 =	vmul.f32 v16, v12  }
.Ltmp7:
0x1e2: {  	v22 =	vmul.f32 v13, v12;
	v23 =	vmul.f32 v15, v12;
	(pc) =	sbr.rel @p0 .LBB2_17-.Ltmp7, $4  }
0x1e3: {  	v16 =	vmul.f32 v14, v12;
	v13 =	vmul.f32 v18, v12;
	[tilespmem:s29+$0x5500] =	vst v17  }
0x1e4: {  	v15 =	vmul.f32 v19, v12;
	[tilespmem:s29+$0x5510] =	vst v21;
	v12 =	vmul.f32 v20, v12  }
0x1e5: {  	s9 =	sadd.s32 $0x4, s9;
	[tilespmem:s29+$0x5520] =	vst v22  }
0x1e6: {  	s31 =	sshra.s32 s30, $0x2;
	s30 =	sadd.s32 $0x200, s30;
	v14 =	vmov s9;
	[tilespmem:s29+$0x5530] =	vst v23  }
0x1e7: {  	v17 =	vld [tilespmem:s31+$0x500];
	[tilespmem:s29+$0x5540] =	vst v16  }
0x1e8: {  	v16 =	vld [tilespmem:s31+$0x510];
	[tilespmem:s29+$0x5550] =	vst v13  }
0x1e9: {  	v13 =	vld [tilespmem:s31+$0x520];
	[tilespmem:s29+$0x5560] =	vst v15  }
0x1ea: {  	v15 =	vld [tilespmem:s31+$0x530];
	[tilespmem:s29+$0x5570] =	vst v12  }
0x1eb: {  	v12 =	vld.idx.msk [tilespmem:v14+s4+$0x0], $0xffff;
	_ =	sdelay $0x3  }
0x1ec: {  	v14 =	vld [tilespmem:s31+$0x540]  }
0x1ed: {  	v18 =	vld [tilespmem:s31+$0x550];
	v17 =	vmul.f32 v17, v12  }
0x1ee: {  	v19 =	vld [tilespmem:s31+$0x560];
	v16 =	vmul.f32 v16, v12  }
0x1ef: {  	v20 =	vld [tilespmem:s31+$0x570];
	v13 =	vmul.f32 v13, v12;
	[tilespmem:s31+$0x5500] =	vst v17  }
0x1f0: {  	v15 =	vmul.f32 v15, v12;
	[tilespmem:s31+$0x5510] =	vst v16  }
0x1f1: {  	v14 =	vmul.f32 v14, v12;
	[tilespmem:s31+$0x5520] =	vst v13  }
0x1f2: {  	v13 =	vmul.f32 v18, v12;
	[tilespmem:s31+$0x5530] =	vst v15  }
0x1f3: {  	v15 =	vmul.f32 v19, v12;
	[tilespmem:s31+$0x5540] =	vst v14  }
0x1f4: {  	v12 =	vmul.f32 v20, v12;
	[tilespmem:s31+$0x5550] =	vst v13  }
0x1f5: {  	[tilespmem:s31+$0x5560] =	vst v15  }
0x1f6: {  	[tilespmem:s31+$0x5570] =	vst v12  }
0x1f7: {  	[spmem:s2] =	stream.indirect.scatter.add.f32 [tilespmem:s19], [sflag:$0x3], $0x80, s0, s17, $0xb8;
	[tilespmem:$0x1E500] =	vst v63  }
0x1f8: {  	_ =	swait.ge [sflag:s25], $0x2800  }
0x1f9: {  	[sflag:s25] =	ssyncset.done $0x0  }
0x1fa: {  	[sflag:s25] =	ssyncadd.s32 $0xFFFFD800  }
0x1fb: {  	v12 =	vld [tilespmem:$0x100];
	_ =	sdelay $0x2  }
0x1fc: {  	v13 =	vld.idx.msk [tilespmem:v5+s4+$0x0], $0xffff;
	_ =	sdelay $0x4  }
0x1fd: {  	[tilespmem:v12+s22+$0x0] =	vst.idx.add.f32.msk $0xffff, v13  }
0x1fe: {  	v12 =	vld [tilespmem:$0x110];
	_ =	sdelay $0x2  }
0x1ff: {  	v13 =	vld.idx.msk [tilespmem:v6+s4+$0x0], $0xffff;
	_ =	sdelay $0x4  }
0x200: {  	[tilespmem:v12+s22+$0x0] =	vst.idx.add.f32.msk $0xffff, v13  }
0x201: {  	v12 =	vld [tilespmem:$0x120];
	_ =	sdelay $0x2  }
0x202: {  	v13 =	vld.idx.msk [tilespmem:v7+s4+$0x0], $0xffff;
	_ =	sdelay $0x4  }
0x203: {  	[tilespmem:v12+s22+$0x0] =	vst.idx.add.f32.msk $0xffff, v13  }
0x204: {  	v12 =	vld [tilespmem:$0x130];
	_ =	sdelay $0x2  }
0x205: {  	v13 =	vld.idx.msk [tilespmem:v8+s4+$0x0], $0xffff;
	_ =	sdelay $0x4  }
0x206: {  	[tilespmem:v12+s22+$0x0] =	vst.idx.add.f32.msk $0xffff, v13  }
0x207: {  	v12 =	vld [tilespmem:$0x140];
	_ =	sdelay $0x2  }
0x208: {  	v13 =	vld.idx.msk [tilespmem:v9+s4+$0x0], $0xffff;
	_ =	sdelay $0x1  }
0x209: {  	p0 =	sgt.u32 s26, $0x7B  }
0x20a: {  	s3 =	sadd.s32 @!p0 s28, s24  }
0x20b: {  	s9 =	sshrl.u32 @!p0 s3, $0x3  }
0x20c: {  	s28 =	sadd.s32 @!p0 s7, s9;
	s29 =	simm.s32 @!p0 $0x0;
	[tilespmem:v12+s22+$0x0] =	vst.idx.add.f32.msk $0xffff, v13  }
0x20d: {  	[tilespmem:s29], [sflag:$0x2] =	stream.linear.gather @!p0 [hbm4b:s28+s29], $0x50, $0x38;
	[tilespmem:$0x1E500] =	vst v63  }
0x20e: {  	s3 =	sshrl.u32 @!p0 s3, $0x1;
	s9 =	sadd.s32 @!p0 s8, s9;
	s28 =	simm.s32 @!p0 $0x100  }
0x20f: {  	[tilespmem:s28], [sflag:$0x2] =	stream.linear.gather @!p0 [hbm4b:s9+s29], $0x50, $0x38;
	[tilespmem:$0x1E500] =	vst v63  }
0x210: {  	s3 =	sadd.s32 @!p0 s6, s3;
	s9 =	simm.s32 @!p0 $0x200  }
0x211: {  	[tilespmem:s9], [sflag:$0x2] =	stream.linear.gather @!p0 [hbm4b:s3+s29], $0x140, $0x38;
	[tilespmem:$0x1E500] =	vst v63  }
0x212: {  	s3 =	simm.s32 @!p0 $0x2  }
0x213: {  	_ =	swait.ge @!p0 [sflag:s3], $0x50  }
0x214: {  	[sflag:s3] =	ssyncset.done @!p0 $0x0  }
0x215: {  	[sflag:s3] =	ssyncadd.s32 @!p0 $0xFFFFFFB0  }
0x216: {  	_ =	swait.ge @!p0 [sflag:s3], $0x50  }
0x217: {  	[sflag:s3] =	ssyncset.done @!p0 $0x0  }
0x218: {  	[sflag:s3] =	ssyncadd.s32 @!p0 $0xFFFFFFB0  }
0x219: {  	_ =	swait.ge @!p0 [sflag:s3], $0x140  }
0x21a: {  	[sflag:s3] =	ssyncset.done @!p0 $0x0  }
0x21b: {  	s9 =	simm.s32 @!p0 $0x500;
	[sflag:s3] =	ssyncadd.s32 @!p0 $0xFFFFFEC0;
	s3 =	simm.s32 @!p0 $0x50  }
0x21c: {  	[tilespmem:s9], [sflag:$0x1] =	stream.indirect.gather @!p0 [hbm4b:s1+s3], $0x80, s29, s3, $0xb8;
	[tilespmem:$0x1E500] =	vst v63  }
0x21d: {  	_ =	swait.ge [sflag:s21], $0x2800  }
0x21e: {  	[sflag:s21] =	ssyncset.done $0x0  }
0x21f: {  	s28 =	simm.s32 $0x0;
	[sflag:s21] =	ssyncadd.s32 $0xFFFFD800  }
0x220: {  	v12 =	vld [tilespmem:s28+$0x2D00]  }
0x221: {  	v13 =	vld [tilespmem:s28+$0x2D10]  }
0x222: {  	v14 =	vld [tilespmem:s28+$0x2D20]  }
0x223: {  	v11 =	vld.idx.msk [tilespmem:v11+s16+$0x0], $0xffff  }
0x224: {  	v15 =	vld [tilespmem:s28+$0x2D30]  }
0x225: {  	v16 =	vld [tilespmem:s28+$0x2D40]  }
0x226: {  	v17 =	vld [tilespmem:s28+$0x2D50]  }
0x227: {  	v61 =	vld [tilespmem:s28+$0x2D60]  }
0x228: {  	v62 =	vld [tilespmem:s28+$0x2D70];
	v12 =	vmul.f32 v12, v11  }
0x229: {  	v13 =	vmul.f32 v13, v11  }
0x22a: {  	v14 =	vmul.f32 v14, v11;
	[tilespmem:s28+$0x5500] =	vst v12  }
0x22b: {  	v63 =	vmul.f32 v15, v11;
	[tilespmem:s28+$0x5510] =	vst v13  }
0x22c: {  	s9 =	sadd.s32 $0x4, s12;
	v15 =	vmul.f32 v16, v11;
	v12 =	vmul.f32 v17, v11;
	[tilespmem:s28+$0x5520] =	vst v14  }
0x22d: {  	s30 =	simm.s32 $0x80;
	s29 =	simm.s32 $0x400;
	v14 =	vmul.f32 v61, v11;
	v11 =	vmul.f32 v62, v11;
	v13 =	vmov s9;
	[tilespmem:s28+$0x5530] =	vst v63  }
.LBB2_19:
0x22e: {  	p0 =	sne.s32 s29, $0x9E00;
	v16 =	vld [tilespmem:s30+$0x2D00];
	[tilespmem:s28+$0x5540] =	vst v15  }
0x22f: {  	v15 =	vld [tilespmem:s30+$0x2D10];
	[tilespmem:s28+$0x5550] =	vst v12  }
0x230: {  	v12 =	vld [tilespmem:s30+$0x2D20];
	[tilespmem:s28+$0x5560] =	vst v14  }
0x231: {  	v14 =	vld [tilespmem:s30+$0x2D30];
	[tilespmem:s28+$0x5570] =	vst v11;
	s28 =	smov.u32 s30  }
0x232: {  	v11 =	vld.idx.msk [tilespmem:v13+s16+$0x0], $0xffff  }
0x233: {  	v13 =	vld [tilespmem:s28+$0x2D40]  }
0x234: {  	v17 =	vld [tilespmem:s28+$0x2D50]  }
0x235: {  	v18 =	vld [tilespmem:s28+$0x2D60]  }
0x236: {  	v19 =	vld [tilespmem:s28+$0x2D70];
	_ =	sdelay $0x1  }
0x237: {  	v16 =	vmul.f32 v16, v11;
	v20 =	vmul.f32 v15, v11  }
.Ltmp8:
0x238: {  	v21 =	vmul.f32 v12, v11;
	v22 =	vmul.f32 v14, v11;
	(pc) =	sbr.rel @p0 .LBB2_19-.Ltmp8, $4  }
0x239: {  	v15 =	vmul.f32 v13, v11;
	v12 =	vmul.f32 v17, v11;
	[tilespmem:s28+$0x5500] =	vst v16  }
0x23a: {  	v14 =	vmul.f32 v18, v11;
	[tilespmem:s28+$0x5510] =	vst v20;
	v11 =	vmul.f32 v19, v11  }
0x23b: {  	s9 =	sadd.s32 $0x4, s9;
	[tilespmem:s28+$0x5520] =	vst v21  }
0x23c: {  	s30 =	sshra.s32 s29, $0x2;
	s29 =	sadd.s32 $0x200, s29;
	v13 =	vmov s9;
	[tilespmem:s28+$0x5530] =	vst v22  }
0x23d: {  	v16 =	vld [tilespmem:s30+$0x2D00];
	[tilespmem:s28+$0x5540] =	vst v15  }
0x23e: {  	v15 =	vld [tilespmem:s30+$0x2D10];
	[tilespmem:s28+$0x5550] =	vst v12  }
0x23f: {  	v12 =	vld [tilespmem:s30+$0x2D20];
	[tilespmem:s28+$0x5560] =	vst v14  }
0x240: {  	v14 =	vld [tilespmem:s30+$0x2D30];
	[tilespmem:s28+$0x5570] =	vst v11  }
0x241: {  	v11 =	vld.idx.msk [tilespmem:v13+s16+$0x0], $0xffff;
	_ =	sdelay $0x3  }
0x242: {  	v60 =	vld [tilespmem:s30+$0x2D40]  }
0x243: {  	v17 =	vld [tilespmem:s30+$0x2D50];
	v16 =	vmul.f32 v16, v11  }
0x244: {  	v18 =	vld [tilespmem:s30+$0x2D60];
	v15 =	vmul.f32 v15, v11  }
0x245: {  	v19 =	vld [tilespmem:s30+$0x2D70];
	v12 =	vmul.f32 v12, v11;
	[tilespmem:s30+$0x5500] =	vst v16  }
0x246: {  	v14 =	vmul.f32 v14, v11;
	[tilespmem:s30+$0x5510] =	vst v15  }
0x247: {  	v13 =	vmul.f32 v60, v11;
	[tilespmem:s30+$0x5520] =	vst v12  }
0x248: {  	v61 =	vmul.f32 v17, v11;
	[tilespmem:s30+$0x5530] =	vst v14  }
0x249: {  	v62 =	vmul.f32 v18, v11;
	[tilespmem:s30+$0x5540] =	vst v13  }
0x24a: {  	v11 =	vmul.f32 v19, v11;
	[tilespmem:s30+$0x5550] =	vst v61  }
0x24b: {  	[tilespmem:s30+$0x5560] =	vst v62  }
0x24c: {  	[tilespmem:s30+$0x5570] =	vst v11  }
0x24d: {  	[spmem:s2] =	stream.indirect.scatter.add.f32 [tilespmem:s19], [sflag:$0x3], $0x80, s14, s17, $0xb8;
	[tilespmem:$0x1E500] =	vst v63  }
0x24e: {  	_ =	swait.ge [sflag:s25], $0x2800  }
0x24f: {  	[sflag:s25] =	ssyncset.done $0x0  }
0x250: {  	[sflag:s25] =	ssyncadd.s32 $0xFFFFD800  }
0x251: {  	v11 =	vld [tilespmem:$0x180];
	_ =	sdelay $0x2  }
0x252: {  	v63 =	vld.idx.msk [tilespmem:v5+s16+$0x0], $0xffff;
	_ =	sdelay $0x4  }
0x253: {  	[tilespmem:v11+s22+$0x0] =	vst.idx.add.f32.msk $0xffff, v63  }
0x254: {  	v11 =	vld [tilespmem:$0x190];
	_ =	sdelay $0x2  }
0x255: {  	v12 =	vld.idx.msk [tilespmem:v6+s16+$0x0], $0xffff;
	_ =	sdelay $0x4  }
0x256: {  	[tilespmem:v11+s22+$0x0] =	vst.idx.add.f32.msk $0xffff, v12  }
0x257: {  	v11 =	vld [tilespmem:$0x1A0];
	_ =	sdelay $0x2  }
0x258: {  	v12 =	vld.idx.msk [tilespmem:v7+s16+$0x0], $0xffff;
	_ =	sdelay $0x4  }
0x259: {  	[tilespmem:v11+s22+$0x0] =	vst.idx.add.f32.msk $0xffff, v12  }
0x25a: {  	v11 =	vld [tilespmem:$0x1B0];
	_ =	sdelay $0x2  }
0x25b: {  	v12 =	vld.idx.msk [tilespmem:v8+s16+$0x0], $0xffff;
	_ =	sdelay $0x4  }
0x25c: {  	[tilespmem:v11+s22+$0x0] =	vst.idx.add.f32.msk $0xffff, v12  }
0x25d: {  	v11 =	vld [tilespmem:$0x1C0];
	_ =	sdelay $0x1  }
0x25e: {  	s26 =	sadd.s32 $0x1, s26  }
0x25f: {  	p0 =	sne.s32 s26, $0x7D;
	v12 =	vld.idx.msk [tilespmem:v9+s16+$0x0], $0xffff  }
.Ltmp9:
0x260: {  	_ = 	snop;
	(pc) =	sbr.rel @p0 .LBB2_16-.Ltmp9, $2  }
0x261: {  	_ =	sdelay $0x2  }
0x262: {  	[tilespmem:v11+s22+$0x0] =	vst.idx.add.f32.msk $0xffff, v12  }
0x263: {  	[bflag:$0x0] =	sbarrier.arrive $0xFFFF  }
0x264: {  	s26 =	rddreg [dreg:$0x4]  }
0x265: {  	[tilespmem:s19], [sflag:$0x3] =	stream.linear.gather [spmem:s26], $0x2800, $0x38;
	[tilespmem:$0x1E500] =	vst v63  }
0x266: {  	_ =	swait.ge [sflag:s25], $0x2800  }
0x267: {  	[sflag:s25] =	ssyncset.done $0x0  }
0x268: {  	s3 =	simm.s32 $0x0;
	s9 =	rddreg [dreg:$0x9];
	[sflag:s25] =	ssyncadd.s32 $0xFFFFD800  }
0x269: {  	[hbm4b:s9+s3] =	stream.linear.scatter [tilespmem:s19], [sflag:$0x3], $0x2800, $0x38;
	[tilespmem:$0x1E500] =	vst v63  }
0x26a: {  	_ =	swait.ge [sflag:s25], $0x2800  }
0x26b: {  	[sflag:s25] =	ssyncset.done $0x0  }
0x26c: {  	s28 =	rddreg [dreg:$0x5];
	[sflag:s25] =	ssyncadd.s32 $0xFFFFD800  }
0x26d: {  	[tilespmem:s19], [sflag:$0x3] =	stream.linear.gather [spmem:s28], $0x2800, $0x38;
	[tilespmem:$0x1E500] =	vst v63  }
0x26e: {  	_ =	swait.ge [sflag:s25], $0x2800  }
0x26f: {  	[sflag:s25] =	ssyncset.done $0x0  }
0x270: {  	s13 =	rddreg [dreg:$0xa];
	[sflag:s25] =	ssyncadd.s32 $0xFFFFD800  }
0x271: {  	[hbm4b:s13+s3] =	stream.linear.scatter [tilespmem:s19], [sflag:$0x3], $0x2800, $0x38;
	[tilespmem:$0x1E500] =	vst v63  }
0x272: {  	_ =	swait.ge [sflag:s25], $0x2800  }
0x273: {  	[sflag:s25] =	ssyncset.done $0x0  }
0x274: {  	s29 =	rddreg [dreg:$0x6];
	[sflag:s25] =	ssyncadd.s32 $0xFFFFD800  }
0x275: {  	[tilespmem:s19], [sflag:$0x3] =	stream.linear.gather [spmem:s29], $0x2800, $0x38;
	[tilespmem:$0x1E500] =	vst v63  }
0x276: {  	_ =	swait.ge [sflag:s25], $0x2800  }
0x277: {  	[sflag:s25] =	ssyncset.done $0x0  }
0x278: {  	s13 =	rddreg [dreg:$0x1c];
	[sflag:s25] =	ssyncadd.s32 $0xFFFFD800  }
0x279: {  	[hbm4b:s13+s3] =	stream.linear.scatter [tilespmem:s19], [sflag:$0x3], $0x2800, $0x38;
	[tilespmem:$0x1E500] =	vst v63  }
0x27a: {  	_ =	swait.ge [sflag:s25], $0x2800  }
0x27b: {  	[sflag:s25] =	ssyncset.done $0x0  }
0x27c: {  	s30 =	rddreg [dreg:$0x11];
	[sflag:s25] =	ssyncadd.s32 $0xFFFFD800  }
0x27d: {  	[tilespmem:s19], [sflag:$0x3] =	stream.linear.gather [spmem:s30], $0x2800, $0x38;
	[tilespmem:$0x1E500] =	vst v63  }
0x27e: {  	_ =	swait.ge [sflag:s25], $0x2800  }
0x27f: {  	[sflag:s25] =	ssyncset.done $0x0  }
0x280: {  	s13 =	rddreg [dreg:$0x1d];
	[sflag:s25] =	ssyncadd.s32 $0xFFFFD800  }
0x281: {  	[hbm4b:s13+s3] =	stream.linear.scatter [tilespmem:s19], [sflag:$0x3], $0x2800, $0x38;
	[tilespmem:$0x1E500] =	vst v63  }
0x282: {  	_ =	swait.ge [sflag:s25], $0x2800  }
0x283: {  	[sflag:s25] =	ssyncset.done $0x0  }
0x284: {  	s31 =	rddreg [dreg:$0x12];
	[sflag:s25] =	ssyncadd.s32 $0xFFFFD800  }
0x285: {  	[tilespmem:s19], [sflag:$0x3] =	stream.linear.gather [spmem:s31], $0x2800, $0x38;
	[tilespmem:$0x1E500] =	vst v63  }
0x286: {  	_ =	swait.ge [sflag:s25], $0x2800  }
0x287: {  	[sflag:s25] =	ssyncset.done $0x0  }
0x288: {  	s13 =	rddreg [dreg:$0x1e];
	[sflag:s25] =	ssyncadd.s32 $0xFFFFD800  }
0x289: {  	[hbm4b:s13+s3] =	stream.linear.scatter [tilespmem:s19], [sflag:$0x3], $0x2800, $0x38;
	[tilespmem:$0x1E500] =	vst v63  }
0x28a: {  	_ =	swait.ge [sflag:s25], $0x2800  }
0x28b: {  	[sflag:s25] =	ssyncset.done $0x0  }
0x28c: {  	s13 =	rddreg [dreg:$0x13];
	[sflag:s25] =	ssyncadd.s32 $0xFFFFD800  }
0x28d: {  	[tilespmem:s19], [sflag:$0x3] =	stream.linear.gather [spmem:s13], $0x2800, $0x38;
	[tilespmem:$0x1E500] =	vst v63  }
0x28e: {  	_ =	swait.ge [sflag:s25], $0x2800  }
0x28f: {  	[sflag:s25] =	ssyncset.done $0x0  }
0x290: {  	s13 =	rddreg [dreg:$0x1f];
	[sflag:s25] =	ssyncadd.s32 $0xFFFFD800  }
0x291: {  	[hbm4b:s13+s3] =	stream.linear.scatter [tilespmem:s19], [sflag:$0x3], $0x2800, $0x38;
	[tilespmem:$0x1E500] =	vst v63  }
0x292: {  	_ =	swait.ge [sflag:s25], $0x2800  }
0x293: {  	[sflag:s25] =	ssyncset.done $0x0  }
0x294: {  	s13 =	rddreg [dreg:$0x14];
	[sflag:s25] =	ssyncadd.s32 $0xFFFFD800  }
0x295: {  	[tilespmem:s19], [sflag:$0x3] =	stream.linear.gather [spmem:s13], $0x2800, $0x38;
	[tilespmem:$0x1E500] =	vst v63  }
0x296: {  	_ =	swait.ge [sflag:s25], $0x2800  }
0x297: {  	s13 =	sld [smem:$0x7FC]  }
0x298: {  	[sflag:s25] =	ssyncset.done $0x0  }
0x299: {  	[sflag:s25] =	ssyncadd.s32 $0xFFFFD800  }
0x29a: {  	[hbm4b:s13+s3] =	stream.linear.scatter [tilespmem:s19], [sflag:$0x3], $0x2800, $0x38;
	[tilespmem:$0x1E500] =	vst v63  }
0x29b: {  	_ =	swait.ge [sflag:s25], $0x2800  }
0x29c: {  	[sflag:s25] =	ssyncset.done $0x0  }
0x29d: {  	s13 =	rddreg [dreg:$0x15];
	[sflag:s25] =	ssyncadd.s32 $0xFFFFD800  }
0x29e: {  	[tilespmem:s19], [sflag:$0x3] =	stream.linear.gather [spmem:s13], $0x2800, $0x38;
	[tilespmem:$0x1E500] =	vst v63  }
0x29f: {  	_ =	swait.ge [sflag:s25], $0x2800  }
0x2a0: {  	s13 =	sld [smem:$0x7FD]  }
0x2a1: {  	[sflag:s25] =	ssyncset.done $0x0  }
0x2a2: {  	[sflag:s25] =	ssyncadd.s32 $0xFFFFD800  }
0x2a3: {  	[hbm4b:s13+s3] =	stream.linear.scatter [tilespmem:s19], [sflag:$0x3], $0x2800, $0x38;
	[tilespmem:$0x1E500] =	vst v63  }
0x2a4: {  	_ =	swait.ge [sflag:s25], $0x2800  }
0x2a5: {  	[sflag:s25] =	ssyncset.done $0x0  }
0x2a6: {  	s13 =	rddreg [dreg:$0xc];
	[sflag:s25] =	ssyncadd.s32 $0xFFFFD800  }
0x2a7: {  	[hbm4b:s13+s3] =	stream.linear.scatter [tilespmem:s22], [sflag:$0x3], $0x2800, $0x38;
	[tilespmem:$0x1E500] =	vst v63  }
0x2a8: {  	_ =	swait.ge [sflag:s25], $0x2800  }
0x2a9: {  	s11 =	sadd.s32 $0x1, s11;
	s13 =	rddreg [dreg:$0x10]  }
0x2aa: {  	p0 =	sne.s32 s11, s13  }
.Ltmp10:
0x2ab: {  	_ = 	snop;
	(pc) =	sbr.rel @p0 .LBB2_1-.Ltmp10, $3  }
0x2ac: {  	[sflag:s25] =	ssyncset.done $0x0  }
0x2ad: {  	[sflag:s25] =	ssyncadd.s32 $0xFFFFD800  }
0x2ae: {  	[bflag:$0x0] =	sbarrier.arrive $0xFFFF;
	_ =	sdelay $0x1  }
0x2af: {  	_ =	sfence.sel $0x180000  }
0x2b0: {  	[bflag:$0x0] =	sbarrier.arrive $0xFFFF  }
0x2b1: {  	_ =	strace $0x9000004A  }
0x2b2: {  	s0 =	stileid.u32;
	[bflag:$0x2] =	sbarrier.arrive $0xFFFF  }
0x2b3: {  	p0 =	sne.s32 s0, $0x0;
	s0 =	rddreg [dreg:$0x3]  }
0x2b4: {  	s0 =	sadd.s32 @!p0 $0x100000, s0  }
0x2b5: {  	[sflag:s0] =	ssyncadd.tile.s32 @!p0 $0x1;
	_ =	shalt  }
.Lfunc_end2:
_tile_overlayer_lowered:
.L_overlay_start_2:
0x2b6: {  	(tag) =	ssettag $0x2  }
0x2b7: {  	s0 =	rddreg [dreg:$0x0];
	s2 =	stileid.u32  }
0x2b8: {  	s1 =	rddreg [dreg:$0x1];
	p0 =	sne.s32 s2, $0x0  }
0x2b9: {  	s3 =	rddreg [dreg:$0x2];
	[bflag:$0x3] =	sbarrier.arrive $0xFFFF;
	s2 =	simm.s32 @!p0 $0x1C03  }
0x2ba: {  	[timem:s3], [sflag:s2] =	dma.local @!p0 [hbm:s0], s1  }
0x2bb: {  	s0 =	simm.s32 @!p0 $0x3  }
0x2bc: {  	_ =	swait.ge @!p0 [sflag:s0], s1  }
0x2bd: {  	s1 =	ssub.s32 @!p0 $0x0, s1;
	[sflag:s0] =	ssyncset.done @!p0 $0x0  }
0x2be: {  	[sflag:s0] =	ssyncadd.s32 @!p0 s1  }
0x2bf: {  	[bflag:$0x3] =	sbarrier.arrive $0xFFFF  }
0x2c0: {  	_ =	shalt  }

</sc_bundles>
